<compile_context>
chip_gen: v7x
topology: tpu7x:2x2x1
jax: 0.10.2.dev20260603
libtpu: 0.0.44.dev20260713+nightly
codegen_flags: <defaults>
</compile_context>

<pallas_src>
import functools
import jax
import jax.numpy as jnp
from jax import lax
from jax.experimental import pallas as pl
from jax.experimental.pallas import tpu as pltpu
from jax.experimental.pallas import tpu_sc as plsc

F32 = jnp.float32
I32 = jnp.int32


_SC_NW = 32
_SC_CH = 128


def _sc_gather_body(tab_hbm, idx_hbm, out_hbm, idx_v, rows_v, sem):
    M = idx_hbm.shape[0]
    per_w = M // _SC_NW
    wid = lax.axis_index("s") * 2 + lax.axis_index("c")
    base = wid * per_w

    def body(j, carry):
        start = pl.multiple_of(base + j * _SC_CH, _SC_CH)
        pltpu.sync_copy(idx_hbm.at[pl.ds(start, _SC_CH)], idx_v)
        pltpu.async_copy(tab_hbm.at[idx_v], rows_v, sem).wait()
        pltpu.sync_copy(rows_v, out_hbm.at[pl.ds(start, _SC_CH)])
        return carry

    lax.fori_loop(0, per_w // _SC_CH, body, 0)


def sc_gather(table, idx):
    R, D = table.shape
    M = idx.shape[0]
    mesh = plsc.VectorSubcoreMesh(core_axis_name="c", subcore_axis_name="s")
    f = functools.partial(
        pl.kernel,
        mesh=mesh,
        out_type=jax.ShapeDtypeStruct((M, D), F32),
        scratch_types=[
            pltpu.VMEM((_SC_CH,), I32),
            pltpu.VMEM((_SC_CH, D), F32),
            pltpu.SemaphoreType.DMA,
        ],
        compiler_params=pltpu.CompilerParams(use_tc_tiling_on_sc=False),
    )(_sc_gather_body)
    return f(table, idx)


def gather_rows_sc(table, gidx):
    B, N, D = table.shape
    M = gidx.shape[1] * gidx.shape[2]
    out = sc_gather(table.reshape(B * N, D), gidx.reshape(B * M))
    return out.reshape(B, M, D)


def _fps_body(xs_ref, ys_ref, zs_ref, ox_ref, oy_ref, oz_ref, *, S, G=2):
    B, N = xs_ref.shape
    GB = B // G
    xs = [xs_ref[g * GB:(g + 1) * GB, :] for g in range(G)]
    ys = [ys_ref[g * GB:(g + 1) * GB, :] for g in range(G)]
    zs = [zs_ref[g * GB:(g + 1) * GB, :] for g in range(G)]
    col = jax.lax.broadcasted_iota(I32, (GB, N), 1)
    col_s = jax.lax.broadcasted_iota(I32, (GB, S), 1)

    def body(i, carry):
        out = []
        for g in range(G):
            distance, farthest, ox, oy, oz = carry[g]
            onehot = jnp.where(col == farthest, 1.0, 0.0).astype(F32)
            cx = jnp.sum(onehot * xs[g], axis=1, keepdims=True)
            cy = jnp.sum(onehot * ys[g], axis=1, keepdims=True)
            cz = jnp.sum(onehot * zs[g], axis=1, keepdims=True)
            ox = jnp.where(col_s == i, cx, ox)
            oy = jnp.where(col_s == i, cy, oy)
            oz = jnp.where(col_s == i, cz, oz)
            dx = xs[g] - cx
            dy = ys[g] - cy
            dz = zs[g] - cz
            dist = dx * dx + dy * dy + dz * dz
            distance = jnp.minimum(distance, dist)
            m = jnp.max(distance, axis=1, keepdims=True)
            am = jnp.min(jnp.where(distance == m, col, N), axis=1,
                         keepdims=True)
            out.append((distance, am.astype(I32), ox, oy, oz))
        return tuple(out)

    zero_s = jnp.zeros((GB, S), F32)
    init = tuple(
        (jnp.full((GB, N), 1e10, F32), jnp.zeros((GB, 1), I32),
         zero_s, zero_s, zero_s) for _ in range(G))
    res = jax.lax.fori_loop(0, S, body, init)
    for g in range(G):
        _, _, ox, oy, oz = res[g]
        ox_ref[g * GB:(g + 1) * GB, :] = ox
        oy_ref[g * GB:(g + 1) * GB, :] = oy
        oz_ref[g * GB:(g + 1) * GB, :] = oz


def fps(xs, ys, zs, S):
    B, N = xs.shape
    out = jax.ShapeDtypeStruct((B, S), F32)
    return pl.pallas_call(
        functools.partial(_fps_body, S=S),
        out_shape=(out, out, out),
    )(xs, ys, zs)


def _knn_body(qx_ref, qy_ref, qz_ref, rx_ref, ry_ref, rz_ref, out_ref, *, K, N):
    b = pl.program_id(0)
    S = qx_ref.shape[1]
    qx = qx_ref[0]
    qy = qy_ref[0]
    qz = qz_ref[0]
    rx = rx_ref[0]
    ry = ry_ref[0]
    rz = rz_ref[0]
    dx = qx - rx
    dy = qy - ry
    dz = qz - rz
    dist = dx * dx + dy * dy + dz * dz
    col = jax.lax.broadcasted_iota(I32, (S, N), 1)
    base = b * N
    for k in range(K):
        m = jnp.min(dist, axis=1, keepdims=True)
        am = jnp.min(jnp.where(dist == m, col, N), axis=1, keepdims=True)
        out_ref[0, k, :] = (am + base).astype(I32).reshape((S,))
        dist = jnp.where(col == am, jnp.inf, dist)


def knn(qx, qy, qz, rx, ry, rz, K=16):
    B, S, _ = qx.shape
    N = rx.shape[2]
    return pl.pallas_call(
        functools.partial(_knn_body, K=K, N=N),
        grid=(B,),
        compiler_params=pltpu.CompilerParams(dimension_semantics=("parallel",)),
        in_specs=[
            pl.BlockSpec((1, S, 1), lambda b: (b, 0, 0)),
            pl.BlockSpec((1, S, 1), lambda b: (b, 0, 0)),
            pl.BlockSpec((1, S, 1), lambda b: (b, 0, 0)),
            pl.BlockSpec((1, 1, N), lambda b: (b, 0, 0)),
            pl.BlockSpec((1, 1, N), lambda b: (b, 0, 0)),
            pl.BlockSpec((1, 1, N), lambda b: (b, 0, 0)),
        ],
        out_specs=pl.BlockSpec((1, K, S), lambda b: (b, 0, 0)),
        out_shape=jax.ShapeDtypeStruct((B, K, S), I32),
    )(qx, qy, qz, rx, ry, rz)


def _wspec(shape):
    nd = len(shape)
    return pl.BlockSpec(shape, lambda b, _nd=nd: (0,) * _nd)


def _sa_body(g_ref, cx_ref, cy_ref, cz_ref, w1t_ref, b1_ref, w2t_ref, b2_ref,
             out_ref, *, K):
    g = g_ref[0]
    M = g.shape[0]
    S = M // K
    w1t = w1t_ref[...]
    g1 = jnp.dot(g, w1t, preferred_element_type=F32) + b1_ref[...]
    crows = jnp.concatenate([cx_ref[0], cy_ref[0], cz_ref[0]], axis=1)
    v = jnp.dot(crows, w1t[0:3, :], preferred_element_type=F32)
    vrep = jnp.concatenate([v] * K, axis=0)
    h = jnp.maximum(g1 - vrep, 0.0)
    h2 = jnp.dot(h, w2t_ref[...], preferred_element_type=F32) + b2_ref[...]
    acc = h2[0:S]
    for k in range(1, K):
        acc = jnp.maximum(acc, h2[k * S:(k + 1) * S])
    out_ref[0] = acc


def sa_dense(g, cx, cy, cz, w1t, b1, w2t, b2, K=16):
    B, M, Dp = g.shape
    S = M // K
    C1 = w1t.shape[1]
    C2 = w2t.shape[1]
    return pl.pallas_call(
        functools.partial(_sa_body, K=K),
        grid=(B,),
        compiler_params=pltpu.CompilerParams(dimension_semantics=("parallel",)),
        in_specs=[
            pl.BlockSpec((1, M, Dp), lambda b: (b, 0, 0)),
            pl.BlockSpec((1, S, 1), lambda b: (b, 0, 0)),
            pl.BlockSpec((1, S, 1), lambda b: (b, 0, 0)),
            pl.BlockSpec((1, S, 1), lambda b: (b, 0, 0)),
            _wspec(w1t.shape), _wspec(b1.shape),
            _wspec(w2t.shape), _wspec(b2.shape),
        ],
        out_specs=pl.BlockSpec((1, S, C2), lambda b: (b, 0, 0)),
        out_shape=jax.ShapeDtypeStruct((B, S, C2), F32),
    )(g, cx, cy, cz, w1t, b1, w2t, b2)


def _tpack_body(x_ref, px_ref, py_ref, pz_ref,
                lswt_ref, lsb_ref, kwt_ref, kb_ref, qwt_ref, qb_ref,
                vwt_ref, vb_ref, q_out, v_out, tab_out):
    x = x_ref[0]
    N = x.shape[0]
    x64 = jnp.dot(x, lswt_ref[...], preferred_element_type=F32) + lsb_ref[...]
    key = jnp.dot(x64, kwt_ref[...], preferred_element_type=F32) + kb_ref[...]
    q_out[0] = jnp.dot(x64, qwt_ref[...], preferred_element_type=F32) + qb_ref[...]
    v_out[0] = jnp.dot(x64, vwt_ref[...], preferred_element_type=F32) + vb_ref[...]
    tab_out[0, :, 0:64] = key
    tab_out[0, :, 64:65] = px_ref[0]
    tab_out[0, :, 65:66] = py_ref[0]
    tab_out[0, :, 66:67] = pz_ref[0]
    tab_out[0, :, 67:80] = jnp.zeros((N, 13), F32)


def t_pack(x_rows, px, py, pz, p):
    B, N, C = x_rows.shape
    lswt = p['ls_W'].T
    kwt = p['k_W'].T
    qwt = p['q_W'].T
    vwt = p['v_W'].T
    specs = [
        pl.BlockSpec((1, N, C), lambda b: (b, 0, 0)),
        pl.BlockSpec((1, N, 1), lambda b: (b, 0, 0)),
        pl.BlockSpec((1, N, 1), lambda b: (b, 0, 0)),
        pl.BlockSpec((1, N, 1), lambda b: (b, 0, 0)),
        _wspec(lswt.shape), _wspec((1, 64)),
        _wspec(kwt.shape), _wspec((1, 64)),
        _wspec(qwt.shape), _wspec((1, 64)),
        _wspec(vwt.shape), _wspec((1, 64)),
    ]
    out64 = jax.ShapeDtypeStruct((B, N, 64), F32)
    return pl.pallas_call(
        _tpack_body,
        grid=(B,),
        compiler_params=pltpu.CompilerParams(dimension_semantics=("parallel",)),
        in_specs=specs,
        out_specs=[
            pl.BlockSpec((1, N, 64), lambda b: (b, 0, 0)),
            pl.BlockSpec((1, N, 64), lambda b: (b, 0, 0)),
            pl.BlockSpec((1, N, 80), lambda b: (b, 0, 0)),
        ],
        out_shape=[out64, out64, jax.ShapeDtypeStruct((B, N, 80), F32)],
    )(x_rows, px, py, pz,
      lswt, p['ls_b'][None, :], kwt, p['k_b'][None, :],
      qwt, p['q_b'][None, :], vwt, p['v_b'][None, :])


def _tattn_body(g_ref, q_ref, v_ref, x_ref, px_ref, py_ref, pz_ref,
                p1t_ref, pb1_ref, p2t_ref, pb2_ref,
                a1t_ref, ab1_ref, a2t_ref, ab2_ref,
                lewt_ref, leb_ref, out_ref, *, K):
    g = g_ref[0]
    M = g.shape[0]
    N = M // K
    kg = g[:, 0:64]
    pgx = g[:, 64:65]
    pgy = g[:, 65:66]
    pgz = g[:, 66:67]
    q = q_ref[0]
    v = v_ref[0]
    px = px_ref[0]
    py = py_ref[0]
    pz = pz_ref[0]
    qrep = jnp.concatenate([q] * K, axis=0)
    pxr = jnp.concatenate([px] * K, axis=0)
    pyr = jnp.concatenate([py] * K, axis=0)
    pzr = jnp.concatenate([pz] * K, axis=0)
    pr = jnp.concatenate([pxr - pgx, pyr - pgy, pzr - pgz], axis=1)
    pe_h = jnp.maximum(
        jnp.dot(pr, p1t_ref[...], preferred_element_type=F32) + pb1_ref[...], 0.0)
    pe = jnp.dot(pe_h, p2t_ref[...], preferred_element_type=F32) + pb2_ref[...]
    a_h = jnp.maximum(
        jnp.dot(qrep - kg + pe, a1t_ref[...], preferred_element_type=F32)
        + ab1_ref[...], 0.0)
    a = jnp.dot(a_h, a2t_ref[...], preferred_element_type=F32) + ab2_ref[...]
    m = a[0:N]
    for k in range(1, K):
        m = jnp.maximum(m, a[k * N:(k + 1) * N])
    s = jnp.zeros_like(m)
    agg = jnp.zeros((N, 64), F32)
    for k in range(K):
        e = jnp.exp(a[k * N:(k + 1) * N] - m)
        s = s + e
        agg = agg + e * (v + pe[k * N:(k + 1) * N])
    agg = agg / s
    out_ref[0] = (jnp.dot(agg, lewt_ref[...], preferred_element_type=F32)
                  + leb_ref[...] + x_ref[0])


def t_attn(g, q_rows, v_rows, x_rows, px, py, pz, p, K=16):
    B, N, C = x_rows.shape
    M = g.shape[1]
    p1t = p['pos1_W'].T
    p2t = p['pos2_W'].T
    a1t = p['attn1_W'].T
    a2t = p['attn2_W'].T
    lewt = p['le_W'].T
    return pl.pallas_call(
        functools.partial(_tattn_body, K=K),
        grid=(B,),
        compiler_params=pltpu.CompilerParams(dimension_semantics=("parallel",)),
        in_specs=[
            pl.BlockSpec((1, M, 80), lambda b: (b, 0, 0)),
            pl.BlockSpec((1, N, 64), lambda b: (b, 0, 0)),
            pl.BlockSpec((1, N, 64), lambda b: (b, 0, 0)),
            pl.BlockSpec((1, N, C), lambda b: (b, 0, 0)),
            pl.BlockSpec((1, N, 1), lambda b: (b, 0, 0)),
            pl.BlockSpec((1, N, 1), lambda b: (b, 0, 0)),
            pl.BlockSpec((1, N, 1), lambda b: (b, 0, 0)),
            _wspec(p1t.shape), _wspec((1, p1t.shape[1])),
            _wspec(p2t.shape), _wspec((1, p2t.shape[1])),
            _wspec(a1t.shape), _wspec((1, a1t.shape[1])),
            _wspec(a2t.shape), _wspec((1, a2t.shape[1])),
            _wspec(lewt.shape), _wspec((1, C)),
        ],
        out_specs=pl.BlockSpec((1, N, C), lambda b: (b, 0, 0)),
        out_shape=jax.ShapeDtypeStruct((B, N, C), F32),
    )(g, q_rows, v_rows, x_rows, px, py, pz,
      p1t, p['pos1_b'][None, :], p2t, p['pos2_b'][None, :],
      a1t, p['attn1_b'][None, :], a2t, p['attn2_b'][None, :],
      lewt, p['le_b'][None, :])


def _groupall_body(x_ref, w1t_ref, b1_ref, w2t_ref, b2_ref, out_ref):
    x = x_ref[0]
    h = jnp.maximum(
        jnp.dot(x, w1t_ref[...], preferred_element_type=F32) + b1_ref[...], 0.0)
    h2 = jnp.dot(h, w2t_ref[...], preferred_element_type=F32) + b2_ref[...]
    out_ref[0] = jnp.max(h2, axis=0, keepdims=True)


def group_all(x_rows, w1t, b1, w2t, b2):
    B, N, D = x_rows.shape
    C2 = w2t.shape[1]
    return pl.pallas_call(
        _groupall_body,
        grid=(B,),
        compiler_params=pltpu.CompilerParams(dimension_semantics=("parallel",)),
        in_specs=[
            pl.BlockSpec((1, N, D), lambda b: (b, 0, 0)),
            _wspec(w1t.shape), _wspec(b1.shape),
            _wspec(w2t.shape), _wspec(b2.shape),
        ],
        out_specs=pl.BlockSpec((1, 1, C2), lambda b: (b, 0, 0)),
        out_shape=jax.ShapeDtypeStruct((B, 1, C2), F32),
    )(x_rows, w1t, b1, w2t, b2)


def _pad_cols(a, Dp):
    B, N, D = a.shape
    if D == Dp:
        return a
    return jnp.concatenate([a, jnp.zeros((B, N, Dp - D), F32)], axis=2)


def _pad_rows(w, Dp):
    D, C = w.shape
    if D == Dp:
        return w
    return jnp.concatenate([w, jnp.zeros((Dp - D, C), F32)], axis=0)


def kernel(point_cloud, params):
    pc = point_cloud.astype(F32)
    B, _, N0 = pc.shape
    xs, ys, zs = pc[:, 0, :], pc[:, 1, :], pc[:, 2, :]

    nx1, ny1, nz1 = fps(xs, ys, zs, 512)
    gidx1 = knn(nx1[:, :, None], ny1[:, :, None], nz1[:, :, None],
                xs[:, None, :], ys[:, None, :], zs[:, None, :], K=16)
    gidxt1 = knn(nx1[:, :, None], ny1[:, :, None], nz1[:, :, None],
                 nx1[:, None, :], ny1[:, None, :], nz1[:, None, :], K=16)
    nx2, ny2, nz2 = fps(nx1, ny1, nz1, 128)
    gidx2 = knn(nx2[:, :, None], ny2[:, :, None], nz2[:, :, None],
                nx1[:, None, :], ny1[:, None, :], nz1[:, None, :], K=16)
    gidxt2 = knn(nx2[:, :, None], ny2[:, :, None], nz2[:, :, None],
                 nx2[:, None, :], ny2[:, None, :], nz2[:, None, :], K=16)
    tab1 = _pad_cols(jnp.stack([xs, ys, zs, xs, ys, zs], axis=2), 16)

    psa1, pt1, psa2, pt2, psa3 = (params['sa1'], params['t1'], params['sa2'],
                                  params['t2'], params['sa3'])
    g1 = gather_rows_sc(tab1, gidx1)
    l1 = sa_dense(g1, nx1[:, :, None], ny1[:, :, None], nz1[:, :, None],
                  _pad_rows(psa1['W1'].T, 16), psa1['b1'][None, :],
                  psa1['W2'].T, psa1['b2'][None, :])
    px1, py1, pz1 = nx1[:, :, None], ny1[:, :, None], nz1[:, :, None]
    q1, v1, tbl1 = t_pack(l1, px1, py1, pz1, pt1)
    gt1 = gather_rows_sc(tbl1, gidxt1)
    l1p = t_attn(gt1, q1, v1, l1, px1, py1, pz1, pt1)
    tab2 = _pad_cols(
        jnp.concatenate([jnp.stack([nx1, ny1, nz1], axis=2), l1p], axis=2), 144)
    g2 = gather_rows_sc(tab2, gidx2)
    l2 = sa_dense(g2, nx2[:, :, None], ny2[:, :, None], nz2[:, :, None],
                  _pad_rows(psa2['W1'].T, 144), psa2['b1'][None, :],
                  psa2['W2'].T, psa2['b2'][None, :])
    px2, py2, pz2 = nx2[:, :, None], ny2[:, :, None], nz2[:, :, None]
    q2, v2, tbl2 = t_pack(l2, px2, py2, pz2, pt2)
    gt2 = gather_rows_sc(tbl2, gidxt2)
    l2p = t_attn(gt2, q2, v2, l2, px2, py2, pz2, pt2)
    in3 = jnp.concatenate([jnp.stack([nx2, ny2, nz2], axis=2), l2p], axis=2)
    out = group_all(in3, psa3['W1'].T, psa3['b1'][None, :],
                    psa3['W2'].T, psa3['b2'][None, :])
    return out.reshape(B, -1, 1)

# --- scband reference (transcript-rebuilt; emitter-appended) ---
"""Pipeline reference for scband-feature-extractor-64441689309273 (READ-ONLY COPY).

The authoritative reference and input builder live on the scoring server;
editing this copy changes nothing except your own understanding.
"""

import jax, jax.numpy as jnp
import numpy as np

def conv1d(x, W, b):
    return jnp.einsum('oi,bin->bon', W, x) + b[None, :, None]

def conv2d(x, W, b):
    return jnp.einsum('oi,bisk->bosk', W, x) + b[None, :, None, None]

def square_distance(src, dst):
    return jnp.sum((src[:, :, None, :] - dst[:, None, :, :]) ** 2, axis=-1)

def query_knn(k, xyz, new_xyz):
    sqrdists = square_distance(new_xyz, xyz)
    _, idx = jax.lax.top_k(-sqrdists, k)
    return idx

def furthest_point_sample(xyz, npoint):
    xyz = jax.lax.stop_gradient(xyz)
    B, N, _ = xyz.shape
    centroids0 = jnp.zeros((B, npoint), dtype=jnp.int32)
    distance0 = jnp.full((B, N), 1e10, dtype=xyz.dtype)
    farthest0 = jnp.zeros((B,), dtype=jnp.int32)
    def body(i, carry):
        centroids, distance, farthest = carry
        centroids = centroids.at[:, i].set(farthest)
        centroid = jnp.take_along_axis(xyz, farthest[:, None, None], axis=1)
        dist = jnp.sum((xyz - centroid) ** 2, axis=-1)
        distance = jnp.minimum(distance, dist)
        farthest = jnp.argmax(distance, axis=-1).astype(jnp.int32)
        return centroids, distance, farthest
    centroids, _, _ = jax.lax.fori_loop(0, npoint, body, (centroids0, distance0, farthest0))
    return centroids

def grouping_operation(points, idx):
    B, C, N = points.shape
    _, S, K = idx.shape
    idx_flat = jnp.broadcast_to(idx.reshape(B, 1, S * K), (B, C, S * K))
    out = jnp.take_along_axis(points, idx_flat, axis=2)
    return out.reshape(B, C, S, K)

def sa_module_knn(xyz, points, npoint, nsample, p):
    B = xyz.shape[0]
    xyz_t = jnp.transpose(xyz, (0, 2, 1))
    fps_idx = furthest_point_sample(xyz_t, npoint)
    new_xyz = jnp.take_along_axis(xyz, jnp.broadcast_to(fps_idx[:, None, :], (B, 3, npoint)), axis=2)
    idx = query_knn(nsample, xyz_t, jnp.transpose(new_xyz, (0, 2, 1)))
    grouped_xyz = grouping_operation(xyz, idx) - new_xyz[:, :, :, None]
    grouped_points = grouping_operation(points, idx)
    new_points = jnp.concatenate([grouped_xyz, grouped_points], axis=1)
    h = jax.nn.relu(conv2d(new_points, p['W1'], p['b1']))
    h = conv2d(h, p['W2'], p['b2'])
    return new_xyz, jnp.max(h, axis=3)

def sa_module_group_all(xyz, points, p):
    b = xyz.shape[0]
    new_xyz = jnp.zeros((b, 3, 1), dtype=xyz.dtype)
    new_points = jnp.concatenate([xyz, points], axis=1)[:, :, None, :]
    h = jax.nn.relu(conv2d(new_points, p['W1'], p['b1']))
    h = conv2d(h, p['W2'], p['b2'])
    return new_xyz, jnp.max(h, axis=3)

def transformer(x, pos, p, n_knn=16):
    identity = x
    x = conv1d(x, p['ls_W'], p['ls_b'])
    pos_t = jnp.transpose(pos, (0, 2, 1))
    idx_knn = query_knn(n_knn, pos_t, pos_t)
    key = conv1d(x, p['k_W'], p['k_b'])
    value = conv1d(x, p['v_W'], p['v_b'])
    query = conv1d(x, p['q_W'], p['q_b'])
    key_g = grouping_operation(key, idx_knn)
    qk_rel = query[:, :, :, None] - key_g
    pos_rel = pos[:, :, :, None] - grouping_operation(pos, idx_knn)
    pe = conv2d(jax.nn.relu(conv2d(pos_rel, p['pos1_W'], p['pos1_b'])), p['pos2_W'], p['pos2_b'])
    attn = conv2d(jax.nn.relu(conv2d(qk_rel + pe, p['attn1_W'], p['attn1_b'])), p['attn2_W'], p['attn2_b'])
    attn = jax.nn.softmax(attn, axis=-1)
    agg = jnp.sum(attn * (value[:, :, :, None] + pe), axis=-1)
    return conv1d(agg, p['le_W'], p['le_b']) + identity

def _lin(key, o, i):
    kw, kb = jax.random.split(key)
    W = jax.random.normal(kw, (o, i), dtype=jnp.float32) / np.sqrt(i)
    b = jax.random.normal(kb, (o,), dtype=jnp.float32) * 0.01
    return W, b

def _mlp2(key, c_in, c_mid, c_out):
    k1, k2 = jax.random.split(key)
    W1, b1 = _lin(k1, c_mid, c_in)
    W2, b2 = _lin(k2, c_out, c_mid)
    return {'W1': W1, 'b1': b1, 'W2': W2, 'b2': b2}

def _transformer_params(key, in_ch, dim=64, pos_hidden=64, attn_mult=4):
    ks = jax.random.split(key, 9)
    p = {}
    p['ls_W'], p['ls_b'] = _lin(ks[0], dim, in_ch)
    p['k_W'], p['k_b'] = _lin(ks[1], dim, dim)
    p['q_W'], p['q_b'] = _lin(ks[2], dim, dim)
    p['v_W'], p['v_b'] = _lin(ks[3], dim, dim)
    p['pos1_W'], p['pos1_b'] = _lin(ks[4], pos_hidden, 3)
    p['pos2_W'], p['pos2_b'] = _lin(ks[5], dim, pos_hidden)
    p['attn1_W'], p['attn1_b'] = _lin(ks[6], dim * attn_mult, dim)
    p['attn2_W'], p['attn2_b'] = _lin(ks[7], dim, dim * attn_mult)
    p['le_W'], p['le_b'] = _lin(ks[8], in_ch, dim)
    return p

def setup_inputs(seed: int = 0):
    key = jax.random.key(seed)
    ks = jax.random.split(key, 6)
    point_cloud = jax.random.normal(ks[0], (16, 3, 2048), dtype=jnp.float32)
    params = {
        'sa1': _mlp2(ks[1], 6, 64, 128),
        't1': _transformer_params(ks[2], 128),
        'sa2': _mlp2(ks[3], 131, 128, 256),
        't2': _transformer_params(ks[4], 256),
        'sa3': _mlp2(ks[5], 259, 512, 512),
    }
    return {'point_cloud': point_cloud, 'params': params}

def reference(point_cloud, params):
    l0_xyz = point_cloud
    l0_points = point_cloud
    l1_xyz, l1_points = sa_module_knn(l0_xyz, l0_points, 512, 16, params['sa1'])
    l1_points = transformer(l1_points, l1_xyz, params['t1'])
    l2_xyz, l2_points = sa_module_knn(l1_xyz, l1_points, 128, 16, params['sa2'])
    l2_points = transformer(l2_points, l2_xyz, params['t2'])
    l3_xyz, l3_points = sa_module_group_all(l2_xyz, l2_points, params['sa3'])
    return l3_points

if __name__ == "__main__":
    import jax
    _d = setup_inputs()
    print(jax.jit(kernel)(*tuple(_d.values())))

</pallas_src>

<mosaic_0001>
#map = affine_map<(d0, d1) -> (0, 0)>
#map1 = affine_map<(d0, d1) -> (0)>
module attributes {stable_mosaic.version = 14 : i64} {
  func.func @_sc_gather_body(%arg0: i32, %arg1: i32, %arg2: memref<2048x80xf32, #tpu.memory_space<hbm>>, %arg3: memref<32768xi32, #tpu.memory_space<hbm>>, %arg4: memref<32768x80xf32, #tpu.memory_space<hbm>>, %arg5: memref<128xi32, #tpu.memory_space<vmem>>, %arg6: memref<128x80xf32, #tpu.memory_space<vmem>>, %arg7: memref<!tpu.dma_semaphore, #tpu.memory_space<semaphore_mem>>) attributes {dimension_semantics = [#tpu.dimension_semantics<core_parallel>, #tpu.dimension_semantics<subcore_parallel>], iteration_bounds = array<i64: 2, 16>, scalar_prefetch = 0 : i64, scratch_operands = 3 : i64, tpu.core_type = #tpu.core_type<sc_vector_subcore>, window_params = [{transform_indices = #map}, {transform_indices = #map1}, {transform_indices = #map}]} {
    %mul3A = arith.constant 2 : i32
    %mul3A_0 = arith.muli %arg1, %mul3A : i32
    %add3A = arith.addi %mul3A_0, %arg0 : i32
    %mul3A_1 = arith.constant 1024 : i32
    %mul3A_2 = arith.muli %add3A, %mul3A_1 : i32
    %scan3A = arith.constant 0 : i32
    %scan3A_3 = arith.constant 0 : i32
    %scan3A_4 = arith.constant 8 : i32
    %scan3A_5 = arith.addi %scan3A_3, %scan3A_4 : i32
    %scan3A_6 = arith.constant 1 : i32
    scf.for %scan3A_8 = %scan3A_3 to %scan3A_5 step %scan3A_6  : i32 {
      %mul3A_9 = arith.constant 128 : i32
      %mul3A_10 = arith.muli %scan3A_8, %mul3A_9 : i32
      %add3A_11 = arith.addi %mul3A_2, %mul3A_10 : i32
      %multiple_of3A = tpu.assume_multiple %add3A_11, 128 : i32
      "tpu.region"() ({
        %run_scoped3A = tpu.sem_alloc : memref<!tpu.dma_semaphore, #tpu.memory_space<semaphore_mem>>
        %dma_start3A_16 = tpu.memref_slice %arg3[%multiple_of3A] : memref<32768xi32, #tpu.memory_space<hbm>> -> memref<128xi32, #tpu.memory_space<hbm>>
        %dma_start3A_17 = tpu.memref_slice %arg3[%multiple_of3A] : memref<32768xi32, #tpu.memory_space<hbm>> -> memref<128xi32, #tpu.memory_space<hbm>>
        tpu.enqueue_dma source(%dma_start3A_17 : memref<128xi32, #tpu.memory_space<hbm>>) target(%arg5 : memref<128xi32, #tpu.memory_space<vmem>>) target_semaphore(%run_scoped3A : memref<!tpu.dma_semaphore, #tpu.memory_space<semaphore_mem>>)
        %dma_wait3A_18 = tpu.memref_slice %arg3[%multiple_of3A] : memref<32768xi32, #tpu.memory_space<hbm>> -> memref<128xi32, #tpu.memory_space<hbm>>
        %dma_wait3A_19 = tpu.memref_slice %arg3[%multiple_of3A] : memref<32768xi32, #tpu.memory_space<hbm>> -> memref<128xi32, #tpu.memory_space<hbm>>
        tpu.wait_dma2 semaphore(%run_scoped3A : memref<!tpu.dma_semaphore, #tpu.memory_space<semaphore_mem>>) src(%dma_wait3A_19 : memref<128xi32, #tpu.memory_space<hbm>>) dst(%arg5 : memref<128xi32, #tpu.memory_space<vmem>>)
        tpu.yield
      }) : () -> ()
      %dma_start3A = arith.constant 0 : i32
      %dma_start3A_12 = arith.constant 0 : i32
      %dma_start3A_13 = tpu.memref_slice %arg2[%dma_start3A, %dma_start3A_12] : memref<2048x80xf32, #tpu.memory_space<hbm>> -> memref<2048x80xf32, #tpu.memory_space<hbm>>
      tpu.enqueue_indirect_dma source(%dma_start3A_13 : memref<2048x80xf32, #tpu.memory_space<hbm>>) target(%arg6 : memref<128x80xf32, #tpu.memory_space<vmem>>) offsets(%arg5 : memref<128xi32, #tpu.memory_space<vmem>>) semaphore(%arg7 : memref<!tpu.dma_semaphore, #tpu.memory_space<semaphore_mem>>)
      %dma_wait3A = arith.constant 0 : i32
      %dma_wait3A_14 = arith.constant 0 : i32
      %dma_wait3A_15 = tpu.memref_slice %arg2[%dma_wait3A, %dma_wait3A_14] : memref<2048x80xf32, #tpu.memory_space<hbm>> -> memref<2048x80xf32, #tpu.memory_space<hbm>>
      tpu.wait_indirect_dma semaphore(%arg7 : memref<!tpu.dma_semaphore, #tpu.memory_space<semaphore_mem>>) src(%dma_wait3A_15 : memref<2048x80xf32, #tpu.memory_space<hbm>>) dst(%arg6 : memref<128x80xf32, #tpu.memory_space<vmem>>)
      "tpu.region"() ({
        %run_scoped3A = tpu.sem_alloc : memref<!tpu.dma_semaphore, #tpu.memory_space<semaphore_mem>>
        %dma_start3A_16 = arith.constant 0 : i32
        %dma_start3A_17 = tpu.memref_slice %arg4[%multiple_of3A, %dma_start3A_16] : memref<32768x80xf32, #tpu.memory_space<hbm>> -> memref<128x80xf32, #tpu.memory_space<hbm>>
        %dma_start3A_18 = arith.constant 0 : i32
        %dma_start3A_19 = tpu.memref_slice %arg4[%multiple_of3A, %dma_start3A_18] : memref<32768x80xf32, #tpu.memory_space<hbm>> -> memref<128x80xf32, #tpu.memory_space<hbm>>
        tpu.enqueue_dma source(%arg6 : memref<128x80xf32, #tpu.memory_space<vmem>>) target(%dma_start3A_19 : memref<128x80xf32, #tpu.memory_space<hbm>>) target_semaphore(%run_scoped3A : memref<!tpu.dma_semaphore, #tpu.memory_space<semaphore_mem>>)
        %dma_wait3A_20 = arith.constant 0 : i32
        %dma_wait3A_21 = tpu.memref_slice %arg4[%multiple_of3A, %dma_wait3A_20] : memref<32768x80xf32, #tpu.memory_space<hbm>> -> memref<128x80xf32, #tpu.memory_space<hbm>>
        %dma_wait3A_22 = arith.constant 0 : i32
        %dma_wait3A_23 = tpu.memref_slice %arg4[%multiple_of3A, %dma_wait3A_22] : memref<32768x80xf32, #tpu.memory_space<hbm>> -> memref<128x80xf32, #tpu.memory_space<hbm>>
        tpu.wait_dma2 semaphore(%run_scoped3A : memref<!tpu.dma_semaphore, #tpu.memory_space<semaphore_mem>>) src(%arg6 : memref<128x80xf32, #tpu.memory_space<vmem>>) dst(%dma_wait3A_23 : memref<128x80xf32, #tpu.memory_space<hbm>>)
        tpu.yield
      }) : () -> ()
    }
    %scan3A_7 = arith.constant 8 : i32
    return
  }
}

#map = affine_map<(d0, d1) -> (0, 0)>
#map1 = affine_map<(d0, d1) -> (0)>
module attributes {stable_mosaic.version = 14 : i64} {
  func.func @_sc_gather_body(%arg0: i32, %arg1: i32, %arg2: memref<32768x16xf32, #tpu.memory_space<hbm>>, %arg3: memref<131072xi32, #tpu.memory_space<hbm>>, %arg4: memref<131072x16xf32, #tpu.memory_space<hbm>>, %arg5: memref<128xi32, #tpu.memory_space<vmem>>, %arg6: memref<128x16xf32, #tpu.memory_space<vmem>>, %arg7: memref<!tpu.dma_semaphore, #tpu.memory_space<semaphore_mem>>) attributes {dimension_semantics = [#tpu.dimension_semantics<core_parallel>, #tpu.dimension_semantics<subcore_parallel>], iteration_bounds = array<i64: 2, 16>, scalar_prefetch = 0 : i64, scratch_operands = 3 : i64, tpu.core_type = #tpu.core_type<sc_vector_subcore>, window_params = [{transform_indices = #map}, {transform_indices = #map1}, {transform_indices = #map}]} {
    %mul3A = arith.constant 2 : i32
    %mul3A_0 = arith.muli %arg1, %mul3A : i32
    %add3A = arith.addi %mul3A_0, %arg0 : i32
    %mul3A_1 = arith.constant 4096 : i32
    %mul3A_2 = arith.muli %add3A, %mul3A_1 : i32
    %scan3A = arith.constant 0 : i32
    %scan3A_3 = arith.constant 0 : i32
    %scan3A_4 = arith.constant 32 : i32
    %scan3A_5 = arith.addi %scan3A_3, %scan3A_4 : i32
    %scan3A_6 = arith.constant 1 : i32
    scf.for %scan3A_8 = %scan3A_3 to %scan3A_5 step %scan3A_6  : i32 {
      %mul3A_9 = arith.constant 128 : i32
      %mul3A_10 = arith.muli %scan3A_8, %mul3A_9 : i32
      %add3A_11 = arith.addi %mul3A_2, %mul3A_10 : i32
      %multiple_of3A = tpu.assume_multiple %add3A_11, 128 : i32
      "tpu.region"() ({
        %run_scoped3A = tpu.sem_alloc : memref<!tpu.dma_semaphore, #tpu.memory_space<semaphore_mem>>
        %dma_start3A_16 = tpu.memref_slice %arg3[%multiple_of3A] : memref<131072xi32, #tpu.memory_space<hbm>> -> memref<128xi32, #tpu.memory_space<hbm>>
        %dma_start3A_17 = tpu.memref_slice %arg3[%multiple_of3A] : memref<131072xi32, #tpu.memory_space<hbm>> -> memref<128xi32, #tpu.memory_space<hbm>>
        tpu.enqueue_dma source(%dma_start3A_17 : memref<128xi32, #tpu.memory_space<hbm>>) target(%arg5 : memref<128xi32, #tpu.memory_space<vmem>>) target_semaphore(%run_scoped3A : memref<!tpu.dma_semaphore, #tpu.memory_space<semaphore_mem>>)
        %dma_wait3A_18 = tpu.memref_slice %arg3[%multiple_of3A] : memref<131072xi32, #tpu.memory_space<hbm>> -> memref<128xi32, #tpu.memory_space<hbm>>
        %dma_wait3A_19 = tpu.memref_slice %arg3[%multiple_of3A] : memref<131072xi32, #tpu.memory_space<hbm>> -> memref<128xi32, #tpu.memory_space<hbm>>
        tpu.wait_dma2 semaphore(%run_scoped3A : memref<!tpu.dma_semaphore, #tpu.memory_space<semaphore_mem>>) src(%dma_wait3A_19 : memref<128xi32, #tpu.memory_space<hbm>>) dst(%arg5 : memref<128xi32, #tpu.memory_space<vmem>>)
        tpu.yield
      }) : () -> ()
      %dma_start3A = arith.constant 0 : i32
      %dma_start3A_12 = arith.constant 0 : i32
      %dma_start3A_13 = tpu.memref_slice %arg2[%dma_start3A, %dma_start3A_12] : memref<32768x16xf32, #tpu.memory_space<hbm>> -> memref<32768x16xf32, #tpu.memory_space<hbm>>
      tpu.enqueue_indirect_dma source(%dma_start3A_13 : memref<32768x16xf32, #tpu.memory_space<hbm>>) target(%arg6 : memref<128x16xf32, #tpu.memory_space<vmem>>) offsets(%arg5 : memref<128xi32, #tpu.memory_space<vmem>>) semaphore(%arg7 : memref<!tpu.dma_semaphore, #tpu.memory_space<semaphore_mem>>)
      %dma_wait3A = arith.constant 0 : i32
      %dma_wait3A_14 = arith.constant 0 : i32
      %dma_wait3A_15 = tpu.memref_slice %arg2[%dma_wait3A, %dma_wait3A_14] : memref<32768x16xf32, #tpu.memory_space<hbm>> -> memref<32768x16xf32, #tpu.memory_space<hbm>>
      tpu.wait_indirect_dma semaphore(%arg7 : memref<!tpu.dma_semaphore, #tpu.memory_space<semaphore_mem>>) src(%dma_wait3A_15 : memref<32768x16xf32, #tpu.memory_space<hbm>>) dst(%arg6 : memref<128x16xf32, #tpu.memory_space<vmem>>)
      "tpu.region"() ({
        %run_scoped3A = tpu.sem_alloc : memref<!tpu.dma_semaphore, #tpu.memory_space<semaphore_mem>>
        %dma_start3A_16 = arith.constant 0 : i32
        %dma_start3A_17 = tpu.memref_slice %arg4[%multiple_of3A, %dma_start3A_16] : memref<131072x16xf32, #tpu.memory_space<hbm>> -> memref<128x16xf32, #tpu.memory_space<hbm>>
        %dma_start3A_18 = arith.constant 0 : i32
        %dma_start3A_19 = tpu.memref_slice %arg4[%multiple_of3A, %dma_start3A_18] : memref<131072x16xf32, #tpu.memory_space<hbm>> -> memref<128x16xf32, #tpu.memory_space<hbm>>
        tpu.enqueue_dma source(%arg6 : memref<128x16xf32, #tpu.memory_space<vmem>>) target(%dma_start3A_19 : memref<128x16xf32, #tpu.memory_space<hbm>>) target_semaphore(%run_scoped3A : memref<!tpu.dma_semaphore, #tpu.memory_space<semaphore_mem>>)
        %dma_wait3A_20 = arith.constant 0 : i32
        %dma_wait3A_21 = tpu.memref_slice %arg4[%multiple_of3A, %dma_wait3A_20] : memref<131072x16xf32, #tpu.memory_space<hbm>> -> memref<128x16xf32, #tpu.memory_space<hbm>>
        %dma_wait3A_22 = arith.constant 0 : i32
        %dma_wait3A_23 = tpu.memref_slice %arg4[%multiple_of3A, %dma_wait3A_22] : memref<131072x16xf32, #tpu.memory_space<hbm>> -> memref<128x16xf32, #tpu.memory_space<hbm>>
        tpu.wait_dma2 semaphore(%run_scoped3A : memref<!tpu.dma_semaphore, #tpu.memory_space<semaphore_mem>>) src(%arg6 : memref<128x16xf32, #tpu.memory_space<vmem>>) dst(%dma_wait3A_23 : memref<128x16xf32, #tpu.memory_space<hbm>>)
        tpu.yield
      }) : () -> ()
    }
    %scan3A_7 = arith.constant 32 : i32
    return
  }
}

#map = affine_map<(d0, d1) -> (0, 0)>
#map1 = affine_map<(d0, d1) -> (0)>
module attributes {stable_mosaic.version = 14 : i64} {
  func.func @_sc_gather_body(%arg0: i32, %arg1: i32, %arg2: memref<8192x80xf32, #tpu.memory_space<hbm>>, %arg3: memref<131072xi32, #tpu.memory_space<hbm>>, %arg4: memref<131072x80xf32, #tpu.memory_space<hbm>>, %arg5: memref<128xi32, #tpu.memory_space<vmem>>, %arg6: memref<128x80xf32, #tpu.memory_space<vmem>>, %arg7: memref<!tpu.dma_semaphore, #tpu.memory_space<semaphore_mem>>) attributes {dimension_semantics = [#tpu.dimension_semantics<core_parallel>, #tpu.dimension_semantics<subcore_parallel>], iteration_bounds = array<i64: 2, 16>, scalar_prefetch = 0 : i64, scratch_operands = 3 : i64, tpu.core_type = #tpu.core_type<sc_vector_subcore>, window_params = [{transform_indices = #map}, {transform_indices = #map1}, {transform_indices = #map}]} {
    %mul3A = arith.constant 2 : i32
    %mul3A_0 = arith.muli %arg1, %mul3A : i32
    %add3A = arith.addi %mul3A_0, %arg0 : i32
    %mul3A_1 = arith.constant 4096 : i32
    %mul3A_2 = arith.muli %add3A, %mul3A_1 : i32
    %scan3A = arith.constant 0 : i32
    %scan3A_3 = arith.constant 0 : i32
    %scan3A_4 = arith.constant 32 : i32
    %scan3A_5 = arith.addi %scan3A_3, %scan3A_4 : i32
    %scan3A_6 = arith.constant 1 : i32
    scf.for %scan3A_8 = %scan3A_3 to %scan3A_5 step %scan3A_6  : i32 {
      %mul3A_9 = arith.constant 128 : i32
      %mul3A_10 = arith.muli %scan3A_8, %mul3A_9 : i32
      %add3A_11 = arith.addi %mul3A_2, %mul3A_10 : i32
      %multiple_of3A = tpu.assume_multiple %add3A_11, 128 : i32
      "tpu.region"() ({
        %run_scoped3A = tpu.sem_alloc : memref<!tpu.dma_semaphore, #tpu.memory_space<semaphore_mem>>
        %dma_start3A_16 = tpu.memref_slice %arg3[%multiple_of3A] : memref<131072xi32, #tpu.memory_space<hbm>> -> memref<128xi32, #tpu.memory_space<hbm>>
        %dma_start3A_17 = tpu.memref_slice %arg3[%multiple_of3A] : memref<131072xi32, #tpu.memory_space<hbm>> -> memref<128xi32, #tpu.memory_space<hbm>>
        tpu.enqueue_dma source(%dma_start3A_17 : memref<128xi32, #tpu.memory_space<hbm>>) target(%arg5 : memref<128xi32, #tpu.memory_space<vmem>>) target_semaphore(%run_scoped3A : memref<!tpu.dma_semaphore, #tpu.memory_space<semaphore_mem>>)
        %dma_wait3A_18 = tpu.memref_slice %arg3[%multiple_of3A] : memref<131072xi32, #tpu.memory_space<hbm>> -> memref<128xi32, #tpu.memory_space<hbm>>
        %dma_wait3A_19 = tpu.memref_slice %arg3[%multiple_of3A] : memref<131072xi32, #tpu.memory_space<hbm>> -> memref<128xi32, #tpu.memory_space<hbm>>
        tpu.wait_dma2 semaphore(%run_scoped3A : memref<!tpu.dma_semaphore, #tpu.memory_space<semaphore_mem>>) src(%dma_wait3A_19 : memref<128xi32, #tpu.memory_space<hbm>>) dst(%arg5 : memref<128xi32, #tpu.memory_space<vmem>>)
        tpu.yield
      }) : () -> ()
      %dma_start3A = arith.constant 0 : i32
      %dma_start3A_12 = arith.constant 0 : i32
      %dma_start3A_13 = tpu.memref_slice %arg2[%dma_start3A, %dma_start3A_12] : memref<8192x80xf32, #tpu.memory_space<hbm>> -> memref<8192x80xf32, #tpu.memory_space<hbm>>
      tpu.enqueue_indirect_dma source(%dma_start3A_13 : memref<8192x80xf32, #tpu.memory_space<hbm>>) target(%arg6 : memref<128x80xf32, #tpu.memory_space<vmem>>) offsets(%arg5 : memref<128xi32, #tpu.memory_space<vmem>>) semaphore(%arg7 : memref<!tpu.dma_semaphore, #tpu.memory_space<semaphore_mem>>)
      %dma_wait3A = arith.constant 0 : i32
      %dma_wait3A_14 = arith.constant 0 : i32
      %dma_wait3A_15 = tpu.memref_slice %arg2[%dma_wait3A, %dma_wait3A_14] : memref<8192x80xf32, #tpu.memory_space<hbm>> -> memref<8192x80xf32, #tpu.memory_space<hbm>>
      tpu.wait_indirect_dma semaphore(%arg7 : memref<!tpu.dma_semaphore, #tpu.memory_space<semaphore_mem>>) src(%dma_wait3A_15 : memref<8192x80xf32, #tpu.memory_space<hbm>>) dst(%arg6 : memref<128x80xf32, #tpu.memory_space<vmem>>)
      "tpu.region"() ({
        %run_scoped3A = tpu.sem_alloc : memref<!tpu.dma_semaphore, #tpu.memory_space<semaphore_mem>>
        %dma_start3A_16 = arith.constant 0 : i32
        %dma_start3A_17 = tpu.memref_slice %arg4[%multiple_of3A, %dma_start3A_16] : memref<131072x80xf32, #tpu.memory_space<hbm>> -> memref<128x80xf32, #tpu.memory_space<hbm>>
        %dma_start3A_18 = arith.constant 0 : i32
        %dma_start3A_19 = tpu.memref_slice %arg4[%multiple_of3A, %dma_start3A_18] : memref<131072x80xf32, #tpu.memory_space<hbm>> -> memref<128x80xf32, #tpu.memory_space<hbm>>
        tpu.enqueue_dma source(%arg6 : memref<128x80xf32, #tpu.memory_space<vmem>>) target(%dma_start3A_19 : memref<128x80xf32, #tpu.memory_space<hbm>>) target_semaphore(%run_scoped3A : memref<!tpu.dma_semaphore, #tpu.memory_space<semaphore_mem>>)
        %dma_wait3A_20 = arith.constant 0 : i32
        %dma_wait3A_21 = tpu.memref_slice %arg4[%multiple_of3A, %dma_wait3A_20] : memref<131072x80xf32, #tpu.memory_space<hbm>> -> memref<128x80xf32, #tpu.memory_space<hbm>>
        %dma_wait3A_22 = arith.constant 0 : i32
        %dma_wait3A_23 = tpu.memref_slice %arg4[%multiple_of3A, %dma_wait3A_22] : memref<131072x80xf32, #tpu.memory_space<hbm>> -> memref<128x80xf32, #tpu.memory_space<hbm>>
        tpu.wait_dma2 semaphore(%run_scoped3A : memref<!tpu.dma_semaphore, #tpu.memory_space<semaphore_mem>>) src(%arg6 : memref<128x80xf32, #tpu.memory_space<vmem>>) dst(%dma_wait3A_23 : memref<128x80xf32, #tpu.memory_space<hbm>>)
        tpu.yield
      }) : () -> ()
    }
    %scan3A_7 = arith.constant 32 : i32
    return
  }
}

#map = affine_map<(d0, d1) -> (0, 0)>
#map1 = affine_map<(d0, d1) -> (0)>
module attributes {stable_mosaic.version = 14 : i64} {
  func.func @_sc_gather_body(%arg0: i32, %arg1: i32, %arg2: memref<8192x144xf32, #tpu.memory_space<hbm>>, %arg3: memref<32768xi32, #tpu.memory_space<hbm>>, %arg4: memref<32768x144xf32, #tpu.memory_space<hbm>>, %arg5: memref<128xi32, #tpu.memory_space<vmem>>, %arg6: memref<128x144xf32, #tpu.memory_space<vmem>>, %arg7: memref<!tpu.dma_semaphore, #tpu.memory_space<semaphore_mem>>) attributes {dimension_semantics = [#tpu.dimension_semantics<core_parallel>, #tpu.dimension_semantics<subcore_parallel>], iteration_bounds = array<i64: 2, 16>, scalar_prefetch = 0 : i64, scratch_operands = 3 : i64, tpu.core_type = #tpu.core_type<sc_vector_subcore>, window_params = [{transform_indices = #map}, {transform_indices = #map1}, {transform_indices = #map}]} {
    %mul3A = arith.constant 2 : i32
    %mul3A_0 = arith.muli %arg1, %mul3A : i32
    %add3A = arith.addi %mul3A_0, %arg0 : i32
    %mul3A_1 = arith.constant 1024 : i32
    %mul3A_2 = arith.muli %add3A, %mul3A_1 : i32
    %scan3A = arith.constant 0 : i32
    %scan3A_3 = arith.constant 0 : i32
    %scan3A_4 = arith.constant 8 : i32
    %scan3A_5 = arith.addi %scan3A_3, %scan3A_4 : i32
    %scan3A_6 = arith.constant 1 : i32
    scf.for %scan3A_8 = %scan3A_3 to %scan3A_5 step %scan3A_6  : i32 {
      %mul3A_9 = arith.constant 128 : i32
      %mul3A_10 = arith.muli %scan3A_8, %mul3A_9 : i32
      %add3A_11 = arith.addi %mul3A_2, %mul3A_10 : i32
      %multiple_of3A = tpu.assume_multiple %add3A_11, 128 : i32
      "tpu.region"() ({
        %run_scoped3A = tpu.sem_alloc : memref<!tpu.dma_semaphore, #tpu.memory_space<semaphore_mem>>
        %dma_start3A_16 = tpu.memref_slice %arg3[%multiple_of3A] : memref<32768xi32, #tpu.memory_space<hbm>> -> memref<128xi32, #tpu.memory_space<hbm>>
        %dma_start3A_17 = tpu.memref_slice %arg3[%multiple_of3A] : memref<32768xi32, #tpu.memory_space<hbm>> -> memref<128xi32, #tpu.memory_space<hbm>>
        tpu.enqueue_dma source(%dma_start3A_17 : memref<128xi32, #tpu.memory_space<hbm>>) target(%arg5 : memref<128xi32, #tpu.memory_space<vmem>>) target_semaphore(%run_scoped3A : memref<!tpu.dma_semaphore, #tpu.memory_space<semaphore_mem>>)
        %dma_wait3A_18 = tpu.memref_slice %arg3[%multiple_of3A] : memref<32768xi32, #tpu.memory_space<hbm>> -> memref<128xi32, #tpu.memory_space<hbm>>
        %dma_wait3A_19 = tpu.memref_slice %arg3[%multiple_of3A] : memref<32768xi32, #tpu.memory_space<hbm>> -> memref<128xi32, #tpu.memory_space<hbm>>
        tpu.wait_dma2 semaphore(%run_scoped3A : memref<!tpu.dma_semaphore, #tpu.memory_space<semaphore_mem>>) src(%dma_wait3A_19 : memref<128xi32, #tpu.memory_space<hbm>>) dst(%arg5 : memref<128xi32, #tpu.memory_space<vmem>>)
        tpu.yield
      }) : () -> ()
      %dma_start3A = arith.constant 0 : i32
      %dma_start3A_12 = arith.constant 0 : i32
      %dma_start3A_13 = tpu.memref_slice %arg2[%dma_start3A, %dma_start3A_12] : memref<8192x144xf32, #tpu.memory_space<hbm>> -> memref<8192x144xf32, #tpu.memory_space<hbm>>
      tpu.enqueue_indirect_dma source(%dma_start3A_13 : memref<8192x144xf32, #tpu.memory_space<hbm>>) target(%arg6 : memref<128x144xf32, #tpu.memory_space<vmem>>) offsets(%arg5 : memref<128xi32, #tpu.memory_space<vmem>>) semaphore(%arg7 : memref<!tpu.dma_semaphore, #tpu.memory_space<semaphore_mem>>)
      %dma_wait3A = arith.constant 0 : i32
      %dma_wait3A_14 = arith.constant 0 : i32
      %dma_wait3A_15 = tpu.memref_slice %arg2[%dma_wait3A, %dma_wait3A_14] : memref<8192x144xf32, #tpu.memory_space<hbm>> -> memref<8192x144xf32, #tpu.memory_space<hbm>>
      tpu.wait_indirect_dma semaphore(%arg7 : memref<!tpu.dma_semaphore, #tpu.memory_space<semaphore_mem>>) src(%dma_wait3A_15 : memref<8192x144xf32, #tpu.memory_space<hbm>>) dst(%arg6 : memref<128x144xf32, #tpu.memory_space<vmem>>)
      "tpu.region"() ({
        %run_scoped3A = tpu.sem_alloc : memref<!tpu.dma_semaphore, #tpu.memory_space<semaphore_mem>>
        %dma_start3A_16 = arith.constant 0 : i32
        %dma_start3A_17 = tpu.memref_slice %arg4[%multiple_of3A, %dma_start3A_16] : memref<32768x144xf32, #tpu.memory_space<hbm>> -> memref<128x144xf32, #tpu.memory_space<hbm>>
        %dma_start3A_18 = arith.constant 0 : i32
        %dma_start3A_19 = tpu.memref_slice %arg4[%multiple_of3A, %dma_start3A_18] : memref<32768x144xf32, #tpu.memory_space<hbm>> -> memref<128x144xf32, #tpu.memory_space<hbm>>
        tpu.enqueue_dma source(%arg6 : memref<128x144xf32, #tpu.memory_space<vmem>>) target(%dma_start3A_19 : memref<128x144xf32, #tpu.memory_space<hbm>>) target_semaphore(%run_scoped3A : memref<!tpu.dma_semaphore, #tpu.memory_space<semaphore_mem>>)
        %dma_wait3A_20 = arith.constant 0 : i32
        %dma_wait3A_21 = tpu.memref_slice %arg4[%multiple_of3A, %dma_wait3A_20] : memref<32768x144xf32, #tpu.memory_space<hbm>> -> memref<128x144xf32, #tpu.memory_space<hbm>>
        %dma_wait3A_22 = arith.constant 0 : i32
        %dma_wait3A_23 = tpu.memref_slice %arg4[%multiple_of3A, %dma_wait3A_22] : memref<32768x144xf32, #tpu.memory_space<hbm>> -> memref<128x144xf32, #tpu.memory_space<hbm>>
        tpu.wait_dma2 semaphore(%run_scoped3A : memref<!tpu.dma_semaphore, #tpu.memory_space<semaphore_mem>>) src(%arg6 : memref<128x144xf32, #tpu.memory_space<vmem>>) dst(%dma_wait3A_23 : memref<128x144xf32, #tpu.memory_space<hbm>>)
        tpu.yield
      }) : () -> ()
    }
    %scan3A_7 = arith.constant 8 : i32
    return
  }
}

module attributes {stable_mosaic.version = 14 : i64} {
  func.func @_fps_body(%arg0: memref<16x2048xf32, #tpu.memory_space<vmem>>, %arg1: memref<16x2048xf32, #tpu.memory_space<vmem>>, %arg2: memref<16x2048xf32, #tpu.memory_space<vmem>>, %arg3: memref<16x512xf32, #tpu.memory_space<vmem>>, %arg4: memref<16x512xf32, #tpu.memory_space<vmem>>, %arg5: memref<16x512xf32, #tpu.memory_space<vmem>>) attributes {dimension_semantics = [], scalar_prefetch = 0 : i64, scratch_operands = 0 : i64, tpu.core_type = #tpu.core_type<tc>} {
    %get3A = arith.constant 0 : index
    %get3A_0 = arith.constant 0 : index
    %get3A_1 = vector.load %arg0[%get3A, %get3A_0] : memref<16x2048xf32, #tpu.memory_space<vmem>>, vector<8x2048xf32>
    %get3A_2 = arith.constant 8 : index
    %get3A_3 = arith.constant 0 : index
    %get3A_4 = vector.load %arg0[%get3A_2, %get3A_3] : memref<16x2048xf32, #tpu.memory_space<vmem>>, vector<8x2048xf32>
    %get3A_5 = arith.constant 0 : index
    %get3A_6 = arith.constant 0 : index
    %get3A_7 = vector.load %arg1[%get3A_5, %get3A_6] : memref<16x2048xf32, #tpu.memory_space<vmem>>, vector<8x2048xf32>
    %get3A_8 = arith.constant 8 : index
    %get3A_9 = arith.constant 0 : index
    %get3A_10 = vector.load %arg1[%get3A_8, %get3A_9] : memref<16x2048xf32, #tpu.memory_space<vmem>>, vector<8x2048xf32>
    %get3A_11 = arith.constant 0 : index
    %get3A_12 = arith.constant 0 : index
    %get3A_13 = vector.load %arg2[%get3A_11, %get3A_12] : memref<16x2048xf32, #tpu.memory_space<vmem>>, vector<8x2048xf32>
    %get3A_14 = arith.constant 8 : index
    %get3A_15 = arith.constant 0 : index
    %get3A_16 = vector.load %arg2[%get3A_14, %get3A_15] : memref<16x2048xf32, #tpu.memory_space<vmem>>, vector<8x2048xf32>
    %iota3A = tpu.iota {dimensions = array<i32: 1>} : vector<8x2048xi32>
    %iota3A_17 = tpu.iota {dimensions = array<i32: 1>} : vector<8x512xi32>
    %broadcast_in_dim3A = arith.constant 0.000000e+00 : f32
    %broadcast_in_dim3A_18 = vector.broadcast %broadcast_in_dim3A : f32 to vector<8x512xf32>
    %broadcast_in_dim3A_19 = arith.constant 1.000000e+10 : f32
    %broadcast_in_dim3A_20 = vector.broadcast %broadcast_in_dim3A_19 : f32 to vector<8x2048xf32>
    %broadcast_in_dim3A_21 = arith.constant 0 : i32
    %broadcast_in_dim3A_22 = vector.broadcast %broadcast_in_dim3A_21 : i32 to vector<8x1xi32>
    %broadcast_in_dim3A_23 = arith.constant 1.000000e+10 : f32
    %broadcast_in_dim3A_24 = vector.broadcast %broadcast_in_dim3A_23 : f32 to vector<8x2048xf32>
    %broadcast_in_dim3A_25 = arith.constant 0 : i32
    %broadcast_in_dim3A_26 = vector.broadcast %broadcast_in_dim3A_25 : i32 to vector<8x1xi32>
    %scan3A = arith.constant 0 : i32
    %scan3A_27 = arith.constant 512 : i32
    %scan3A_28 = arith.addi %scan3A, %scan3A_27 : i32
    %scan3A_29 = arith.constant 1 : i32
    %scan3A_30:10 = scf.for %scan3A_49 = %scan3A to %scan3A_28 step %scan3A_29 iter_args(%scan3A_50 = %broadcast_in_dim3A_20, %scan3A_51 = %broadcast_in_dim3A_22, %scan3A_52 = %broadcast_in_dim3A_18, %scan3A_53 = %broadcast_in_dim3A_18, %scan3A_54 = %broadcast_in_dim3A_18, %scan3A_55 = %broadcast_in_dim3A_24, %scan3A_56 = %broadcast_in_dim3A_26, %scan3A_57 = %broadcast_in_dim3A_18, %scan3A_58 = %broadcast_in_dim3A_18, %scan3A_59 = %broadcast_in_dim3A_18) -> (vector<8x2048xf32>, vector<8x1xi32>, vector<8x512xf32>, vector<8x512xf32>, vector<8x512xf32>, vector<8x2048xf32>, vector<8x1xi32>, vector<8x512xf32>, vector<8x512xf32>, vector<8x512xf32>)  : i32 {
      %eq3A = vector.broadcast %scan3A_51 : vector<8x1xi32> to vector<8x2048xi32>
      %eq3A_60 = arith.cmpi eq, %iota3A, %eq3A : vector<8x2048xi32>
      %jit3A = arith.constant 1.000000e+00 : f32
      %jit3A_61 = arith.constant 0.000000e+00 : f32
      %broadcast_in_dim3A_62 = vector.broadcast %jit3A : f32 to vector<8x2048xf32>
      %broadcast_in_dim3A_63 = vector.broadcast %jit3A_61 : f32 to vector<8x2048xf32>
      %select_n3A = arith.select %eq3A_60, %broadcast_in_dim3A_62, %broadcast_in_dim3A_63 : vector<8x2048xi1>, vector<8x2048xf32>
      %mul3A = arith.mulf %select_n3A, %get3A_1 : vector<8x2048xf32>
      %reduce_sum3A = arith.constant dense<0.000000e+00> : vector<8xf32>
      %reduce_sum3A_64 = vector.multi_reduction <add>, %mul3A, %reduce_sum3A [1] : vector<8x2048xf32> to vector<8xf32>
      %broadcast_in_dim3A_65 = vector.shape_cast %reduce_sum3A_64 : vector<8xf32> to vector<8x1xf32>
      %mul3A_66 = arith.mulf %select_n3A, %get3A_7 : vector<8x2048xf32>
      %reduce_sum3A_67 = arith.constant dense<0.000000e+00> : vector<8xf32>
      %reduce_sum3A_68 = vector.multi_reduction <add>, %mul3A_66, %reduce_sum3A_67 [1] : vector<8x2048xf32> to vector<8xf32>
      %broadcast_in_dim3A_69 = vector.shape_cast %reduce_sum3A_68 : vector<8xf32> to vector<8x1xf32>
      %mul3A_70 = arith.mulf %select_n3A, %get3A_13 : vector<8x2048xf32>
      %reduce_sum3A_71 = arith.constant dense<0.000000e+00> : vector<8xf32>
      %reduce_sum3A_72 = vector.multi_reduction <add>, %mul3A_70, %reduce_sum3A_71 [1] : vector<8x2048xf32> to vector<8xf32>
      %broadcast_in_dim3A_73 = vector.shape_cast %reduce_sum3A_72 : vector<8xf32> to vector<8x1xf32>
      %eq3A_74 = vector.broadcast %scan3A_49 : i32 to vector<8x512xi32>
      %eq3A_75 = arith.cmpi eq, %iota3A_17, %eq3A_74 : vector<8x512xi32>
      %broadcast_in_dim3A_76 = vector.shape_cast %broadcast_in_dim3A_65 : vector<8x1xf32> to vector<8x1xf32>
      %broadcast_in_dim3A_77 = vector.broadcast %broadcast_in_dim3A_76 : vector<8x1xf32> to vector<8x512xf32>
      %select_n3A_78 = arith.select %eq3A_75, %broadcast_in_dim3A_77, %scan3A_52 : vector<8x512xi1>, vector<8x512xf32>
      %eq3A_79 = vector.broadcast %scan3A_49 : i32 to vector<8x512xi32>
      %eq3A_80 = arith.cmpi eq, %iota3A_17, %eq3A_79 : vector<8x512xi32>
      %broadcast_in_dim3A_81 = vector.shape_cast %broadcast_in_dim3A_69 : vector<8x1xf32> to vector<8x1xf32>
      %broadcast_in_dim3A_82 = vector.broadcast %broadcast_in_dim3A_81 : vector<8x1xf32> to vector<8x512xf32>
      %select_n3A_83 = arith.select %eq3A_80, %broadcast_in_dim3A_82, %scan3A_53 : vector<8x512xi1>, vector<8x512xf32>
      %eq3A_84 = vector.broadcast %scan3A_49 : i32 to vector<8x512xi32>
      %eq3A_85 = arith.cmpi eq, %iota3A_17, %eq3A_84 : vector<8x512xi32>
      %broadcast_in_dim3A_86 = vector.shape_cast %broadcast_in_dim3A_73 : vector<8x1xf32> to vector<8x1xf32>
      %broadcast_in_dim3A_87 = vector.broadcast %broadcast_in_dim3A_86 : vector<8x1xf32> to vector<8x512xf32>
      %select_n3A_88 = arith.select %eq3A_85, %broadcast_in_dim3A_87, %scan3A_54 : vector<8x512xi1>, vector<8x512xf32>
      %sub3A = vector.broadcast %broadcast_in_dim3A_65 : vector<8x1xf32> to vector<8x2048xf32>
      %sub3A_89 = arith.subf %get3A_1, %sub3A : vector<8x2048xf32>
      %sub3A_90 = vector.broadcast %broadcast_in_dim3A_69 : vector<8x1xf32> to vector<8x2048xf32>
      %sub3A_91 = arith.subf %get3A_7, %sub3A_90 : vector<8x2048xf32>
      %sub3A_92 = vector.broadcast %broadcast_in_dim3A_73 : vector<8x1xf32> to vector<8x2048xf32>
      %sub3A_93 = arith.subf %get3A_13, %sub3A_92 : vector<8x2048xf32>
      %mul3A_94 = arith.mulf %sub3A_89, %sub3A_89 : vector<8x2048xf32>
      %mul3A_95 = arith.mulf %sub3A_91, %sub3A_91 : vector<8x2048xf32>
      %add3A = arith.addf %mul3A_94, %mul3A_95 : vector<8x2048xf32>
      %mul3A_96 = arith.mulf %sub3A_93, %sub3A_93 : vector<8x2048xf32>
      %add3A_97 = arith.addf %add3A, %mul3A_96 : vector<8x2048xf32>
      %min3A = arith.minimumf %scan3A_50, %add3A_97 : vector<8x2048xf32>
      %reduce_max3A = arith.constant dense<0xFF800000> : vector<8xf32>
      %reduce_max3A_98 = vector.multi_reduction <maximumf>, %min3A, %reduce_max3A [1] : vector<8x2048xf32> to vector<8xf32>
      %broadcast_in_dim3A_99 = vector.shape_cast %reduce_max3A_98 : vector<8xf32> to vector<8x1xf32>
      %eq3A_100 = vector.broadcast %broadcast_in_dim3A_99 : vector<8x1xf32> to vector<8x2048xf32>
      %eq3A_101 = arith.cmpf oeq, %min3A, %eq3A_100 : vector<8x2048xf32>
      %jit3A_102 = arith.constant 2048 : i32
      %broadcast_in_dim3A_103 = vector.broadcast %jit3A_102 : i32 to vector<8x2048xi32>
      %select_n3A_104 = arith.select %eq3A_101, %iota3A, %broadcast_in_dim3A_103 : vector<8x2048xi1>, vector<8x2048xi32>
      %reduce_min3A = arith.constant dense<2147483647> : vector<8xi32>
      %reduce_min3A_105 = vector.multi_reduction <minsi>, %select_n3A_104, %reduce_min3A [1] : vector<8x2048xi32> to vector<8xi32>
      %broadcast_in_dim3A_106 = vector.shape_cast %reduce_min3A_105 : vector<8xi32> to vector<8x1xi32>
      %eq3A_107 = vector.broadcast %scan3A_56 : vector<8x1xi32> to vector<8x2048xi32>
      %eq3A_108 = arith.cmpi eq, %iota3A, %eq3A_107 : vector<8x2048xi32>
      %jit3A_109 = arith.constant 1.000000e+00 : f32
      %jit3A_110 = arith.constant 0.000000e+00 : f32
      %broadcast_in_dim3A_111 = vector.broadcast %jit3A_109 : f32 to vector<8x2048xf32>
      %broadcast_in_dim3A_112 = vector.broadcast %jit3A_110 : f32 to vector<8x2048xf32>
      %select_n3A_113 = arith.select %eq3A_108, %broadcast_in_dim3A_111, %broadcast_in_dim3A_112 : vector<8x2048xi1>, vector<8x2048xf32>
      %mul3A_114 = arith.mulf %select_n3A_113, %get3A_4 : vector<8x2048xf32>
      %reduce_sum3A_115 = arith.constant dense<0.000000e+00> : vector<8xf32>
      %reduce_sum3A_116 = vector.multi_reduction <add>, %mul3A_114, %reduce_sum3A_115 [1] : vector<8x2048xf32> to vector<8xf32>
      %broadcast_in_dim3A_117 = vector.shape_cast %reduce_sum3A_116 : vector<8xf32> to vector<8x1xf32>
      %mul3A_118 = arith.mulf %select_n3A_113, %get3A_10 : vector<8x2048xf32>
      %reduce_sum3A_119 = arith.constant dense<0.000000e+00> : vector<8xf32>
      %reduce_sum3A_120 = vector.multi_reduction <add>, %mul3A_118, %reduce_sum3A_119 [1] : vector<8x2048xf32> to vector<8xf32>
      %broadcast_in_dim3A_121 = vector.shape_cast %reduce_sum3A_120 : vector<8xf32> to vector<8x1xf32>
      %mul3A_122 = arith.mulf %select_n3A_113, %get3A_16 : vector<8x2048xf32>
      %reduce_sum3A_123 = arith.constant dense<0.000000e+00> : vector<8xf32>
      %reduce_sum3A_124 = vector.multi_reduction <add>, %mul3A_122, %reduce_sum3A_123 [1] : vector<8x2048xf32> to vector<8xf32>
      %broadcast_in_dim3A_125 = vector.shape_cast %reduce_sum3A_124 : vector<8xf32> to vector<8x1xf32>
      %eq3A_126 = vector.broadcast %scan3A_49 : i32 to vector<8x512xi32>
      %eq3A_127 = arith.cmpi eq, %iota3A_17, %eq3A_126 : vector<8x512xi32>
      %broadcast_in_dim3A_128 = vector.shape_cast %broadcast_in_dim3A_117 : vector<8x1xf32> to vector<8x1xf32>
      %broadcast_in_dim3A_129 = vector.broadcast %broadcast_in_dim3A_128 : vector<8x1xf32> to vector<8x512xf32>
      %select_n3A_130 = arith.select %eq3A_127, %broadcast_in_dim3A_129, %scan3A_57 : vector<8x512xi1>, vector<8x512xf32>
      %eq3A_131 = vector.broadcast %scan3A_49 : i32 to vector<8x512xi32>
      %eq3A_132 = arith.cmpi eq, %iota3A_17, %eq3A_131 : vector<8x512xi32>
      %broadcast_in_dim3A_133 = vector.shape_cast %broadcast_in_dim3A_121 : vector<8x1xf32> to vector<8x1xf32>
      %broadcast_in_dim3A_134 = vector.broadcast %broadcast_in_dim3A_133 : vector<8x1xf32> to vector<8x512xf32>
      %select_n3A_135 = arith.select %eq3A_132, %broadcast_in_dim3A_134, %scan3A_58 : vector<8x512xi1>, vector<8x512xf32>
      %eq3A_136 = vector.broadcast %scan3A_49 : i32 to vector<8x512xi32>
      %eq3A_137 = arith.cmpi eq, %iota3A_17, %eq3A_136 : vector<8x512xi32>
      %broadcast_in_dim3A_138 = vector.shape_cast %broadcast_in_dim3A_125 : vector<8x1xf32> to vector<8x1xf32>
      %broadcast_in_dim3A_139 = vector.broadcast %broadcast_in_dim3A_138 : vector<8x1xf32> to vector<8x512xf32>
      %select_n3A_140 = arith.select %eq3A_137, %broadcast_in_dim3A_139, %scan3A_59 : vector<8x512xi1>, vector<8x512xf32>
      %sub3A_141 = vector.broadcast %broadcast_in_dim3A_117 : vector<8x1xf32> to vector<8x2048xf32>
      %sub3A_142 = arith.subf %get3A_4, %sub3A_141 : vector<8x2048xf32>
      %sub3A_143 = vector.broadcast %broadcast_in_dim3A_121 : vector<8x1xf32> to vector<8x2048xf32>
      %sub3A_144 = arith.subf %get3A_10, %sub3A_143 : vector<8x2048xf32>
      %sub3A_145 = vector.broadcast %broadcast_in_dim3A_125 : vector<8x1xf32> to vector<8x2048xf32>
      %sub3A_146 = arith.subf %get3A_16, %sub3A_145 : vector<8x2048xf32>
      %mul3A_147 = arith.mulf %sub3A_142, %sub3A_142 : vector<8x2048xf32>
      %mul3A_148 = arith.mulf %sub3A_144, %sub3A_144 : vector<8x2048xf32>
      %add3A_149 = arith.addf %mul3A_147, %mul3A_148 : vector<8x2048xf32>
      %mul3A_150 = arith.mulf %sub3A_146, %sub3A_146 : vector<8x2048xf32>
      %add3A_151 = arith.addf %add3A_149, %mul3A_150 : vector<8x2048xf32>
      %min3A_152 = arith.minimumf %scan3A_55, %add3A_151 : vector<8x2048xf32>
      %reduce_max3A_153 = arith.constant dense<0xFF800000> : vector<8xf32>
      %reduce_max3A_154 = vector.multi_reduction <maximumf>, %min3A_152, %reduce_max3A_153 [1] : vector<8x2048xf32> to vector<8xf32>
      %broadcast_in_dim3A_155 = vector.shape_cast %reduce_max3A_154 : vector<8xf32> to vector<8x1xf32>
      %eq3A_156 = vector.broadcast %broadcast_in_dim3A_155 : vector<8x1xf32> to vector<8x2048xf32>
      %eq3A_157 = arith.cmpf oeq, %min3A_152, %eq3A_156 : vector<8x2048xf32>
      %jit3A_158 = arith.constant 2048 : i32
      %broadcast_in_dim3A_159 = vector.broadcast %jit3A_158 : i32 to vector<8x2048xi32>
      %select_n3A_160 = arith.select %eq3A_157, %iota3A, %broadcast_in_dim3A_159 : vector<8x2048xi1>, vector<8x2048xi32>
      %reduce_min3A_161 = arith.constant dense<2147483647> : vector<8xi32>
      %reduce_min3A_162 = vector.multi_reduction <minsi>, %select_n3A_160, %reduce_min3A_161 [1] : vector<8x2048xi32> to vector<8xi32>
      %broadcast_in_dim3A_163 = vector.shape_cast %reduce_min3A_162 : vector<8xi32> to vector<8x1xi32>
      scf.yield %min3A, %broadcast_in_dim3A_106, %select_n3A_78, %select_n3A_83, %select_n3A_88, %min3A_152, %broadcast_in_dim3A_163, %select_n3A_130, %select_n3A_135, %select_n3A_140 : vector<8x2048xf32>, vector<8x1xi32>, vector<8x512xf32>, vector<8x512xf32>, vector<8x512xf32>, vector<8x2048xf32>, vector<8x1xi32>, vector<8x512xf32>, vector<8x512xf32>, vector<8x512xf32>
    }
    %scan3A_31 = arith.constant 512 : i32
    %swap3A = arith.constant 0 : index
    %swap3A_32 = arith.constant 0 : index
    %swap3A_33 = vector.load %arg3[%swap3A, %swap3A_32] : memref<16x512xf32, #tpu.memory_space<vmem>>, vector<8x512xf32>
    tpu.vector_store %arg3[%swap3A, %swap3A_32], %scan3A_30#2 {strides = array<i32>} : memref<16x512xf32, #tpu.memory_space<vmem>>, vector<8x512xf32>,
    %swap3A_34 = arith.constant 0 : index
    %swap3A_35 = arith.constant 0 : index
    %swap3A_36 = vector.load %arg4[%swap3A_34, %swap3A_35] : memref<16x512xf32, #tpu.memory_space<vmem>>, vector<8x512xf32>
    tpu.vector_store %arg4[%swap3A_34, %swap3A_35], %scan3A_30#3 {strides = array<i32>} : memref<16x512xf32, #tpu.memory_space<vmem>>, vector<8x512xf32>,
    %swap3A_37 = arith.constant 0 : index
    %swap3A_38 = arith.constant 0 : index
    %swap3A_39 = vector.load %arg5[%swap3A_37, %swap3A_38] : memref<16x512xf32, #tpu.memory_space<vmem>>, vector<8x512xf32>
    tpu.vector_store %arg5[%swap3A_37, %swap3A_38], %scan3A_30#4 {strides = array<i32>} : memref<16x512xf32, #tpu.memory_space<vmem>>, vector<8x512xf32>,
    %swap3A_40 = arith.constant 8 : index
    %swap3A_41 = arith.constant 0 : index
    %swap3A_42 = vector.load %arg3[%swap3A_40, %swap3A_41] : memref<16x512xf32, #tpu.memory_space<vmem>>, vector<8x512xf32>
    tpu.vector_store %arg3[%swap3A_40, %swap3A_41], %scan3A_30#7 {strides = array<i32>} : memref<16x512xf32, #tpu.memory_space<vmem>>, vector<8x512xf32>,
    %swap3A_43 = arith.constant 8 : index
    %swap3A_44 = arith.constant 0 : index
    %swap3A_45 = vector.load %arg4[%swap3A_43, %swap3A_44] : memref<16x512xf32, #tpu.memory_space<vmem>>, vector<8x512xf32>
    tpu.vector_store %arg4[%swap3A_43, %swap3A_44], %scan3A_30#8 {strides = array<i32>} : memref<16x512xf32, #tpu.memory_space<vmem>>, vector<8x512xf32>,
    %swap3A_46 = arith.constant 8 : index
    %swap3A_47 = arith.constant 0 : index
    %swap3A_48 = vector.load %arg5[%swap3A_46, %swap3A_47] : memref<16x512xf32, #tpu.memory_space<vmem>>, vector<8x512xf32>
    tpu.vector_store %arg5[%swap3A_46, %swap3A_47], %scan3A_30#9 {strides = array<i32>} : memref<16x512xf32, #tpu.memory_space<vmem>>, vector<8x512xf32>,
    return
  }
}

module attributes {stable_mosaic.version = 14 : i64} {
  func.func @_knn_body(%arg0: i32, %arg1: memref<1x512x1xf32, #tpu.memory_space<vmem>>, %arg2: memref<1x512x1xf32, #tpu.memory_space<vmem>>, %arg3: memref<1x512x1xf32, #tpu.memory_space<vmem>>, %arg4: memref<1x1x2048xf32, #tpu.memory_space<vmem>>, %arg5: memref<1x1x2048xf32, #tpu.memory_space<vmem>>, %arg6: memref<1x1x2048xf32, #tpu.memory_space<vmem>>, %arg7: memref<1x16x512xi32, #tpu.memory_space<vmem>>) attributes {dimension_semantics = [#tpu.dimension_semantics<parallel>], iteration_bounds = array<i64: 16>, scalar_prefetch = 0 : i64, scratch_operands = 0 : i64, tpu.core_type = #tpu.core_type<tc>, window_params = [{transform_indices = @transform_0, window_bounds = array<i64: 1, 512, 1>}, {transform_indices = @transform_1, window_bounds = array<i64: 1, 512, 1>}, {transform_indices = @transform_2, window_bounds = array<i64: 1, 512, 1>}, {transform_indices = @transform_3, window_bounds = array<i64: 1, 1, 2048>}, {transform_indices = @transform_4, window_bounds = array<i64: 1, 1, 2048>}, {transform_indices = @transform_5, window_bounds = array<i64: 1, 1, 2048>}, {transform_indices = @transform_6, window_bounds = array<i64: 1, 16, 512>}]} {
    %get3A = arith.constant 0 : index
    %get3A_0 = arith.constant 0 : index
    %get3A_1 = arith.constant 0 : index
    %get3A_2 = vector.load %arg1[%get3A, %get3A_0, %get3A_1] : memref<1x512x1xf32, #tpu.memory_space<vmem>>, vector<1x512x1xf32>
    %get3A_3 = vector.shape_cast %get3A_2 : vector<1x512x1xf32> to vector<512x1xf32>
    %get3A_4 = arith.constant 0 : index
    %get3A_5 = arith.constant 0 : index
    %get3A_6 = arith.constant 0 : index
    %get3A_7 = vector.load %arg2[%get3A_4, %get3A_5, %get3A_6] : memref<1x512x1xf32, #tpu.memory_space<vmem>>, vector<1x512x1xf32>
    %get3A_8 = vector.shape_cast %get3A_7 : vector<1x512x1xf32> to vector<512x1xf32>
    %get3A_9 = arith.constant 0 : index
    %get3A_10 = arith.constant 0 : index
    %get3A_11 = arith.constant 0 : index
    %get3A_12 = vector.load %arg3[%get3A_9, %get3A_10, %get3A_11] : memref<1x512x1xf32, #tpu.memory_space<vmem>>, vector<1x512x1xf32>
    %get3A_13 = vector.shape_cast %get3A_12 : vector<1x512x1xf32> to vector<512x1xf32>
    %get3A_14 = arith.constant 0 : index
    %get3A_15 = arith.constant 0 : index
    %get3A_16 = arith.constant 0 : index
    %get3A_17 = vector.load %arg4[%get3A_14, %get3A_15, %get3A_16] : memref<1x1x2048xf32, #tpu.memory_space<vmem>>, vector<1x1x2048xf32>
    %get3A_18 = vector.shape_cast %get3A_17 : vector<1x1x2048xf32> to vector<1x2048xf32>
    %get3A_19 = arith.constant 0 : index
    %get3A_20 = arith.constant 0 : index
    %get3A_21 = arith.constant 0 : index
    %get3A_22 = vector.load %arg5[%get3A_19, %get3A_20, %get3A_21] : memref<1x1x2048xf32, #tpu.memory_space<vmem>>, vector<1x1x2048xf32>
    %get3A_23 = vector.shape_cast %get3A_22 : vector<1x1x2048xf32> to vector<1x2048xf32>
    %get3A_24 = arith.constant 0 : index
    %get3A_25 = arith.constant 0 : index
    %get3A_26 = arith.constant 0 : index
    %get3A_27 = vector.load %arg6[%get3A_24, %get3A_25, %get3A_26] : memref<1x1x2048xf32, #tpu.memory_space<vmem>>, vector<1x1x2048xf32>
    %get3A_28 = vector.shape_cast %get3A_27 : vector<1x1x2048xf32> to vector<1x2048xf32>
    %sub3A = vector.broadcast %get3A_3 : vector<512x1xf32> to vector<512x2048xf32>
    %sub3A_29 = vector.broadcast %get3A_18 : vector<1x2048xf32> to vector<512x2048xf32>
    %sub3A_30 = arith.subf %sub3A, %sub3A_29 : vector<512x2048xf32>
    %sub3A_31 = vector.broadcast %get3A_8 : vector<512x1xf32> to vector<512x2048xf32>
    %sub3A_32 = vector.broadcast %get3A_23 : vector<1x2048xf32> to vector<512x2048xf32>
    %sub3A_33 = arith.subf %sub3A_31, %sub3A_32 : vector<512x2048xf32>
    %sub3A_34 = vector.broadcast %get3A_13 : vector<512x1xf32> to vector<512x2048xf32>
    %sub3A_35 = vector.broadcast %get3A_28 : vector<1x2048xf32> to vector<512x2048xf32>
    %sub3A_36 = arith.subf %sub3A_34, %sub3A_35 : vector<512x2048xf32>
    %mul3A = arith.mulf %sub3A_30, %sub3A_30 : vector<512x2048xf32>
    %mul3A_37 = arith.mulf %sub3A_33, %sub3A_33 : vector<512x2048xf32>
    %add3A = arith.addf %mul3A, %mul3A_37 : vector<512x2048xf32>
    %mul3A_38 = arith.mulf %sub3A_36, %sub3A_36 : vector<512x2048xf32>
    %add3A_39 = arith.addf %add3A, %mul3A_38 : vector<512x2048xf32>
    %iota3A = tpu.iota {dimensions = array<i32: 1>} : vector<512x2048xi32>
    %mul3A_40 = arith.constant 2048 : i32
    %mul3A_41 = arith.muli %arg0, %mul3A_40 : i32
    %reduce_min3A = arith.constant dense<0x7F800000> : vector<512xf32>
    %reduce_min3A_42 = vector.multi_reduction <minimumf>, %add3A_39, %reduce_min3A [1] : vector<512x2048xf32> to vector<512xf32>
    %broadcast_in_dim3A = vector.shape_cast %reduce_min3A_42 : vector<512xf32> to vector<512x1xf32>
    %eq3A = vector.broadcast %broadcast_in_dim3A : vector<512x1xf32> to vector<512x2048xf32>
    %eq3A_43 = arith.cmpf oeq, %add3A_39, %eq3A : vector<512x2048xf32>
    %jit3A = arith.constant 2048 : i32
    %broadcast_in_dim3A_44 = vector.broadcast %jit3A : i32 to vector<512x2048xi32>
    %select_n3A = arith.select %eq3A_43, %iota3A, %broadcast_in_dim3A_44 : vector<512x2048xi1>, vector<512x2048xi32>
    %reduce_min3A_45 = arith.constant dense<2147483647> : vector<512xi32>
    %reduce_min3A_46 = vector.multi_reduction <minsi>, %select_n3A, %reduce_min3A_45 [1] : vector<512x2048xi32> to vector<512xi32>
    %broadcast_in_dim3A_47 = vector.shape_cast %reduce_min3A_46 : vector<512xi32> to vector<512x1xi32>
    %add3A_48 = vector.broadcast %mul3A_41 : i32 to vector<512x1xi32>
    %add3A_49 = arith.addi %broadcast_in_dim3A_47, %add3A_48 : vector<512x1xi32>
    %reshape3A = vector.shape_cast %add3A_49 : vector<512x1xi32> to vector<512xi32>
    %swap3A = arith.constant 0 : index
    %swap3A_50 = arith.constant 0 : index
    %swap3A_51 = arith.constant 0 : index
    %swap3A_52 = vector.load %arg7[%swap3A, %swap3A_50, %swap3A_51] : memref<1x16x512xi32, #tpu.memory_space<vmem>>, vector<1x1x512xi32>
    %swap3A_53 = vector.shape_cast %swap3A_52 : vector<1x1x512xi32> to vector<512xi32>
    %swap3A_54 = vector.shape_cast %reshape3A : vector<512xi32> to vector<1x1x512xi32>
    tpu.vector_store %arg7[%swap3A, %swap3A_50, %swap3A_51], %swap3A_54 {strides = array<i32>} : memref<1x16x512xi32, #tpu.memory_space<vmem>>, vector<1x1x512xi32>,
    %eq3A_55 = vector.broadcast %broadcast_in_dim3A_47 : vector<512x1xi32> to vector<512x2048xi32>
    %eq3A_56 = arith.cmpi eq, %iota3A, %eq3A_55 : vector<512x2048xi32>
    %jit3A_57 = arith.constant 0x7F800000 : f32
    %broadcast_in_dim3A_58 = vector.broadcast %jit3A_57 : f32 to vector<512x2048xf32>
    %select_n3A_59 = arith.select %eq3A_56, %broadcast_in_dim3A_58, %add3A_39 : vector<512x2048xi1>, vector<512x2048xf32>
    %reduce_min3A_60 = arith.constant dense<0x7F800000> : vector<512xf32>
    %reduce_min3A_61 = vector.multi_reduction <minimumf>, %select_n3A_59, %reduce_min3A_60 [1] : vector<512x2048xf32> to vector<512xf32>
    %broadcast_in_dim3A_62 = vector.shape_cast %reduce_min3A_61 : vector<512xf32> to vector<512x1xf32>
    %eq3A_63 = vector.broadcast %broadcast_in_dim3A_62 : vector<512x1xf32> to vector<512x2048xf32>
    %eq3A_64 = arith.cmpf oeq, %select_n3A_59, %eq3A_63 : vector<512x2048xf32>
    %jit3A_65 = arith.constant 2048 : i32
    %broadcast_in_dim3A_66 = vector.broadcast %jit3A_65 : i32 to vector<512x2048xi32>
    %select_n3A_67 = arith.select %eq3A_64, %iota3A, %broadcast_in_dim3A_66 : vector<512x2048xi1>, vector<512x2048xi32>
    %reduce_min3A_68 = arith.constant dense<2147483647> : vector<512xi32>
    %reduce_min3A_69 = vector.multi_reduction <minsi>, %select_n3A_67, %reduce_min3A_68 [1] : vector<512x2048xi32> to vector<512xi32>
    %broadcast_in_dim3A_70 = vector.shape_cast %reduce_min3A_69 : vector<512xi32> to vector<512x1xi32>
    %add3A_71 = vector.broadcast %mul3A_41 : i32 to vector<512x1xi32>
    %add3A_72 = arith.addi %broadcast_in_dim3A_70, %add3A_71 : vector<512x1xi32>
    %reshape3A_73 = vector.shape_cast %add3A_72 : vector<512x1xi32> to vector<512xi32>
    %swap3A_74 = arith.constant 0 : index
    %swap3A_75 = arith.constant 1 : index
    %swap3A_76 = arith.constant 0 : index
    %swap3A_77 = vector.load %arg7[%swap3A_74, %swap3A_75, %swap3A_76] : memref<1x16x512xi32, #tpu.memory_space<vmem>>, vector<1x1x512xi32>
    %swap3A_78 = vector.shape_cast %swap3A_77 : vector<1x1x512xi32> to vector<512xi32>
    %swap3A_79 = vector.shape_cast %reshape3A_73 : vector<512xi32> to vector<1x1x512xi32>
    tpu.vector_store %arg7[%swap3A_74, %swap3A_75, %swap3A_76], %swap3A_79 {strides = array<i32>} : memref<1x16x512xi32, #tpu.memory_space<vmem>>, vector<1x1x512xi32>,
    %eq3A_80 = vector.broadcast %broadcast_in_dim3A_70 : vector<512x1xi32> to vector<512x2048xi32>
    %eq3A_81 = arith.cmpi eq, %iota3A, %eq3A_80 : vector<512x2048xi32>
    %jit3A_82 = arith.constant 0x7F800000 : f32
    %broadcast_in_dim3A_83 = vector.broadcast %jit3A_82 : f32 to vector<512x2048xf32>
    %select_n3A_84 = arith.select %eq3A_81, %broadcast_in_dim3A_83, %select_n3A_59 : vector<512x2048xi1>, vector<512x2048xf32>
    %reduce_min3A_85 = arith.constant dense<0x7F800000> : vector<512xf32>
    %reduce_min3A_86 = vector.multi_reduction <minimumf>, %select_n3A_84, %reduce_min3A_85 [1] : vector<512x2048xf32> to vector<512xf32>
    %broadcast_in_dim3A_87 = vector.shape_cast %reduce_min3A_86 : vector<512xf32> to vector<512x1xf32>
    %eq3A_88 = vector.broadcast %broadcast_in_dim3A_87 : vector<512x1xf32> to vector<512x2048xf32>
    %eq3A_89 = arith.cmpf oeq, %select_n3A_84, %eq3A_88 : vector<512x2048xf32>
    %jit3A_90 = arith.constant 2048 : i32
    %broadcast_in_dim3A_91 = vector.broadcast %jit3A_90 : i32 to vector<512x2048xi32>
    %select_n3A_92 = arith.select %eq3A_89, %iota3A, %broadcast_in_dim3A_91 : vector<512x2048xi1>, vector<512x2048xi32>
    %reduce_min3A_93 = arith.constant dense<2147483647> : vector<512xi32>
    %reduce_min3A_94 = vector.multi_reduction <minsi>, %select_n3A_92, %reduce_min3A_93 [1] : vector<512x2048xi32> to vector<512xi32>
    %broadcast_in_dim3A_95 = vector.shape_cast %reduce_min3A_94 : vector<512xi32> to vector<512x1xi32>
    %add3A_96 = vector.broadcast %mul3A_41 : i32 to vector<512x1xi32>
    %add3A_97 = arith.addi %broadcast_in_dim3A_95, %add3A_96 : vector<512x1xi32>
    %reshape3A_98 = vector.shape_cast %add3A_97 : vector<512x1xi32> to vector<512xi32>
    %swap3A_99 = arith.constant 0 : index
    %swap3A_100 = arith.constant 2 : index
    %swap3A_101 = arith.constant 0 : index
    %swap3A_102 = vector.load %arg7[%swap3A_99, %swap3A_100, %swap3A_101] : memref<1x16x512xi32, #tpu.memory_space<vmem>>, vector<1x1x512xi32>
    %swap3A_103 = vector.shape_cast %swap3A_102 : vector<1x1x512xi32> to vector<512xi32>
    %swap3A_104 = vector.shape_cast %reshape3A_98 : vector<512xi32> to vector<1x1x512xi32>
    tpu.vector_store %arg7[%swap3A_99, %swap3A_100, %swap3A_101], %swap3A_104 {strides = array<i32>} : memref<1x16x512xi32, #tpu.memory_space<vmem>>, vector<1x1x512xi32>,
    %eq3A_105 = vector.broadcast %broadcast_in_dim3A_95 : vector<512x1xi32> to vector<512x2048xi32>
    %eq3A_106 = arith.cmpi eq, %iota3A, %eq3A_105 : vector<512x2048xi32>
    %jit3A_107 = arith.constant 0x7F800000 : f32
    %broadcast_in_dim3A_108 = vector.broadcast %jit3A_107 : f32 to vector<512x2048xf32>
    %select_n3A_109 = arith.select %eq3A_106, %broadcast_in_dim3A_108, %select_n3A_84 : vector<512x2048xi1>, vector<512x2048xf32>
    %reduce_min3A_110 = arith.constant dense<0x7F800000> : vector<512xf32>
    %reduce_min3A_111 = vector.multi_reduction <minimumf>, %select_n3A_109, %reduce_min3A_110 [1] : vector<512x2048xf32> to vector<512xf32>
    %broadcast_in_dim3A_112 = vector.shape_cast %reduce_min3A_111 : vector<512xf32> to vector<512x1xf32>
    %eq3A_113 = vector.broadcast %broadcast_in_dim3A_112 : vector<512x1xf32> to vector<512x2048xf32>
    %eq3A_114 = arith.cmpf oeq, %select_n3A_109, %eq3A_113 : vector<512x2048xf32>
    %jit3A_115 = arith.constant 2048 : i32
    %broadcast_in_dim3A_116 = vector.broadcast %jit3A_115 : i32 to vector<512x2048xi32>
    %select_n3A_117 = arith.select %eq3A_114, %iota3A, %broadcast_in_dim3A_116 : vector<512x2048xi1>, vector<512x2048xi32>
    %reduce_min3A_118 = arith.constant dense<2147483647> : vector<512xi32>
    %reduce_min3A_119 = vector.multi_reduction <minsi>, %select_n3A_117, %reduce_min3A_118 [1] : vector<512x2048xi32> to vector<512xi32>
    %broadcast_in_dim3A_120 = vector.shape_cast %reduce_min3A_119 : vector<512xi32> to vector<512x1xi32>
    %add3A_121 = vector.broadcast %mul3A_41 : i32 to vector<512x1xi32>
    %add3A_122 = arith.addi %broadcast_in_dim3A_120, %add3A_121 : vector<512x1xi32>
    %reshape3A_123 = vector.shape_cast %add3A_122 : vector<512x1xi32> to vector<512xi32>
    %swap3A_124 = arith.constant 0 : index
    %swap3A_125 = arith.constant 3 : index
    %swap3A_126 = arith.constant 0 : index
    %swap3A_127 = vector.load %arg7[%swap3A_124, %swap3A_125, %swap3A_126] : memref<1x16x512xi32, #tpu.memory_space<vmem>>, vector<1x1x512xi32>
    %swap3A_128 = vector.shape_cast %swap3A_127 : vector<1x1x512xi32> to vector<512xi32>
    %swap3A_129 = vector.shape_cast %reshape3A_123 : vector<512xi32> to vector<1x1x512xi32>
    tpu.vector_store %arg7[%swap3A_124, %swap3A_125, %swap3A_126], %swap3A_129 {strides = array<i32>} : memref<1x16x512xi32, #tpu.memory_space<vmem>>, vector<1x1x512xi32>,
    %eq3A_130 = vector.broadcast %broadcast_in_dim3A_120 : vector<512x1xi32> to vector<512x2048xi32>
    %eq3A_131 = arith.cmpi eq, %iota3A, %eq3A_130 : vector<512x2048xi32>
    %jit3A_132 = arith.constant 0x7F800000 : f32
    %broadcast_in_dim3A_133 = vector.broadcast %jit3A_132 : f32 to vector<512x2048xf32>
    %select_n3A_134 = arith.select %eq3A_131, %broadcast_in_dim3A_133, %select_n3A_109 : vector<512x2048xi1>, vector<512x2048xf32>
    %reduce_min3A_135 = arith.constant dense<0x7F800000> : vector<512xf32>
    %reduce_min3A_136 = vector.multi_reduction <minimumf>, %select_n3A_134, %reduce_min3A_135 [1] : vector<512x2048xf32> to vector<512xf32>
    %broadcast_in_dim3A_137 = vector.shape_cast %reduce_min3A_136 : vector<512xf32> to vector<512x1xf32>
    %eq3A_138 = vector.broadcast %broadcast_in_dim3A_137 : vector<512x1xf32> to vector<512x2048xf32>
    %eq3A_139 = arith.cmpf oeq, %select_n3A_134, %eq3A_138 : vector<512x2048xf32>
    %jit3A_140 = arith.constant 2048 : i32
    %broadcast_in_dim3A_141 = vector.broadcast %jit3A_140 : i32 to vector<512x2048xi32>
    %select_n3A_142 = arith.select %eq3A_139, %iota3A, %broadcast_in_dim3A_141 : vector<512x2048xi1>, vector<512x2048xi32>
    %reduce_min3A_143 = arith.constant dense<2147483647> : vector<512xi32>
    %reduce_min3A_144 = vector.multi_reduction <minsi>, %select_n3A_142, %reduce_min3A_143 [1] : vector<512x2048xi32> to vector<512xi32>
    %broadcast_in_dim3A_145 = vector.shape_cast %reduce_min3A_144 : vector<512xi32> to vector<512x1xi32>
    %add3A_146 = vector.broadcast %mul3A_41 : i32 to vector<512x1xi32>
    %add3A_147 = arith.addi %broadcast_in_dim3A_145, %add3A_146 : vector<512x1xi32>
    %reshape3A_148 = vector.shape_cast %add3A_147 : vector<512x1xi32> to vector<512xi32>
    %swap3A_149 = arith.constant 0 : index
    %swap3A_150 = arith.constant 4 : index
    %swap3A_151 = arith.constant 0 : index
    %swap3A_152 = vector.load %arg7[%swap3A_149, %swap3A_150, %swap3A_151] : memref<1x16x512xi32, #tpu.memory_space<vmem>>, vector<1x1x512xi32>
    %swap3A_153 = vector.shape_cast %swap3A_152 : vector<1x1x512xi32> to vector<512xi32>
    %swap3A_154 = vector.shape_cast %reshape3A_148 : vector<512xi32> to vector<1x1x512xi32>
    tpu.vector_store %arg7[%swap3A_149, %swap3A_150, %swap3A_151], %swap3A_154 {strides = array<i32>} : memref<1x16x512xi32, #tpu.memory_space<vmem>>, vector<1x1x512xi32>,
    %eq3A_155 = vector.broadcast %broadcast_in_dim3A_145 : vector<512x1xi32> to vector<512x2048xi32>
    %eq3A_156 = arith.cmpi eq, %iota3A, %eq3A_155 : vector<512x2048xi32>
    %jit3A_157 = arith.constant 0x7F800000 : f32
    %broadcast_in_dim3A_158 = vector.broadcast %jit3A_157 : f32 to vector<512x2048xf32>
    %select_n3A_159 = arith.select %eq3A_156, %broadcast_in_dim3A_158, %select_n3A_134 : vector<512x2048xi1>, vector<512x2048xf32>
    %reduce_min3A_160 = arith.constant dense<0x7F800000> : vector<512xf32>
    %reduce_min3A_161 = vector.multi_reduction <minimumf>, %select_n3A_159, %reduce_min3A_160 [1] : vector<512x2048xf32> to vector<512xf32>
    %broadcast_in_dim3A_162 = vector.shape_cast %reduce_min3A_161 : vector<512xf32> to vector<512x1xf32>
    %eq3A_163 = vector.broadcast %broadcast_in_dim3A_162 : vector<512x1xf32> to vector<512x2048xf32>
    %eq3A_164 = arith.cmpf oeq, %select_n3A_159, %eq3A_163 : vector<512x2048xf32>
    %jit3A_165 = arith.constant 2048 : i32
    %broadcast_in_dim3A_166 = vector.broadcast %jit3A_165 : i32 to vector<512x2048xi32>
    %select_n3A_167 = arith.select %eq3A_164, %iota3A, %broadcast_in_dim3A_166 : vector<512x2048xi1>, vector<512x2048xi32>
    %reduce_min3A_168 = arith.constant dense<2147483647> : vector<512xi32>
    %reduce_min3A_169 = vector.multi_reduction <minsi>, %select_n3A_167, %reduce_min3A_168 [1] : vector<512x2048xi32> to vector<512xi32>
    %broadcast_in_dim3A_170 = vector.shape_cast %reduce_min3A_169 : vector<512xi32> to vector<512x1xi32>
    %add3A_171 = vector.broadcast %mul3A_41 : i32 to vector<512x1xi32>
    %add3A_172 = arith.addi %broadcast_in_dim3A_170, %add3A_171 : vector<512x1xi32>
    %reshape3A_173 = vector.shape_cast %add3A_172 : vector<512x1xi32> to vector<512xi32>
    %swap3A_174 = arith.constant 0 : index
    %swap3A_175 = arith.constant 5 : index
    %swap3A_176 = arith.constant 0 : index
    %swap3A_177 = vector.load %arg7[%swap3A_174, %swap3A_175, %swap3A_176] : memref<1x16x512xi32, #tpu.memory_space<vmem>>, vector<1x1x512xi32>
    %swap3A_178 = vector.shape_cast %swap3A_177 : vector<1x1x512xi32> to vector<512xi32>
    %swap3A_179 = vector.shape_cast %reshape3A_173 : vector<512xi32> to vector<1x1x512xi32>
    tpu.vector_store %arg7[%swap3A_174, %swap3A_175, %swap3A_176], %swap3A_179 {strides = array<i32>} : memref<1x16x512xi32, #tpu.memory_space<vmem>>, vector<1x1x512xi32>,
    %eq3A_180 = vector.broadcast %broadcast_in_dim3A_170 : vector<512x1xi32> to vector<512x2048xi32>
    %eq3A_181 = arith.cmpi eq, %iota3A, %eq3A_180 : vector<512x2048xi32>
    %jit3A_182 = arith.constant 0x7F800000 : f32
    %broadcast_in_dim3A_183 = vector.broadcast %jit3A_182 : f32 to vector<512x2048xf32>
    %select_n3A_184 = arith.select %eq3A_181, %broadcast_in_dim3A_183, %select_n3A_159 : vector<512x2048xi1>, vector<512x2048xf32>
    %reduce_min3A_185 = arith.constant dense<0x7F800000> : vector<512xf32>
    %reduce_min3A_186 = vector.multi_reduction <minimumf>, %select_n3A_184, %reduce_min3A_185 [1] : vector<512x2048xf32> to vector<512xf32>
    %broadcast_in_dim3A_187 = vector.shape_cast %reduce_min3A_186 : vector<512xf32> to vector<512x1xf32>
    %eq3A_188 = vector.broadcast %broadcast_in_dim3A_187 : vector<512x1xf32> to vector<512x2048xf32>
    %eq3A_189 = arith.cmpf oeq, %select_n3A_184, %eq3A_188 : vector<512x2048xf32>
    %jit3A_190 = arith.constant 2048 : i32
    %broadcast_in_dim3A_191 = vector.broadcast %jit3A_190 : i32 to vector<512x2048xi32>
    %select_n3A_192 = arith.select %eq3A_189, %iota3A, %broadcast_in_dim3A_191 : vector<512x2048xi1>, vector<512x2048xi32>
    %reduce_min3A_193 = arith.constant dense<2147483647> : vector<512xi32>
    %reduce_min3A_194 = vector.multi_reduction <minsi>, %select_n3A_192, %reduce_min3A_193 [1] : vector<512x2048xi32> to vector<512xi32>
    %broadcast_in_dim3A_195 = vector.shape_cast %reduce_min3A_194 : vector<512xi32> to vector<512x1xi32>
    %add3A_196 = vector.broadcast %mul3A_41 : i32 to vector<512x1xi32>
    %add3A_197 = arith.addi %broadcast_in_dim3A_195, %add3A_196 : vector<512x1xi32>
    %reshape3A_198 = vector.shape_cast %add3A_197 : vector<512x1xi32> to vector<512xi32>
    %swap3A_199 = arith.constant 0 : index
    %swap3A_200 = arith.constant 6 : index
    %swap3A_201 = arith.constant 0 : index
    %swap3A_202 = vector.load %arg7[%swap3A_199, %swap3A_200, %swap3A_201] : memref<1x16x512xi32, #tpu.memory_space<vmem>>, vector<1x1x512xi32>
    %swap3A_203 = vector.shape_cast %swap3A_202 : vector<1x1x512xi32> to vector<512xi32>
    %swap3A_204 = vector.shape_cast %reshape3A_198 : vector<512xi32> to vector<1x1x512xi32>
    tpu.vector_store %arg7[%swap3A_199, %swap3A_200, %swap3A_201], %swap3A_204 {strides = array<i32>} : memref<1x16x512xi32, #tpu.memory_space<vmem>>, vector<1x1x512xi32>,
    %eq3A_205 = vector.broadcast %broadcast_in_dim3A_195 : vector<512x1xi32> to vector<512x2048xi32>
    %eq3A_206 = arith.cmpi eq, %iota3A, %eq3A_205 : vector<512x2048xi32>
    %jit3A_207 = arith.constant 0x7F800000 : f32
    %broadcast_in_dim3A_208 = vector.broadcast %jit3A_207 : f32 to vector<512x2048xf32>
    %select_n3A_209 = arith.select %eq3A_206, %broadcast_in_dim3A_208, %select_n3A_184 : vector<512x2048xi1>, vector<512x2048xf32>
    %reduce_min3A_210 = arith.constant dense<0x7F800000> : vector<512xf32>
    %reduce_min3A_211 = vector.multi_reduction <minimumf>, %select_n3A_209, %reduce_min3A_210 [1] : vector<512x2048xf32> to vector<512xf32>
    %broadcast_in_dim3A_212 = vector.shape_cast %reduce_min3A_211 : vector<512xf32> to vector<512x1xf32>
    %eq3A_213 = vector.broadcast %broadcast_in_dim3A_212 : vector<512x1xf32> to vector<512x2048xf32>
    %eq3A_214 = arith.cmpf oeq, %select_n3A_209, %eq3A_213 : vector<512x2048xf32>
    %jit3A_215 = arith.constant 2048 : i32
    %broadcast_in_dim3A_216 = vector.broadcast %jit3A_215 : i32 to vector<512x2048xi32>
    %select_n3A_217 = arith.select %eq3A_214, %iota3A, %broadcast_in_dim3A_216 : vector<512x2048xi1>, vector<512x2048xi32>
    %reduce_min3A_218 = arith.constant dense<2147483647> : vector<512xi32>
    %reduce_min3A_219 = vector.multi_reduction <minsi>, %select_n3A_217, %reduce_min3A_218 [1] : vector<512x2048xi32> to vector<512xi32>
    %broadcast_in_dim3A_220 = vector.shape_cast %reduce_min3A_219 : vector<512xi32> to vector<512x1xi32>
    %add3A_221 = vector.broadcast %mul3A_41 : i32 to vector<512x1xi32>
    %add3A_222 = arith.addi %broadcast_in_dim3A_220, %add3A_221 : vector<512x1xi32>
    %reshape3A_223 = vector.shape_cast %add3A_222 : vector<512x1xi32> to vector<512xi32>
    %swap3A_224 = arith.constant 0 : index
    %swap3A_225 = arith.constant 7 : index
    %swap3A_226 = arith.constant 0 : index
    %swap3A_227 = vector.load %arg7[%swap3A_224, %swap3A_225, %swap3A_226] : memref<1x16x512xi32, #tpu.memory_space<vmem>>, vector<1x1x512xi32>
    %swap3A_228 = vector.shape_cast %swap3A_227 : vector<1x1x512xi32> to vector<512xi32>
    %swap3A_229 = vector.shape_cast %reshape3A_223 : vector<512xi32> to vector<1x1x512xi32>
    tpu.vector_store %arg7[%swap3A_224, %swap3A_225, %swap3A_226], %swap3A_229 {strides = array<i32>} : memref<1x16x512xi32, #tpu.memory_space<vmem>>, vector<1x1x512xi32>,
    %eq3A_230 = vector.broadcast %broadcast_in_dim3A_220 : vector<512x1xi32> to vector<512x2048xi32>
    %eq3A_231 = arith.cmpi eq, %iota3A, %eq3A_230 : vector<512x2048xi32>
    %jit3A_232 = arith.constant 0x7F800000 : f32
    %broadcast_in_dim3A_233 = vector.broadcast %jit3A_232 : f32 to vector<512x2048xf32>
    %select_n3A_234 = arith.select %eq3A_231, %broadcast_in_dim3A_233, %select_n3A_209 : vector<512x2048xi1>, vector<512x2048xf32>
    %reduce_min3A_235 = arith.constant dense<0x7F800000> : vector<512xf32>
    %reduce_min3A_236 = vector.multi_reduction <minimumf>, %select_n3A_234, %reduce_min3A_235 [1] : vector<512x2048xf32> to vector<512xf32>
    %broadcast_in_dim3A_237 = vector.shape_cast %reduce_min3A_236 : vector<512xf32> to vector<512x1xf32>
    %eq3A_238 = vector.broadcast %broadcast_in_dim3A_237 : vector<512x1xf32> to vector<512x2048xf32>
    %eq3A_239 = arith.cmpf oeq, %select_n3A_234, %eq3A_238 : vector<512x2048xf32>
    %jit3A_240 = arith.constant 2048 : i32
    %broadcast_in_dim3A_241 = vector.broadcast %jit3A_240 : i32 to vector<512x2048xi32>
    %select_n3A_242 = arith.select %eq3A_239, %iota3A, %broadcast_in_dim3A_241 : vector<512x2048xi1>, vector<512x2048xi32>
    %reduce_min3A_243 = arith.constant dense<2147483647> : vector<512xi32>
    %reduce_min3A_244 = vector.multi_reduction <minsi>, %select_n3A_242, %reduce_min3A_243 [1] : vector<512x2048xi32> to vector<512xi32>
    %broadcast_in_dim3A_245 = vector.shape_cast %reduce_min3A_244 : vector<512xi32> to vector<512x1xi32>
    %add3A_246 = vector.broadcast %mul3A_41 : i32 to vector<512x1xi32>
    %add3A_247 = arith.addi %broadcast_in_dim3A_245, %add3A_246 : vector<512x1xi32>
    %reshape3A_248 = vector.shape_cast %add3A_247 : vector<512x1xi32> to vector<512xi32>
    %swap3A_249 = arith.constant 0 : index
    %swap3A_250 = arith.constant 8 : index
    %swap3A_251 = arith.constant 0 : index
    %swap3A_252 = vector.load %arg7[%swap3A_249, %swap3A_250, %swap3A_251] : memref<1x16x512xi32, #tpu.memory_space<vmem>>, vector<1x1x512xi32>
    %swap3A_253 = vector.shape_cast %swap3A_252 : vector<1x1x512xi32> to vector<512xi32>
    %swap3A_254 = vector.shape_cast %reshape3A_248 : vector<512xi32> to vector<1x1x512xi32>
    tpu.vector_store %arg7[%swap3A_249, %swap3A_250, %swap3A_251], %swap3A_254 {strides = array<i32>} : memref<1x16x512xi32, #tpu.memory_space<vmem>>, vector<1x1x512xi32>,
    %eq3A_255 = vector.broadcast %broadcast_in_dim3A_245 : vector<512x1xi32> to vector<512x2048xi32>
    %eq3A_256 = arith.cmpi eq, %iota3A, %eq3A_255 : vector<512x2048xi32>
    %jit3A_257 = arith.constant 0x7F800000 : f32
    %broadcast_in_dim3A_258 = vector.broadcast %jit3A_257 : f32 to vector<512x2048xf32>
    %select_n3A_259 = arith.select %eq3A_256, %broadcast_in_dim3A_258, %select_n3A_234 : vector<512x2048xi1>, vector<512x2048xf32>
    %reduce_min3A_260 = arith.constant dense<0x7F800000> : vector<512xf32>
    %reduce_min3A_261 = vector.multi_reduction <minimumf>, %select_n3A_259, %reduce_min3A_260 [1] : vector<512x2048xf32> to vector<512xf32>
    %broadcast_in_dim3A_262 = vector.shape_cast %reduce_min3A_261 : vector<512xf32> to vector<512x1xf32>
    %eq3A_263 = vector.broadcast %broadcast_in_dim3A_262 : vector<512x1xf32> to vector<512x2048xf32>
    %eq3A_264 = arith.cmpf oeq, %select_n3A_259, %eq3A_263 : vector<512x2048xf32>
    %jit3A_265 = arith.constant 2048 : i32
    %broadcast_in_dim3A_266 = vector.broadcast %jit3A_265 : i32 to vector<512x2048xi32>
    %select_n3A_267 = arith.select %eq3A_264, %iota3A, %broadcast_in_dim3A_266 : vector<512x2048xi1>, vector<512x2048xi32>
    %reduce_min3A_268 = arith.constant dense<2147483647> : vector<512xi32>
    %reduce_min3A_269 = vector.multi_reduction <minsi>, %select_n3A_267, %reduce_min3A_268 [1] : vector<512x2048xi32> to vector<512xi32>
    %broadcast_in_dim3A_270 = vector.shape_cast %reduce_min3A_269 : vector<512xi32> to vector<512x1xi32>
    %add3A_271 = vector.broadcast %mul3A_41 : i32 to vector<512x1xi32>
    %add3A_272 = arith.addi %broadcast_in_dim3A_270, %add3A_271 : vector<512x1xi32>
    %reshape3A_273 = vector.shape_cast %add3A_272 : vector<512x1xi32> to vector<512xi32>
    %swap3A_274 = arith.constant 0 : index
    %swap3A_275 = arith.constant 9 : index
    %swap3A_276 = arith.constant 0 : index
    %swap3A_277 = vector.load %arg7[%swap3A_274, %swap3A_275, %swap3A_276] : memref<1x16x512xi32, #tpu.memory_space<vmem>>, vector<1x1x512xi32>
    %swap3A_278 = vector.shape_cast %swap3A_277 : vector<1x1x512xi32> to vector<512xi32>
    %swap3A_279 = vector.shape_cast %reshape3A_273 : vector<512xi32> to vector<1x1x512xi32>
    tpu.vector_store %arg7[%swap3A_274, %swap3A_275, %swap3A_276], %swap3A_279 {strides = array<i32>} : memref<1x16x512xi32, #tpu.memory_space<vmem>>, vector<1x1x512xi32>,
    %eq3A_280 = vector.broadcast %broadcast_in_dim3A_270 : vector<512x1xi32> to vector<512x2048xi32>
    %eq3A_281 = arith.cmpi eq, %iota3A, %eq3A_280 : vector<512x2048xi32>
    %jit3A_282 = arith.constant 0x7F800000 : f32
    %broadcast_in_dim3A_283 = vector.broadcast %jit3A_282 : f32 to vector<512x2048xf32>
    %select_n3A_284 = arith.select %eq3A_281, %broadcast_in_dim3A_283, %select_n3A_259 : vector<512x2048xi1>, vector<512x2048xf32>
    %reduce_min3A_285 = arith.constant dense<0x7F800000> : vector<512xf32>
    %reduce_min3A_286 = vector.multi_reduction <minimumf>, %select_n3A_284, %reduce_min3A_285 [1] : vector<512x2048xf32> to vector<512xf32>
    %broadcast_in_dim3A_287 = vector.shape_cast %reduce_min3A_286 : vector<512xf32> to vector<512x1xf32>
    %eq3A_288 = vector.broadcast %broadcast_in_dim3A_287 : vector<512x1xf32> to vector<512x2048xf32>
    %eq3A_289 = arith.cmpf oeq, %select_n3A_284, %eq3A_288 : vector<512x2048xf32>
    %jit3A_290 = arith.constant 2048 : i32
    %broadcast_in_dim3A_291 = vector.broadcast %jit3A_290 : i32 to vector<512x2048xi32>
    %select_n3A_292 = arith.select %eq3A_289, %iota3A, %broadcast_in_dim3A_291 : vector<512x2048xi1>, vector<512x2048xi32>
    %reduce_min3A_293 = arith.constant dense<2147483647> : vector<512xi32>
    %reduce_min3A_294 = vector.multi_reduction <minsi>, %select_n3A_292, %reduce_min3A_293 [1] : vector<512x2048xi32> to vector<512xi32>
    %broadcast_in_dim3A_295 = vector.shape_cast %reduce_min3A_294 : vector<512xi32> to vector<512x1xi32>
    %add3A_296 = vector.broadcast %mul3A_41 : i32 to vector<512x1xi32>
    %add3A_297 = arith.addi %broadcast_in_dim3A_295, %add3A_296 : vector<512x1xi32>
    %reshape3A_298 = vector.shape_cast %add3A_297 : vector<512x1xi32> to vector<512xi32>
    %swap3A_299 = arith.constant 0 : index
    %swap3A_300 = arith.constant 10 : index
    %swap3A_301 = arith.constant 0 : index
    %swap3A_302 = vector.load %arg7[%swap3A_299, %swap3A_300, %swap3A_301] : memref<1x16x512xi32, #tpu.memory_space<vmem>>, vector<1x1x512xi32>
    %swap3A_303 = vector.shape_cast %swap3A_302 : vector<1x1x512xi32> to vector<512xi32>
    %swap3A_304 = vector.shape_cast %reshape3A_298 : vector<512xi32> to vector<1x1x512xi32>
    tpu.vector_store %arg7[%swap3A_299, %swap3A_300, %swap3A_301], %swap3A_304 {strides = array<i32>} : memref<1x16x512xi32, #tpu.memory_space<vmem>>, vector<1x1x512xi32>,
    %eq3A_305 = vector.broadcast %broadcast_in_dim3A_295 : vector<512x1xi32> to vector<512x2048xi32>
    %eq3A_306 = arith.cmpi eq, %iota3A, %eq3A_305 : vector<512x2048xi32>
    %jit3A_307 = arith.constant 0x7F800000 : f32
    %broadcast_in_dim3A_308 = vector.broadcast %jit3A_307 : f32 to vector<512x2048xf32>
    %select_n3A_309 = arith.select %eq3A_306, %broadcast_in_dim3A_308, %select_n3A_284 : vector<512x2048xi1>, vector<512x2048xf32>
    %reduce_min3A_310 = arith.constant dense<0x7F800000> : vector<512xf32>
    %reduce_min3A_311 = vector.multi_reduction <minimumf>, %select_n3A_309, %reduce_min3A_310 [1] : vector<512x2048xf32> to vector<512xf32>
    %broadcast_in_dim3A_312 = vector.shape_cast %reduce_min3A_311 : vector<512xf32> to vector<512x1xf32>
    %eq3A_313 = vector.broadcast %broadcast_in_dim3A_312 : vector<512x1xf32> to vector<512x2048xf32>
    %eq3A_314 = arith.cmpf oeq, %select_n3A_309, %eq3A_313 : vector<512x2048xf32>
    %jit3A_315 = arith.constant 2048 : i32
    %broadcast_in_dim3A_316 = vector.broadcast %jit3A_315 : i32 to vector<512x2048xi32>
    %select_n3A_317 = arith.select %eq3A_314, %iota3A, %broadcast_in_dim3A_316 : vector<512x2048xi1>, vector<512x2048xi32>
    %reduce_min3A_318 = arith.constant dense<2147483647> : vector<512xi32>
    %reduce_min3A_319 = vector.multi_reduction <minsi>, %select_n3A_317, %reduce_min3A_318 [1] : vector<512x2048xi32> to vector<512xi32>
    %broadcast_in_dim3A_320 = vector.shape_cast %reduce_min3A_319 : vector<512xi32> to vector<512x1xi32>
    %add3A_321 = vector.broadcast %mul3A_41 : i32 to vector<512x1xi32>
    %add3A_322 = arith.addi %broadcast_in_dim3A_320, %add3A_321 : vector<512x1xi32>
    %reshape3A_323 = vector.shape_cast %add3A_322 : vector<512x1xi32> to vector<512xi32>
    %swap3A_324 = arith.constant 0 : index
    %swap3A_325 = arith.constant 11 : index
    %swap3A_326 = arith.constant 0 : index
    %swap3A_327 = vector.load %arg7[%swap3A_324, %swap3A_325, %swap3A_326] : memref<1x16x512xi32, #tpu.memory_space<vmem>>, vector<1x1x512xi32>
    %swap3A_328 = vector.shape_cast %swap3A_327 : vector<1x1x512xi32> to vector<512xi32>
    %swap3A_329 = vector.shape_cast %reshape3A_323 : vector<512xi32> to vector<1x1x512xi32>
    tpu.vector_store %arg7[%swap3A_324, %swap3A_325, %swap3A_326], %swap3A_329 {strides = array<i32>} : memref<1x16x512xi32, #tpu.memory_space<vmem>>, vector<1x1x512xi32>,
    %eq3A_330 = vector.broadcast %broadcast_in_dim3A_320 : vector<512x1xi32> to vector<512x2048xi32>
    %eq3A_331 = arith.cmpi eq, %iota3A, %eq3A_330 : vector<512x2048xi32>
    %jit3A_332 = arith.constant 0x7F800000 : f32
    %broadcast_in_dim3A_333 = vector.broadcast %jit3A_332 : f32 to vector<512x2048xf32>
    %select_n3A_334 = arith.select %eq3A_331, %broadcast_in_dim3A_333, %select_n3A_309 : vector<512x2048xi1>, vector<512x2048xf32>
    %reduce_min3A_335 = arith.constant dense<0x7F800000> : vector<512xf32>
    %reduce_min3A_336 = vector.multi_reduction <minimumf>, %select_n3A_334, %reduce_min3A_335 [1] : vector<512x2048xf32> to vector<512xf32>
    %broadcast_in_dim3A_337 = vector.shape_cast %reduce_min3A_336 : vector<512xf32> to vector<512x1xf32>
    %eq3A_338 = vector.broadcast %broadcast_in_dim3A_337 : vector<512x1xf32> to vector<512x2048xf32>
    %eq3A_339 = arith.cmpf oeq, %select_n3A_334, %eq3A_338 : vector<512x2048xf32>
    %jit3A_340 = arith.constant 2048 : i32
    %broadcast_in_dim3A_341 = vector.broadcast %jit3A_340 : i32 to vector<512x2048xi32>
    %select_n3A_342 = arith.select %eq3A_339, %iota3A, %broadcast_in_dim3A_341 : vector<512x2048xi1>, vector<512x2048xi32>
    %reduce_min3A_343 = arith.constant dense<2147483647> : vector<512xi32>
    %reduce_min3A_344 = vector.multi_reduction <minsi>, %select_n3A_342, %reduce_min3A_343 [1] : vector<512x2048xi32> to vector<512xi32>
    %broadcast_in_dim3A_345 = vector.shape_cast %reduce_min3A_344 : vector<512xi32> to vector<512x1xi32>
    %add3A_346 = vector.broadcast %mul3A_41 : i32 to vector<512x1xi32>
    %add3A_347 = arith.addi %broadcast_in_dim3A_345, %add3A_346 : vector<512x1xi32>
    %reshape3A_348 = vector.shape_cast %add3A_347 : vector<512x1xi32> to vector<512xi32>
    %swap3A_349 = arith.constant 0 : index
    %swap3A_350 = arith.constant 12 : index
    %swap3A_351 = arith.constant 0 : index
    %swap3A_352 = vector.load %arg7[%swap3A_349, %swap3A_350, %swap3A_351] : memref<1x16x512xi32, #tpu.memory_space<vmem>>, vector<1x1x512xi32>
    %swap3A_353 = vector.shape_cast %swap3A_352 : vector<1x1x512xi32> to vector<512xi32>
    %swap3A_354 = vector.shape_cast %reshape3A_348 : vector<512xi32> to vector<1x1x512xi32>
    tpu.vector_store %arg7[%swap3A_349, %swap3A_350, %swap3A_351], %swap3A_354 {strides = array<i32>} : memref<1x16x512xi32, #tpu.memory_space<vmem>>, vector<1x1x512xi32>,
    %eq3A_355 = vector.broadcast %broadcast_in_dim3A_345 : vector<512x1xi32> to vector<512x2048xi32>
    %eq3A_356 = arith.cmpi eq, %iota3A, %eq3A_355 : vector<512x2048xi32>
    %jit3A_357 = arith.constant 0x7F800000 : f32
    %broadcast_in_dim3A_358 = vector.broadcast %jit3A_357 : f32 to vector<512x2048xf32>
    %select_n3A_359 = arith.select %eq3A_356, %broadcast_in_dim3A_358, %select_n3A_334 : vector<512x2048xi1>, vector<512x2048xf32>
    %reduce_min3A_360 = arith.constant dense<0x7F800000> : vector<512xf32>
    %reduce_min3A_361 = vector.multi_reduction <minimumf>, %select_n3A_359, %reduce_min3A_360 [1] : vector<512x2048xf32> to vector<512xf32>
    %broadcast_in_dim3A_362 = vector.shape_cast %reduce_min3A_361 : vector<512xf32> to vector<512x1xf32>
    %eq3A_363 = vector.broadcast %broadcast_in_dim3A_362 : vector<512x1xf32> to vector<512x2048xf32>
    %eq3A_364 = arith.cmpf oeq, %select_n3A_359, %eq3A_363 : vector<512x2048xf32>
    %jit3A_365 = arith.constant 2048 : i32
    %broadcast_in_dim3A_366 = vector.broadcast %jit3A_365 : i32 to vector<512x2048xi32>
    %select_n3A_367 = arith.select %eq3A_364, %iota3A, %broadcast_in_dim3A_366 : vector<512x2048xi1>, vector<512x2048xi32>
    %reduce_min3A_368 = arith.constant dense<2147483647> : vector<512xi32>
    %reduce_min3A_369 = vector.multi_reduction <minsi>, %select_n3A_367, %reduce_min3A_368 [1] : vector<512x2048xi32> to vector<512xi32>
    %broadcast_in_dim3A_370 = vector.shape_cast %reduce_min3A_369 : vector<512xi32> to vector<512x1xi32>
    %add3A_371 = vector.broadcast %mul3A_41 : i32 to vector<512x1xi32>
    %add3A_372 = arith.addi %broadcast_in_dim3A_370, %add3A_371 : vector<512x1xi32>
    %reshape3A_373 = vector.shape_cast %add3A_372 : vector<512x1xi32> to vector<512xi32>
    %swap3A_374 = arith.constant 0 : index
    %swap3A_375 = arith.constant 13 : index
    %swap3A_376 = arith.constant 0 : index
    %swap3A_377 = vector.load %arg7[%swap3A_374, %swap3A_375, %swap3A_376] : memref<1x16x512xi32, #tpu.memory_space<vmem>>, vector<1x1x512xi32>
    %swap3A_378 = vector.shape_cast %swap3A_377 : vector<1x1x512xi32> to vector<512xi32>
    %swap3A_379 = vector.shape_cast %reshape3A_373 : vector<512xi32> to vector<1x1x512xi32>
    tpu.vector_store %arg7[%swap3A_374, %swap3A_375, %swap3A_376], %swap3A_379 {strides = array<i32>} : memref<1x16x512xi32, #tpu.memory_space<vmem>>, vector<1x1x512xi32>,
    %eq3A_380 = vector.broadcast %broadcast_in_dim3A_370 : vector<512x1xi32> to vector<512x2048xi32>
    %eq3A_381 = arith.cmpi eq, %iota3A, %eq3A_380 : vector<512x2048xi32>
    %jit3A_382 = arith.constant 0x7F800000 : f32
    %broadcast_in_dim3A_383 = vector.broadcast %jit3A_382 : f32 to vector<512x2048xf32>
    %select_n3A_384 = arith.select %eq3A_381, %broadcast_in_dim3A_383, %select_n3A_359 : vector<512x2048xi1>, vector<512x2048xf32>
    %reduce_min3A_385 = arith.constant dense<0x7F800000> : vector<512xf32>
    %reduce_min3A_386 = vector.multi_reduction <minimumf>, %select_n3A_384, %reduce_min3A_385 [1] : vector<512x2048xf32> to vector<512xf32>
    %broadcast_in_dim3A_387 = vector.shape_cast %reduce_min3A_386 : vector<512xf32> to vector<512x1xf32>
    %eq3A_388 = vector.broadcast %broadcast_in_dim3A_387 : vector<512x1xf32> to vector<512x2048xf32>
    %eq3A_389 = arith.cmpf oeq, %select_n3A_384, %eq3A_388 : vector<512x2048xf32>
    %jit3A_390 = arith.constant 2048 : i32
    %broadcast_in_dim3A_391 = vector.broadcast %jit3A_390 : i32 to vector<512x2048xi32>
    %select_n3A_392 = arith.select %eq3A_389, %iota3A, %broadcast_in_dim3A_391 : vector<512x2048xi1>, vector<512x2048xi32>
    %reduce_min3A_393 = arith.constant dense<2147483647> : vector<512xi32>
    %reduce_min3A_394 = vector.multi_reduction <minsi>, %select_n3A_392, %reduce_min3A_393 [1] : vector<512x2048xi32> to vector<512xi32>
    %broadcast_in_dim3A_395 = vector.shape_cast %reduce_min3A_394 : vector<512xi32> to vector<512x1xi32>
    %add3A_396 = vector.broadcast %mul3A_41 : i32 to vector<512x1xi32>
    %add3A_397 = arith.addi %broadcast_in_dim3A_395, %add3A_396 : vector<512x1xi32>
    %reshape3A_398 = vector.shape_cast %add3A_397 : vector<512x1xi32> to vector<512xi32>
    %swap3A_399 = arith.constant 0 : index
    %swap3A_400 = arith.constant 14 : index
    %swap3A_401 = arith.constant 0 : index
    %swap3A_402 = vector.load %arg7[%swap3A_399, %swap3A_400, %swap3A_401] : memref<1x16x512xi32, #tpu.memory_space<vmem>>, vector<1x1x512xi32>
    %swap3A_403 = vector.shape_cast %swap3A_402 : vector<1x1x512xi32> to vector<512xi32>
    %swap3A_404 = vector.shape_cast %reshape3A_398 : vector<512xi32> to vector<1x1x512xi32>
    tpu.vector_store %arg7[%swap3A_399, %swap3A_400, %swap3A_401], %swap3A_404 {strides = array<i32>} : memref<1x16x512xi32, #tpu.memory_space<vmem>>, vector<1x1x512xi32>,
    %eq3A_405 = vector.broadcast %broadcast_in_dim3A_395 : vector<512x1xi32> to vector<512x2048xi32>
    %eq3A_406 = arith.cmpi eq, %iota3A, %eq3A_405 : vector<512x2048xi32>
    %jit3A_407 = arith.constant 0x7F800000 : f32
    %broadcast_in_dim3A_408 = vector.broadcast %jit3A_407 : f32 to vector<512x2048xf32>
    %select_n3A_409 = arith.select %eq3A_406, %broadcast_in_dim3A_408, %select_n3A_384 : vector<512x2048xi1>, vector<512x2048xf32>
    %reduce_min3A_410 = arith.constant dense<0x7F800000> : vector<512xf32>
    %reduce_min3A_411 = vector.multi_reduction <minimumf>, %select_n3A_409, %reduce_min3A_410 [1] : vector<512x2048xf32> to vector<512xf32>
    %broadcast_in_dim3A_412 = vector.shape_cast %reduce_min3A_411 : vector<512xf32> to vector<512x1xf32>
    %eq3A_413 = vector.broadcast %broadcast_in_dim3A_412 : vector<512x1xf32> to vector<512x2048xf32>
    %eq3A_414 = arith.cmpf oeq, %select_n3A_409, %eq3A_413 : vector<512x2048xf32>
    %jit3A_415 = arith.constant 2048 : i32
    %broadcast_in_dim3A_416 = vector.broadcast %jit3A_415 : i32 to vector<512x2048xi32>
    %select_n3A_417 = arith.select %eq3A_414, %iota3A, %broadcast_in_dim3A_416 : vector<512x2048xi1>, vector<512x2048xi32>
    %reduce_min3A_418 = arith.constant dense<2147483647> : vector<512xi32>
    %reduce_min3A_419 = vector.multi_reduction <minsi>, %select_n3A_417, %reduce_min3A_418 [1] : vector<512x2048xi32> to vector<512xi32>
    %broadcast_in_dim3A_420 = vector.shape_cast %reduce_min3A_419 : vector<512xi32> to vector<512x1xi32>
    %add3A_421 = vector.broadcast %mul3A_41 : i32 to vector<512x1xi32>
    %add3A_422 = arith.addi %broadcast_in_dim3A_420, %add3A_421 : vector<512x1xi32>
    %reshape3A_423 = vector.shape_cast %add3A_422 : vector<512x1xi32> to vector<512xi32>
    %swap3A_424 = arith.constant 0 : index
    %swap3A_425 = arith.constant 15 : index
    %swap3A_426 = arith.constant 0 : index
    %swap3A_427 = vector.load %arg7[%swap3A_424, %swap3A_425, %swap3A_426] : memref<1x16x512xi32, #tpu.memory_space<vmem>>, vector<1x1x512xi32>
    %swap3A_428 = vector.shape_cast %swap3A_427 : vector<1x1x512xi32> to vector<512xi32>
    %swap3A_429 = vector.shape_cast %reshape3A_423 : vector<512xi32> to vector<1x1x512xi32>
    tpu.vector_store %arg7[%swap3A_424, %swap3A_425, %swap3A_426], %swap3A_429 {strides = array<i32>} : memref<1x16x512xi32, #tpu.memory_space<vmem>>, vector<1x1x512xi32>,
    return
  }
  func.func @transform_0(%arg0: i32) -> (i32, i32, i32) {
    %c0_i32 = arith.constant 0 : i32
    %c0_i32_0 = arith.constant 0 : i32
    %c0_i32_1 = arith.constant 0 : i32
    return %arg0, %c0_i32, %c0_i32_0 : i32, i32, i32
  }
  func.func @transform_1(%arg0: i32) -> (i32, i32, i32) {
    %c0_i32 = arith.constant 0 : i32
    %c0_i32_0 = arith.constant 0 : i32
    %c0_i32_1 = arith.constant 0 : i32
    return %arg0, %c0_i32, %c0_i32_0 : i32, i32, i32
  }
  func.func @transform_2(%arg0: i32) -> (i32, i32, i32) {
    %c0_i32 = arith.constant 0 : i32
    %c0_i32_0 = arith.constant 0 : i32
    %c0_i32_1 = arith.constant 0 : i32
    return %arg0, %c0_i32, %c0_i32_0 : i32, i32, i32
  }
  func.func @transform_3(%arg0: i32) -> (i32, i32, i32) {
    %c0_i32 = arith.constant 0 : i32
    %c0_i32_0 = arith.constant 0 : i32
    %c0_i32_1 = arith.constant 0 : i32
    return %arg0, %c0_i32, %c0_i32_0 : i32, i32, i32
  }
  func.func @transform_4(%arg0: i32) -> (i32, i32, i32) {
    %c0_i32 = arith.constant 0 : i32
    %c0_i32_0 = arith.constant 0 : i32
    %c0_i32_1 = arith.constant 0 : i32
    return %arg0, %c0_i32, %c0_i32_0 : i32, i32, i32
  }
  func.func @transform_5(%arg0: i32) -> (i32, i32, i32) {
    %c0_i32 = arith.constant 0 : i32
    %c0_i32_0 = arith.constant 0 : i32
    %c0_i32_1 = arith.constant 0 : i32
    return %arg0, %c0_i32, %c0_i32_0 : i32, i32, i32
  }
  func.func @transform_6(%arg0: i32) -> (i32, i32, i32) {
    %c0_i32 = arith.constant 0 : i32
    %c0_i32_0 = arith.constant 0 : i32
    %c0_i32_1 = arith.constant 0 : i32
    return %arg0, %c0_i32, %c0_i32_0 : i32, i32, i32
  }
}

module attributes {stable_mosaic.version = 14 : i64} {
  func.func @_knn_body(%arg0: i32, %arg1: memref<1x512x1xf32, #tpu.memory_space<vmem>>, %arg2: memref<1x512x1xf32, #tpu.memory_space<vmem>>, %arg3: memref<1x512x1xf32, #tpu.memory_space<vmem>>, %arg4: memref<1x1x512xf32, #tpu.memory_space<vmem>>, %arg5: memref<1x1x512xf32, #tpu.memory_space<vmem>>, %arg6: memref<1x1x512xf32, #tpu.memory_space<vmem>>, %arg7: memref<1x16x512xi32, #tpu.memory_space<vmem>>) attributes {dimension_semantics = [#tpu.dimension_semantics<parallel>], iteration_bounds = array<i64: 16>, scalar_prefetch = 0 : i64, scratch_operands = 0 : i64, tpu.core_type = #tpu.core_type<tc>, window_params = [{transform_indices = @transform_0, window_bounds = array<i64: 1, 512, 1>}, {transform_indices = @transform_1, window_bounds = array<i64: 1, 512, 1>}, {transform_indices = @transform_2, window_bounds = array<i64: 1, 512, 1>}, {transform_indices = @transform_3, window_bounds = array<i64: 1, 1, 512>}, {transform_indices = @transform_4, window_bounds = array<i64: 1, 1, 512>}, {transform_indices = @transform_5, window_bounds = array<i64: 1, 1, 512>}, {transform_indices = @transform_6, window_bounds = array<i64: 1, 16, 512>}]} {
    %get3A = arith.constant 0 : index
    %get3A_0 = arith.constant 0 : index
    %get3A_1 = arith.constant 0 : index
    %get3A_2 = vector.load %arg1[%get3A, %get3A_0, %get3A_1] : memref<1x512x1xf32, #tpu.memory_space<vmem>>, vector<1x512x1xf32>
    %get3A_3 = vector.shape_cast %get3A_2 : vector<1x512x1xf32> to vector<512x1xf32>
    %get3A_4 = arith.constant 0 : index
    %get3A_5 = arith.constant 0 : index
    %get3A_6 = arith.constant 0 : index
    %get3A_7 = vector.load %arg2[%get3A_4, %get3A_5, %get3A_6] : memref<1x512x1xf32, #tpu.memory_space<vmem>>, vector<1x512x1xf32>
    %get3A_8 = vector.shape_cast %get3A_7 : vector<1x512x1xf32> to vector<512x1xf32>
    %get3A_9 = arith.constant 0 : index
    %get3A_10 = arith.constant 0 : index
    %get3A_11 = arith.constant 0 : index
    %get3A_12 = vector.load %arg3[%get3A_9, %get3A_10, %get3A_11] : memref<1x512x1xf32, #tpu.memory_space<vmem>>, vector<1x512x1xf32>
    %get3A_13 = vector.shape_cast %get3A_12 : vector<1x512x1xf32> to vector<512x1xf32>
    %get3A_14 = arith.constant 0 : index
    %get3A_15 = arith.constant 0 : index
    %get3A_16 = arith.constant 0 : index
    %get3A_17 = vector.load %arg4[%get3A_14, %get3A_15, %get3A_16] : memref<1x1x512xf32, #tpu.memory_space<vmem>>, vector<1x1x512xf32>
    %get3A_18 = vector.shape_cast %get3A_17 : vector<1x1x512xf32> to vector<1x512xf32>
    %get3A_19 = arith.constant 0 : index
    %get3A_20 = arith.constant 0 : index
    %get3A_21 = arith.constant 0 : index
    %get3A_22 = vector.load %arg5[%get3A_19, %get3A_20, %get3A_21] : memref<1x1x512xf32, #tpu.memory_space<vmem>>, vector<1x1x512xf32>
    %get3A_23 = vector.shape_cast %get3A_22 : vector<1x1x512xf32> to vector<1x512xf32>
    %get3A_24 = arith.constant 0 : index
    %get3A_25 = arith.constant 0 : index
    %get3A_26 = arith.constant 0 : index
    %get3A_27 = vector.load %arg6[%get3A_24, %get3A_25, %get3A_26] : memref<1x1x512xf32, #tpu.memory_space<vmem>>, vector<1x1x512xf32>
    %get3A_28 = vector.shape_cast %get3A_27 : vector<1x1x512xf32> to vector<1x512xf32>
    %sub3A = vector.broadcast %get3A_3 : vector<512x1xf32> to vector<512x512xf32>
    %sub3A_29 = vector.broadcast %get3A_18 : vector<1x512xf32> to vector<512x512xf32>
    %sub3A_30 = arith.subf %sub3A, %sub3A_29 : vector<512x512xf32>
    %sub3A_31 = vector.broadcast %get3A_8 : vector<512x1xf32> to vector<512x512xf32>
    %sub3A_32 = vector.broadcast %get3A_23 : vector<1x512xf32> to vector<512x512xf32>
    %sub3A_33 = arith.subf %sub3A_31, %sub3A_32 : vector<512x512xf32>
    %sub3A_34 = vector.broadcast %get3A_13 : vector<512x1xf32> to vector<512x512xf32>
    %sub3A_35 = vector.broadcast %get3A_28 : vector<1x512xf32> to vector<512x512xf32>
    %sub3A_36 = arith.subf %sub3A_34, %sub3A_35 : vector<512x512xf32>
    %mul3A = arith.mulf %sub3A_30, %sub3A_30 : vector<512x512xf32>
    %mul3A_37 = arith.mulf %sub3A_33, %sub3A_33 : vector<512x512xf32>
    %add3A = arith.addf %mul3A, %mul3A_37 : vector<512x512xf32>
    %mul3A_38 = arith.mulf %sub3A_36, %sub3A_36 : vector<512x512xf32>
    %add3A_39 = arith.addf %add3A, %mul3A_38 : vector<512x512xf32>
    %iota3A = tpu.iota {dimensions = array<i32: 1>} : vector<512x512xi32>
    %mul3A_40 = arith.constant 512 : i32
    %mul3A_41 = arith.muli %arg0, %mul3A_40 : i32
    %reduce_min3A = arith.constant dense<0x7F800000> : vector<512xf32>
    %reduce_min3A_42 = vector.multi_reduction <minimumf>, %add3A_39, %reduce_min3A [1] : vector<512x512xf32> to vector<512xf32>
    %broadcast_in_dim3A = vector.shape_cast %reduce_min3A_42 : vector<512xf32> to vector<512x1xf32>
    %eq3A = vector.broadcast %broadcast_in_dim3A : vector<512x1xf32> to vector<512x512xf32>
    %eq3A_43 = arith.cmpf oeq, %add3A_39, %eq3A : vector<512x512xf32>
    %jit3A = arith.constant 512 : i32
    %broadcast_in_dim3A_44 = vector.broadcast %jit3A : i32 to vector<512x512xi32>
    %select_n3A = arith.select %eq3A_43, %iota3A, %broadcast_in_dim3A_44 : vector<512x512xi1>, vector<512x512xi32>
    %reduce_min3A_45 = arith.constant dense<2147483647> : vector<512xi32>
    %reduce_min3A_46 = vector.multi_reduction <minsi>, %select_n3A, %reduce_min3A_45 [1] : vector<512x512xi32> to vector<512xi32>
    %broadcast_in_dim3A_47 = vector.shape_cast %reduce_min3A_46 : vector<512xi32> to vector<512x1xi32>
    %add3A_48 = vector.broadcast %mul3A_41 : i32 to vector<512x1xi32>
    %add3A_49 = arith.addi %broadcast_in_dim3A_47, %add3A_48 : vector<512x1xi32>
    %reshape3A = vector.shape_cast %add3A_49 : vector<512x1xi32> to vector<512xi32>
    %swap3A = arith.constant 0 : index
    %swap3A_50 = arith.constant 0 : index
    %swap3A_51 = arith.constant 0 : index
    %swap3A_52 = vector.load %arg7[%swap3A, %swap3A_50, %swap3A_51] : memref<1x16x512xi32, #tpu.memory_space<vmem>>, vector<1x1x512xi32>
    %swap3A_53 = vector.shape_cast %swap3A_52 : vector<1x1x512xi32> to vector<512xi32>
    %swap3A_54 = vector.shape_cast %reshape3A : vector<512xi32> to vector<1x1x512xi32>
    tpu.vector_store %arg7[%swap3A, %swap3A_50, %swap3A_51], %swap3A_54 {strides = array<i32>} : memref<1x16x512xi32, #tpu.memory_space<vmem>>, vector<1x1x512xi32>,
    %eq3A_55 = vector.broadcast %broadcast_in_dim3A_47 : vector<512x1xi32> to vector<512x512xi32>
    %eq3A_56 = arith.cmpi eq, %iota3A, %eq3A_55 : vector<512x512xi32>
    %jit3A_57 = arith.constant 0x7F800000 : f32
    %broadcast_in_dim3A_58 = vector.broadcast %jit3A_57 : f32 to vector<512x512xf32>
    %select_n3A_59 = arith.select %eq3A_56, %broadcast_in_dim3A_58, %add3A_39 : vector<512x512xi1>, vector<512x512xf32>
    %reduce_min3A_60 = arith.constant dense<0x7F800000> : vector<512xf32>
    %reduce_min3A_61 = vector.multi_reduction <minimumf>, %select_n3A_59, %reduce_min3A_60 [1] : vector<512x512xf32> to vector<512xf32>
    %broadcast_in_dim3A_62 = vector.shape_cast %reduce_min3A_61 : vector<512xf32> to vector<512x1xf32>
    %eq3A_63 = vector.broadcast %broadcast_in_dim3A_62 : vector<512x1xf32> to vector<512x512xf32>
    %eq3A_64 = arith.cmpf oeq, %select_n3A_59, %eq3A_63 : vector<512x512xf32>
    %jit3A_65 = arith.constant 512 : i32
    %broadcast_in_dim3A_66 = vector.broadcast %jit3A_65 : i32 to vector<512x512xi32>
    %select_n3A_67 = arith.select %eq3A_64, %iota3A, %broadcast_in_dim3A_66 : vector<512x512xi1>, vector<512x512xi32>
    %reduce_min3A_68 = arith.constant dense<2147483647> : vector<512xi32>
    %reduce_min3A_69 = vector.multi_reduction <minsi>, %select_n3A_67, %reduce_min3A_68 [1] : vector<512x512xi32> to vector<512xi32>
    %broadcast_in_dim3A_70 = vector.shape_cast %reduce_min3A_69 : vector<512xi32> to vector<512x1xi32>
    %add3A_71 = vector.broadcast %mul3A_41 : i32 to vector<512x1xi32>
    %add3A_72 = arith.addi %broadcast_in_dim3A_70, %add3A_71 : vector<512x1xi32>
    %reshape3A_73 = vector.shape_cast %add3A_72 : vector<512x1xi32> to vector<512xi32>
    %swap3A_74 = arith.constant 0 : index
    %swap3A_75 = arith.constant 1 : index
    %swap3A_76 = arith.constant 0 : index
    %swap3A_77 = vector.load %arg7[%swap3A_74, %swap3A_75, %swap3A_76] : memref<1x16x512xi32, #tpu.memory_space<vmem>>, vector<1x1x512xi32>
    %swap3A_78 = vector.shape_cast %swap3A_77 : vector<1x1x512xi32> to vector<512xi32>
    %swap3A_79 = vector.shape_cast %reshape3A_73 : vector<512xi32> to vector<1x1x512xi32>
    tpu.vector_store %arg7[%swap3A_74, %swap3A_75, %swap3A_76], %swap3A_79 {strides = array<i32>} : memref<1x16x512xi32, #tpu.memory_space<vmem>>, vector<1x1x512xi32>,
    %eq3A_80 = vector.broadcast %broadcast_in_dim3A_70 : vector<512x1xi32> to vector<512x512xi32>
    %eq3A_81 = arith.cmpi eq, %iota3A, %eq3A_80 : vector<512x512xi32>
    %jit3A_82 = arith.constant 0x7F800000 : f32
    %broadcast_in_dim3A_83 = vector.broadcast %jit3A_82 : f32 to vector<512x512xf32>
    %select_n3A_84 = arith.select %eq3A_81, %broadcast_in_dim3A_83, %select_n3A_59 : vector<512x512xi1>, vector<512x512xf32>
    %reduce_min3A_85 = arith.constant dense<0x7F800000> : vector<512xf32>
    %reduce_min3A_86 = vector.multi_reduction <minimumf>, %select_n3A_84, %reduce_min3A_85 [1] : vector<512x512xf32> to vector<512xf32>
    %broadcast_in_dim3A_87 = vector.shape_cast %reduce_min3A_86 : vector<512xf32> to vector<512x1xf32>
    %eq3A_88 = vector.broadcast %broadcast_in_dim3A_87 : vector<512x1xf32> to vector<512x512xf32>
    %eq3A_89 = arith.cmpf oeq, %select_n3A_84, %eq3A_88 : vector<512x512xf32>
    %jit3A_90 = arith.constant 512 : i32
    %broadcast_in_dim3A_91 = vector.broadcast %jit3A_90 : i32 to vector<512x512xi32>
    %select_n3A_92 = arith.select %eq3A_89, %iota3A, %broadcast_in_dim3A_91 : vector<512x512xi1>, vector<512x512xi32>
    %reduce_min3A_93 = arith.constant dense<2147483647> : vector<512xi32>
    %reduce_min3A_94 = vector.multi_reduction <minsi>, %select_n3A_92, %reduce_min3A_93 [1] : vector<512x512xi32> to vector<512xi32>
    %broadcast_in_dim3A_95 = vector.shape_cast %reduce_min3A_94 : vector<512xi32> to vector<512x1xi32>
    %add3A_96 = vector.broadcast %mul3A_41 : i32 to vector<512x1xi32>
    %add3A_97 = arith.addi %broadcast_in_dim3A_95, %add3A_96 : vector<512x1xi32>
    %reshape3A_98 = vector.shape_cast %add3A_97 : vector<512x1xi32> to vector<512xi32>
    %swap3A_99 = arith.constant 0 : index
    %swap3A_100 = arith.constant 2 : index
    %swap3A_101 = arith.constant 0 : index
    %swap3A_102 = vector.load %arg7[%swap3A_99, %swap3A_100, %swap3A_101] : memref<1x16x512xi32, #tpu.memory_space<vmem>>, vector<1x1x512xi32>
    %swap3A_103 = vector.shape_cast %swap3A_102 : vector<1x1x512xi32> to vector<512xi32>
    %swap3A_104 = vector.shape_cast %reshape3A_98 : vector<512xi32> to vector<1x1x512xi32>
    tpu.vector_store %arg7[%swap3A_99, %swap3A_100, %swap3A_101], %swap3A_104 {strides = array<i32>} : memref<1x16x512xi32, #tpu.memory_space<vmem>>, vector<1x1x512xi32>,
    %eq3A_105 = vector.broadcast %broadcast_in_dim3A_95 : vector<512x1xi32> to vector<512x512xi32>
    %eq3A_106 = arith.cmpi eq, %iota3A, %eq3A_105 : vector<512x512xi32>
    %jit3A_107 = arith.constant 0x7F800000 : f32
    %broadcast_in_dim3A_108 = vector.broadcast %jit3A_107 : f32 to vector<512x512xf32>
    %select_n3A_109 = arith.select %eq3A_106, %broadcast_in_dim3A_108, %select_n3A_84 : vector<512x512xi1>, vector<512x512xf32>
    %reduce_min3A_110 = arith.constant dense<0x7F800000> : vector<512xf32>
    %reduce_min3A_111 = vector.multi_reduction <minimumf>, %select_n3A_109, %reduce_min3A_110 [1] : vector<512x512xf32> to vector<512xf32>
    %broadcast_in_dim3A_112 = vector.shape_cast %reduce_min3A_111 : vector<512xf32> to vector<512x1xf32>
    %eq3A_113 = vector.broadcast %broadcast_in_dim3A_112 : vector<512x1xf32> to vector<512x512xf32>
    %eq3A_114 = arith.cmpf oeq, %select_n3A_109, %eq3A_113 : vector<512x512xf32>
    %jit3A_115 = arith.constant 512 : i32
    %broadcast_in_dim3A_116 = vector.broadcast %jit3A_115 : i32 to vector<512x512xi32>
    %select_n3A_117 = arith.select %eq3A_114, %iota3A, %broadcast_in_dim3A_116 : vector<512x512xi1>, vector<512x512xi32>
    %reduce_min3A_118 = arith.constant dense<2147483647> : vector<512xi32>
    %reduce_min3A_119 = vector.multi_reduction <minsi>, %select_n3A_117, %reduce_min3A_118 [1] : vector<512x512xi32> to vector<512xi32>
    %broadcast_in_dim3A_120 = vector.shape_cast %reduce_min3A_119 : vector<512xi32> to vector<512x1xi32>
    %add3A_121 = vector.broadcast %mul3A_41 : i32 to vector<512x1xi32>
    %add3A_122 = arith.addi %broadcast_in_dim3A_120, %add3A_121 : vector<512x1xi32>
    %reshape3A_123 = vector.shape_cast %add3A_122 : vector<512x1xi32> to vector<512xi32>
    %swap3A_124 = arith.constant 0 : index
    %swap3A_125 = arith.constant 3 : index
    %swap3A_126 = arith.constant 0 : index
    %swap3A_127 = vector.load %arg7[%swap3A_124, %swap3A_125, %swap3A_126] : memref<1x16x512xi32, #tpu.memory_space<vmem>>, vector<1x1x512xi32>
    %swap3A_128 = vector.shape_cast %swap3A_127 : vector<1x1x512xi32> to vector<512xi32>
    %swap3A_129 = vector.shape_cast %reshape3A_123 : vector<512xi32> to vector<1x1x512xi32>
    tpu.vector_store %arg7[%swap3A_124, %swap3A_125, %swap3A_126], %swap3A_129 {strides = array<i32>} : memref<1x16x512xi32, #tpu.memory_space<vmem>>, vector<1x1x512xi32>,
    %eq3A_130 = vector.broadcast %broadcast_in_dim3A_120 : vector<512x1xi32> to vector<512x512xi32>
    %eq3A_131 = arith.cmpi eq, %iota3A, %eq3A_130 : vector<512x512xi32>
    %jit3A_132 = arith.constant 0x7F800000 : f32
    %broadcast_in_dim3A_133 = vector.broadcast %jit3A_132 : f32 to vector<512x512xf32>
    %select_n3A_134 = arith.select %eq3A_131, %broadcast_in_dim3A_133, %select_n3A_109 : vector<512x512xi1>, vector<512x512xf32>
    %reduce_min3A_135 = arith.constant dense<0x7F800000> : vector<512xf32>
    %reduce_min3A_136 = vector.multi_reduction <minimumf>, %select_n3A_134, %reduce_min3A_135 [1] : vector<512x512xf32> to vector<512xf32>
    %broadcast_in_dim3A_137 = vector.shape_cast %reduce_min3A_136 : vector<512xf32> to vector<512x1xf32>
    %eq3A_138 = vector.broadcast %broadcast_in_dim3A_137 : vector<512x1xf32> to vector<512x512xf32>
    %eq3A_139 = arith.cmpf oeq, %select_n3A_134, %eq3A_138 : vector<512x512xf32>
    %jit3A_140 = arith.constant 512 : i32
    %broadcast_in_dim3A_141 = vector.broadcast %jit3A_140 : i32 to vector<512x512xi32>
    %select_n3A_142 = arith.select %eq3A_139, %iota3A, %broadcast_in_dim3A_141 : vector<512x512xi1>, vector<512x512xi32>
    %reduce_min3A_143 = arith.constant dense<2147483647> : vector<512xi32>
    %reduce_min3A_144 = vector.multi_reduction <minsi>, %select_n3A_142, %reduce_min3A_143 [1] : vector<512x512xi32> to vector<512xi32>
    %broadcast_in_dim3A_145 = vector.shape_cast %reduce_min3A_144 : vector<512xi32> to vector<512x1xi32>
    %add3A_146 = vector.broadcast %mul3A_41 : i32 to vector<512x1xi32>
    %add3A_147 = arith.addi %broadcast_in_dim3A_145, %add3A_146 : vector<512x1xi32>
    %reshape3A_148 = vector.shape_cast %add3A_147 : vector<512x1xi32> to vector<512xi32>
    %swap3A_149 = arith.constant 0 : index
    %swap3A_150 = arith.constant 4 : index
    %swap3A_151 = arith.constant 0 : index
    %swap3A_152 = vector.load %arg7[%swap3A_149, %swap3A_150, %swap3A_151] : memref<1x16x512xi32, #tpu.memory_space<vmem>>, vector<1x1x512xi32>
    %swap3A_153 = vector.shape_cast %swap3A_152 : vector<1x1x512xi32> to vector<512xi32>
    %swap3A_154 = vector.shape_cast %reshape3A_148 : vector<512xi32> to vector<1x1x512xi32>
    tpu.vector_store %arg7[%swap3A_149, %swap3A_150, %swap3A_151], %swap3A_154 {strides = array<i32>} : memref<1x16x512xi32, #tpu.memory_space<vmem>>, vector<1x1x512xi32>,
    %eq3A_155 = vector.broadcast %broadcast_in_dim3A_145 : vector<512x1xi32> to vector<512x512xi32>
    %eq3A_156 = arith.cmpi eq, %iota3A, %eq3A_155 : vector<512x512xi32>
    %jit3A_157 = arith.constant 0x7F800000 : f32
    %broadcast_in_dim3A_158 = vector.broadcast %jit3A_157 : f32 to vector<512x512xf32>
    %select_n3A_159 = arith.select %eq3A_156, %broadcast_in_dim3A_158, %select_n3A_134 : vector<512x512xi1>, vector<512x512xf32>
    %reduce_min3A_160 = arith.constant dense<0x7F800000> : vector<512xf32>
    %reduce_min3A_161 = vector.multi_reduction <minimumf>, %select_n3A_159, %reduce_min3A_160 [1] : vector<512x512xf32> to vector<512xf32>
    %broadcast_in_dim3A_162 = vector.shape_cast %reduce_min3A_161 : vector<512xf32> to vector<512x1xf32>
    %eq3A_163 = vector.broadcast %broadcast_in_dim3A_162 : vector<512x1xf32> to vector<512x512xf32>
    %eq3A_164 = arith.cmpf oeq, %select_n3A_159, %eq3A_163 : vector<512x512xf32>
    %jit3A_165 = arith.constant 512 : i32
    %broadcast_in_dim3A_166 = vector.broadcast %jit3A_165 : i32 to vector<512x512xi32>
    %select_n3A_167 = arith.select %eq3A_164, %iota3A, %broadcast_in_dim3A_166 : vector<512x512xi1>, vector<512x512xi32>
    %reduce_min3A_168 = arith.constant dense<2147483647> : vector<512xi32>
    %reduce_min3A_169 = vector.multi_reduction <minsi>, %select_n3A_167, %reduce_min3A_168 [1] : vector<512x512xi32> to vector<512xi32>
    %broadcast_in_dim3A_170 = vector.shape_cast %reduce_min3A_169 : vector<512xi32> to vector<512x1xi32>
    %add3A_171 = vector.broadcast %mul3A_41 : i32 to vector<512x1xi32>
    %add3A_172 = arith.addi %broadcast_in_dim3A_170, %add3A_171 : vector<512x1xi32>
    %reshape3A_173 = vector.shape_cast %add3A_172 : vector<512x1xi32> to vector<512xi32>
    %swap3A_174 = arith.constant 0 : index
    %swap3A_175 = arith.constant 5 : index
    %swap3A_176 = arith.constant 0 : index
    %swap3A_177 = vector.load %arg7[%swap3A_174, %swap3A_175, %swap3A_176] : memref<1x16x512xi32, #tpu.memory_space<vmem>>, vector<1x1x512xi32>
    %swap3A_178 = vector.shape_cast %swap3A_177 : vector<1x1x512xi32> to vector<512xi32>
    %swap3A_179 = vector.shape_cast %reshape3A_173 : vector<512xi32> to vector<1x1x512xi32>
    tpu.vector_store %arg7[%swap3A_174, %swap3A_175, %swap3A_176], %swap3A_179 {strides = array<i32>} : memref<1x16x512xi32, #tpu.memory_space<vmem>>, vector<1x1x512xi32>,
    %eq3A_180 = vector.broadcast %broadcast_in_dim3A_170 : vector<512x1xi32> to vector<512x512xi32>
    %eq3A_181 = arith.cmpi eq, %iota3A, %eq3A_180 : vector<512x512xi32>
    %jit3A_182 = arith.constant 0x7F800000 : f32
    %broadcast_in_dim3A_183 = vector.broadcast %jit3A_182 : f32 to vector<512x512xf32>
    %select_n3A_184 = arith.select %eq3A_181, %broadcast_in_dim3A_183, %select_n3A_159 : vector<512x512xi1>, vector<512x512xf32>
    %reduce_min3A_185 = arith.constant dense<0x7F800000> : vector<512xf32>
    %reduce_min3A_186 = vector.multi_reduction <minimumf>, %select_n3A_184, %reduce_min3A_185 [1] : vector<512x512xf32> to vector<512xf32>
    %broadcast_in_dim3A_187 = vector.shape_cast %reduce_min3A_186 : vector<512xf32> to vector<512x1xf32>
    %eq3A_188 = vector.broadcast %broadcast_in_dim3A_187 : vector<512x1xf32> to vector<512x512xf32>
    %eq3A_189 = arith.cmpf oeq, %select_n3A_184, %eq3A_188 : vector<512x512xf32>
    %jit3A_190 = arith.constant 512 : i32
    %broadcast_in_dim3A_191 = vector.broadcast %jit3A_190 : i32 to vector<512x512xi32>
    %select_n3A_192 = arith.select %eq3A_189, %iota3A, %broadcast_in_dim3A_191 : vector<512x512xi1>, vector<512x512xi32>
    %reduce_min3A_193 = arith.constant dense<2147483647> : vector<512xi32>
    %reduce_min3A_194 = vector.multi_reduction <minsi>, %select_n3A_192, %reduce_min3A_193 [1] : vector<512x512xi32> to vector<512xi32>
    %broadcast_in_dim3A_195 = vector.shape_cast %reduce_min3A_194 : vector<512xi32> to vector<512x1xi32>
    %add3A_196 = vector.broadcast %mul3A_41 : i32 to vector<512x1xi32>
    %add3A_197 = arith.addi %broadcast_in_dim3A_195, %add3A_196 : vector<512x1xi32>
    %reshape3A_198 = vector.shape_cast %add3A_197 : vector<512x1xi32> to vector<512xi32>
    %swap3A_199 = arith.constant 0 : index
    %swap3A_200 = arith.constant 6 : index
    %swap3A_201 = arith.constant 0 : index
    %swap3A_202 = vector.load %arg7[%swap3A_199, %swap3A_200, %swap3A_201] : memref<1x16x512xi32, #tpu.memory_space<vmem>>, vector<1x1x512xi32>
    %swap3A_203 = vector.shape_cast %swap3A_202 : vector<1x1x512xi32> to vector<512xi32>
    %swap3A_204 = vector.shape_cast %reshape3A_198 : vector<512xi32> to vector<1x1x512xi32>
    tpu.vector_store %arg7[%swap3A_199, %swap3A_200, %swap3A_201], %swap3A_204 {strides = array<i32>} : memref<1x16x512xi32, #tpu.memory_space<vmem>>, vector<1x1x512xi32>,
    %eq3A_205 = vector.broadcast %broadcast_in_dim3A_195 : vector<512x1xi32> to vector<512x512xi32>
    %eq3A_206 = arith.cmpi eq, %iota3A, %eq3A_205 : vector<512x512xi32>
    %jit3A_207 = arith.constant 0x7F800000 : f32
    %broadcast_in_dim3A_208 = vector.broadcast %jit3A_207 : f32 to vector<512x512xf32>
    %select_n3A_209 = arith.select %eq3A_206, %broadcast_in_dim3A_208, %select_n3A_184 : vector<512x512xi1>, vector<512x512xf32>
    %reduce_min3A_210 = arith.constant dense<0x7F800000> : vector<512xf32>
    %reduce_min3A_211 = vector.multi_reduction <minimumf>, %select_n3A_209, %reduce_min3A_210 [1] : vector<512x512xf32> to vector<512xf32>
    %broadcast_in_dim3A_212 = vector.shape_cast %reduce_min3A_211 : vector<512xf32> to vector<512x1xf32>
    %eq3A_213 = vector.broadcast %broadcast_in_dim3A_212 : vector<512x1xf32> to vector<512x512xf32>
    %eq3A_214 = arith.cmpf oeq, %select_n3A_209, %eq3A_213 : vector<512x512xf32>
    %jit3A_215 = arith.constant 512 : i32
    %broadcast_in_dim3A_216 = vector.broadcast %jit3A_215 : i32 to vector<512x512xi32>
    %select_n3A_217 = arith.select %eq3A_214, %iota3A, %broadcast_in_dim3A_216 : vector<512x512xi1>, vector<512x512xi32>
    %reduce_min3A_218 = arith.constant dense<2147483647> : vector<512xi32>
    %reduce_min3A_219 = vector.multi_reduction <minsi>, %select_n3A_217, %reduce_min3A_218 [1] : vector<512x512xi32> to vector<512xi32>
    %broadcast_in_dim3A_220 = vector.shape_cast %reduce_min3A_219 : vector<512xi32> to vector<512x1xi32>
    %add3A_221 = vector.broadcast %mul3A_41 : i32 to vector<512x1xi32>
    %add3A_222 = arith.addi %broadcast_in_dim3A_220, %add3A_221 : vector<512x1xi32>
    %reshape3A_223 = vector.shape_cast %add3A_222 : vector<512x1xi32> to vector<512xi32>
    %swap3A_224 = arith.constant 0 : index
    %swap3A_225 = arith.constant 7 : index
    %swap3A_226 = arith.constant 0 : index
    %swap3A_227 = vector.load %arg7[%swap3A_224, %swap3A_225, %swap3A_226] : memref<1x16x512xi32, #tpu.memory_space<vmem>>, vector<1x1x512xi32>
    %swap3A_228 = vector.shape_cast %swap3A_227 : vector<1x1x512xi32> to vector<512xi32>
    %swap3A_229 = vector.shape_cast %reshape3A_223 : vector<512xi32> to vector<1x1x512xi32>
    tpu.vector_store %arg7[%swap3A_224, %swap3A_225, %swap3A_226], %swap3A_229 {strides = array<i32>} : memref<1x16x512xi32, #tpu.memory_space<vmem>>, vector<1x1x512xi32>,
    %eq3A_230 = vector.broadcast %broadcast_in_dim3A_220 : vector<512x1xi32> to vector<512x512xi32>
    %eq3A_231 = arith.cmpi eq, %iota3A, %eq3A_230 : vector<512x512xi32>
    %jit3A_232 = arith.constant 0x7F800000 : f32
    %broadcast_in_dim3A_233 = vector.broadcast %jit3A_232 : f32 to vector<512x512xf32>
    %select_n3A_234 = arith.select %eq3A_231, %broadcast_in_dim3A_233, %select_n3A_209 : vector<512x512xi1>, vector<512x512xf32>
    %reduce_min3A_235 = arith.constant dense<0x7F800000> : vector<512xf32>
    %reduce_min3A_236 = vector.multi_reduction <minimumf>, %select_n3A_234, %reduce_min3A_235 [1] : vector<512x512xf32> to vector<512xf32>
    %broadcast_in_dim3A_237 = vector.shape_cast %reduce_min3A_236 : vector<512xf32> to vector<512x1xf32>
    %eq3A_238 = vector.broadcast %broadcast_in_dim3A_237 : vector<512x1xf32> to vector<512x512xf32>
    %eq3A_239 = arith.cmpf oeq, %select_n3A_234, %eq3A_238 : vector<512x512xf32>
    %jit3A_240 = arith.constant 512 : i32
    %broadcast_in_dim3A_241 = vector.broadcast %jit3A_240 : i32 to vector<512x512xi32>
    %select_n3A_242 = arith.select %eq3A_239, %iota3A, %broadcast_in_dim3A_241 : vector<512x512xi1>, vector<512x512xi32>
    %reduce_min3A_243 = arith.constant dense<2147483647> : vector<512xi32>
    %reduce_min3A_244 = vector.multi_reduction <minsi>, %select_n3A_242, %reduce_min3A_243 [1] : vector<512x512xi32> to vector<512xi32>
    %broadcast_in_dim3A_245 = vector.shape_cast %reduce_min3A_244 : vector<512xi32> to vector<512x1xi32>
    %add3A_246 = vector.broadcast %mul3A_41 : i32 to vector<512x1xi32>
    %add3A_247 = arith.addi %broadcast_in_dim3A_245, %add3A_246 : vector<512x1xi32>
    %reshape3A_248 = vector.shape_cast %add3A_247 : vector<512x1xi32> to vector<512xi32>
    %swap3A_249 = arith.constant 0 : index
    %swap3A_250 = arith.constant 8 : index
    %swap3A_251 = arith.constant 0 : index
    %swap3A_252 = vector.load %arg7[%swap3A_249, %swap3A_250, %swap3A_251] : memref<1x16x512xi32, #tpu.memory_space<vmem>>, vector<1x1x512xi32>
    %swap3A_253 = vector.shape_cast %swap3A_252 : vector<1x1x512xi32> to vector<512xi32>
    %swap3A_254 = vector.shape_cast %reshape3A_248 : vector<512xi32> to vector<1x1x512xi32>
    tpu.vector_store %arg7[%swap3A_249, %swap3A_250, %swap3A_251], %swap3A_254 {strides = array<i32>} : memref<1x16x512xi32, #tpu.memory_space<vmem>>, vector<1x1x512xi32>,
    %eq3A_255 = vector.broadcast %broadcast_in_dim3A_245 : vector<512x1xi32> to vector<512x512xi32>
    %eq3A_256 = arith.cmpi eq, %iota3A, %eq3A_255 : vector<512x512xi32>
    %jit3A_257 = arith.constant 0x7F800000 : f32
    %broadcast_in_dim3A_258 = vector.broadcast %jit3A_257 : f32 to vector<512x512xf32>
    %select_n3A_259 = arith.select %eq3A_256, %broadcast_in_dim3A_258, %select_n3A_234 : vector<512x512xi1>, vector<512x512xf32>
    %reduce_min3A_260 = arith.constant dense<0x7F800000> : vector<512xf32>
    %reduce_min3A_261 = vector.multi_reduction <minimumf>, %select_n3A_259, %reduce_min3A_260 [1] : vector<512x512xf32> to vector<512xf32>
    %broadcast_in_dim3A_262 = vector.shape_cast %reduce_min3A_261 : vector<512xf32> to vector<512x1xf32>
    %eq3A_263 = vector.broadcast %broadcast_in_dim3A_262 : vector<512x1xf32> to vector<512x512xf32>
    %eq3A_264 = arith.cmpf oeq, %select_n3A_259, %eq3A_263 : vector<512x512xf32>
    %jit3A_265 = arith.constant 512 : i32
    %broadcast_in_dim3A_266 = vector.broadcast %jit3A_265 : i32 to vector<512x512xi32>
    %select_n3A_267 = arith.select %eq3A_264, %iota3A, %broadcast_in_dim3A_266 : vector<512x512xi1>, vector<512x512xi32>
    %reduce_min3A_268 = arith.constant dense<2147483647> : vector<512xi32>
    %reduce_min3A_269 = vector.multi_reduction <minsi>, %select_n3A_267, %reduce_min3A_268 [1] : vector<512x512xi32> to vector<512xi32>
    %broadcast_in_dim3A_270 = vector.shape_cast %reduce_min3A_269 : vector<512xi32> to vector<512x1xi32>
    %add3A_271 = vector.broadcast %mul3A_41 : i32 to vector<512x1xi32>
    %add3A_272 = arith.addi %broadcast_in_dim3A_270, %add3A_271 : vector<512x1xi32>
    %reshape3A_273 = vector.shape_cast %add3A_272 : vector<512x1xi32> to vector<512xi32>
    %swap3A_274 = arith.constant 0 : index
    %swap3A_275 = arith.constant 9 : index
    %swap3A_276 = arith.constant 0 : index
    %swap3A_277 = vector.load %arg7[%swap3A_274, %swap3A_275, %swap3A_276] : memref<1x16x512xi32, #tpu.memory_space<vmem>>, vector<1x1x512xi32>
    %swap3A_278 = vector.shape_cast %swap3A_277 : vector<1x1x512xi32> to vector<512xi32>
    %swap3A_279 = vector.shape_cast %reshape3A_273 : vector<512xi32> to vector<1x1x512xi32>
    tpu.vector_store %arg7[%swap3A_274, %swap3A_275, %swap3A_276], %swap3A_279 {strides = array<i32>} : memref<1x16x512xi32, #tpu.memory_space<vmem>>, vector<1x1x512xi32>,
    %eq3A_280 = vector.broadcast %broadcast_in_dim3A_270 : vector<512x1xi32> to vector<512x512xi32>
    %eq3A_281 = arith.cmpi eq, %iota3A, %eq3A_280 : vector<512x512xi32>
    %jit3A_282 = arith.constant 0x7F800000 : f32
    %broadcast_in_dim3A_283 = vector.broadcast %jit3A_282 : f32 to vector<512x512xf32>
    %select_n3A_284 = arith.select %eq3A_281, %broadcast_in_dim3A_283, %select_n3A_259 : vector<512x512xi1>, vector<512x512xf32>
    %reduce_min3A_285 = arith.constant dense<0x7F800000> : vector<512xf32>
    %reduce_min3A_286 = vector.multi_reduction <minimumf>, %select_n3A_284, %reduce_min3A_285 [1] : vector<512x512xf32> to vector<512xf32>
    %broadcast_in_dim3A_287 = vector.shape_cast %reduce_min3A_286 : vector<512xf32> to vector<512x1xf32>
    %eq3A_288 = vector.broadcast %broadcast_in_dim3A_287 : vector<512x1xf32> to vector<512x512xf32>
    %eq3A_289 = arith.cmpf oeq, %select_n3A_284, %eq3A_288 : vector<512x512xf32>
    %jit3A_290 = arith.constant 512 : i32
    %broadcast_in_dim3A_291 = vector.broadcast %jit3A_290 : i32 to vector<512x512xi32>
    %select_n3A_292 = arith.select %eq3A_289, %iota3A, %broadcast_in_dim3A_291 : vector<512x512xi1>, vector<512x512xi32>
    %reduce_min3A_293 = arith.constant dense<2147483647> : vector<512xi32>
    %reduce_min3A_294 = vector.multi_reduction <minsi>, %select_n3A_292, %reduce_min3A_293 [1] : vector<512x512xi32> to vector<512xi32>
    %broadcast_in_dim3A_295 = vector.shape_cast %reduce_min3A_294 : vector<512xi32> to vector<512x1xi32>
    %add3A_296 = vector.broadcast %mul3A_41 : i32 to vector<512x1xi32>
    %add3A_297 = arith.addi %broadcast_in_dim3A_295, %add3A_296 : vector<512x1xi32>
    %reshape3A_298 = vector.shape_cast %add3A_297 : vector<512x1xi32> to vector<512xi32>
    %swap3A_299 = arith.constant 0 : index
    %swap3A_300 = arith.constant 10 : index
    %swap3A_301 = arith.constant 0 : index
    %swap3A_302 = vector.load %arg7[%swap3A_299, %swap3A_300, %swap3A_301] : memref<1x16x512xi32, #tpu.memory_space<vmem>>, vector<1x1x512xi32>
    %swap3A_303 = vector.shape_cast %swap3A_302 : vector<1x1x512xi32> to vector<512xi32>
    %swap3A_304 = vector.shape_cast %reshape3A_298 : vector<512xi32> to vector<1x1x512xi32>
    tpu.vector_store %arg7[%swap3A_299, %swap3A_300, %swap3A_301], %swap3A_304 {strides = array<i32>} : memref<1x16x512xi32, #tpu.memory_space<vmem>>, vector<1x1x512xi32>,
    %eq3A_305 = vector.broadcast %broadcast_in_dim3A_295 : vector<512x1xi32> to vector<512x512xi32>
    %eq3A_306 = arith.cmpi eq, %iota3A, %eq3A_305 : vector<512x512xi32>
    %jit3A_307 = arith.constant 0x7F800000 : f32
    %broadcast_in_dim3A_308 = vector.broadcast %jit3A_307 : f32 to vector<512x512xf32>
    %select_n3A_309 = arith.select %eq3A_306, %broadcast_in_dim3A_308, %select_n3A_284 : vector<512x512xi1>, vector<512x512xf32>
    %reduce_min3A_310 = arith.constant dense<0x7F800000> : vector<512xf32>
    %reduce_min3A_311 = vector.multi_reduction <minimumf>, %select_n3A_309, %reduce_min3A_310 [1] : vector<512x512xf32> to vector<512xf32>
    %broadcast_in_dim3A_312 = vector.shape_cast %reduce_min3A_311 : vector<512xf32> to vector<512x1xf32>
    %eq3A_313 = vector.broadcast %broadcast_in_dim3A_312 : vector<512x1xf32> to vector<512x512xf32>
    %eq3A_314 = arith.cmpf oeq, %select_n3A_309, %eq3A_313 : vector<512x512xf32>
    %jit3A_315 = arith.constant 512 : i32
    %broadcast_in_dim3A_316 = vector.broadcast %jit3A_315 : i32 to vector<512x512xi32>
    %select_n3A_317 = arith.select %eq3A_314, %iota3A, %broadcast_in_dim3A_316 : vector<512x512xi1>, vector<512x512xi32>
    %reduce_min3A_318 = arith.constant dense<2147483647> : vector<512xi32>
    %reduce_min3A_319 = vector.multi_reduction <minsi>, %select_n3A_317, %reduce_min3A_318 [1] : vector<512x512xi32> to vector<512xi32>
    %broadcast_in_dim3A_320 = vector.shape_cast %reduce_min3A_319 : vector<512xi32> to vector<512x1xi32>
    %add3A_321 = vector.broadcast %mul3A_41 : i32 to vector<512x1xi32>
    %add3A_322 = arith.addi %broadcast_in_dim3A_320, %add3A_321 : vector<512x1xi32>
    %reshape3A_323 = vector.shape_cast %add3A_322 : vector<512x1xi32> to vector<512xi32>
    %swap3A_324 = arith.constant 0 : index
    %swap3A_325 = arith.constant 11 : index
    %swap3A_326 = arith.constant 0 : index
    %swap3A_327 = vector.load %arg7[%swap3A_324, %swap3A_325, %swap3A_326] : memref<1x16x512xi32, #tpu.memory_space<vmem>>, vector<1x1x512xi32>
    %swap3A_328 = vector.shape_cast %swap3A_327 : vector<1x1x512xi32> to vector<512xi32>
    %swap3A_329 = vector.shape_cast %reshape3A_323 : vector<512xi32> to vector<1x1x512xi32>
    tpu.vector_store %arg7[%swap3A_324, %swap3A_325, %swap3A_326], %swap3A_329 {strides = array<i32>} : memref<1x16x512xi32, #tpu.memory_space<vmem>>, vector<1x1x512xi32>,
    %eq3A_330 = vector.broadcast %broadcast_in_dim3A_320 : vector<512x1xi32> to vector<512x512xi32>
    %eq3A_331 = arith.cmpi eq, %iota3A, %eq3A_330 : vector<512x512xi32>
    %jit3A_332 = arith.constant 0x7F800000 : f32
    %broadcast_in_dim3A_333 = vector.broadcast %jit3A_332 : f32 to vector<512x512xf32>
    %select_n3A_334 = arith.select %eq3A_331, %broadcast_in_dim3A_333, %select_n3A_309 : vector<512x512xi1>, vector<512x512xf32>
    %reduce_min3A_335 = arith.constant dense<0x7F800000> : vector<512xf32>
    %reduce_min3A_336 = vector.multi_reduction <minimumf>, %select_n3A_334, %reduce_min3A_335 [1] : vector<512x512xf32> to vector<512xf32>
    %broadcast_in_dim3A_337 = vector.shape_cast %reduce_min3A_336 : vector<512xf32> to vector<512x1xf32>
    %eq3A_338 = vector.broadcast %broadcast_in_dim3A_337 : vector<512x1xf32> to vector<512x512xf32>
    %eq3A_339 = arith.cmpf oeq, %select_n3A_334, %eq3A_338 : vector<512x512xf32>
    %jit3A_340 = arith.constant 512 : i32
    %broadcast_in_dim3A_341 = vector.broadcast %jit3A_340 : i32 to vector<512x512xi32>
    %select_n3A_342 = arith.select %eq3A_339, %iota3A, %broadcast_in_dim3A_341 : vector<512x512xi1>, vector<512x512xi32>
    %reduce_min3A_343 = arith.constant dense<2147483647> : vector<512xi32>
    %reduce_min3A_344 = vector.multi_reduction <minsi>, %select_n3A_342, %reduce_min3A_343 [1] : vector<512x512xi32> to vector<512xi32>
    %broadcast_in_dim3A_345 = vector.shape_cast %reduce_min3A_344 : vector<512xi32> to vector<512x1xi32>
    %add3A_346 = vector.broadcast %mul3A_41 : i32 to vector<512x1xi32>
    %add3A_347 = arith.addi %broadcast_in_dim3A_345, %add3A_346 : vector<512x1xi32>
    %reshape3A_348 = vector.shape_cast %add3A_347 : vector<512x1xi32> to vector<512xi32>
    %swap3A_349 = arith.constant 0 : index
    %swap3A_350 = arith.constant 12 : index
    %swap3A_351 = arith.constant 0 : index
    %swap3A_352 = vector.load %arg7[%swap3A_349, %swap3A_350, %swap3A_351] : memref<1x16x512xi32, #tpu.memory_space<vmem>>, vector<1x1x512xi32>
    %swap3A_353 = vector.shape_cast %swap3A_352 : vector<1x1x512xi32> to vector<512xi32>
    %swap3A_354 = vector.shape_cast %reshape3A_348 : vector<512xi32> to vector<1x1x512xi32>
    tpu.vector_store %arg7[%swap3A_349, %swap3A_350, %swap3A_351], %swap3A_354 {strides = array<i32>} : memref<1x16x512xi32, #tpu.memory_space<vmem>>, vector<1x1x512xi32>,
    %eq3A_355 = vector.broadcast %broadcast_in_dim3A_345 : vector<512x1xi32> to vector<512x512xi32>
    %eq3A_356 = arith.cmpi eq, %iota3A, %eq3A_355 : vector<512x512xi32>
    %jit3A_357 = arith.constant 0x7F800000 : f32
    %broadcast_in_dim3A_358 = vector.broadcast %jit3A_357 : f32 to vector<512x512xf32>
    %select_n3A_359 = arith.select %eq3A_356, %broadcast_in_dim3A_358, %select_n3A_334 : vector<512x512xi1>, vector<512x512xf32>
    %reduce_min3A_360 = arith.constant dense<0x7F800000> : vector<512xf32>
    %reduce_min3A_361 = vector.multi_reduction <minimumf>, %select_n3A_359, %reduce_min3A_360 [1] : vector<512x512xf32> to vector<512xf32>
    %broadcast_in_dim3A_362 = vector.shape_cast %reduce_min3A_361 : vector<512xf32> to vector<512x1xf32>
    %eq3A_363 = vector.broadcast %broadcast_in_dim3A_362 : vector<512x1xf32> to vector<512x512xf32>
    %eq3A_364 = arith.cmpf oeq, %select_n3A_359, %eq3A_363 : vector<512x512xf32>
    %jit3A_365 = arith.constant 512 : i32
    %broadcast_in_dim3A_366 = vector.broadcast %jit3A_365 : i32 to vector<512x512xi32>
    %select_n3A_367 = arith.select %eq3A_364, %iota3A, %broadcast_in_dim3A_366 : vector<512x512xi1>, vector<512x512xi32>
    %reduce_min3A_368 = arith.constant dense<2147483647> : vector<512xi32>
    %reduce_min3A_369 = vector.multi_reduction <minsi>, %select_n3A_367, %reduce_min3A_368 [1] : vector<512x512xi32> to vector<512xi32>
    %broadcast_in_dim3A_370 = vector.shape_cast %reduce_min3A_369 : vector<512xi32> to vector<512x1xi32>
    %add3A_371 = vector.broadcast %mul3A_41 : i32 to vector<512x1xi32>
    %add3A_372 = arith.addi %broadcast_in_dim3A_370, %add3A_371 : vector<512x1xi32>
    %reshape3A_373 = vector.shape_cast %add3A_372 : vector<512x1xi32> to vector<512xi32>
    %swap3A_374 = arith.constant 0 : index
    %swap3A_375 = arith.constant 13 : index
    %swap3A_376 = arith.constant 0 : index
    %swap3A_377 = vector.load %arg7[%swap3A_374, %swap3A_375, %swap3A_376] : memref<1x16x512xi32, #tpu.memory_space<vmem>>, vector<1x1x512xi32>
    %swap3A_378 = vector.shape_cast %swap3A_377 : vector<1x1x512xi32> to vector<512xi32>
    %swap3A_379 = vector.shape_cast %reshape3A_373 : vector<512xi32> to vector<1x1x512xi32>
    tpu.vector_store %arg7[%swap3A_374, %swap3A_375, %swap3A_376], %swap3A_379 {strides = array<i32>} : memref<1x16x512xi32, #tpu.memory_space<vmem>>, vector<1x1x512xi32>,
    %eq3A_380 = vector.broadcast %broadcast_in_dim3A_370 : vector<512x1xi32> to vector<512x512xi32>
    %eq3A_381 = arith.cmpi eq, %iota3A, %eq3A_380 : vector<512x512xi32>
    %jit3A_382 = arith.constant 0x7F800000 : f32
    %broadcast_in_dim3A_383 = vector.broadcast %jit3A_382 : f32 to vector<512x512xf32>
    %select_n3A_384 = arith.select %eq3A_381, %broadcast_in_dim3A_383, %select_n3A_359 : vector<512x512xi1>, vector<512x512xf32>
    %reduce_min3A_385 = arith.constant dense<0x7F800000> : vector<512xf32>
    %reduce_min3A_386 = vector.multi_reduction <minimumf>, %select_n3A_384, %reduce_min3A_385 [1] : vector<512x512xf32> to vector<512xf32>
    %broadcast_in_dim3A_387 = vector.shape_cast %reduce_min3A_386 : vector<512xf32> to vector<512x1xf32>
    %eq3A_388 = vector.broadcast %broadcast_in_dim3A_387 : vector<512x1xf32> to vector<512x512xf32>
    %eq3A_389 = arith.cmpf oeq, %select_n3A_384, %eq3A_388 : vector<512x512xf32>
    %jit3A_390 = arith.constant 512 : i32
    %broadcast_in_dim3A_391 = vector.broadcast %jit3A_390 : i32 to vector<512x512xi32>
    %select_n3A_392 = arith.select %eq3A_389, %iota3A, %broadcast_in_dim3A_391 : vector<512x512xi1>, vector<512x512xi32>
    %reduce_min3A_393 = arith.constant dense<2147483647> : vector<512xi32>
    %reduce_min3A_394 = vector.multi_reduction <minsi>, %select_n3A_392, %reduce_min3A_393 [1] : vector<512x512xi32> to vector<512xi32>
    %broadcast_in_dim3A_395 = vector.shape_cast %reduce_min3A_394 : vector<512xi32> to vector<512x1xi32>
    %add3A_396 = vector.broadcast %mul3A_41 : i32 to vector<512x1xi32>
    %add3A_397 = arith.addi %broadcast_in_dim3A_395, %add3A_396 : vector<512x1xi32>
    %reshape3A_398 = vector.shape_cast %add3A_397 : vector<512x1xi32> to vector<512xi32>
    %swap3A_399 = arith.constant 0 : index
    %swap3A_400 = arith.constant 14 : index
    %swap3A_401 = arith.constant 0 : index
    %swap3A_402 = vector.load %arg7[%swap3A_399, %swap3A_400, %swap3A_401] : memref<1x16x512xi32, #tpu.memory_space<vmem>>, vector<1x1x512xi32>
    %swap3A_403 = vector.shape_cast %swap3A_402 : vector<1x1x512xi32> to vector<512xi32>
    %swap3A_404 = vector.shape_cast %reshape3A_398 : vector<512xi32> to vector<1x1x512xi32>
    tpu.vector_store %arg7[%swap3A_399, %swap3A_400, %swap3A_401], %swap3A_404 {strides = array<i32>} : memref<1x16x512xi32, #tpu.memory_space<vmem>>, vector<1x1x512xi32>,
    %eq3A_405 = vector.broadcast %broadcast_in_dim3A_395 : vector<512x1xi32> to vector<512x512xi32>
    %eq3A_406 = arith.cmpi eq, %iota3A, %eq3A_405 : vector<512x512xi32>
    %jit3A_407 = arith.constant 0x7F800000 : f32
    %broadcast_in_dim3A_408 = vector.broadcast %jit3A_407 : f32 to vector<512x512xf32>
    %select_n3A_409 = arith.select %eq3A_406, %broadcast_in_dim3A_408, %select_n3A_384 : vector<512x512xi1>, vector<512x512xf32>
    %reduce_min3A_410 = arith.constant dense<0x7F800000> : vector<512xf32>
    %reduce_min3A_411 = vector.multi_reduction <minimumf>, %select_n3A_409, %reduce_min3A_410 [1] : vector<512x512xf32> to vector<512xf32>
    %broadcast_in_dim3A_412 = vector.shape_cast %reduce_min3A_411 : vector<512xf32> to vector<512x1xf32>
    %eq3A_413 = vector.broadcast %broadcast_in_dim3A_412 : vector<512x1xf32> to vector<512x512xf32>
    %eq3A_414 = arith.cmpf oeq, %select_n3A_409, %eq3A_413 : vector<512x512xf32>
    %jit3A_415 = arith.constant 512 : i32
    %broadcast_in_dim3A_416 = vector.broadcast %jit3A_415 : i32 to vector<512x512xi32>
    %select_n3A_417 = arith.select %eq3A_414, %iota3A, %broadcast_in_dim3A_416 : vector<512x512xi1>, vector<512x512xi32>
    %reduce_min3A_418 = arith.constant dense<2147483647> : vector<512xi32>
    %reduce_min3A_419 = vector.multi_reduction <minsi>, %select_n3A_417, %reduce_min3A_418 [1] : vector<512x512xi32> to vector<512xi32>
    %broadcast_in_dim3A_420 = vector.shape_cast %reduce_min3A_419 : vector<512xi32> to vector<512x1xi32>
    %add3A_421 = vector.broadcast %mul3A_41 : i32 to vector<512x1xi32>
    %add3A_422 = arith.addi %broadcast_in_dim3A_420, %add3A_421 : vector<512x1xi32>
    %reshape3A_423 = vector.shape_cast %add3A_422 : vector<512x1xi32> to vector<512xi32>
    %swap3A_424 = arith.constant 0 : index
    %swap3A_425 = arith.constant 15 : index
    %swap3A_426 = arith.constant 0 : index
    %swap3A_427 = vector.load %arg7[%swap3A_424, %swap3A_425, %swap3A_426] : memref<1x16x512xi32, #tpu.memory_space<vmem>>, vector<1x1x512xi32>
    %swap3A_428 = vector.shape_cast %swap3A_427 : vector<1x1x512xi32> to vector<512xi32>
    %swap3A_429 = vector.shape_cast %reshape3A_423 : vector<512xi32> to vector<1x1x512xi32>
    tpu.vector_store %arg7[%swap3A_424, %swap3A_425, %swap3A_426], %swap3A_429 {strides = array<i32>} : memref<1x16x512xi32, #tpu.memory_space<vmem>>, vector<1x1x512xi32>,
    return
  }
  func.func @transform_0(%arg0: i32) -> (i32, i32, i32) {
    %c0_i32 = arith.constant 0 : i32
    %c0_i32_0 = arith.constant 0 : i32
    %c0_i32_1 = arith.constant 0 : i32
    return %arg0, %c0_i32, %c0_i32_0 : i32, i32, i32
  }
  func.func @transform_1(%arg0: i32) -> (i32, i32, i32) {
    %c0_i32 = arith.constant 0 : i32
    %c0_i32_0 = arith.constant 0 : i32
    %c0_i32_1 = arith.constant 0 : i32
    return %arg0, %c0_i32, %c0_i32_0 : i32, i32, i32
  }
  func.func @transform_2(%arg0: i32) -> (i32, i32, i32) {
    %c0_i32 = arith.constant 0 : i32
    %c0_i32_0 = arith.constant 0 : i32
    %c0_i32_1 = arith.constant 0 : i32
    return %arg0, %c0_i32, %c0_i32_0 : i32, i32, i32
  }
  func.func @transform_3(%arg0: i32) -> (i32, i32, i32) {
    %c0_i32 = arith.constant 0 : i32
    %c0_i32_0 = arith.constant 0 : i32
    %c0_i32_1 = arith.constant 0 : i32
    return %arg0, %c0_i32, %c0_i32_0 : i32, i32, i32
  }
  func.func @transform_4(%arg0: i32) -> (i32, i32, i32) {
    %c0_i32 = arith.constant 0 : i32
    %c0_i32_0 = arith.constant 0 : i32
    %c0_i32_1 = arith.constant 0 : i32
    return %arg0, %c0_i32, %c0_i32_0 : i32, i32, i32
  }
  func.func @transform_5(%arg0: i32) -> (i32, i32, i32) {
    %c0_i32 = arith.constant 0 : i32
    %c0_i32_0 = arith.constant 0 : i32
    %c0_i32_1 = arith.constant 0 : i32
    return %arg0, %c0_i32, %c0_i32_0 : i32, i32, i32
  }
  func.func @transform_6(%arg0: i32) -> (i32, i32, i32) {
    %c0_i32 = arith.constant 0 : i32
    %c0_i32_0 = arith.constant 0 : i32
    %c0_i32_1 = arith.constant 0 : i32
    return %arg0, %c0_i32, %c0_i32_0 : i32, i32, i32
  }
}

module attributes {stable_mosaic.version = 14 : i64} {
  func.func @_sa_body(%arg0: i32, %arg1: memref<1x8192x16xf32, #tpu.memory_space<vmem>>, %arg2: memref<1x512x1xf32, #tpu.memory_space<vmem>>, %arg3: memref<1x512x1xf32, #tpu.memory_space<vmem>>, %arg4: memref<1x512x1xf32, #tpu.memory_space<vmem>>, %arg5: memref<16x64xf32, #tpu.memory_space<vmem>>, %arg6: memref<1x64xf32, #tpu.memory_space<vmem>>, %arg7: memref<64x128xf32, #tpu.memory_space<vmem>>, %arg8: memref<1x128xf32, #tpu.memory_space<vmem>>, %arg9: memref<1x512x128xf32, #tpu.memory_space<vmem>>) attributes {dimension_semantics = [#tpu.dimension_semantics<parallel>], iteration_bounds = array<i64: 16>, scalar_prefetch = 0 : i64, scratch_operands = 0 : i64, tpu.core_type = #tpu.core_type<tc>, window_params = [{transform_indices = @transform_0, window_bounds = array<i64: 1, 8192, 16>}, {transform_indices = @transform_1, window_bounds = array<i64: 1, 512, 1>}, {transform_indices = @transform_2, window_bounds = array<i64: 1, 512, 1>}, {transform_indices = @transform_3, window_bounds = array<i64: 1, 512, 1>}, {pipeline_mode = #tpu.pipeline_mode<synchronous>, transform_indices = @transform_4, window_bounds = array<i64: 16, 64>}, {pipeline_mode = #tpu.pipeline_mode<synchronous>, transform_indices = @transform_5, window_bounds = array<i64: 1, 64>}, {pipeline_mode = #tpu.pipeline_mode<synchronous>, transform_indices = @transform_6, window_bounds = array<i64: 64, 128>}, {pipeline_mode = #tpu.pipeline_mode<synchronous>, transform_indices = @transform_7, window_bounds = array<i64: 1, 128>}, {transform_indices = @transform_8, window_bounds = array<i64: 1, 512, 128>}]} {
    %get3A = arith.constant 0 : index
    %get3A_0 = arith.constant 0 : index
    %get3A_1 = arith.constant 0 : index
    %get3A_2 = vector.load %arg1[%get3A, %get3A_0, %get3A_1] : memref<1x8192x16xf32, #tpu.memory_space<vmem>>, vector<1x8192x16xf32>
    %get3A_3 = vector.shape_cast %get3A_2 : vector<1x8192x16xf32> to vector<8192x16xf32>
    %get3A_4 = arith.constant 0 : index
    %get3A_5 = arith.constant 0 : index
    %get3A_6 = vector.load %arg5[%get3A_4, %get3A_5] : memref<16x64xf32, #tpu.memory_space<vmem>>, vector<16x64xf32>
    %dot_general3A = arith.constant dense<0.000000e+00> : vector<8192x64xf32>
    %dot_general3A_7 = tpu.matmul %get3A_3, %get3A_6, %dot_general3A {dimension_numbers = #tpu.dot_dimension_numbers<[1], [0], [0], [1], [0, 0, 1, 1], [], []>, transpose_lhs_hint = false} : vector<8192x16xf32>, vector<16x64xf32>, vector<8192x64xf32> -> vector<8192x64xf32>
    %get3A_8 = arith.constant 0 : index
    %get3A_9 = arith.constant 0 : index
    %get3A_10 = vector.load %arg6[%get3A_8, %get3A_9] : memref<1x64xf32, #tpu.memory_space<vmem>>, vector<1x64xf32>
    %add3A = vector.broadcast %get3A_10 : vector<1x64xf32> to vector<8192x64xf32>
    %add3A_11 = arith.addf %dot_general3A_7, %add3A : vector<8192x64xf32>
    %get3A_12 = arith.constant 0 : index
    %get3A_13 = arith.constant 0 : index
    %get3A_14 = arith.constant 0 : index
    %get3A_15 = vector.load %arg2[%get3A_12, %get3A_13, %get3A_14] : memref<1x512x1xf32, #tpu.memory_space<vmem>>, vector<1x512x1xf32>
    %get3A_16 = vector.shape_cast %get3A_15 : vector<1x512x1xf32> to vector<512x1xf32>
    %get3A_17 = arith.constant 0 : index
    %get3A_18 = arith.constant 0 : index
    %get3A_19 = arith.constant 0 : index
    %get3A_20 = vector.load %arg3[%get3A_17, %get3A_18, %get3A_19] : memref<1x512x1xf32, #tpu.memory_space<vmem>>, vector<1x512x1xf32>
    %get3A_21 = vector.shape_cast %get3A_20 : vector<1x512x1xf32> to vector<512x1xf32>
    %get3A_22 = arith.constant 0 : index
    %get3A_23 = arith.constant 0 : index
    %get3A_24 = arith.constant 0 : index
    %get3A_25 = vector.load %arg4[%get3A_22, %get3A_23, %get3A_24] : memref<1x512x1xf32, #tpu.memory_space<vmem>>, vector<1x512x1xf32>
    %get3A_26 = vector.shape_cast %get3A_25 : vector<1x512x1xf32> to vector<512x1xf32>
    %concatenate3A = tpu.concatenate %get3A_16, %get3A_21, %get3A_26 in 1 : vector<512x1xf32>, vector<512x1xf32>, vector<512x1xf32> -> vector<512x3xf32>
    %slice3A = vector.extract_strided_slice %get3A_6 {offsets = [0, 0], sizes = [3, 64], strides = [1, 1]} : vector<16x64xf32> to vector<3x64xf32>
    %dot_general3A_27 = arith.constant dense<0.000000e+00> : vector<512x64xf32>
    %dot_general3A_28 = tpu.matmul %concatenate3A, %slice3A, %dot_general3A_27 {dimension_numbers = #tpu.dot_dimension_numbers<[1], [0], [0], [1], [0, 0, 1, 1], [], []>, transpose_lhs_hint = false} : vector<512x3xf32>, vector<3x64xf32>, vector<512x64xf32> -> vector<512x64xf32>
    %concatenate3A_29 = tpu.concatenate %dot_general3A_28, %dot_general3A_28, %dot_general3A_28, %dot_general3A_28, %dot_general3A_28, %dot_general3A_28, %dot_general3A_28, %dot_general3A_28, %dot_general3A_28, %dot_general3A_28, %dot_general3A_28, %dot_general3A_28, %dot_general3A_28, %dot_general3A_28, %dot_general3A_28, %dot_general3A_28 in 0 : vector<512x64xf32>, vector<512x64xf32>, vector<512x64xf32>, vector<512x64xf32>, vector<512x64xf32>, vector<512x64xf32>, vector<512x64xf32>, vector<512x64xf32>, vector<512x64xf32>, vector<512x64xf32>, vector<512x64xf32>, vector<512x64xf32>, vector<512x64xf32>, vector<512x64xf32>, vector<512x64xf32>, vector<512x64xf32> -> vector<8192x64xf32>
    %sub3A = arith.subf %add3A_11, %concatenate3A_29 : vector<8192x64xf32>
    %max3A = arith.constant 0.000000e+00 : f32
    %max3A_30 = vector.broadcast %max3A : f32 to vector<8192x64xf32>
    %max3A_31 = arith.maximumf %sub3A, %max3A_30 : vector<8192x64xf32>
    %get3A_32 = arith.constant 0 : index
    %get3A_33 = arith.constant 0 : index
    %get3A_34 = vector.load %arg7[%get3A_32, %get3A_33] : memref<64x128xf32, #tpu.memory_space<vmem>>, vector<64x128xf32>
    %dot_general3A_35 = arith.constant dense<0.000000e+00> : vector<8192x128xf32>
    %dot_general3A_36 = tpu.matmul %max3A_31, %get3A_34, %dot_general3A_35 {dimension_numbers = #tpu.dot_dimension_numbers<[1], [0], [0], [1], [0, 0, 1, 1], [], []>, transpose_lhs_hint = false} : vector<8192x64xf32>, vector<64x128xf32>, vector<8192x128xf32> -> vector<8192x128xf32>
    %get3A_37 = arith.constant 0 : index
    %get3A_38 = arith.constant 0 : index
    %get3A_39 = vector.load %arg8[%get3A_37, %get3A_38] : memref<1x128xf32, #tpu.memory_space<vmem>>, vector<1x128xf32>
    %add3A_40 = vector.broadcast %get3A_39 : vector<1x128xf32> to vector<8192x128xf32>
    %add3A_41 = arith.addf %dot_general3A_36, %add3A_40 : vector<8192x128xf32>
    %slice3A_42 = vector.extract_strided_slice %add3A_41 {offsets = [0, 0], sizes = [512, 128], strides = [1, 1]} : vector<8192x128xf32> to vector<512x128xf32>
    %slice3A_43 = vector.extract_strided_slice %add3A_41 {offsets = [512, 0], sizes = [512, 128], strides = [1, 1]} : vector<8192x128xf32> to vector<512x128xf32>
    %max3A_44 = arith.maximumf %slice3A_42, %slice3A_43 : vector<512x128xf32>
    %slice3A_45 = vector.extract_strided_slice %add3A_41 {offsets = [1024, 0], sizes = [512, 128], strides = [1, 1]} : vector<8192x128xf32> to vector<512x128xf32>
    %max3A_46 = arith.maximumf %max3A_44, %slice3A_45 : vector<512x128xf32>
    %slice3A_47 = vector.extract_strided_slice %add3A_41 {offsets = [1536, 0], sizes = [512, 128], strides = [1, 1]} : vector<8192x128xf32> to vector<512x128xf32>
    %max3A_48 = arith.maximumf %max3A_46, %slice3A_47 : vector<512x128xf32>
    %slice3A_49 = vector.extract_strided_slice %add3A_41 {offsets = [2048, 0], sizes = [512, 128], strides = [1, 1]} : vector<8192x128xf32> to vector<512x128xf32>
    %max3A_50 = arith.maximumf %max3A_48, %slice3A_49 : vector<512x128xf32>
    %slice3A_51 = vector.extract_strided_slice %add3A_41 {offsets = [2560, 0], sizes = [512, 128], strides = [1, 1]} : vector<8192x128xf32> to vector<512x128xf32>
    %max3A_52 = arith.maximumf %max3A_50, %slice3A_51 : vector<512x128xf32>
    %slice3A_53 = vector.extract_strided_slice %add3A_41 {offsets = [3072, 0], sizes = [512, 128], strides = [1, 1]} : vector<8192x128xf32> to vector<512x128xf32>
    %max3A_54 = arith.maximumf %max3A_52, %slice3A_53 : vector<512x128xf32>
    %slice3A_55 = vector.extract_strided_slice %add3A_41 {offsets = [3584, 0], sizes = [512, 128], strides = [1, 1]} : vector<8192x128xf32> to vector<512x128xf32>
    %max3A_56 = arith.maximumf %max3A_54, %slice3A_55 : vector<512x128xf32>
    %slice3A_57 = vector.extract_strided_slice %add3A_41 {offsets = [4096, 0], sizes = [512, 128], strides = [1, 1]} : vector<8192x128xf32> to vector<512x128xf32>
    %max3A_58 = arith.maximumf %max3A_56, %slice3A_57 : vector<512x128xf32>
    %slice3A_59 = vector.extract_strided_slice %add3A_41 {offsets = [4608, 0], sizes = [512, 128], strides = [1, 1]} : vector<8192x128xf32> to vector<512x128xf32>
    %max3A_60 = arith.maximumf %max3A_58, %slice3A_59 : vector<512x128xf32>
    %slice3A_61 = vector.extract_strided_slice %add3A_41 {offsets = [5120, 0], sizes = [512, 128], strides = [1, 1]} : vector<8192x128xf32> to vector<512x128xf32>
    %max3A_62 = arith.maximumf %max3A_60, %slice3A_61 : vector<512x128xf32>
    %slice3A_63 = vector.extract_strided_slice %add3A_41 {offsets = [5632, 0], sizes = [512, 128], strides = [1, 1]} : vector<8192x128xf32> to vector<512x128xf32>
    %max3A_64 = arith.maximumf %max3A_62, %slice3A_63 : vector<512x128xf32>
    %slice3A_65 = vector.extract_strided_slice %add3A_41 {offsets = [6144, 0], sizes = [512, 128], strides = [1, 1]} : vector<8192x128xf32> to vector<512x128xf32>
    %max3A_66 = arith.maximumf %max3A_64, %slice3A_65 : vector<512x128xf32>
    %slice3A_67 = vector.extract_strided_slice %add3A_41 {offsets = [6656, 0], sizes = [512, 128], strides = [1, 1]} : vector<8192x128xf32> to vector<512x128xf32>
    %max3A_68 = arith.maximumf %max3A_66, %slice3A_67 : vector<512x128xf32>
    %slice3A_69 = vector.extract_strided_slice %add3A_41 {offsets = [7168, 0], sizes = [512, 128], strides = [1, 1]} : vector<8192x128xf32> to vector<512x128xf32>
    %max3A_70 = arith.maximumf %max3A_68, %slice3A_69 : vector<512x128xf32>
    %slice3A_71 = vector.extract_strided_slice %add3A_41 {offsets = [7680, 0], sizes = [512, 128], strides = [1, 1]} : vector<8192x128xf32> to vector<512x128xf32>
    %max3A_72 = arith.maximumf %max3A_70, %slice3A_71 : vector<512x128xf32>
    %swap3A = arith.constant 0 : index
    %swap3A_73 = arith.constant 0 : index
    %swap3A_74 = arith.constant 0 : index
    %swap3A_75 = vector.load %arg9[%swap3A, %swap3A_73, %swap3A_74] : memref<1x512x128xf32, #tpu.memory_space<vmem>>, vector<1x512x128xf32>
    %swap3A_76 = vector.shape_cast %swap3A_75 : vector<1x512x128xf32> to vector<512x128xf32>
    %swap3A_77 = vector.shape_cast %max3A_72 : vector<512x128xf32> to vector<1x512x128xf32>
    tpu.vector_store %arg9[%swap3A, %swap3A_73, %swap3A_74], %swap3A_77 {strides = array<i32>} : memref<1x512x128xf32, #tpu.memory_space<vmem>>, vector<1x512x128xf32>,
    return
  }
  func.func @transform_0(%arg0: i32) -> (i32, i32, i32) {
    %c0_i32 = arith.constant 0 : i32
    %c0_i32_0 = arith.constant 0 : i32
    %c0_i32_1 = arith.constant 0 : i32
    return %arg0, %c0_i32, %c0_i32_0 : i32, i32, i32
  }
  func.func @transform_1(%arg0: i32) -> (i32, i32, i32) {
    %c0_i32 = arith.constant 0 : i32
    %c0_i32_0 = arith.constant 0 : i32
    %c0_i32_1 = arith.constant 0 : i32
    return %arg0, %c0_i32, %c0_i32_0 : i32, i32, i32
  }
  func.func @transform_2(%arg0: i32) -> (i32, i32, i32) {
    %c0_i32 = arith.constant 0 : i32
    %c0_i32_0 = arith.constant 0 : i32
    %c0_i32_1 = arith.constant 0 : i32
    return %arg0, %c0_i32, %c0_i32_0 : i32, i32, i32
  }
  func.func @transform_3(%arg0: i32) -> (i32, i32, i32) {
    %c0_i32 = arith.constant 0 : i32
    %c0_i32_0 = arith.constant 0 : i32
    %c0_i32_1 = arith.constant 0 : i32
    return %arg0, %c0_i32, %c0_i32_0 : i32, i32, i32
  }
  func.func @transform_4(%arg0: i32) -> (i32, i32) {
    %c0_i32 = arith.constant 0 : i32
    %c0_i32_0 = arith.constant 0 : i32
    %c0_i32_1 = arith.constant 0 : i32
    return %c0_i32, %c0_i32_0 : i32, i32
  }
  func.func @transform_5(%arg0: i32) -> (i32, i32) {
    %c0_i32 = arith.constant 0 : i32
    %c0_i32_0 = arith.constant 0 : i32
    %c0_i32_1 = arith.constant 0 : i32
    return %c0_i32, %c0_i32_0 : i32, i32
  }
  func.func @transform_6(%arg0: i32) -> (i32, i32) {
    %c0_i32 = arith.constant 0 : i32
    %c0_i32_0 = arith.constant 0 : i32
    %c0_i32_1 = arith.constant 0 : i32
    return %c0_i32, %c0_i32_0 : i32, i32
  }
  func.func @transform_7(%arg0: i32) -> (i32, i32) {
    %c0_i32 = arith.constant 0 : i32
    %c0_i32_0 = arith.constant 0 : i32
    %c0_i32_1 = arith.constant 0 : i32
    return %c0_i32, %c0_i32_0 : i32, i32
  }
  func.func @transform_8(%arg0: i32) -> (i32, i32, i32) {
    %c0_i32 = arith.constant 0 : i32
    %c0_i32_0 = arith.constant 0 : i32
    %c0_i32_1 = arith.constant 0 : i32
    return %arg0, %c0_i32, %c0_i32_0 : i32, i32, i32
  }
}

module attributes {stable_mosaic.version = 14 : i64} {
  func.func @_tpack_body(%arg0: i32, %arg1: memref<1x512x128xf32, #tpu.memory_space<vmem>>, %arg2: memref<1x512x1xf32, #tpu.memory_space<vmem>>, %arg3: memref<1x512x1xf32, #tpu.memory_space<vmem>>, %arg4: memref<1x512x1xf32, #tpu.memory_space<vmem>>, %arg5: memref<128x64xf32, #tpu.memory_space<vmem>>, %arg6: memref<1x64xf32, #tpu.memory_space<vmem>>, %arg7: memref<64x64xf32, #tpu.memory_space<vmem>>, %arg8: memref<1x64xf32, #tpu.memory_space<vmem>>, %arg9: memref<64x64xf32, #tpu.memory_space<vmem>>, %arg10: memref<1x64xf32, #tpu.memory_space<vmem>>, %arg11: memref<64x64xf32, #tpu.memory_space<vmem>>, %arg12: memref<1x64xf32, #tpu.memory_space<vmem>>, %arg13: memref<1x512x64xf32, #tpu.memory_space<vmem>>, %arg14: memref<1x512x64xf32, #tpu.memory_space<vmem>>, %arg15: memref<1x512x80xf32, #tpu.memory_space<vmem>>) attributes {dimension_semantics = [#tpu.dimension_semantics<parallel>], iteration_bounds = array<i64: 16>, scalar_prefetch = 0 : i64, scratch_operands = 0 : i64, tpu.core_type = #tpu.core_type<tc>, window_params = [{transform_indices = @transform_0, window_bounds = array<i64: 1, 512, 128>}, {transform_indices = @transform_1, window_bounds = array<i64: 1, 512, 1>}, {transform_indices = @transform_2, window_bounds = array<i64: 1, 512, 1>}, {transform_indices = @transform_3, window_bounds = array<i64: 1, 512, 1>}, {pipeline_mode = #tpu.pipeline_mode<synchronous>, transform_indices = @transform_4, window_bounds = array<i64: 128, 64>}, {pipeline_mode = #tpu.pipeline_mode<synchronous>, transform_indices = @transform_5, window_bounds = array<i64: 1, 64>}, {pipeline_mode = #tpu.pipeline_mode<synchronous>, transform_indices = @transform_6, window_bounds = array<i64: 64, 64>}, {pipeline_mode = #tpu.pipeline_mode<synchronous>, transform_indices = @transform_7, window_bounds = array<i64: 1, 64>}, {pipeline_mode = #tpu.pipeline_mode<synchronous>, transform_indices = @transform_8, window_bounds = array<i64: 64, 64>}, {pipeline_mode = #tpu.pipeline_mode<synchronous>, transform_indices = @transform_9, window_bounds = array<i64: 1, 64>}, {pipeline_mode = #tpu.pipeline_mode<synchronous>, transform_indices = @transform_10, window_bounds = array<i64: 64, 64>}, {pipeline_mode = #tpu.pipeline_mode<synchronous>, transform_indices = @transform_11, window_bounds = array<i64: 1, 64>}, {transform_indices = @transform_12, window_bounds = array<i64: 1, 512, 64>}, {transform_indices = @transform_13, window_bounds = array<i64: 1, 512, 64>}, {transform_indices = @transform_14, window_bounds = array<i64: 1, 512, 80>}]} {
    %get3A = arith.constant 0 : index
    %get3A_0 = arith.constant 0 : index
    %get3A_1 = arith.constant 0 : index
    %get3A_2 = vector.load %arg1[%get3A, %get3A_0, %get3A_1] : memref<1x512x128xf32, #tpu.memory_space<vmem>>, vector<1x512x128xf32>
    %get3A_3 = vector.shape_cast %get3A_2 : vector<1x512x128xf32> to vector<512x128xf32>
    %get3A_4 = arith.constant 0 : index
    %get3A_5 = arith.constant 0 : index
    %get3A_6 = vector.load %arg5[%get3A_4, %get3A_5] : memref<128x64xf32, #tpu.memory_space<vmem>>, vector<128x64xf32>
    %dot_general3A = arith.constant dense<0.000000e+00> : vector<512x64xf32>
    %dot_general3A_7 = tpu.matmul %get3A_3, %get3A_6, %dot_general3A {dimension_numbers = #tpu.dot_dimension_numbers<[1], [0], [0], [1], [0, 0, 1, 1], [], []>, transpose_lhs_hint = false} : vector<512x128xf32>, vector<128x64xf32>, vector<512x64xf32> -> vector<512x64xf32>
    %get3A_8 = arith.constant 0 : index
    %get3A_9 = arith.constant 0 : index
    %get3A_10 = vector.load %arg6[%get3A_8, %get3A_9] : memref<1x64xf32, #tpu.memory_space<vmem>>, vector<1x64xf32>
    %add3A = vector.broadcast %get3A_10 : vector<1x64xf32> to vector<512x64xf32>
    %add3A_11 = arith.addf %dot_general3A_7, %add3A : vector<512x64xf32>
    %get3A_12 = arith.constant 0 : index
    %get3A_13 = arith.constant 0 : index
    %get3A_14 = vector.load %arg7[%get3A_12, %get3A_13] : memref<64x64xf32, #tpu.memory_space<vmem>>, vector<64x64xf32>
    %dot_general3A_15 = arith.constant dense<0.000000e+00> : vector<512x64xf32>
    %dot_general3A_16 = tpu.matmul %add3A_11, %get3A_14, %dot_general3A_15 {dimension_numbers = #tpu.dot_dimension_numbers<[1], [0], [0], [1], [0, 0, 1, 1], [], []>, transpose_lhs_hint = false} : vector<512x64xf32>, vector<64x64xf32>, vector<512x64xf32> -> vector<512x64xf32>
    %get3A_17 = arith.constant 0 : index
    %get3A_18 = arith.constant 0 : index
    %get3A_19 = vector.load %arg8[%get3A_17, %get3A_18] : memref<1x64xf32, #tpu.memory_space<vmem>>, vector<1x64xf32>
    %add3A_20 = vector.broadcast %get3A_19 : vector<1x64xf32> to vector<512x64xf32>
    %add3A_21 = arith.addf %dot_general3A_16, %add3A_20 : vector<512x64xf32>
    %get3A_22 = arith.constant 0 : index
    %get3A_23 = arith.constant 0 : index
    %get3A_24 = vector.load %arg9[%get3A_22, %get3A_23] : memref<64x64xf32, #tpu.memory_space<vmem>>, vector<64x64xf32>
    %dot_general3A_25 = arith.constant dense<0.000000e+00> : vector<512x64xf32>
    %dot_general3A_26 = tpu.matmul %add3A_11, %get3A_24, %dot_general3A_25 {dimension_numbers = #tpu.dot_dimension_numbers<[1], [0], [0], [1], [0, 0, 1, 1], [], []>, transpose_lhs_hint = false} : vector<512x64xf32>, vector<64x64xf32>, vector<512x64xf32> -> vector<512x64xf32>
    %get3A_27 = arith.constant 0 : index
    %get3A_28 = arith.constant 0 : index
    %get3A_29 = vector.load %arg10[%get3A_27, %get3A_28] : memref<1x64xf32, #tpu.memory_space<vmem>>, vector<1x64xf32>
    %add3A_30 = vector.broadcast %get3A_29 : vector<1x64xf32> to vector<512x64xf32>
    %add3A_31 = arith.addf %dot_general3A_26, %add3A_30 : vector<512x64xf32>
    %swap3A = arith.constant 0 : index
    %swap3A_32 = arith.constant 0 : index
    %swap3A_33 = arith.constant 0 : index
    %swap3A_34 = vector.load %arg13[%swap3A, %swap3A_32, %swap3A_33] : memref<1x512x64xf32, #tpu.memory_space<vmem>>, vector<1x512x64xf32>
    %swap3A_35 = vector.shape_cast %swap3A_34 : vector<1x512x64xf32> to vector<512x64xf32>
    %swap3A_36 = vector.shape_cast %add3A_31 : vector<512x64xf32> to vector<1x512x64xf32>
    tpu.vector_store %arg13[%swap3A, %swap3A_32, %swap3A_33], %swap3A_36 {strides = array<i32>} : memref<1x512x64xf32, #tpu.memory_space<vmem>>, vector<1x512x64xf32>,
    %get3A_37 = arith.constant 0 : index
    %get3A_38 = arith.constant 0 : index
    %get3A_39 = vector.load %arg11[%get3A_37, %get3A_38] : memref<64x64xf32, #tpu.memory_space<vmem>>, vector<64x64xf32>
    %dot_general3A_40 = arith.constant dense<0.000000e+00> : vector<512x64xf32>
    %dot_general3A_41 = tpu.matmul %add3A_11, %get3A_39, %dot_general3A_40 {dimension_numbers = #tpu.dot_dimension_numbers<[1], [0], [0], [1], [0, 0, 1, 1], [], []>, transpose_lhs_hint = false} : vector<512x64xf32>, vector<64x64xf32>, vector<512x64xf32> -> vector<512x64xf32>
    %get3A_42 = arith.constant 0 : index
    %get3A_43 = arith.constant 0 : index
    %get3A_44 = vector.load %arg12[%get3A_42, %get3A_43] : memref<1x64xf32, #tpu.memory_space<vmem>>, vector<1x64xf32>
    %add3A_45 = vector.broadcast %get3A_44 : vector<1x64xf32> to vector<512x64xf32>
    %add3A_46 = arith.addf %dot_general3A_41, %add3A_45 : vector<512x64xf32>
    %swap3A_47 = arith.constant 0 : index
    %swap3A_48 = arith.constant 0 : index
    %swap3A_49 = arith.constant 0 : index
    %swap3A_50 = vector.load %arg14[%swap3A_47, %swap3A_48, %swap3A_49] : memref<1x512x64xf32, #tpu.memory_space<vmem>>, vector<1x512x64xf32>
    %swap3A_51 = vector.shape_cast %swap3A_50 : vector<1x512x64xf32> to vector<512x64xf32>
    %swap3A_52 = vector.shape_cast %add3A_46 : vector<512x64xf32> to vector<1x512x64xf32>
    tpu.vector_store %arg14[%swap3A_47, %swap3A_48, %swap3A_49], %swap3A_52 {strides = array<i32>} : memref<1x512x64xf32, #tpu.memory_space<vmem>>, vector<1x512x64xf32>,
    %swap3A_53 = arith.constant 0 : index
    %swap3A_54 = arith.constant 0 : index
    %swap3A_55 = arith.constant 0 : index
    %swap3A_56 = vector.load %arg15[%swap3A_53, %swap3A_54, %swap3A_55] : memref<1x512x80xf32, #tpu.memory_space<vmem>>, vector<1x512x64xf32>
    %swap3A_57 = vector.shape_cast %swap3A_56 : vector<1x512x64xf32> to vector<512x64xf32>
    %swap3A_58 = vector.shape_cast %add3A_21 : vector<512x64xf32> to vector<1x512x64xf32>
    tpu.vector_store %arg15[%swap3A_53, %swap3A_54, %swap3A_55], %swap3A_58 {strides = array<i32>} : memref<1x512x80xf32, #tpu.memory_space<vmem>>, vector<1x512x64xf32>,
    %get3A_59 = arith.constant 0 : index
    %get3A_60 = arith.constant 0 : index
    %get3A_61 = arith.constant 0 : index
    %get3A_62 = vector.load %arg2[%get3A_59, %get3A_60, %get3A_61] : memref<1x512x1xf32, #tpu.memory_space<vmem>>, vector<1x512x1xf32>
    %get3A_63 = vector.shape_cast %get3A_62 : vector<1x512x1xf32> to vector<512x1xf32>
    %swap3A_64 = arith.constant 0 : index
    %swap3A_65 = arith.constant 0 : index
    %swap3A_66 = arith.constant 64 : index
    %swap3A_67 = vector.load %arg15[%swap3A_64, %swap3A_65, %swap3A_66] : memref<1x512x80xf32, #tpu.memory_space<vmem>>, vector<1x512x1xf32>
    %swap3A_68 = vector.shape_cast %swap3A_67 : vector<1x512x1xf32> to vector<512x1xf32>
    %swap3A_69 = vector.shape_cast %get3A_63 : vector<512x1xf32> to vector<1x512x1xf32>
    tpu.vector_store %arg15[%swap3A_64, %swap3A_65, %swap3A_66], %swap3A_69 {strides = array<i32>} : memref<1x512x80xf32, #tpu.memory_space<vmem>>, vector<1x512x1xf32>,
    %get3A_70 = arith.constant 0 : index
    %get3A_71 = arith.constant 0 : index
    %get3A_72 = arith.constant 0 : index
    %get3A_73 = vector.load %arg3[%get3A_70, %get3A_71, %get3A_72] : memref<1x512x1xf32, #tpu.memory_space<vmem>>, vector<1x512x1xf32>
    %get3A_74 = vector.shape_cast %get3A_73 : vector<1x512x1xf32> to vector<512x1xf32>
    %swap3A_75 = arith.constant 0 : index
    %swap3A_76 = arith.constant 0 : index
    %swap3A_77 = arith.constant 65 : index
    %swap3A_78 = vector.load %arg15[%swap3A_75, %swap3A_76, %swap3A_77] : memref<1x512x80xf32, #tpu.memory_space<vmem>>, vector<1x512x1xf32>
    %swap3A_79 = vector.shape_cast %swap3A_78 : vector<1x512x1xf32> to vector<512x1xf32>
    %swap3A_80 = vector.shape_cast %get3A_74 : vector<512x1xf32> to vector<1x512x1xf32>
    tpu.vector_store %arg15[%swap3A_75, %swap3A_76, %swap3A_77], %swap3A_80 {strides = array<i32>} : memref<1x512x80xf32, #tpu.memory_space<vmem>>, vector<1x512x1xf32>,
    %get3A_81 = arith.constant 0 : index
    %get3A_82 = arith.constant 0 : index
    %get3A_83 = arith.constant 0 : index
    %get3A_84 = vector.load %arg4[%get3A_81, %get3A_82, %get3A_83] : memref<1x512x1xf32, #tpu.memory_space<vmem>>, vector<1x512x1xf32>
    %get3A_85 = vector.shape_cast %get3A_84 : vector<1x512x1xf32> to vector<512x1xf32>
    %swap3A_86 = arith.constant 0 : index
    %swap3A_87 = arith.constant 0 : index
    %swap3A_88 = arith.constant 66 : index
    %swap3A_89 = vector.load %arg15[%swap3A_86, %swap3A_87, %swap3A_88] : memref<1x512x80xf32, #tpu.memory_space<vmem>>, vector<1x512x1xf32>
    %swap3A_90 = vector.shape_cast %swap3A_89 : vector<1x512x1xf32> to vector<512x1xf32>
    %swap3A_91 = vector.shape_cast %get3A_85 : vector<512x1xf32> to vector<1x512x1xf32>
    tpu.vector_store %arg15[%swap3A_86, %swap3A_87, %swap3A_88], %swap3A_91 {strides = array<i32>} : memref<1x512x80xf32, #tpu.memory_space<vmem>>, vector<1x512x1xf32>,
    %broadcast_in_dim3A = arith.constant 0.000000e+00 : f32
    %broadcast_in_dim3A_92 = vector.broadcast %broadcast_in_dim3A : f32 to vector<512x13xf32>
    %swap3A_93 = arith.constant 0 : index
    %swap3A_94 = arith.constant 0 : index
    %swap3A_95 = arith.constant 67 : index
    %swap3A_96 = vector.load %arg15[%swap3A_93, %swap3A_94, %swap3A_95] : memref<1x512x80xf32, #tpu.memory_space<vmem>>, vector<1x512x13xf32>
    %swap3A_97 = vector.shape_cast %swap3A_96 : vector<1x512x13xf32> to vector<512x13xf32>
    %swap3A_98 = vector.shape_cast %broadcast_in_dim3A_92 : vector<512x13xf32> to vector<1x512x13xf32>
    tpu.vector_store %arg15[%swap3A_93, %swap3A_94, %swap3A_95], %swap3A_98 {strides = array<i32>} : memref<1x512x80xf32, #tpu.memory_space<vmem>>, vector<1x512x13xf32>,
    return
  }
  func.func @transform_0(%arg0: i32) -> (i32, i32, i32) {
    %c0_i32 = arith.constant 0 : i32
    %c0_i32_0 = arith.constant 0 : i32
    %c0_i32_1 = arith.constant 0 : i32
    return %arg0, %c0_i32, %c0_i32_0 : i32, i32, i32
  }
  func.func @transform_1(%arg0: i32) -> (i32, i32, i32) {
    %c0_i32 = arith.constant 0 : i32
    %c0_i32_0 = arith.constant 0 : i32
    %c0_i32_1 = arith.constant 0 : i32
    return %arg0, %c0_i32, %c0_i32_0 : i32, i32, i32
  }
  func.func @transform_2(%arg0: i32) -> (i32, i32, i32) {
    %c0_i32 = arith.constant 0 : i32
    %c0_i32_0 = arith.constant 0 : i32
    %c0_i32_1 = arith.constant 0 : i32
    return %arg0, %c0_i32, %c0_i32_0 : i32, i32, i32
  }
  func.func @transform_3(%arg0: i32) -> (i32, i32, i32) {
    %c0_i32 = arith.constant 0 : i32
    %c0_i32_0 = arith.constant 0 : i32
    %c0_i32_1 = arith.constant 0 : i32
    return %arg0, %c0_i32, %c0_i32_0 : i32, i32, i32
  }
  func.func @transform_4(%arg0: i32) -> (i32, i32) {
    %c0_i32 = arith.constant 0 : i32
    %c0_i32_0 = arith.constant 0 : i32
    %c0_i32_1 = arith.constant 0 : i32
    return %c0_i32, %c0_i32_0 : i32, i32
  }
  func.func @transform_5(%arg0: i32) -> (i32, i32) {
    %c0_i32 = arith.constant 0 : i32
    %c0_i32_0 = arith.constant 0 : i32
    %c0_i32_1 = arith.constant 0 : i32
    return %c0_i32, %c0_i32_0 : i32, i32
  }
  func.func @transform_6(%arg0: i32) -> (i32, i32) {
    %c0_i32 = arith.constant 0 : i32
    %c0_i32_0 = arith.constant 0 : i32
    %c0_i32_1 = arith.constant 0 : i32
    return %c0_i32, %c0_i32_0 : i32, i32
  }
  func.func @transform_7(%arg0: i32) -> (i32, i32) {
    %c0_i32 = arith.constant 0 : i32
    %c0_i32_0 = arith.constant 0 : i32
    %c0_i32_1 = arith.constant 0 : i32
    return %c0_i32, %c0_i32_0 : i32, i32
  }
  func.func @transform_8(%arg0: i32) -> (i32, i32) {
    %c0_i32 = arith.constant 0 : i32
    %c0_i32_0 = arith.constant 0 : i32
    %c0_i32_1 = arith.constant 0 : i32
    return %c0_i32, %c0_i32_0 : i32, i32
  }
  func.func @transform_9(%arg0: i32) -> (i32, i32) {
    %c0_i32 = arith.constant 0 : i32
    %c0_i32_0 = arith.constant 0 : i32
    %c0_i32_1 = arith.constant 0 : i32
    return %c0_i32, %c0_i32_0 : i32, i32
  }
  func.func @transform_10(%arg0: i32) -> (i32, i32) {
    %c0_i32 = arith.constant 0 : i32
    %c0_i32_0 = arith.constant 0 : i32
    %c0_i32_1 = arith.constant 0 : i32
    return %c0_i32, %c0_i32_0 : i32, i32
  }
  func.func @transform_11(%arg0: i32) -> (i32, i32) {
    %c0_i32 = arith.constant 0 : i32
    %c0_i32_0 = arith.constant 0 : i32
    %c0_i32_1 = arith.constant 0 : i32
    return %c0_i32, %c0_i32_0 : i32, i32
  }
  func.func @transform_12(%arg0: i32) -> (i32, i32, i32) {
    %c0_i32 = arith.constant 0 : i32
    %c0_i32_0 = arith.constant 0 : i32
    %c0_i32_1 = arith.constant 0 : i32
    return %arg0, %c0_i32, %c0_i32_0 : i32, i32, i32
  }
  func.func @transform_13(%arg0: i32) -> (i32, i32, i32) {
    %c0_i32 = arith.constant 0 : i32
    %c0_i32_0 = arith.constant 0 : i32
    %c0_i32_1 = arith.constant 0 : i32
    return %arg0, %c0_i32, %c0_i32_0 : i32, i32, i32
  }
  func.func @transform_14(%arg0: i32) -> (i32, i32, i32) {
    %c0_i32 = arith.constant 0 : i32
    %c0_i32_0 = arith.constant 0 : i32
    %c0_i32_1 = arith.constant 0 : i32
    return %arg0, %c0_i32, %c0_i32_0 : i32, i32, i32
  }
}

module attributes {stable_mosaic.version = 14 : i64} {
  func.func @_fps_body(%arg0: memref<16x512xf32, #tpu.memory_space<vmem>>, %arg1: memref<16x512xf32, #tpu.memory_space<vmem>>, %arg2: memref<16x512xf32, #tpu.memory_space<vmem>>, %arg3: memref<16x128xf32, #tpu.memory_space<vmem>>, %arg4: memref<16x128xf32, #tpu.memory_space<vmem>>, %arg5: memref<16x128xf32, #tpu.memory_space<vmem>>) attributes {dimension_semantics = [], scalar_prefetch = 0 : i64, scratch_operands = 0 : i64, tpu.core_type = #tpu.core_type<tc>} {
    %get3A = arith.constant 0 : index
    %get3A_0 = arith.constant 0 : index
    %get3A_1 = vector.load %arg0[%get3A, %get3A_0] : memref<16x512xf32, #tpu.memory_space<vmem>>, vector<8x512xf32>
    %get3A_2 = arith.constant 8 : index
    %get3A_3 = arith.constant 0 : index
    %get3A_4 = vector.load %arg0[%get3A_2, %get3A_3] : memref<16x512xf32, #tpu.memory_space<vmem>>, vector<8x512xf32>
    %get3A_5 = arith.constant 0 : index
    %get3A_6 = arith.constant 0 : index
    %get3A_7 = vector.load %arg1[%get3A_5, %get3A_6] : memref<16x512xf32, #tpu.memory_space<vmem>>, vector<8x512xf32>
    %get3A_8 = arith.constant 8 : index
    %get3A_9 = arith.constant 0 : index
    %get3A_10 = vector.load %arg1[%get3A_8, %get3A_9] : memref<16x512xf32, #tpu.memory_space<vmem>>, vector<8x512xf32>
    %get3A_11 = arith.constant 0 : index
    %get3A_12 = arith.constant 0 : index
    %get3A_13 = vector.load %arg2[%get3A_11, %get3A_12] : memref<16x512xf32, #tpu.memory_space<vmem>>, vector<8x512xf32>
    %get3A_14 = arith.constant 8 : index
    %get3A_15 = arith.constant 0 : index
    %get3A_16 = vector.load %arg2[%get3A_14, %get3A_15] : memref<16x512xf32, #tpu.memory_space<vmem>>, vector<8x512xf32>
    %iota3A = tpu.iota {dimensions = array<i32: 1>} : vector<8x512xi32>
    %iota3A_17 = tpu.iota {dimensions = array<i32: 1>} : vector<8x128xi32>
    %broadcast_in_dim3A = arith.constant 0.000000e+00 : f32
    %broadcast_in_dim3A_18 = vector.broadcast %broadcast_in_dim3A : f32 to vector<8x128xf32>
    %broadcast_in_dim3A_19 = arith.constant 1.000000e+10 : f32
    %broadcast_in_dim3A_20 = vector.broadcast %broadcast_in_dim3A_19 : f32 to vector<8x512xf32>
    %broadcast_in_dim3A_21 = arith.constant 0 : i32
    %broadcast_in_dim3A_22 = vector.broadcast %broadcast_in_dim3A_21 : i32 to vector<8x1xi32>
    %broadcast_in_dim3A_23 = arith.constant 1.000000e+10 : f32
    %broadcast_in_dim3A_24 = vector.broadcast %broadcast_in_dim3A_23 : f32 to vector<8x512xf32>
    %broadcast_in_dim3A_25 = arith.constant 0 : i32
    %broadcast_in_dim3A_26 = vector.broadcast %broadcast_in_dim3A_25 : i32 to vector<8x1xi32>
    %scan3A = arith.constant 0 : i32
    %scan3A_27 = arith.constant 128 : i32
    %scan3A_28 = arith.addi %scan3A, %scan3A_27 : i32
    %scan3A_29 = arith.constant 1 : i32
    %scan3A_30:10 = scf.for %scan3A_49 = %scan3A to %scan3A_28 step %scan3A_29 iter_args(%scan3A_50 = %broadcast_in_dim3A_20, %scan3A_51 = %broadcast_in_dim3A_22, %scan3A_52 = %broadcast_in_dim3A_18, %scan3A_53 = %broadcast_in_dim3A_18, %scan3A_54 = %broadcast_in_dim3A_18, %scan3A_55 = %broadcast_in_dim3A_24, %scan3A_56 = %broadcast_in_dim3A_26, %scan3A_57 = %broadcast_in_dim3A_18, %scan3A_58 = %broadcast_in_dim3A_18, %scan3A_59 = %broadcast_in_dim3A_18) -> (vector<8x512xf32>, vector<8x1xi32>, vector<8x128xf32>, vector<8x128xf32>, vector<8x128xf32>, vector<8x512xf32>, vector<8x1xi32>, vector<8x128xf32>, vector<8x128xf32>, vector<8x128xf32>)  : i32 {
      %eq3A = vector.broadcast %scan3A_51 : vector<8x1xi32> to vector<8x512xi32>
      %eq3A_60 = arith.cmpi eq, %iota3A, %eq3A : vector<8x512xi32>
      %jit3A = arith.constant 1.000000e+00 : f32
      %jit3A_61 = arith.constant 0.000000e+00 : f32
      %broadcast_in_dim3A_62 = vector.broadcast %jit3A : f32 to vector<8x512xf32>
      %broadcast_in_dim3A_63 = vector.broadcast %jit3A_61 : f32 to vector<8x512xf32>
      %select_n3A = arith.select %eq3A_60, %broadcast_in_dim3A_62, %broadcast_in_dim3A_63 : vector<8x512xi1>, vector<8x512xf32>
      %mul3A = arith.mulf %select_n3A, %get3A_1 : vector<8x512xf32>
      %reduce_sum3A = arith.constant dense<0.000000e+00> : vector<8xf32>
      %reduce_sum3A_64 = vector.multi_reduction <add>, %mul3A, %reduce_sum3A [1] : vector<8x512xf32> to vector<8xf32>
      %broadcast_in_dim3A_65 = vector.shape_cast %reduce_sum3A_64 : vector<8xf32> to vector<8x1xf32>
      %mul3A_66 = arith.mulf %select_n3A, %get3A_7 : vector<8x512xf32>
      %reduce_sum3A_67 = arith.constant dense<0.000000e+00> : vector<8xf32>
      %reduce_sum3A_68 = vector.multi_reduction <add>, %mul3A_66, %reduce_sum3A_67 [1] : vector<8x512xf32> to vector<8xf32>
      %broadcast_in_dim3A_69 = vector.shape_cast %reduce_sum3A_68 : vector<8xf32> to vector<8x1xf32>
      %mul3A_70 = arith.mulf %select_n3A, %get3A_13 : vector<8x512xf32>
      %reduce_sum3A_71 = arith.constant dense<0.000000e+00> : vector<8xf32>
      %reduce_sum3A_72 = vector.multi_reduction <add>, %mul3A_70, %reduce_sum3A_71 [1] : vector<8x512xf32> to vector<8xf32>
      %broadcast_in_dim3A_73 = vector.shape_cast %reduce_sum3A_72 : vector<8xf32> to vector<8x1xf32>
      %eq3A_74 = vector.broadcast %scan3A_49 : i32 to vector<8x128xi32>
      %eq3A_75 = arith.cmpi eq, %iota3A_17, %eq3A_74 : vector<8x128xi32>
      %broadcast_in_dim3A_76 = vector.shape_cast %broadcast_in_dim3A_65 : vector<8x1xf32> to vector<8x1xf32>
      %broadcast_in_dim3A_77 = vector.broadcast %broadcast_in_dim3A_76 : vector<8x1xf32> to vector<8x128xf32>
      %select_n3A_78 = arith.select %eq3A_75, %broadcast_in_dim3A_77, %scan3A_52 : vector<8x128xi1>, vector<8x128xf32>
      %eq3A_79 = vector.broadcast %scan3A_49 : i32 to vector<8x128xi32>
      %eq3A_80 = arith.cmpi eq, %iota3A_17, %eq3A_79 : vector<8x128xi32>
      %broadcast_in_dim3A_81 = vector.shape_cast %broadcast_in_dim3A_69 : vector<8x1xf32> to vector<8x1xf32>
      %broadcast_in_dim3A_82 = vector.broadcast %broadcast_in_dim3A_81 : vector<8x1xf32> to vector<8x128xf32>
      %select_n3A_83 = arith.select %eq3A_80, %broadcast_in_dim3A_82, %scan3A_53 : vector<8x128xi1>, vector<8x128xf32>
      %eq3A_84 = vector.broadcast %scan3A_49 : i32 to vector<8x128xi32>
      %eq3A_85 = arith.cmpi eq, %iota3A_17, %eq3A_84 : vector<8x128xi32>
      %broadcast_in_dim3A_86 = vector.shape_cast %broadcast_in_dim3A_73 : vector<8x1xf32> to vector<8x1xf32>
      %broadcast_in_dim3A_87 = vector.broadcast %broadcast_in_dim3A_86 : vector<8x1xf32> to vector<8x128xf32>
      %select_n3A_88 = arith.select %eq3A_85, %broadcast_in_dim3A_87, %scan3A_54 : vector<8x128xi1>, vector<8x128xf32>
      %sub3A = vector.broadcast %broadcast_in_dim3A_65 : vector<8x1xf32> to vector<8x512xf32>
      %sub3A_89 = arith.subf %get3A_1, %sub3A : vector<8x512xf32>
      %sub3A_90 = vector.broadcast %broadcast_in_dim3A_69 : vector<8x1xf32> to vector<8x512xf32>
      %sub3A_91 = arith.subf %get3A_7, %sub3A_90 : vector<8x512xf32>
      %sub3A_92 = vector.broadcast %broadcast_in_dim3A_73 : vector<8x1xf32> to vector<8x512xf32>
      %sub3A_93 = arith.subf %get3A_13, %sub3A_92 : vector<8x512xf32>
      %mul3A_94 = arith.mulf %sub3A_89, %sub3A_89 : vector<8x512xf32>
      %mul3A_95 = arith.mulf %sub3A_91, %sub3A_91 : vector<8x512xf32>
      %add3A = arith.addf %mul3A_94, %mul3A_95 : vector<8x512xf32>
      %mul3A_96 = arith.mulf %sub3A_93, %sub3A_93 : vector<8x512xf32>
      %add3A_97 = arith.addf %add3A, %mul3A_96 : vector<8x512xf32>
      %min3A = arith.minimumf %scan3A_50, %add3A_97 : vector<8x512xf32>
      %reduce_max3A = arith.constant dense<0xFF800000> : vector<8xf32>
      %reduce_max3A_98 = vector.multi_reduction <maximumf>, %min3A, %reduce_max3A [1] : vector<8x512xf32> to vector<8xf32>
      %broadcast_in_dim3A_99 = vector.shape_cast %reduce_max3A_98 : vector<8xf32> to vector<8x1xf32>
      %eq3A_100 = vector.broadcast %broadcast_in_dim3A_99 : vector<8x1xf32> to vector<8x512xf32>
      %eq3A_101 = arith.cmpf oeq, %min3A, %eq3A_100 : vector<8x512xf32>
      %jit3A_102 = arith.constant 512 : i32
      %broadcast_in_dim3A_103 = vector.broadcast %jit3A_102 : i32 to vector<8x512xi32>
      %select_n3A_104 = arith.select %eq3A_101, %iota3A, %broadcast_in_dim3A_103 : vector<8x512xi1>, vector<8x512xi32>
      %reduce_min3A = arith.constant dense<2147483647> : vector<8xi32>
      %reduce_min3A_105 = vector.multi_reduction <minsi>, %select_n3A_104, %reduce_min3A [1] : vector<8x512xi32> to vector<8xi32>
      %broadcast_in_dim3A_106 = vector.shape_cast %reduce_min3A_105 : vector<8xi32> to vector<8x1xi32>
      %eq3A_107 = vector.broadcast %scan3A_56 : vector<8x1xi32> to vector<8x512xi32>
      %eq3A_108 = arith.cmpi eq, %iota3A, %eq3A_107 : vector<8x512xi32>
      %jit3A_109 = arith.constant 1.000000e+00 : f32
      %jit3A_110 = arith.constant 0.000000e+00 : f32
      %broadcast_in_dim3A_111 = vector.broadcast %jit3A_109 : f32 to vector<8x512xf32>
      %broadcast_in_dim3A_112 = vector.broadcast %jit3A_110 : f32 to vector<8x512xf32>
      %select_n3A_113 = arith.select %eq3A_108, %broadcast_in_dim3A_111, %broadcast_in_dim3A_112 : vector<8x512xi1>, vector<8x512xf32>
      %mul3A_114 = arith.mulf %select_n3A_113, %get3A_4 : vector<8x512xf32>
      %reduce_sum3A_115 = arith.constant dense<0.000000e+00> : vector<8xf32>
      %reduce_sum3A_116 = vector.multi_reduction <add>, %mul3A_114, %reduce_sum3A_115 [1] : vector<8x512xf32> to vector<8xf32>
      %broadcast_in_dim3A_117 = vector.shape_cast %reduce_sum3A_116 : vector<8xf32> to vector<8x1xf32>
      %mul3A_118 = arith.mulf %select_n3A_113, %get3A_10 : vector<8x512xf32>
      %reduce_sum3A_119 = arith.constant dense<0.000000e+00> : vector<8xf32>
      %reduce_sum3A_120 = vector.multi_reduction <add>, %mul3A_118, %reduce_sum3A_119 [1] : vector<8x512xf32> to vector<8xf32>
      %broadcast_in_dim3A_121 = vector.shape_cast %reduce_sum3A_120 : vector<8xf32> to vector<8x1xf32>
      %mul3A_122 = arith.mulf %select_n3A_113, %get3A_16 : vector<8x512xf32>
      %reduce_sum3A_123 = arith.constant dense<0.000000e+00> : vector<8xf32>
      %reduce_sum3A_124 = vector.multi_reduction <add>, %mul3A_122, %reduce_sum3A_123 [1] : vector<8x512xf32> to vector<8xf32>
      %broadcast_in_dim3A_125 = vector.shape_cast %reduce_sum3A_124 : vector<8xf32> to vector<8x1xf32>
      %eq3A_126 = vector.broadcast %scan3A_49 : i32 to vector<8x128xi32>
      %eq3A_127 = arith.cmpi eq, %iota3A_17, %eq3A_126 : vector<8x128xi32>
      %broadcast_in_dim3A_128 = vector.shape_cast %broadcast_in_dim3A_117 : vector<8x1xf32> to vector<8x1xf32>
      %broadcast_in_dim3A_129 = vector.broadcast %broadcast_in_dim3A_128 : vector<8x1xf32> to vector<8x128xf32>
      %select_n3A_130 = arith.select %eq3A_127, %broadcast_in_dim3A_129, %scan3A_57 : vector<8x128xi1>, vector<8x128xf32>
      %eq3A_131 = vector.broadcast %scan3A_49 : i32 to vector<8x128xi32>
      %eq3A_132 = arith.cmpi eq, %iota3A_17, %eq3A_131 : vector<8x128xi32>
      %broadcast_in_dim3A_133 = vector.shape_cast %broadcast_in_dim3A_121 : vector<8x1xf32> to vector<8x1xf32>
      %broadcast_in_dim3A_134 = vector.broadcast %broadcast_in_dim3A_133 : vector<8x1xf32> to vector<8x128xf32>
      %select_n3A_135 = arith.select %eq3A_132, %broadcast_in_dim3A_134, %scan3A_58 : vector<8x128xi1>, vector<8x128xf32>
      %eq3A_136 = vector.broadcast %scan3A_49 : i32 to vector<8x128xi32>
      %eq3A_137 = arith.cmpi eq, %iota3A_17, %eq3A_136 : vector<8x128xi32>
      %broadcast_in_dim3A_138 = vector.shape_cast %broadcast_in_dim3A_125 : vector<8x1xf32> to vector<8x1xf32>
      %broadcast_in_dim3A_139 = vector.broadcast %broadcast_in_dim3A_138 : vector<8x1xf32> to vector<8x128xf32>
      %select_n3A_140 = arith.select %eq3A_137, %broadcast_in_dim3A_139, %scan3A_59 : vector<8x128xi1>, vector<8x128xf32>
      %sub3A_141 = vector.broadcast %broadcast_in_dim3A_117 : vector<8x1xf32> to vector<8x512xf32>
      %sub3A_142 = arith.subf %get3A_4, %sub3A_141 : vector<8x512xf32>
      %sub3A_143 = vector.broadcast %broadcast_in_dim3A_121 : vector<8x1xf32> to vector<8x512xf32>
      %sub3A_144 = arith.subf %get3A_10, %sub3A_143 : vector<8x512xf32>
      %sub3A_145 = vector.broadcast %broadcast_in_dim3A_125 : vector<8x1xf32> to vector<8x512xf32>
      %sub3A_146 = arith.subf %get3A_16, %sub3A_145 : vector<8x512xf32>
      %mul3A_147 = arith.mulf %sub3A_142, %sub3A_142 : vector<8x512xf32>
      %mul3A_148 = arith.mulf %sub3A_144, %sub3A_144 : vector<8x512xf32>
      %add3A_149 = arith.addf %mul3A_147, %mul3A_148 : vector<8x512xf32>
      %mul3A_150 = arith.mulf %sub3A_146, %sub3A_146 : vector<8x512xf32>
      %add3A_151 = arith.addf %add3A_149, %mul3A_150 : vector<8x512xf32>
      %min3A_152 = arith.minimumf %scan3A_55, %add3A_151 : vector<8x512xf32>
      %reduce_max3A_153 = arith.constant dense<0xFF800000> : vector<8xf32>
      %reduce_max3A_154 = vector.multi_reduction <maximumf>, %min3A_152, %reduce_max3A_153 [1] : vector<8x512xf32> to vector<8xf32>
      %broadcast_in_dim3A_155 = vector.shape_cast %reduce_max3A_154 : vector<8xf32> to vector<8x1xf32>
      %eq3A_156 = vector.broadcast %broadcast_in_dim3A_155 : vector<8x1xf32> to vector<8x512xf32>
      %eq3A_157 = arith.cmpf oeq, %min3A_152, %eq3A_156 : vector<8x512xf32>
      %jit3A_158 = arith.constant 512 : i32
      %broadcast_in_dim3A_159 = vector.broadcast %jit3A_158 : i32 to vector<8x512xi32>
      %select_n3A_160 = arith.select %eq3A_157, %iota3A, %broadcast_in_dim3A_159 : vector<8x512xi1>, vector<8x512xi32>
      %reduce_min3A_161 = arith.constant dense<2147483647> : vector<8xi32>
      %reduce_min3A_162 = vector.multi_reduction <minsi>, %select_n3A_160, %reduce_min3A_161 [1] : vector<8x512xi32> to vector<8xi32>
      %broadcast_in_dim3A_163 = vector.shape_cast %reduce_min3A_162 : vector<8xi32> to vector<8x1xi32>
      scf.yield %min3A, %broadcast_in_dim3A_106, %select_n3A_78, %select_n3A_83, %select_n3A_88, %min3A_152, %broadcast_in_dim3A_163, %select_n3A_130, %select_n3A_135, %select_n3A_140 : vector<8x512xf32>, vector<8x1xi32>, vector<8x128xf32>, vector<8x128xf32>, vector<8x128xf32>, vector<8x512xf32>, vector<8x1xi32>, vector<8x128xf32>, vector<8x128xf32>, vector<8x128xf32>
    }
    %scan3A_31 = arith.constant 128 : i32
    %swap3A = arith.constant 0 : index
    %swap3A_32 = arith.constant 0 : index
    %swap3A_33 = vector.load %arg3[%swap3A, %swap3A_32] : memref<16x128xf32, #tpu.memory_space<vmem>>, vector<8x128xf32>
    tpu.vector_store %arg3[%swap3A, %swap3A_32], %scan3A_30#2 {strides = array<i32>} : memref<16x128xf32, #tpu.memory_space<vmem>>, vector<8x128xf32>,
    %swap3A_34 = arith.constant 0 : index
    %swap3A_35 = arith.constant 0 : index
    %swap3A_36 = vector.load %arg4[%swap3A_34, %swap3A_35] : memref<16x128xf32, #tpu.memory_space<vmem>>, vector<8x128xf32>
    tpu.vector_store %arg4[%swap3A_34, %swap3A_35], %scan3A_30#3 {strides = array<i32>} : memref<16x128xf32, #tpu.memory_space<vmem>>, vector<8x128xf32>,
    %swap3A_37 = arith.constant 0 : index
    %swap3A_38 = arith.constant 0 : index
    %swap3A_39 = vector.load %arg5[%swap3A_37, %swap3A_38] : memref<16x128xf32, #tpu.memory_space<vmem>>, vector<8x128xf32>
    tpu.vector_store %arg5[%swap3A_37, %swap3A_38], %scan3A_30#4 {strides = array<i32>} : memref<16x128xf32, #tpu.memory_space<vmem>>, vector<8x128xf32>,
    %swap3A_40 = arith.constant 8 : index
    %swap3A_41 = arith.constant 0 : index
    %swap3A_42 = vector.load %arg3[%swap3A_40, %swap3A_41] : memref<16x128xf32, #tpu.memory_space<vmem>>, vector<8x128xf32>
    tpu.vector_store %arg3[%swap3A_40, %swap3A_41], %scan3A_30#7 {strides = array<i32>} : memref<16x128xf32, #tpu.memory_space<vmem>>, vector<8x128xf32>,
    %swap3A_43 = arith.constant 8 : index
    %swap3A_44 = arith.constant 0 : index
    %swap3A_45 = vector.load %arg4[%swap3A_43, %swap3A_44] : memref<16x128xf32, #tpu.memory_space<vmem>>, vector<8x128xf32>
    tpu.vector_store %arg4[%swap3A_43, %swap3A_44], %scan3A_30#8 {strides = array<i32>} : memref<16x128xf32, #tpu.memory_space<vmem>>, vector<8x128xf32>,
    %swap3A_46 = arith.constant 8 : index
    %swap3A_47 = arith.constant 0 : index
    %swap3A_48 = vector.load %arg5[%swap3A_46, %swap3A_47] : memref<16x128xf32, #tpu.memory_space<vmem>>, vector<8x128xf32>
    tpu.vector_store %arg5[%swap3A_46, %swap3A_47], %scan3A_30#9 {strides = array<i32>} : memref<16x128xf32, #tpu.memory_space<vmem>>, vector<8x128xf32>,
    return
  }
}

module attributes {stable_mosaic.version = 14 : i64} {
  func.func @_knn_body(%arg0: i32, %arg1: memref<1x128x1xf32, #tpu.memory_space<vmem>>, %arg2: memref<1x128x1xf32, #tpu.memory_space<vmem>>, %arg3: memref<1x128x1xf32, #tpu.memory_space<vmem>>, %arg4: memref<1x1x512xf32, #tpu.memory_space<vmem>>, %arg5: memref<1x1x512xf32, #tpu.memory_space<vmem>>, %arg6: memref<1x1x512xf32, #tpu.memory_space<vmem>>, %arg7: memref<1x16x128xi32, #tpu.memory_space<vmem>>) attributes {dimension_semantics = [#tpu.dimension_semantics<parallel>], iteration_bounds = array<i64: 16>, scalar_prefetch = 0 : i64, scratch_operands = 0 : i64, tpu.core_type = #tpu.core_type<tc>, window_params = [{transform_indices = @transform_0, window_bounds = array<i64: 1, 128, 1>}, {transform_indices = @transform_1, window_bounds = array<i64: 1, 128, 1>}, {transform_indices = @transform_2, window_bounds = array<i64: 1, 128, 1>}, {transform_indices = @transform_3, window_bounds = array<i64: 1, 1, 512>}, {transform_indices = @transform_4, window_bounds = array<i64: 1, 1, 512>}, {transform_indices = @transform_5, window_bounds = array<i64: 1, 1, 512>}, {transform_indices = @transform_6, window_bounds = array<i64: 1, 16, 128>}]} {
    %get3A = arith.constant 0 : index
    %get3A_0 = arith.constant 0 : index
    %get3A_1 = arith.constant 0 : index
    %get3A_2 = vector.load %arg1[%get3A, %get3A_0, %get3A_1] : memref<1x128x1xf32, #tpu.memory_space<vmem>>, vector<1x128x1xf32>
    %get3A_3 = vector.shape_cast %get3A_2 : vector<1x128x1xf32> to vector<128x1xf32>
    %get3A_4 = arith.constant 0 : index
    %get3A_5 = arith.constant 0 : index
    %get3A_6 = arith.constant 0 : index
    %get3A_7 = vector.load %arg2[%get3A_4, %get3A_5, %get3A_6] : memref<1x128x1xf32, #tpu.memory_space<vmem>>, vector<1x128x1xf32>
    %get3A_8 = vector.shape_cast %get3A_7 : vector<1x128x1xf32> to vector<128x1xf32>
    %get3A_9 = arith.constant 0 : index
    %get3A_10 = arith.constant 0 : index
    %get3A_11 = arith.constant 0 : index
    %get3A_12 = vector.load %arg3[%get3A_9, %get3A_10, %get3A_11] : memref<1x128x1xf32, #tpu.memory_space<vmem>>, vector<1x128x1xf32>
    %get3A_13 = vector.shape_cast %get3A_12 : vector<1x128x1xf32> to vector<128x1xf32>
    %get3A_14 = arith.constant 0 : index
    %get3A_15 = arith.constant 0 : index
    %get3A_16 = arith.constant 0 : index
    %get3A_17 = vector.load %arg4[%get3A_14, %get3A_15, %get3A_16] : memref<1x1x512xf32, #tpu.memory_space<vmem>>, vector<1x1x512xf32>
    %get3A_18 = vector.shape_cast %get3A_17 : vector<1x1x512xf32> to vector<1x512xf32>
    %get3A_19 = arith.constant 0 : index
    %get3A_20 = arith.constant 0 : index
    %get3A_21 = arith.constant 0 : index
    %get3A_22 = vector.load %arg5[%get3A_19, %get3A_20, %get3A_21] : memref<1x1x512xf32, #tpu.memory_space<vmem>>, vector<1x1x512xf32>
    %get3A_23 = vector.shape_cast %get3A_22 : vector<1x1x512xf32> to vector<1x512xf32>
    %get3A_24 = arith.constant 0 : index
    %get3A_25 = arith.constant 0 : index
    %get3A_26 = arith.constant 0 : index
    %get3A_27 = vector.load %arg6[%get3A_24, %get3A_25, %get3A_26] : memref<1x1x512xf32, #tpu.memory_space<vmem>>, vector<1x1x512xf32>
    %get3A_28 = vector.shape_cast %get3A_27 : vector<1x1x512xf32> to vector<1x512xf32>
    %sub3A = vector.broadcast %get3A_3 : vector<128x1xf32> to vector<128x512xf32>
    %sub3A_29 = vector.broadcast %get3A_18 : vector<1x512xf32> to vector<128x512xf32>
    %sub3A_30 = arith.subf %sub3A, %sub3A_29 : vector<128x512xf32>
    %sub3A_31 = vector.broadcast %get3A_8 : vector<128x1xf32> to vector<128x512xf32>
    %sub3A_32 = vector.broadcast %get3A_23 : vector<1x512xf32> to vector<128x512xf32>
    %sub3A_33 = arith.subf %sub3A_31, %sub3A_32 : vector<128x512xf32>
    %sub3A_34 = vector.broadcast %get3A_13 : vector<128x1xf32> to vector<128x512xf32>
    %sub3A_35 = vector.broadcast %get3A_28 : vector<1x512xf32> to vector<128x512xf32>
    %sub3A_36 = arith.subf %sub3A_34, %sub3A_35 : vector<128x512xf32>
    %mul3A = arith.mulf %sub3A_30, %sub3A_30 : vector<128x512xf32>
    %mul3A_37 = arith.mulf %sub3A_33, %sub3A_33 : vector<128x512xf32>
    %add3A = arith.addf %mul3A, %mul3A_37 : vector<128x512xf32>
    %mul3A_38 = arith.mulf %sub3A_36, %sub3A_36 : vector<128x512xf32>
    %add3A_39 = arith.addf %add3A, %mul3A_38 : vector<128x512xf32>
    %iota3A = tpu.iota {dimensions = array<i32: 1>} : vector<128x512xi32>
    %mul3A_40 = arith.constant 512 : i32
    %mul3A_41 = arith.muli %arg0, %mul3A_40 : i32
    %reduce_min3A = arith.constant dense<0x7F800000> : vector<128xf32>
    %reduce_min3A_42 = vector.multi_reduction <minimumf>, %add3A_39, %reduce_min3A [1] : vector<128x512xf32> to vector<128xf32>
    %broadcast_in_dim3A = vector.shape_cast %reduce_min3A_42 : vector<128xf32> to vector<128x1xf32>
    %eq3A = vector.broadcast %broadcast_in_dim3A : vector<128x1xf32> to vector<128x512xf32>
    %eq3A_43 = arith.cmpf oeq, %add3A_39, %eq3A : vector<128x512xf32>
    %jit3A = arith.constant 512 : i32
    %broadcast_in_dim3A_44 = vector.broadcast %jit3A : i32 to vector<128x512xi32>
    %select_n3A = arith.select %eq3A_43, %iota3A, %broadcast_in_dim3A_44 : vector<128x512xi1>, vector<128x512xi32>
    %reduce_min3A_45 = arith.constant dense<2147483647> : vector<128xi32>
    %reduce_min3A_46 = vector.multi_reduction <minsi>, %select_n3A, %reduce_min3A_45 [1] : vector<128x512xi32> to vector<128xi32>
    %broadcast_in_dim3A_47 = vector.shape_cast %reduce_min3A_46 : vector<128xi32> to vector<128x1xi32>
    %add3A_48 = vector.broadcast %mul3A_41 : i32 to vector<128x1xi32>
    %add3A_49 = arith.addi %broadcast_in_dim3A_47, %add3A_48 : vector<128x1xi32>
    %reshape3A = vector.shape_cast %add3A_49 : vector<128x1xi32> to vector<128xi32>
    %swap3A = arith.constant 0 : index
    %swap3A_50 = arith.constant 0 : index
    %swap3A_51 = arith.constant 0 : index
    %swap3A_52 = vector.load %arg7[%swap3A, %swap3A_50, %swap3A_51] : memref<1x16x128xi32, #tpu.memory_space<vmem>>, vector<1x1x128xi32>
    %swap3A_53 = vector.shape_cast %swap3A_52 : vector<1x1x128xi32> to vector<128xi32>
    %swap3A_54 = vector.shape_cast %reshape3A : vector<128xi32> to vector<1x1x128xi32>
    tpu.vector_store %arg7[%swap3A, %swap3A_50, %swap3A_51], %swap3A_54 {strides = array<i32>} : memref<1x16x128xi32, #tpu.memory_space<vmem>>, vector<1x1x128xi32>,
    %eq3A_55 = vector.broadcast %broadcast_in_dim3A_47 : vector<128x1xi32> to vector<128x512xi32>
    %eq3A_56 = arith.cmpi eq, %iota3A, %eq3A_55 : vector<128x512xi32>
    %jit3A_57 = arith.constant 0x7F800000 : f32
    %broadcast_in_dim3A_58 = vector.broadcast %jit3A_57 : f32 to vector<128x512xf32>
    %select_n3A_59 = arith.select %eq3A_56, %broadcast_in_dim3A_58, %add3A_39 : vector<128x512xi1>, vector<128x512xf32>
    %reduce_min3A_60 = arith.constant dense<0x7F800000> : vector<128xf32>
    %reduce_min3A_61 = vector.multi_reduction <minimumf>, %select_n3A_59, %reduce_min3A_60 [1] : vector<128x512xf32> to vector<128xf32>
    %broadcast_in_dim3A_62 = vector.shape_cast %reduce_min3A_61 : vector<128xf32> to vector<128x1xf32>
    %eq3A_63 = vector.broadcast %broadcast_in_dim3A_62 : vector<128x1xf32> to vector<128x512xf32>
    %eq3A_64 = arith.cmpf oeq, %select_n3A_59, %eq3A_63 : vector<128x512xf32>
    %jit3A_65 = arith.constant 512 : i32
    %broadcast_in_dim3A_66 = vector.broadcast %jit3A_65 : i32 to vector<128x512xi32>
    %select_n3A_67 = arith.select %eq3A_64, %iota3A, %broadcast_in_dim3A_66 : vector<128x512xi1>, vector<128x512xi32>
    %reduce_min3A_68 = arith.constant dense<2147483647> : vector<128xi32>
    %reduce_min3A_69 = vector.multi_reduction <minsi>, %select_n3A_67, %reduce_min3A_68 [1] : vector<128x512xi32> to vector<128xi32>
    %broadcast_in_dim3A_70 = vector.shape_cast %reduce_min3A_69 : vector<128xi32> to vector<128x1xi32>
    %add3A_71 = vector.broadcast %mul3A_41 : i32 to vector<128x1xi32>
    %add3A_72 = arith.addi %broadcast_in_dim3A_70, %add3A_71 : vector<128x1xi32>
    %reshape3A_73 = vector.shape_cast %add3A_72 : vector<128x1xi32> to vector<128xi32>
    %swap3A_74 = arith.constant 0 : index
    %swap3A_75 = arith.constant 1 : index
    %swap3A_76 = arith.constant 0 : index
    %swap3A_77 = vector.load %arg7[%swap3A_74, %swap3A_75, %swap3A_76] : memref<1x16x128xi32, #tpu.memory_space<vmem>>, vector<1x1x128xi32>
    %swap3A_78 = vector.shape_cast %swap3A_77 : vector<1x1x128xi32> to vector<128xi32>
    %swap3A_79 = vector.shape_cast %reshape3A_73 : vector<128xi32> to vector<1x1x128xi32>
    tpu.vector_store %arg7[%swap3A_74, %swap3A_75, %swap3A_76], %swap3A_79 {strides = array<i32>} : memref<1x16x128xi32, #tpu.memory_space<vmem>>, vector<1x1x128xi32>,
    %eq3A_80 = vector.broadcast %broadcast_in_dim3A_70 : vector<128x1xi32> to vector<128x512xi32>
    %eq3A_81 = arith.cmpi eq, %iota3A, %eq3A_80 : vector<128x512xi32>
    %jit3A_82 = arith.constant 0x7F800000 : f32
    %broadcast_in_dim3A_83 = vector.broadcast %jit3A_82 : f32 to vector<128x512xf32>
    %select_n3A_84 = arith.select %eq3A_81, %broadcast_in_dim3A_83, %select_n3A_59 : vector<128x512xi1>, vector<128x512xf32>
    %reduce_min3A_85 = arith.constant dense<0x7F800000> : vector<128xf32>
    %reduce_min3A_86 = vector.multi_reduction <minimumf>, %select_n3A_84, %reduce_min3A_85 [1] : vector<128x512xf32> to vector<128xf32>
    %broadcast_in_dim3A_87 = vector.shape_cast %reduce_min3A_86 : vector<128xf32> to vector<128x1xf32>
    %eq3A_88 = vector.broadcast %broadcast_in_dim3A_87 : vector<128x1xf32> to vector<128x512xf32>
    %eq3A_89 = arith.cmpf oeq, %select_n3A_84, %eq3A_88 : vector<128x512xf32>
    %jit3A_90 = arith.constant 512 : i32
    %broadcast_in_dim3A_91 = vector.broadcast %jit3A_90 : i32 to vector<128x512xi32>
    %select_n3A_92 = arith.select %eq3A_89, %iota3A, %broadcast_in_dim3A_91 : vector<128x512xi1>, vector<128x512xi32>
    %reduce_min3A_93 = arith.constant dense<2147483647> : vector<128xi32>
    %reduce_min3A_94 = vector.multi_reduction <minsi>, %select_n3A_92, %reduce_min3A_93 [1] : vector<128x512xi32> to vector<128xi32>
    %broadcast_in_dim3A_95 = vector.shape_cast %reduce_min3A_94 : vector<128xi32> to vector<128x1xi32>
    %add3A_96 = vector.broadcast %mul3A_41 : i32 to vector<128x1xi32>
    %add3A_97 = arith.addi %broadcast_in_dim3A_95, %add3A_96 : vector<128x1xi32>
    %reshape3A_98 = vector.shape_cast %add3A_97 : vector<128x1xi32> to vector<128xi32>
    %swap3A_99 = arith.constant 0 : index
    %swap3A_100 = arith.constant 2 : index
    %swap3A_101 = arith.constant 0 : index
    %swap3A_102 = vector.load %arg7[%swap3A_99, %swap3A_100, %swap3A_101] : memref<1x16x128xi32, #tpu.memory_space<vmem>>, vector<1x1x128xi32>
    %swap3A_103 = vector.shape_cast %swap3A_102 : vector<1x1x128xi32> to vector<128xi32>
    %swap3A_104 = vector.shape_cast %reshape3A_98 : vector<128xi32> to vector<1x1x128xi32>
    tpu.vector_store %arg7[%swap3A_99, %swap3A_100, %swap3A_101], %swap3A_104 {strides = array<i32>} : memref<1x16x128xi32, #tpu.memory_space<vmem>>, vector<1x1x128xi32>,
    %eq3A_105 = vector.broadcast %broadcast_in_dim3A_95 : vector<128x1xi32> to vector<128x512xi32>
    %eq3A_106 = arith.cmpi eq, %iota3A, %eq3A_105 : vector<128x512xi32>
    %jit3A_107 = arith.constant 0x7F800000 : f32
    %broadcast_in_dim3A_108 = vector.broadcast %jit3A_107 : f32 to vector<128x512xf32>
    %select_n3A_109 = arith.select %eq3A_106, %broadcast_in_dim3A_108, %select_n3A_84 : vector<128x512xi1>, vector<128x512xf32>
    %reduce_min3A_110 = arith.constant dense<0x7F800000> : vector<128xf32>
    %reduce_min3A_111 = vector.multi_reduction <minimumf>, %select_n3A_109, %reduce_min3A_110 [1] : vector<128x512xf32> to vector<128xf32>
    %broadcast_in_dim3A_112 = vector.shape_cast %reduce_min3A_111 : vector<128xf32> to vector<128x1xf32>
    %eq3A_113 = vector.broadcast %broadcast_in_dim3A_112 : vector<128x1xf32> to vector<128x512xf32>
    %eq3A_114 = arith.cmpf oeq, %select_n3A_109, %eq3A_113 : vector<128x512xf32>
    %jit3A_115 = arith.constant 512 : i32
    %broadcast_in_dim3A_116 = vector.broadcast %jit3A_115 : i32 to vector<128x512xi32>
    %select_n3A_117 = arith.select %eq3A_114, %iota3A, %broadcast_in_dim3A_116 : vector<128x512xi1>, vector<128x512xi32>
    %reduce_min3A_118 = arith.constant dense<2147483647> : vector<128xi32>
    %reduce_min3A_119 = vector.multi_reduction <minsi>, %select_n3A_117, %reduce_min3A_118 [1] : vector<128x512xi32> to vector<128xi32>
    %broadcast_in_dim3A_120 = vector.shape_cast %reduce_min3A_119 : vector<128xi32> to vector<128x1xi32>
    %add3A_121 = vector.broadcast %mul3A_41 : i32 to vector<128x1xi32>
    %add3A_122 = arith.addi %broadcast_in_dim3A_120, %add3A_121 : vector<128x1xi32>
    %reshape3A_123 = vector.shape_cast %add3A_122 : vector<128x1xi32> to vector<128xi32>
    %swap3A_124 = arith.constant 0 : index
    %swap3A_125 = arith.constant 3 : index
    %swap3A_126 = arith.constant 0 : index
    %swap3A_127 = vector.load %arg7[%swap3A_124, %swap3A_125, %swap3A_126] : memref<1x16x128xi32, #tpu.memory_space<vmem>>, vector<1x1x128xi32>
    %swap3A_128 = vector.shape_cast %swap3A_127 : vector<1x1x128xi32> to vector<128xi32>
    %swap3A_129 = vector.shape_cast %reshape3A_123 : vector<128xi32> to vector<1x1x128xi32>
    tpu.vector_store %arg7[%swap3A_124, %swap3A_125, %swap3A_126], %swap3A_129 {strides = array<i32>} : memref<1x16x128xi32, #tpu.memory_space<vmem>>, vector<1x1x128xi32>,
    %eq3A_130 = vector.broadcast %broadcast_in_dim3A_120 : vector<128x1xi32> to vector<128x512xi32>
    %eq3A_131 = arith.cmpi eq, %iota3A, %eq3A_130 : vector<128x512xi32>
    %jit3A_132 = arith.constant 0x7F800000 : f32
    %broadcast_in_dim3A_133 = vector.broadcast %jit3A_132 : f32 to vector<128x512xf32>
    %select_n3A_134 = arith.select %eq3A_131, %broadcast_in_dim3A_133, %select_n3A_109 : vector<128x512xi1>, vector<128x512xf32>
    %reduce_min3A_135 = arith.constant dense<0x7F800000> : vector<128xf32>
    %reduce_min3A_136 = vector.multi_reduction <minimumf>, %select_n3A_134, %reduce_min3A_135 [1] : vector<128x512xf32> to vector<128xf32>
    %broadcast_in_dim3A_137 = vector.shape_cast %reduce_min3A_136 : vector<128xf32> to vector<128x1xf32>
    %eq3A_138 = vector.broadcast %broadcast_in_dim3A_137 : vector<128x1xf32> to vector<128x512xf32>
    %eq3A_139 = arith.cmpf oeq, %select_n3A_134, %eq3A_138 : vector<128x512xf32>
    %jit3A_140 = arith.constant 512 : i32
    %broadcast_in_dim3A_141 = vector.broadcast %jit3A_140 : i32 to vector<128x512xi32>
    %select_n3A_142 = arith.select %eq3A_139, %iota3A, %broadcast_in_dim3A_141 : vector<128x512xi1>, vector<128x512xi32>
    %reduce_min3A_143 = arith.constant dense<2147483647> : vector<128xi32>
    %reduce_min3A_144 = vector.multi_reduction <minsi>, %select_n3A_142, %reduce_min3A_143 [1] : vector<128x512xi32> to vector<128xi32>
    %broadcast_in_dim3A_145 = vector.shape_cast %reduce_min3A_144 : vector<128xi32> to vector<128x1xi32>
    %add3A_146 = vector.broadcast %mul3A_41 : i32 to vector<128x1xi32>
    %add3A_147 = arith.addi %broadcast_in_dim3A_145, %add3A_146 : vector<128x1xi32>
    %reshape3A_148 = vector.shape_cast %add3A_147 : vector<128x1xi32> to vector<128xi32>
    %swap3A_149 = arith.constant 0 : index
    %swap3A_150 = arith.constant 4 : index
    %swap3A_151 = arith.constant 0 : index
    %swap3A_152 = vector.load %arg7[%swap3A_149, %swap3A_150, %swap3A_151] : memref<1x16x128xi32, #tpu.memory_space<vmem>>, vector<1x1x128xi32>
    %swap3A_153 = vector.shape_cast %swap3A_152 : vector<1x1x128xi32> to vector<128xi32>
    %swap3A_154 = vector.shape_cast %reshape3A_148 : vector<128xi32> to vector<1x1x128xi32>
    tpu.vector_store %arg7[%swap3A_149, %swap3A_150, %swap3A_151], %swap3A_154 {strides = array<i32>} : memref<1x16x128xi32, #tpu.memory_space<vmem>>, vector<1x1x128xi32>,
    %eq3A_155 = vector.broadcast %broadcast_in_dim3A_145 : vector<128x1xi32> to vector<128x512xi32>
    %eq3A_156 = arith.cmpi eq, %iota3A, %eq3A_155 : vector<128x512xi32>
    %jit3A_157 = arith.constant 0x7F800000 : f32
    %broadcast_in_dim3A_158 = vector.broadcast %jit3A_157 : f32 to vector<128x512xf32>
    %select_n3A_159 = arith.select %eq3A_156, %broadcast_in_dim3A_158, %select_n3A_134 : vector<128x512xi1>, vector<128x512xf32>
    %reduce_min3A_160 = arith.constant dense<0x7F800000> : vector<128xf32>
    %reduce_min3A_161 = vector.multi_reduction <minimumf>, %select_n3A_159, %reduce_min3A_160 [1] : vector<128x512xf32> to vector<128xf32>
    %broadcast_in_dim3A_162 = vector.shape_cast %reduce_min3A_161 : vector<128xf32> to vector<128x1xf32>
    %eq3A_163 = vector.broadcast %broadcast_in_dim3A_162 : vector<128x1xf32> to vector<128x512xf32>
    %eq3A_164 = arith.cmpf oeq, %select_n3A_159, %eq3A_163 : vector<128x512xf32>
    %jit3A_165 = arith.constant 512 : i32
    %broadcast_in_dim3A_166 = vector.broadcast %jit3A_165 : i32 to vector<128x512xi32>
    %select_n3A_167 = arith.select %eq3A_164, %iota3A, %broadcast_in_dim3A_166 : vector<128x512xi1>, vector<128x512xi32>
    %reduce_min3A_168 = arith.constant dense<2147483647> : vector<128xi32>
    %reduce_min3A_169 = vector.multi_reduction <minsi>, %select_n3A_167, %reduce_min3A_168 [1] : vector<128x512xi32> to vector<128xi32>
    %broadcast_in_dim3A_170 = vector.shape_cast %reduce_min3A_169 : vector<128xi32> to vector<128x1xi32>
    %add3A_171 = vector.broadcast %mul3A_41 : i32 to vector<128x1xi32>
    %add3A_172 = arith.addi %broadcast_in_dim3A_170, %add3A_171 : vector<128x1xi32>
    %reshape3A_173 = vector.shape_cast %add3A_172 : vector<128x1xi32> to vector<128xi32>
    %swap3A_174 = arith.constant 0 : index
    %swap3A_175 = arith.constant 5 : index
    %swap3A_176 = arith.constant 0 : index
    %swap3A_177 = vector.load %arg7[%swap3A_174, %swap3A_175, %swap3A_176] : memref<1x16x128xi32, #tpu.memory_space<vmem>>, vector<1x1x128xi32>
    %swap3A_178 = vector.shape_cast %swap3A_177 : vector<1x1x128xi32> to vector<128xi32>
    %swap3A_179 = vector.shape_cast %reshape3A_173 : vector<128xi32> to vector<1x1x128xi32>
    tpu.vector_store %arg7[%swap3A_174, %swap3A_175, %swap3A_176], %swap3A_179 {strides = array<i32>} : memref<1x16x128xi32, #tpu.memory_space<vmem>>, vector<1x1x128xi32>,
    %eq3A_180 = vector.broadcast %broadcast_in_dim3A_170 : vector<128x1xi32> to vector<128x512xi32>
    %eq3A_181 = arith.cmpi eq, %iota3A, %eq3A_180 : vector<128x512xi32>
    %jit3A_182 = arith.constant 0x7F800000 : f32
    %broadcast_in_dim3A_183 = vector.broadcast %jit3A_182 : f32 to vector<128x512xf32>
    %select_n3A_184 = arith.select %eq3A_181, %broadcast_in_dim3A_183, %select_n3A_159 : vector<128x512xi1>, vector<128x512xf32>
    %reduce_min3A_185 = arith.constant dense<0x7F800000> : vector<128xf32>
    %reduce_min3A_186 = vector.multi_reduction <minimumf>, %select_n3A_184, %reduce_min3A_185 [1] : vector<128x512xf32> to vector<128xf32>
    %broadcast_in_dim3A_187 = vector.shape_cast %reduce_min3A_186 : vector<128xf32> to vector<128x1xf32>
    %eq3A_188 = vector.broadcast %broadcast_in_dim3A_187 : vector<128x1xf32> to vector<128x512xf32>
    %eq3A_189 = arith.cmpf oeq, %select_n3A_184, %eq3A_188 : vector<128x512xf32>
    %jit3A_190 = arith.constant 512 : i32
    %broadcast_in_dim3A_191 = vector.broadcast %jit3A_190 : i32 to vector<128x512xi32>
    %select_n3A_192 = arith.select %eq3A_189, %iota3A, %broadcast_in_dim3A_191 : vector<128x512xi1>, vector<128x512xi32>
    %reduce_min3A_193 = arith.constant dense<2147483647> : vector<128xi32>
    %reduce_min3A_194 = vector.multi_reduction <minsi>, %select_n3A_192, %reduce_min3A_193 [1] : vector<128x512xi32> to vector<128xi32>
    %broadcast_in_dim3A_195 = vector.shape_cast %reduce_min3A_194 : vector<128xi32> to vector<128x1xi32>
    %add3A_196 = vector.broadcast %mul3A_41 : i32 to vector<128x1xi32>
    %add3A_197 = arith.addi %broadcast_in_dim3A_195, %add3A_196 : vector<128x1xi32>
    %reshape3A_198 = vector.shape_cast %add3A_197 : vector<128x1xi32> to vector<128xi32>
    %swap3A_199 = arith.constant 0 : index
    %swap3A_200 = arith.constant 6 : index
    %swap3A_201 = arith.constant 0 : index
    %swap3A_202 = vector.load %arg7[%swap3A_199, %swap3A_200, %swap3A_201] : memref<1x16x128xi32, #tpu.memory_space<vmem>>, vector<1x1x128xi32>
    %swap3A_203 = vector.shape_cast %swap3A_202 : vector<1x1x128xi32> to vector<128xi32>
    %swap3A_204 = vector.shape_cast %reshape3A_198 : vector<128xi32> to vector<1x1x128xi32>
    tpu.vector_store %arg7[%swap3A_199, %swap3A_200, %swap3A_201], %swap3A_204 {strides = array<i32>} : memref<1x16x128xi32, #tpu.memory_space<vmem>>, vector<1x1x128xi32>,
    %eq3A_205 = vector.broadcast %broadcast_in_dim3A_195 : vector<128x1xi32> to vector<128x512xi32>
    %eq3A_206 = arith.cmpi eq, %iota3A, %eq3A_205 : vector<128x512xi32>
    %jit3A_207 = arith.constant 0x7F800000 : f32
    %broadcast_in_dim3A_208 = vector.broadcast %jit3A_207 : f32 to vector<128x512xf32>
    %select_n3A_209 = arith.select %eq3A_206, %broadcast_in_dim3A_208, %select_n3A_184 : vector<128x512xi1>, vector<128x512xf32>
    %reduce_min3A_210 = arith.constant dense<0x7F800000> : vector<128xf32>
    %reduce_min3A_211 = vector.multi_reduction <minimumf>, %select_n3A_209, %reduce_min3A_210 [1] : vector<128x512xf32> to vector<128xf32>
    %broadcast_in_dim3A_212 = vector.shape_cast %reduce_min3A_211 : vector<128xf32> to vector<128x1xf32>
    %eq3A_213 = vector.broadcast %broadcast_in_dim3A_212 : vector<128x1xf32> to vector<128x512xf32>
    %eq3A_214 = arith.cmpf oeq, %select_n3A_209, %eq3A_213 : vector<128x512xf32>
    %jit3A_215 = arith.constant 512 : i32
    %broadcast_in_dim3A_216 = vector.broadcast %jit3A_215 : i32 to vector<128x512xi32>
    %select_n3A_217 = arith.select %eq3A_214, %iota3A, %broadcast_in_dim3A_216 : vector<128x512xi1>, vector<128x512xi32>
    %reduce_min3A_218 = arith.constant dense<2147483647> : vector<128xi32>
    %reduce_min3A_219 = vector.multi_reduction <minsi>, %select_n3A_217, %reduce_min3A_218 [1] : vector<128x512xi32> to vector<128xi32>
    %broadcast_in_dim3A_220 = vector.shape_cast %reduce_min3A_219 : vector<128xi32> to vector<128x1xi32>
    %add3A_221 = vector.broadcast %mul3A_41 : i32 to vector<128x1xi32>
    %add3A_222 = arith.addi %broadcast_in_dim3A_220, %add3A_221 : vector<128x1xi32>
    %reshape3A_223 = vector.shape_cast %add3A_222 : vector<128x1xi32> to vector<128xi32>
    %swap3A_224 = arith.constant 0 : index
    %swap3A_225 = arith.constant 7 : index
    %swap3A_226 = arith.constant 0 : index
    %swap3A_227 = vector.load %arg7[%swap3A_224, %swap3A_225, %swap3A_226] : memref<1x16x128xi32, #tpu.memory_space<vmem>>, vector<1x1x128xi32>
    %swap3A_228 = vector.shape_cast %swap3A_227 : vector<1x1x128xi32> to vector<128xi32>
    %swap3A_229 = vector.shape_cast %reshape3A_223 : vector<128xi32> to vector<1x1x128xi32>
    tpu.vector_store %arg7[%swap3A_224, %swap3A_225, %swap3A_226], %swap3A_229 {strides = array<i32>} : memref<1x16x128xi32, #tpu.memory_space<vmem>>, vector<1x1x128xi32>,
    %eq3A_230 = vector.broadcast %broadcast_in_dim3A_220 : vector<128x1xi32> to vector<128x512xi32>
    %eq3A_231 = arith.cmpi eq, %iota3A, %eq3A_230 : vector<128x512xi32>
    %jit3A_232 = arith.constant 0x7F800000 : f32
    %broadcast_in_dim3A_233 = vector.broadcast %jit3A_232 : f32 to vector<128x512xf32>
    %select_n3A_234 = arith.select %eq3A_231, %broadcast_in_dim3A_233, %select_n3A_209 : vector<128x512xi1>, vector<128x512xf32>
    %reduce_min3A_235 = arith.constant dense<0x7F800000> : vector<128xf32>
    %reduce_min3A_236 = vector.multi_reduction <minimumf>, %select_n3A_234, %reduce_min3A_235 [1] : vector<128x512xf32> to vector<128xf32>
    %broadcast_in_dim3A_237 = vector.shape_cast %reduce_min3A_236 : vector<128xf32> to vector<128x1xf32>
    %eq3A_238 = vector.broadcast %broadcast_in_dim3A_237 : vector<128x1xf32> to vector<128x512xf32>
    %eq3A_239 = arith.cmpf oeq, %select_n3A_234, %eq3A_238 : vector<128x512xf32>
    %jit3A_240 = arith.constant 512 : i32
    %broadcast_in_dim3A_241 = vector.broadcast %jit3A_240 : i32 to vector<128x512xi32>
    %select_n3A_242 = arith.select %eq3A_239, %iota3A, %broadcast_in_dim3A_241 : vector<128x512xi1>, vector<128x512xi32>
    %reduce_min3A_243 = arith.constant dense<2147483647> : vector<128xi32>
    %reduce_min3A_244 = vector.multi_reduction <minsi>, %select_n3A_242, %reduce_min3A_243 [1] : vector<128x512xi32> to vector<128xi32>
    %broadcast_in_dim3A_245 = vector.shape_cast %reduce_min3A_244 : vector<128xi32> to vector<128x1xi32>
    %add3A_246 = vector.broadcast %mul3A_41 : i32 to vector<128x1xi32>
    %add3A_247 = arith.addi %broadcast_in_dim3A_245, %add3A_246 : vector<128x1xi32>
    %reshape3A_248 = vector.shape_cast %add3A_247 : vector<128x1xi32> to vector<128xi32>
    %swap3A_249 = arith.constant 0 : index
    %swap3A_250 = arith.constant 8 : index
    %swap3A_251 = arith.constant 0 : index
    %swap3A_252 = vector.load %arg7[%swap3A_249, %swap3A_250, %swap3A_251] : memref<1x16x128xi32, #tpu.memory_space<vmem>>, vector<1x1x128xi32>
    %swap3A_253 = vector.shape_cast %swap3A_252 : vector<1x1x128xi32> to vector<128xi32>
    %swap3A_254 = vector.shape_cast %reshape3A_248 : vector<128xi32> to vector<1x1x128xi32>
    tpu.vector_store %arg7[%swap3A_249, %swap3A_250, %swap3A_251], %swap3A_254 {strides = array<i32>} : memref<1x16x128xi32, #tpu.memory_space<vmem>>, vector<1x1x128xi32>,
    %eq3A_255 = vector.broadcast %broadcast_in_dim3A_245 : vector<128x1xi32> to vector<128x512xi32>
    %eq3A_256 = arith.cmpi eq, %iota3A, %eq3A_255 : vector<128x512xi32>
    %jit3A_257 = arith.constant 0x7F800000 : f32
    %broadcast_in_dim3A_258 = vector.broadcast %jit3A_257 : f32 to vector<128x512xf32>
    %select_n3A_259 = arith.select %eq3A_256, %broadcast_in_dim3A_258, %select_n3A_234 : vector<128x512xi1>, vector<128x512xf32>
    %reduce_min3A_260 = arith.constant dense<0x7F800000> : vector<128xf32>
    %reduce_min3A_261 = vector.multi_reduction <minimumf>, %select_n3A_259, %reduce_min3A_260 [1] : vector<128x512xf32> to vector<128xf32>
    %broadcast_in_dim3A_262 = vector.shape_cast %reduce_min3A_261 : vector<128xf32> to vector<128x1xf32>
    %eq3A_263 = vector.broadcast %broadcast_in_dim3A_262 : vector<128x1xf32> to vector<128x512xf32>
    %eq3A_264 = arith.cmpf oeq, %select_n3A_259, %eq3A_263 : vector<128x512xf32>
    %jit3A_265 = arith.constant 512 : i32
    %broadcast_in_dim3A_266 = vector.broadcast %jit3A_265 : i32 to vector<128x512xi32>
    %select_n3A_267 = arith.select %eq3A_264, %iota3A, %broadcast_in_dim3A_266 : vector<128x512xi1>, vector<128x512xi32>
    %reduce_min3A_268 = arith.constant dense<2147483647> : vector<128xi32>
    %reduce_min3A_269 = vector.multi_reduction <minsi>, %select_n3A_267, %reduce_min3A_268 [1] : vector<128x512xi32> to vector<128xi32>
    %broadcast_in_dim3A_270 = vector.shape_cast %reduce_min3A_269 : vector<128xi32> to vector<128x1xi32>
    %add3A_271 = vector.broadcast %mul3A_41 : i32 to vector<128x1xi32>
    %add3A_272 = arith.addi %broadcast_in_dim3A_270, %add3A_271 : vector<128x1xi32>
    %reshape3A_273 = vector.shape_cast %add3A_272 : vector<128x1xi32> to vector<128xi32>
    %swap3A_274 = arith.constant 0 : index
    %swap3A_275 = arith.constant 9 : index
    %swap3A_276 = arith.constant 0 : index
    %swap3A_277 = vector.load %arg7[%swap3A_274, %swap3A_275, %swap3A_276] : memref<1x16x128xi32, #tpu.memory_space<vmem>>, vector<1x1x128xi32>
    %swap3A_278 = vector.shape_cast %swap3A_277 : vector<1x1x128xi32> to vector<128xi32>
    %swap3A_279 = vector.shape_cast %reshape3A_273 : vector<128xi32> to vector<1x1x128xi32>
    tpu.vector_store %arg7[%swap3A_274, %swap3A_275, %swap3A_276], %swap3A_279 {strides = array<i32>} : memref<1x16x128xi32, #tpu.memory_space<vmem>>, vector<1x1x128xi32>,
    %eq3A_280 = vector.broadcast %broadcast_in_dim3A_270 : vector<128x1xi32> to vector<128x512xi32>
    %eq3A_281 = arith.cmpi eq, %iota3A, %eq3A_280 : vector<128x512xi32>
    %jit3A_282 = arith.constant 0x7F800000 : f32
    %broadcast_in_dim3A_283 = vector.broadcast %jit3A_282 : f32 to vector<128x512xf32>
    %select_n3A_284 = arith.select %eq3A_281, %broadcast_in_dim3A_283, %select_n3A_259 : vector<128x512xi1>, vector<128x512xf32>
    %reduce_min3A_285 = arith.constant dense<0x7F800000> : vector<128xf32>
    %reduce_min3A_286 = vector.multi_reduction <minimumf>, %select_n3A_284, %reduce_min3A_285 [1] : vector<128x512xf32> to vector<128xf32>
    %broadcast_in_dim3A_287 = vector.shape_cast %reduce_min3A_286 : vector<128xf32> to vector<128x1xf32>
    %eq3A_288 = vector.broadcast %broadcast_in_dim3A_287 : vector<128x1xf32> to vector<128x512xf32>
    %eq3A_289 = arith.cmpf oeq, %select_n3A_284, %eq3A_288 : vector<128x512xf32>
    %jit3A_290 = arith.constant 512 : i32
    %broadcast_in_dim3A_291 = vector.broadcast %jit3A_290 : i32 to vector<128x512xi32>
    %select_n3A_292 = arith.select %eq3A_289, %iota3A, %broadcast_in_dim3A_291 : vector<128x512xi1>, vector<128x512xi32>
    %reduce_min3A_293 = arith.constant dense<2147483647> : vector<128xi32>
    %reduce_min3A_294 = vector.multi_reduction <minsi>, %select_n3A_292, %reduce_min3A_293 [1] : vector<128x512xi32> to vector<128xi32>
    %broadcast_in_dim3A_295 = vector.shape_cast %reduce_min3A_294 : vector<128xi32> to vector<128x1xi32>
    %add3A_296 = vector.broadcast %mul3A_41 : i32 to vector<128x1xi32>
    %add3A_297 = arith.addi %broadcast_in_dim3A_295, %add3A_296 : vector<128x1xi32>
    %reshape3A_298 = vector.shape_cast %add3A_297 : vector<128x1xi32> to vector<128xi32>
    %swap3A_299 = arith.constant 0 : index
    %swap3A_300 = arith.constant 10 : index
    %swap3A_301 = arith.constant 0 : index
    %swap3A_302 = vector.load %arg7[%swap3A_299, %swap3A_300, %swap3A_301] : memref<1x16x128xi32, #tpu.memory_space<vmem>>, vector<1x1x128xi32>
    %swap3A_303 = vector.shape_cast %swap3A_302 : vector<1x1x128xi32> to vector<128xi32>
    %swap3A_304 = vector.shape_cast %reshape3A_298 : vector<128xi32> to vector<1x1x128xi32>
    tpu.vector_store %arg7[%swap3A_299, %swap3A_300, %swap3A_301], %swap3A_304 {strides = array<i32>} : memref<1x16x128xi32, #tpu.memory_space<vmem>>, vector<1x1x128xi32>,
    %eq3A_305 = vector.broadcast %broadcast_in_dim3A_295 : vector<128x1xi32> to vector<128x512xi32>
    %eq3A_306 = arith.cmpi eq, %iota3A, %eq3A_305 : vector<128x512xi32>
    %jit3A_307 = arith.constant 0x7F800000 : f32
    %broadcast_in_dim3A_308 = vector.broadcast %jit3A_307 : f32 to vector<128x512xf32>
    %select_n3A_309 = arith.select %eq3A_306, %broadcast_in_dim3A_308, %select_n3A_284 : vector<128x512xi1>, vector<128x512xf32>
    %reduce_min3A_310 = arith.constant dense<0x7F800000> : vector<128xf32>
    %reduce_min3A_311 = vector.multi_reduction <minimumf>, %select_n3A_309, %reduce_min3A_310 [1] : vector<128x512xf32> to vector<128xf32>
    %broadcast_in_dim3A_312 = vector.shape_cast %reduce_min3A_311 : vector<128xf32> to vector<128x1xf32>
    %eq3A_313 = vector.broadcast %broadcast_in_dim3A_312 : vector<128x1xf32> to vector<128x512xf32>
    %eq3A_314 = arith.cmpf oeq, %select_n3A_309, %eq3A_313 : vector<128x512xf32>
    %jit3A_315 = arith.constant 512 : i32
    %broadcast_in_dim3A_316 = vector.broadcast %jit3A_315 : i32 to vector<128x512xi32>
    %select_n3A_317 = arith.select %eq3A_314, %iota3A, %broadcast_in_dim3A_316 : vector<128x512xi1>, vector<128x512xi32>
    %reduce_min3A_318 = arith.constant dense<2147483647> : vector<128xi32>
    %reduce_min3A_319 = vector.multi_reduction <minsi>, %select_n3A_317, %reduce_min3A_318 [1] : vector<128x512xi32> to vector<128xi32>
    %broadcast_in_dim3A_320 = vector.shape_cast %reduce_min3A_319 : vector<128xi32> to vector<128x1xi32>
    %add3A_321 = vector.broadcast %mul3A_41 : i32 to vector<128x1xi32>
    %add3A_322 = arith.addi %broadcast_in_dim3A_320, %add3A_321 : vector<128x1xi32>
    %reshape3A_323 = vector.shape_cast %add3A_322 : vector<128x1xi32> to vector<128xi32>
    %swap3A_324 = arith.constant 0 : index
    %swap3A_325 = arith.constant 11 : index
    %swap3A_326 = arith.constant 0 : index
    %swap3A_327 = vector.load %arg7[%swap3A_324, %swap3A_325, %swap3A_326] : memref<1x16x128xi32, #tpu.memory_space<vmem>>, vector<1x1x128xi32>
    %swap3A_328 = vector.shape_cast %swap3A_327 : vector<1x1x128xi32> to vector<128xi32>
    %swap3A_329 = vector.shape_cast %reshape3A_323 : vector<128xi32> to vector<1x1x128xi32>
    tpu.vector_store %arg7[%swap3A_324, %swap3A_325, %swap3A_326], %swap3A_329 {strides = array<i32>} : memref<1x16x128xi32, #tpu.memory_space<vmem>>, vector<1x1x128xi32>,
    %eq3A_330 = vector.broadcast %broadcast_in_dim3A_320 : vector<128x1xi32> to vector<128x512xi32>
    %eq3A_331 = arith.cmpi eq, %iota3A, %eq3A_330 : vector<128x512xi32>
    %jit3A_332 = arith.constant 0x7F800000 : f32
    %broadcast_in_dim3A_333 = vector.broadcast %jit3A_332 : f32 to vector<128x512xf32>
    %select_n3A_334 = arith.select %eq3A_331, %broadcast_in_dim3A_333, %select_n3A_309 : vector<128x512xi1>, vector<128x512xf32>
    %reduce_min3A_335 = arith.constant dense<0x7F800000> : vector<128xf32>
    %reduce_min3A_336 = vector.multi_reduction <minimumf>, %select_n3A_334, %reduce_min3A_335 [1] : vector<128x512xf32> to vector<128xf32>
    %broadcast_in_dim3A_337 = vector.shape_cast %reduce_min3A_336 : vector<128xf32> to vector<128x1xf32>
    %eq3A_338 = vector.broadcast %broadcast_in_dim3A_337 : vector<128x1xf32> to vector<128x512xf32>
    %eq3A_339 = arith.cmpf oeq, %select_n3A_334, %eq3A_338 : vector<128x512xf32>
    %jit3A_340 = arith.constant 512 : i32
    %broadcast_in_dim3A_341 = vector.broadcast %jit3A_340 : i32 to vector<128x512xi32>
    %select_n3A_342 = arith.select %eq3A_339, %iota3A, %broadcast_in_dim3A_341 : vector<128x512xi1>, vector<128x512xi32>
    %reduce_min3A_343 = arith.constant dense<2147483647> : vector<128xi32>
    %reduce_min3A_344 = vector.multi_reduction <minsi>, %select_n3A_342, %reduce_min3A_343 [1] : vector<128x512xi32> to vector<128xi32>
    %broadcast_in_dim3A_345 = vector.shape_cast %reduce_min3A_344 : vector<128xi32> to vector<128x1xi32>
    %add3A_346 = vector.broadcast %mul3A_41 : i32 to vector<128x1xi32>
    %add3A_347 = arith.addi %broadcast_in_dim3A_345, %add3A_346 : vector<128x1xi32>
    %reshape3A_348 = vector.shape_cast %add3A_347 : vector<128x1xi32> to vector<128xi32>
    %swap3A_349 = arith.constant 0 : index
    %swap3A_350 = arith.constant 12 : index
    %swap3A_351 = arith.constant 0 : index
    %swap3A_352 = vector.load %arg7[%swap3A_349, %swap3A_350, %swap3A_351] : memref<1x16x128xi32, #tpu.memory_space<vmem>>, vector<1x1x128xi32>
    %swap3A_353 = vector.shape_cast %swap3A_352 : vector<1x1x128xi32> to vector<128xi32>
    %swap3A_354 = vector.shape_cast %reshape3A_348 : vector<128xi32> to vector<1x1x128xi32>
    tpu.vector_store %arg7[%swap3A_349, %swap3A_350, %swap3A_351], %swap3A_354 {strides = array<i32>} : memref<1x16x128xi32, #tpu.memory_space<vmem>>, vector<1x1x128xi32>,
    %eq3A_355 = vector.broadcast %broadcast_in_dim3A_345 : vector<128x1xi32> to vector<128x512xi32>
    %eq3A_356 = arith.cmpi eq, %iota3A, %eq3A_355 : vector<128x512xi32>
    %jit3A_357 = arith.constant 0x7F800000 : f32
    %broadcast_in_dim3A_358 = vector.broadcast %jit3A_357 : f32 to vector<128x512xf32>
    %select_n3A_359 = arith.select %eq3A_356, %broadcast_in_dim3A_358, %select_n3A_334 : vector<128x512xi1>, vector<128x512xf32>
    %reduce_min3A_360 = arith.constant dense<0x7F800000> : vector<128xf32>
    %reduce_min3A_361 = vector.multi_reduction <minimumf>, %select_n3A_359, %reduce_min3A_360 [1] : vector<128x512xf32> to vector<128xf32>
    %broadcast_in_dim3A_362 = vector.shape_cast %reduce_min3A_361 : vector<128xf32> to vector<128x1xf32>
    %eq3A_363 = vector.broadcast %broadcast_in_dim3A_362 : vector<128x1xf32> to vector<128x512xf32>
    %eq3A_364 = arith.cmpf oeq, %select_n3A_359, %eq3A_363 : vector<128x512xf32>
    %jit3A_365 = arith.constant 512 : i32
    %broadcast_in_dim3A_366 = vector.broadcast %jit3A_365 : i32 to vector<128x512xi32>
    %select_n3A_367 = arith.select %eq3A_364, %iota3A, %broadcast_in_dim3A_366 : vector<128x512xi1>, vector<128x512xi32>
    %reduce_min3A_368 = arith.constant dense<2147483647> : vector<128xi32>
    %reduce_min3A_369 = vector.multi_reduction <minsi>, %select_n3A_367, %reduce_min3A_368 [1] : vector<128x512xi32> to vector<128xi32>
    %broadcast_in_dim3A_370 = vector.shape_cast %reduce_min3A_369 : vector<128xi32> to vector<128x1xi32>
    %add3A_371 = vector.broadcast %mul3A_41 : i32 to vector<128x1xi32>
    %add3A_372 = arith.addi %broadcast_in_dim3A_370, %add3A_371 : vector<128x1xi32>
    %reshape3A_373 = vector.shape_cast %add3A_372 : vector<128x1xi32> to vector<128xi32>
    %swap3A_374 = arith.constant 0 : index
    %swap3A_375 = arith.constant 13 : index
    %swap3A_376 = arith.constant 0 : index
    %swap3A_377 = vector.load %arg7[%swap3A_374, %swap3A_375, %swap3A_376] : memref<1x16x128xi32, #tpu.memory_space<vmem>>, vector<1x1x128xi32>
    %swap3A_378 = vector.shape_cast %swap3A_377 : vector<1x1x128xi32> to vector<128xi32>
    %swap3A_379 = vector.shape_cast %reshape3A_373 : vector<128xi32> to vector<1x1x128xi32>
    tpu.vector_store %arg7[%swap3A_374, %swap3A_375, %swap3A_376], %swap3A_379 {strides = array<i32>} : memref<1x16x128xi32, #tpu.memory_space<vmem>>, vector<1x1x128xi32>,
    %eq3A_380 = vector.broadcast %broadcast_in_dim3A_370 : vector<128x1xi32> to vector<128x512xi32>
    %eq3A_381 = arith.cmpi eq, %iota3A, %eq3A_380 : vector<128x512xi32>
    %jit3A_382 = arith.constant 0x7F800000 : f32
    %broadcast_in_dim3A_383 = vector.broadcast %jit3A_382 : f32 to vector<128x512xf32>
    %select_n3A_384 = arith.select %eq3A_381, %broadcast_in_dim3A_383, %select_n3A_359 : vector<128x512xi1>, vector<128x512xf32>
    %reduce_min3A_385 = arith.constant dense<0x7F800000> : vector<128xf32>
    %reduce_min3A_386 = vector.multi_reduction <minimumf>, %select_n3A_384, %reduce_min3A_385 [1] : vector<128x512xf32> to vector<128xf32>
    %broadcast_in_dim3A_387 = vector.shape_cast %reduce_min3A_386 : vector<128xf32> to vector<128x1xf32>
    %eq3A_388 = vector.broadcast %broadcast_in_dim3A_387 : vector<128x1xf32> to vector<128x512xf32>
    %eq3A_389 = arith.cmpf oeq, %select_n3A_384, %eq3A_388 : vector<128x512xf32>
    %jit3A_390 = arith.constant 512 : i32
    %broadcast_in_dim3A_391 = vector.broadcast %jit3A_390 : i32 to vector<128x512xi32>
    %select_n3A_392 = arith.select %eq3A_389, %iota3A, %broadcast_in_dim3A_391 : vector<128x512xi1>, vector<128x512xi32>
    %reduce_min3A_393 = arith.constant dense<2147483647> : vector<128xi32>
    %reduce_min3A_394 = vector.multi_reduction <minsi>, %select_n3A_392, %reduce_min3A_393 [1] : vector<128x512xi32> to vector<128xi32>
    %broadcast_in_dim3A_395 = vector.shape_cast %reduce_min3A_394 : vector<128xi32> to vector<128x1xi32>
    %add3A_396 = vector.broadcast %mul3A_41 : i32 to vector<128x1xi32>
    %add3A_397 = arith.addi %broadcast_in_dim3A_395, %add3A_396 : vector<128x1xi32>
    %reshape3A_398 = vector.shape_cast %add3A_397 : vector<128x1xi32> to vector<128xi32>
    %swap3A_399 = arith.constant 0 : index
    %swap3A_400 = arith.constant 14 : index
    %swap3A_401 = arith.constant 0 : index
    %swap3A_402 = vector.load %arg7[%swap3A_399, %swap3A_400, %swap3A_401] : memref<1x16x128xi32, #tpu.memory_space<vmem>>, vector<1x1x128xi32>
    %swap3A_403 = vector.shape_cast %swap3A_402 : vector<1x1x128xi32> to vector<128xi32>
    %swap3A_404 = vector.shape_cast %reshape3A_398 : vector<128xi32> to vector<1x1x128xi32>
    tpu.vector_store %arg7[%swap3A_399, %swap3A_400, %swap3A_401], %swap3A_404 {strides = array<i32>} : memref<1x16x128xi32, #tpu.memory_space<vmem>>, vector<1x1x128xi32>,
    %eq3A_405 = vector.broadcast %broadcast_in_dim3A_395 : vector<128x1xi32> to vector<128x512xi32>
    %eq3A_406 = arith.cmpi eq, %iota3A, %eq3A_405 : vector<128x512xi32>
    %jit3A_407 = arith.constant 0x7F800000 : f32
    %broadcast_in_dim3A_408 = vector.broadcast %jit3A_407 : f32 to vector<128x512xf32>
    %select_n3A_409 = arith.select %eq3A_406, %broadcast_in_dim3A_408, %select_n3A_384 : vector<128x512xi1>, vector<128x512xf32>
    %reduce_min3A_410 = arith.constant dense<0x7F800000> : vector<128xf32>
    %reduce_min3A_411 = vector.multi_reduction <minimumf>, %select_n3A_409, %reduce_min3A_410 [1] : vector<128x512xf32> to vector<128xf32>
    %broadcast_in_dim3A_412 = vector.shape_cast %reduce_min3A_411 : vector<128xf32> to vector<128x1xf32>
    %eq3A_413 = vector.broadcast %broadcast_in_dim3A_412 : vector<128x1xf32> to vector<128x512xf32>
    %eq3A_414 = arith.cmpf oeq, %select_n3A_409, %eq3A_413 : vector<128x512xf32>
    %jit3A_415 = arith.constant 512 : i32
    %broadcast_in_dim3A_416 = vector.broadcast %jit3A_415 : i32 to vector<128x512xi32>
    %select_n3A_417 = arith.select %eq3A_414, %iota3A, %broadcast_in_dim3A_416 : vector<128x512xi1>, vector<128x512xi32>
    %reduce_min3A_418 = arith.constant dense<2147483647> : vector<128xi32>
    %reduce_min3A_419 = vector.multi_reduction <minsi>, %select_n3A_417, %reduce_min3A_418 [1] : vector<128x512xi32> to vector<128xi32>
    %broadcast_in_dim3A_420 = vector.shape_cast %reduce_min3A_419 : vector<128xi32> to vector<128x1xi32>
    %add3A_421 = vector.broadcast %mul3A_41 : i32 to vector<128x1xi32>
    %add3A_422 = arith.addi %broadcast_in_dim3A_420, %add3A_421 : vector<128x1xi32>
    %reshape3A_423 = vector.shape_cast %add3A_422 : vector<128x1xi32> to vector<128xi32>
    %swap3A_424 = arith.constant 0 : index
    %swap3A_425 = arith.constant 15 : index
    %swap3A_426 = arith.constant 0 : index
    %swap3A_427 = vector.load %arg7[%swap3A_424, %swap3A_425, %swap3A_426] : memref<1x16x128xi32, #tpu.memory_space<vmem>>, vector<1x1x128xi32>
    %swap3A_428 = vector.shape_cast %swap3A_427 : vector<1x1x128xi32> to vector<128xi32>
    %swap3A_429 = vector.shape_cast %reshape3A_423 : vector<128xi32> to vector<1x1x128xi32>
    tpu.vector_store %arg7[%swap3A_424, %swap3A_425, %swap3A_426], %swap3A_429 {strides = array<i32>} : memref<1x16x128xi32, #tpu.memory_space<vmem>>, vector<1x1x128xi32>,
    return
  }
  func.func @transform_0(%arg0: i32) -> (i32, i32, i32) {
    %c0_i32 = arith.constant 0 : i32
    %c0_i32_0 = arith.constant 0 : i32
    %c0_i32_1 = arith.constant 0 : i32
    return %arg0, %c0_i32, %c0_i32_0 : i32, i32, i32
  }
  func.func @transform_1(%arg0: i32) -> (i32, i32, i32) {
    %c0_i32 = arith.constant 0 : i32
    %c0_i32_0 = arith.constant 0 : i32
    %c0_i32_1 = arith.constant 0 : i32
    return %arg0, %c0_i32, %c0_i32_0 : i32, i32, i32
  }
  func.func @transform_2(%arg0: i32) -> (i32, i32, i32) {
    %c0_i32 = arith.constant 0 : i32
    %c0_i32_0 = arith.constant 0 : i32
    %c0_i32_1 = arith.constant 0 : i32
    return %arg0, %c0_i32, %c0_i32_0 : i32, i32, i32
  }
  func.func @transform_3(%arg0: i32) -> (i32, i32, i32) {
    %c0_i32 = arith.constant 0 : i32
    %c0_i32_0 = arith.constant 0 : i32
    %c0_i32_1 = arith.constant 0 : i32
    return %arg0, %c0_i32, %c0_i32_0 : i32, i32, i32
  }
  func.func @transform_4(%arg0: i32) -> (i32, i32, i32) {
    %c0_i32 = arith.constant 0 : i32
    %c0_i32_0 = arith.constant 0 : i32
    %c0_i32_1 = arith.constant 0 : i32
    return %arg0, %c0_i32, %c0_i32_0 : i32, i32, i32
  }
  func.func @transform_5(%arg0: i32) -> (i32, i32, i32) {
    %c0_i32 = arith.constant 0 : i32
    %c0_i32_0 = arith.constant 0 : i32
    %c0_i32_1 = arith.constant 0 : i32
    return %arg0, %c0_i32, %c0_i32_0 : i32, i32, i32
  }
  func.func @transform_6(%arg0: i32) -> (i32, i32, i32) {
    %c0_i32 = arith.constant 0 : i32
    %c0_i32_0 = arith.constant 0 : i32
    %c0_i32_1 = arith.constant 0 : i32
    return %arg0, %c0_i32, %c0_i32_0 : i32, i32, i32
  }
}

module attributes {stable_mosaic.version = 14 : i64} {
  func.func @_tattn_body(%arg0: i32, %arg1: memref<1x8192x80xf32, #tpu.memory_space<vmem>>, %arg2: memref<1x512x64xf32, #tpu.memory_space<vmem>>, %arg3: memref<1x512x64xf32, #tpu.memory_space<vmem>>, %arg4: memref<1x512x128xf32, #tpu.memory_space<vmem>>, %arg5: memref<1x512x1xf32, #tpu.memory_space<vmem>>, %arg6: memref<1x512x1xf32, #tpu.memory_space<vmem>>, %arg7: memref<1x512x1xf32, #tpu.memory_space<vmem>>, %arg8: memref<3x64xf32, #tpu.memory_space<vmem>>, %arg9: memref<1x64xf32, #tpu.memory_space<vmem>>, %arg10: memref<64x64xf32, #tpu.memory_space<vmem>>, %arg11: memref<1x64xf32, #tpu.memory_space<vmem>>, %arg12: memref<64x256xf32, #tpu.memory_space<vmem>>, %arg13: memref<1x256xf32, #tpu.memory_space<vmem>>, %arg14: memref<256x64xf32, #tpu.memory_space<vmem>>, %arg15: memref<1x64xf32, #tpu.memory_space<vmem>>, %arg16: memref<64x128xf32, #tpu.memory_space<vmem>>, %arg17: memref<1x128xf32, #tpu.memory_space<vmem>>, %arg18: memref<1x512x128xf32, #tpu.memory_space<vmem>>) attributes {dimension_semantics = [#tpu.dimension_semantics<parallel>], iteration_bounds = array<i64: 16>, scalar_prefetch = 0 : i64, scratch_operands = 0 : i64, tpu.core_type = #tpu.core_type<tc>, window_params = [{transform_indices = @transform_0, window_bounds = array<i64: 1, 8192, 80>}, {transform_indices = @transform_1, window_bounds = array<i64: 1, 512, 64>}, {transform_indices = @transform_2, window_bounds = array<i64: 1, 512, 64>}, {transform_indices = @transform_3, window_bounds = array<i64: 1, 512, 128>}, {transform_indices = @transform_4, window_bounds = array<i64: 1, 512, 1>}, {transform_indices = @transform_5, window_bounds = array<i64: 1, 512, 1>}, {transform_indices = @transform_6, window_bounds = array<i64: 1, 512, 1>}, {pipeline_mode = #tpu.pipeline_mode<synchronous>, transform_indices = @transform_7, window_bounds = array<i64: 3, 64>}, {pipeline_mode = #tpu.pipeline_mode<synchronous>, transform_indices = @transform_8, window_bounds = array<i64: 1, 64>}, {pipeline_mode = #tpu.pipeline_mode<synchronous>, transform_indices = @transform_9, window_bounds = array<i64: 64, 64>}, {pipeline_mode = #tpu.pipeline_mode<synchronous>, transform_indices = @transform_10, window_bounds = array<i64: 1, 64>}, {pipeline_mode = #tpu.pipeline_mode<synchronous>, transform_indices = @transform_11, window_bounds = array<i64: 64, 256>}, {pipeline_mode = #tpu.pipeline_mode<synchronous>, transform_indices = @transform_12, window_bounds = array<i64: 1, 256>}, {pipeline_mode = #tpu.pipeline_mode<synchronous>, transform_indices = @transform_13, window_bounds = array<i64: 256, 64>}, {pipeline_mode = #tpu.pipeline_mode<synchronous>, transform_indices = @transform_14, window_bounds = array<i64: 1, 64>}, {pipeline_mode = #tpu.pipeline_mode<synchronous>, transform_indices = @transform_15, window_bounds = array<i64: 64, 128>}, {pipeline_mode = #tpu.pipeline_mode<synchronous>, transform_indices = @transform_16, window_bounds = array<i64: 1, 128>}, {transform_indices = @transform_17, window_bounds = array<i64: 1, 512, 128>}]} {
    %get3A = arith.constant 0 : index
    %get3A_0 = arith.constant 0 : index
    %get3A_1 = arith.constant 0 : index
    %get3A_2 = vector.load %arg1[%get3A, %get3A_0, %get3A_1] : memref<1x8192x80xf32, #tpu.memory_space<vmem>>, vector<1x8192x80xf32>
    %get3A_3 = vector.shape_cast %get3A_2 : vector<1x8192x80xf32> to vector<8192x80xf32>
    %slice3A = vector.extract_strided_slice %get3A_3 {offsets = [0, 0], sizes = [8192, 64], strides = [1, 1]} : vector<8192x80xf32> to vector<8192x64xf32>
    %slice3A_4 = vector.extract_strided_slice %get3A_3 {offsets = [0, 64], sizes = [8192, 1], strides = [1, 1]} : vector<8192x80xf32> to vector<8192x1xf32>
    %slice3A_5 = vector.extract_strided_slice %get3A_3 {offsets = [0, 65], sizes = [8192, 1], strides = [1, 1]} : vector<8192x80xf32> to vector<8192x1xf32>
    %slice3A_6 = vector.extract_strided_slice %get3A_3 {offsets = [0, 66], sizes = [8192, 1], strides = [1, 1]} : vector<8192x80xf32> to vector<8192x1xf32>
    %get3A_7 = arith.constant 0 : index
    %get3A_8 = arith.constant 0 : index
    %get3A_9 = arith.constant 0 : index
    %get3A_10 = vector.load %arg2[%get3A_7, %get3A_8, %get3A_9] : memref<1x512x64xf32, #tpu.memory_space<vmem>>, vector<1x512x64xf32>
    %get3A_11 = vector.shape_cast %get3A_10 : vector<1x512x64xf32> to vector<512x64xf32>
    %get3A_12 = arith.constant 0 : index
    %get3A_13 = arith.constant 0 : index
    %get3A_14 = arith.constant 0 : index
    %get3A_15 = vector.load %arg3[%get3A_12, %get3A_13, %get3A_14] : memref<1x512x64xf32, #tpu.memory_space<vmem>>, vector<1x512x64xf32>
    %get3A_16 = vector.shape_cast %get3A_15 : vector<1x512x64xf32> to vector<512x64xf32>
    %get3A_17 = arith.constant 0 : index
    %get3A_18 = arith.constant 0 : index
    %get3A_19 = arith.constant 0 : index
    %get3A_20 = vector.load %arg5[%get3A_17, %get3A_18, %get3A_19] : memref<1x512x1xf32, #tpu.memory_space<vmem>>, vector<1x512x1xf32>
    %get3A_21 = vector.shape_cast %get3A_20 : vector<1x512x1xf32> to vector<512x1xf32>
    %get3A_22 = arith.constant 0 : index
    %get3A_23 = arith.constant 0 : index
    %get3A_24 = arith.constant 0 : index
    %get3A_25 = vector.load %arg6[%get3A_22, %get3A_23, %get3A_24] : memref<1x512x1xf32, #tpu.memory_space<vmem>>, vector<1x512x1xf32>
    %get3A_26 = vector.shape_cast %get3A_25 : vector<1x512x1xf32> to vector<512x1xf32>
    %get3A_27 = arith.constant 0 : index
    %get3A_28 = arith.constant 0 : index
    %get3A_29 = arith.constant 0 : index
    %get3A_30 = vector.load %arg7[%get3A_27, %get3A_28, %get3A_29] : memref<1x512x1xf32, #tpu.memory_space<vmem>>, vector<1x512x1xf32>
    %get3A_31 = vector.shape_cast %get3A_30 : vector<1x512x1xf32> to vector<512x1xf32>
    %concatenate3A = tpu.concatenate %get3A_11, %get3A_11, %get3A_11, %get3A_11, %get3A_11, %get3A_11, %get3A_11, %get3A_11, %get3A_11, %get3A_11, %get3A_11, %get3A_11, %get3A_11, %get3A_11, %get3A_11, %get3A_11 in 0 : vector<512x64xf32>, vector<512x64xf32>, vector<512x64xf32>, vector<512x64xf32>, vector<512x64xf32>, vector<512x64xf32>, vector<512x64xf32>, vector<512x64xf32>, vector<512x64xf32>, vector<512x64xf32>, vector<512x64xf32>, vector<512x64xf32>, vector<512x64xf32>, vector<512x64xf32>, vector<512x64xf32>, vector<512x64xf32> -> vector<8192x64xf32>
    %concatenate3A_32 = tpu.concatenate %get3A_21, %get3A_21, %get3A_21, %get3A_21, %get3A_21, %get3A_21, %get3A_21, %get3A_21, %get3A_21, %get3A_21, %get3A_21, %get3A_21, %get3A_21, %get3A_21, %get3A_21, %get3A_21 in 0 : vector<512x1xf32>, vector<512x1xf32>, vector<512x1xf32>, vector<512x1xf32>, vector<512x1xf32>, vector<512x1xf32>, vector<512x1xf32>, vector<512x1xf32>, vector<512x1xf32>, vector<512x1xf32>, vector<512x1xf32>, vector<512x1xf32>, vector<512x1xf32>, vector<512x1xf32>, vector<512x1xf32>, vector<512x1xf32> -> vector<8192x1xf32>
    %concatenate3A_33 = tpu.concatenate %get3A_26, %get3A_26, %get3A_26, %get3A_26, %get3A_26, %get3A_26, %get3A_26, %get3A_26, %get3A_26, %get3A_26, %get3A_26, %get3A_26, %get3A_26, %get3A_26, %get3A_26, %get3A_26 in 0 : vector<512x1xf32>, vector<512x1xf32>, vector<512x1xf32>, vector<512x1xf32>, vector<512x1xf32>, vector<512x1xf32>, vector<512x1xf32>, vector<512x1xf32>, vector<512x1xf32>, vector<512x1xf32>, vector<512x1xf32>, vector<512x1xf32>, vector<512x1xf32>, vector<512x1xf32>, vector<512x1xf32>, vector<512x1xf32> -> vector<8192x1xf32>
    %concatenate3A_34 = tpu.concatenate %get3A_31, %get3A_31, %get3A_31, %get3A_31, %get3A_31, %get3A_31, %get3A_31, %get3A_31, %get3A_31, %get3A_31, %get3A_31, %get3A_31, %get3A_31, %get3A_31, %get3A_31, %get3A_31 in 0 : vector<512x1xf32>, vector<512x1xf32>, vector<512x1xf32>, vector<512x1xf32>, vector<512x1xf32>, vector<512x1xf32>, vector<512x1xf32>, vector<512x1xf32>, vector<512x1xf32>, vector<512x1xf32>, vector<512x1xf32>, vector<512x1xf32>, vector<512x1xf32>, vector<512x1xf32>, vector<512x1xf32>, vector<512x1xf32> -> vector<8192x1xf32>
    %sub3A = arith.subf %concatenate3A_32, %slice3A_4 : vector<8192x1xf32>
    %sub3A_35 = arith.subf %concatenate3A_33, %slice3A_5 : vector<8192x1xf32>
    %sub3A_36 = arith.subf %concatenate3A_34, %slice3A_6 : vector<8192x1xf32>
    %concatenate3A_37 = tpu.concatenate %sub3A, %sub3A_35, %sub3A_36 in 1 : vector<8192x1xf32>, vector<8192x1xf32>, vector<8192x1xf32> -> vector<8192x3xf32>
    %get3A_38 = arith.constant 0 : index
    %get3A_39 = arith.constant 0 : index
    %get3A_40 = vector.load %arg8[%get3A_38, %get3A_39] : memref<3x64xf32, #tpu.memory_space<vmem>>, vector<3x64xf32>
    %dot_general3A = arith.constant dense<0.000000e+00> : vector<8192x64xf32>
    %dot_general3A_41 = tpu.matmul %concatenate3A_37, %get3A_40, %dot_general3A {dimension_numbers = #tpu.dot_dimension_numbers<[1], [0], [0], [1], [0, 0, 1, 1], [], []>, transpose_lhs_hint = false} : vector<8192x3xf32>, vector<3x64xf32>, vector<8192x64xf32> -> vector<8192x64xf32>
    %get3A_42 = arith.constant 0 : index
    %get3A_43 = arith.constant 0 : index
    %get3A_44 = vector.load %arg9[%get3A_42, %get3A_43] : memref<1x64xf32, #tpu.memory_space<vmem>>, vector<1x64xf32>
    %add3A = vector.broadcast %get3A_44 : vector<1x64xf32> to vector<8192x64xf32>
    %add3A_45 = arith.addf %dot_general3A_41, %add3A : vector<8192x64xf32>
    %max3A = arith.constant 0.000000e+00 : f32
    %max3A_46 = vector.broadcast %max3A : f32 to vector<8192x64xf32>
    %max3A_47 = arith.maximumf %add3A_45, %max3A_46 : vector<8192x64xf32>
    %get3A_48 = arith.constant 0 : index
    %get3A_49 = arith.constant 0 : index
    %get3A_50 = vector.load %arg10[%get3A_48, %get3A_49] : memref<64x64xf32, #tpu.memory_space<vmem>>, vector<64x64xf32>
    %dot_general3A_51 = arith.constant dense<0.000000e+00> : vector<8192x64xf32>
    %dot_general3A_52 = tpu.matmul %max3A_47, %get3A_50, %dot_general3A_51 {dimension_numbers = #tpu.dot_dimension_numbers<[1], [0], [0], [1], [0, 0, 1, 1], [], []>, transpose_lhs_hint = false} : vector<8192x64xf32>, vector<64x64xf32>, vector<8192x64xf32> -> vector<8192x64xf32>
    %get3A_53 = arith.constant 0 : index
    %get3A_54 = arith.constant 0 : index
    %get3A_55 = vector.load %arg11[%get3A_53, %get3A_54] : memref<1x64xf32, #tpu.memory_space<vmem>>, vector<1x64xf32>
    %add3A_56 = vector.broadcast %get3A_55 : vector<1x64xf32> to vector<8192x64xf32>
    %add3A_57 = arith.addf %dot_general3A_52, %add3A_56 : vector<8192x64xf32>
    %sub3A_58 = arith.subf %concatenate3A, %slice3A : vector<8192x64xf32>
    %add3A_59 = arith.addf %sub3A_58, %add3A_57 : vector<8192x64xf32>
    %get3A_60 = arith.constant 0 : index
    %get3A_61 = arith.constant 0 : index
    %get3A_62 = vector.load %arg12[%get3A_60, %get3A_61] : memref<64x256xf32, #tpu.memory_space<vmem>>, vector<64x256xf32>
    %dot_general3A_63 = arith.constant dense<0.000000e+00> : vector<8192x256xf32>
    %dot_general3A_64 = tpu.matmul %add3A_59, %get3A_62, %dot_general3A_63 {dimension_numbers = #tpu.dot_dimension_numbers<[1], [0], [0], [1], [0, 0, 1, 1], [], []>, transpose_lhs_hint = false} : vector<8192x64xf32>, vector<64x256xf32>, vector<8192x256xf32> -> vector<8192x256xf32>
    %get3A_65 = arith.constant 0 : index
    %get3A_66 = arith.constant 0 : index
    %get3A_67 = vector.load %arg13[%get3A_65, %get3A_66] : memref<1x256xf32, #tpu.memory_space<vmem>>, vector<1x256xf32>
    %add3A_68 = vector.broadcast %get3A_67 : vector<1x256xf32> to vector<8192x256xf32>
    %add3A_69 = arith.addf %dot_general3A_64, %add3A_68 : vector<8192x256xf32>
    %max3A_70 = arith.constant 0.000000e+00 : f32
    %max3A_71 = vector.broadcast %max3A_70 : f32 to vector<8192x256xf32>
    %max3A_72 = arith.maximumf %add3A_69, %max3A_71 : vector<8192x256xf32>
    %get3A_73 = arith.constant 0 : index
    %get3A_74 = arith.constant 0 : index
    %get3A_75 = vector.load %arg14[%get3A_73, %get3A_74] : memref<256x64xf32, #tpu.memory_space<vmem>>, vector<256x64xf32>
    %dot_general3A_76 = arith.constant dense<0.000000e+00> : vector<8192x64xf32>
    %dot_general3A_77 = tpu.matmul %max3A_72, %get3A_75, %dot_general3A_76 {dimension_numbers = #tpu.dot_dimension_numbers<[1], [0], [0], [1], [0, 0, 1, 1], [], []>, transpose_lhs_hint = false} : vector<8192x256xf32>, vector<256x64xf32>, vector<8192x64xf32> -> vector<8192x64xf32>
    %get3A_78 = arith.constant 0 : index
    %get3A_79 = arith.constant 0 : index
    %get3A_80 = vector.load %arg15[%get3A_78, %get3A_79] : memref<1x64xf32, #tpu.memory_space<vmem>>, vector<1x64xf32>
    %add3A_81 = vector.broadcast %get3A_80 : vector<1x64xf32> to vector<8192x64xf32>
    %add3A_82 = arith.addf %dot_general3A_77, %add3A_81 : vector<8192x64xf32>
    %slice3A_83 = vector.extract_strided_slice %add3A_82 {offsets = [0, 0], sizes = [512, 64], strides = [1, 1]} : vector<8192x64xf32> to vector<512x64xf32>
    %slice3A_84 = vector.extract_strided_slice %add3A_82 {offsets = [512, 0], sizes = [512, 64], strides = [1, 1]} : vector<8192x64xf32> to vector<512x64xf32>
    %max3A_85 = arith.maximumf %slice3A_83, %slice3A_84 : vector<512x64xf32>
    %slice3A_86 = vector.extract_strided_slice %add3A_82 {offsets = [1024, 0], sizes = [512, 64], strides = [1, 1]} : vector<8192x64xf32> to vector<512x64xf32>
    %max3A_87 = arith.maximumf %max3A_85, %slice3A_86 : vector<512x64xf32>
    %slice3A_88 = vector.extract_strided_slice %add3A_82 {offsets = [1536, 0], sizes = [512, 64], strides = [1, 1]} : vector<8192x64xf32> to vector<512x64xf32>
    %max3A_89 = arith.maximumf %max3A_87, %slice3A_88 : vector<512x64xf32>
    %slice3A_90 = vector.extract_strided_slice %add3A_82 {offsets = [2048, 0], sizes = [512, 64], strides = [1, 1]} : vector<8192x64xf32> to vector<512x64xf32>
    %max3A_91 = arith.maximumf %max3A_89, %slice3A_90 : vector<512x64xf32>
    %slice3A_92 = vector.extract_strided_slice %add3A_82 {offsets = [2560, 0], sizes = [512, 64], strides = [1, 1]} : vector<8192x64xf32> to vector<512x64xf32>
    %max3A_93 = arith.maximumf %max3A_91, %slice3A_92 : vector<512x64xf32>
    %slice3A_94 = vector.extract_strided_slice %add3A_82 {offsets = [3072, 0], sizes = [512, 64], strides = [1, 1]} : vector<8192x64xf32> to vector<512x64xf32>
    %max3A_95 = arith.maximumf %max3A_93, %slice3A_94 : vector<512x64xf32>
    %slice3A_96 = vector.extract_strided_slice %add3A_82 {offsets = [3584, 0], sizes = [512, 64], strides = [1, 1]} : vector<8192x64xf32> to vector<512x64xf32>
    %max3A_97 = arith.maximumf %max3A_95, %slice3A_96 : vector<512x64xf32>
    %slice3A_98 = vector.extract_strided_slice %add3A_82 {offsets = [4096, 0], sizes = [512, 64], strides = [1, 1]} : vector<8192x64xf32> to vector<512x64xf32>
    %max3A_99 = arith.maximumf %max3A_97, %slice3A_98 : vector<512x64xf32>
    %slice3A_100 = vector.extract_strided_slice %add3A_82 {offsets = [4608, 0], sizes = [512, 64], strides = [1, 1]} : vector<8192x64xf32> to vector<512x64xf32>
    %max3A_101 = arith.maximumf %max3A_99, %slice3A_100 : vector<512x64xf32>
    %slice3A_102 = vector.extract_strided_slice %add3A_82 {offsets = [5120, 0], sizes = [512, 64], strides = [1, 1]} : vector<8192x64xf32> to vector<512x64xf32>
    %max3A_103 = arith.maximumf %max3A_101, %slice3A_102 : vector<512x64xf32>
    %slice3A_104 = vector.extract_strided_slice %add3A_82 {offsets = [5632, 0], sizes = [512, 64], strides = [1, 1]} : vector<8192x64xf32> to vector<512x64xf32>
    %max3A_105 = arith.maximumf %max3A_103, %slice3A_104 : vector<512x64xf32>
    %slice3A_106 = vector.extract_strided_slice %add3A_82 {offsets = [6144, 0], sizes = [512, 64], strides = [1, 1]} : vector<8192x64xf32> to vector<512x64xf32>
    %max3A_107 = arith.maximumf %max3A_105, %slice3A_106 : vector<512x64xf32>
    %slice3A_108 = vector.extract_strided_slice %add3A_82 {offsets = [6656, 0], sizes = [512, 64], strides = [1, 1]} : vector<8192x64xf32> to vector<512x64xf32>
    %max3A_109 = arith.maximumf %max3A_107, %slice3A_108 : vector<512x64xf32>
    %slice3A_110 = vector.extract_strided_slice %add3A_82 {offsets = [7168, 0], sizes = [512, 64], strides = [1, 1]} : vector<8192x64xf32> to vector<512x64xf32>
    %max3A_111 = arith.maximumf %max3A_109, %slice3A_110 : vector<512x64xf32>
    %slice3A_112 = vector.extract_strided_slice %add3A_82 {offsets = [7680, 0], sizes = [512, 64], strides = [1, 1]} : vector<8192x64xf32> to vector<512x64xf32>
    %max3A_113 = arith.maximumf %max3A_111, %slice3A_112 : vector<512x64xf32>
    %broadcast_in_dim3A = arith.constant 0.000000e+00 : f32
    %broadcast_in_dim3A_114 = vector.broadcast %broadcast_in_dim3A : f32 to vector<512x64xf32>
    %broadcast_in_dim3A_115 = arith.constant 0.000000e+00 : f32
    %broadcast_in_dim3A_116 = vector.broadcast %broadcast_in_dim3A_115 : f32 to vector<512x64xf32>
    %slice3A_117 = vector.extract_strided_slice %add3A_82 {offsets = [0, 0], sizes = [512, 64], strides = [1, 1]} : vector<8192x64xf32> to vector<512x64xf32>
    %sub3A_118 = arith.subf %slice3A_117, %max3A_113 : vector<512x64xf32>
    %exp3A = math.exp %sub3A_118 : vector<512x64xf32>
    %add3A_119 = arith.addf %broadcast_in_dim3A_114, %exp3A : vector<512x64xf32>
    %slice3A_120 = vector.extract_strided_slice %add3A_57 {offsets = [0, 0], sizes = [512, 64], strides = [1, 1]} : vector<8192x64xf32> to vector<512x64xf32>
    %add3A_121 = arith.addf %get3A_16, %slice3A_120 : vector<512x64xf32>
    %mul3A = arith.mulf %exp3A, %add3A_121 : vector<512x64xf32>
    %add3A_122 = arith.addf %broadcast_in_dim3A_116, %mul3A : vector<512x64xf32>
    %slice3A_123 = vector.extract_strided_slice %add3A_82 {offsets = [512, 0], sizes = [512, 64], strides = [1, 1]} : vector<8192x64xf32> to vector<512x64xf32>
    %sub3A_124 = arith.subf %slice3A_123, %max3A_113 : vector<512x64xf32>
    %exp3A_125 = math.exp %sub3A_124 : vector<512x64xf32>
    %add3A_126 = arith.addf %add3A_119, %exp3A_125 : vector<512x64xf32>
    %slice3A_127 = vector.extract_strided_slice %add3A_57 {offsets = [512, 0], sizes = [512, 64], strides = [1, 1]} : vector<8192x64xf32> to vector<512x64xf32>
    %add3A_128 = arith.addf %get3A_16, %slice3A_127 : vector<512x64xf32>
    %mul3A_129 = arith.mulf %exp3A_125, %add3A_128 : vector<512x64xf32>
    %add3A_130 = arith.addf %add3A_122, %mul3A_129 : vector<512x64xf32>
    %slice3A_131 = vector.extract_strided_slice %add3A_82 {offsets = [1024, 0], sizes = [512, 64], strides = [1, 1]} : vector<8192x64xf32> to vector<512x64xf32>
    %sub3A_132 = arith.subf %slice3A_131, %max3A_113 : vector<512x64xf32>
    %exp3A_133 = math.exp %sub3A_132 : vector<512x64xf32>
    %add3A_134 = arith.addf %add3A_126, %exp3A_133 : vector<512x64xf32>
    %slice3A_135 = vector.extract_strided_slice %add3A_57 {offsets = [1024, 0], sizes = [512, 64], strides = [1, 1]} : vector<8192x64xf32> to vector<512x64xf32>
    %add3A_136 = arith.addf %get3A_16, %slice3A_135 : vector<512x64xf32>
    %mul3A_137 = arith.mulf %exp3A_133, %add3A_136 : vector<512x64xf32>
    %add3A_138 = arith.addf %add3A_130, %mul3A_137 : vector<512x64xf32>
    %slice3A_139 = vector.extract_strided_slice %add3A_82 {offsets = [1536, 0], sizes = [512, 64], strides = [1, 1]} : vector<8192x64xf32> to vector<512x64xf32>
    %sub3A_140 = arith.subf %slice3A_139, %max3A_113 : vector<512x64xf32>
    %exp3A_141 = math.exp %sub3A_140 : vector<512x64xf32>
    %add3A_142 = arith.addf %add3A_134, %exp3A_141 : vector<512x64xf32>
    %slice3A_143 = vector.extract_strided_slice %add3A_57 {offsets = [1536, 0], sizes = [512, 64], strides = [1, 1]} : vector<8192x64xf32> to vector<512x64xf32>
    %add3A_144 = arith.addf %get3A_16, %slice3A_143 : vector<512x64xf32>
    %mul3A_145 = arith.mulf %exp3A_141, %add3A_144 : vector<512x64xf32>
    %add3A_146 = arith.addf %add3A_138, %mul3A_145 : vector<512x64xf32>
    %slice3A_147 = vector.extract_strided_slice %add3A_82 {offsets = [2048, 0], sizes = [512, 64], strides = [1, 1]} : vector<8192x64xf32> to vector<512x64xf32>
    %sub3A_148 = arith.subf %slice3A_147, %max3A_113 : vector<512x64xf32>
    %exp3A_149 = math.exp %sub3A_148 : vector<512x64xf32>
    %add3A_150 = arith.addf %add3A_142, %exp3A_149 : vector<512x64xf32>
    %slice3A_151 = vector.extract_strided_slice %add3A_57 {offsets = [2048, 0], sizes = [512, 64], strides = [1, 1]} : vector<8192x64xf32> to vector<512x64xf32>
    %add3A_152 = arith.addf %get3A_16, %slice3A_151 : vector<512x64xf32>
    %mul3A_153 = arith.mulf %exp3A_149, %add3A_152 : vector<512x64xf32>
    %add3A_154 = arith.addf %add3A_146, %mul3A_153 : vector<512x64xf32>
    %slice3A_155 = vector.extract_strided_slice %add3A_82 {offsets = [2560, 0], sizes = [512, 64], strides = [1, 1]} : vector<8192x64xf32> to vector<512x64xf32>
    %sub3A_156 = arith.subf %slice3A_155, %max3A_113 : vector<512x64xf32>
    %exp3A_157 = math.exp %sub3A_156 : vector<512x64xf32>
    %add3A_158 = arith.addf %add3A_150, %exp3A_157 : vector<512x64xf32>
    %slice3A_159 = vector.extract_strided_slice %add3A_57 {offsets = [2560, 0], sizes = [512, 64], strides = [1, 1]} : vector<8192x64xf32> to vector<512x64xf32>
    %add3A_160 = arith.addf %get3A_16, %slice3A_159 : vector<512x64xf32>
    %mul3A_161 = arith.mulf %exp3A_157, %add3A_160 : vector<512x64xf32>
    %add3A_162 = arith.addf %add3A_154, %mul3A_161 : vector<512x64xf32>
    %slice3A_163 = vector.extract_strided_slice %add3A_82 {offsets = [3072, 0], sizes = [512, 64], strides = [1, 1]} : vector<8192x64xf32> to vector<512x64xf32>
    %sub3A_164 = arith.subf %slice3A_163, %max3A_113 : vector<512x64xf32>
    %exp3A_165 = math.exp %sub3A_164 : vector<512x64xf32>
    %add3A_166 = arith.addf %add3A_158, %exp3A_165 : vector<512x64xf32>
    %slice3A_167 = vector.extract_strided_slice %add3A_57 {offsets = [3072, 0], sizes = [512, 64], strides = [1, 1]} : vector<8192x64xf32> to vector<512x64xf32>
    %add3A_168 = arith.addf %get3A_16, %slice3A_167 : vector<512x64xf32>
    %mul3A_169 = arith.mulf %exp3A_165, %add3A_168 : vector<512x64xf32>
    %add3A_170 = arith.addf %add3A_162, %mul3A_169 : vector<512x64xf32>
    %slice3A_171 = vector.extract_strided_slice %add3A_82 {offsets = [3584, 0], sizes = [512, 64], strides = [1, 1]} : vector<8192x64xf32> to vector<512x64xf32>
    %sub3A_172 = arith.subf %slice3A_171, %max3A_113 : vector<512x64xf32>
    %exp3A_173 = math.exp %sub3A_172 : vector<512x64xf32>
    %add3A_174 = arith.addf %add3A_166, %exp3A_173 : vector<512x64xf32>
    %slice3A_175 = vector.extract_strided_slice %add3A_57 {offsets = [3584, 0], sizes = [512, 64], strides = [1, 1]} : vector<8192x64xf32> to vector<512x64xf32>
    %add3A_176 = arith.addf %get3A_16, %slice3A_175 : vector<512x64xf32>
    %mul3A_177 = arith.mulf %exp3A_173, %add3A_176 : vector<512x64xf32>
    %add3A_178 = arith.addf %add3A_170, %mul3A_177 : vector<512x64xf32>
    %slice3A_179 = vector.extract_strided_slice %add3A_82 {offsets = [4096, 0], sizes = [512, 64], strides = [1, 1]} : vector<8192x64xf32> to vector<512x64xf32>
    %sub3A_180 = arith.subf %slice3A_179, %max3A_113 : vector<512x64xf32>
    %exp3A_181 = math.exp %sub3A_180 : vector<512x64xf32>
    %add3A_182 = arith.addf %add3A_174, %exp3A_181 : vector<512x64xf32>
    %slice3A_183 = vector.extract_strided_slice %add3A_57 {offsets = [4096, 0], sizes = [512, 64], strides = [1, 1]} : vector<8192x64xf32> to vector<512x64xf32>
    %add3A_184 = arith.addf %get3A_16, %slice3A_183 : vector<512x64xf32>
    %mul3A_185 = arith.mulf %exp3A_181, %add3A_184 : vector<512x64xf32>
    %add3A_186 = arith.addf %add3A_178, %mul3A_185 : vector<512x64xf32>
    %slice3A_187 = vector.extract_strided_slice %add3A_82 {offsets = [4608, 0], sizes = [512, 64], strides = [1, 1]} : vector<8192x64xf32> to vector<512x64xf32>
    %sub3A_188 = arith.subf %slice3A_187, %max3A_113 : vector<512x64xf32>
    %exp3A_189 = math.exp %sub3A_188 : vector<512x64xf32>
    %add3A_190 = arith.addf %add3A_182, %exp3A_189 : vector<512x64xf32>
    %slice3A_191 = vector.extract_strided_slice %add3A_57 {offsets = [4608, 0], sizes = [512, 64], strides = [1, 1]} : vector<8192x64xf32> to vector<512x64xf32>
    %add3A_192 = arith.addf %get3A_16, %slice3A_191 : vector<512x64xf32>
    %mul3A_193 = arith.mulf %exp3A_189, %add3A_192 : vector<512x64xf32>
    %add3A_194 = arith.addf %add3A_186, %mul3A_193 : vector<512x64xf32>
    %slice3A_195 = vector.extract_strided_slice %add3A_82 {offsets = [5120, 0], sizes = [512, 64], strides = [1, 1]} : vector<8192x64xf32> to vector<512x64xf32>
    %sub3A_196 = arith.subf %slice3A_195, %max3A_113 : vector<512x64xf32>
    %exp3A_197 = math.exp %sub3A_196 : vector<512x64xf32>
    %add3A_198 = arith.addf %add3A_190, %exp3A_197 : vector<512x64xf32>
    %slice3A_199 = vector.extract_strided_slice %add3A_57 {offsets = [5120, 0], sizes = [512, 64], strides = [1, 1]} : vector<8192x64xf32> to vector<512x64xf32>
    %add3A_200 = arith.addf %get3A_16, %slice3A_199 : vector<512x64xf32>
    %mul3A_201 = arith.mulf %exp3A_197, %add3A_200 : vector<512x64xf32>
    %add3A_202 = arith.addf %add3A_194, %mul3A_201 : vector<512x64xf32>
    %slice3A_203 = vector.extract_strided_slice %add3A_82 {offsets = [5632, 0], sizes = [512, 64], strides = [1, 1]} : vector<8192x64xf32> to vector<512x64xf32>
    %sub3A_204 = arith.subf %slice3A_203, %max3A_113 : vector<512x64xf32>
    %exp3A_205 = math.exp %sub3A_204 : vector<512x64xf32>
    %add3A_206 = arith.addf %add3A_198, %exp3A_205 : vector<512x64xf32>
    %slice3A_207 = vector.extract_strided_slice %add3A_57 {offsets = [5632, 0], sizes = [512, 64], strides = [1, 1]} : vector<8192x64xf32> to vector<512x64xf32>
    %add3A_208 = arith.addf %get3A_16, %slice3A_207 : vector<512x64xf32>
    %mul3A_209 = arith.mulf %exp3A_205, %add3A_208 : vector<512x64xf32>
    %add3A_210 = arith.addf %add3A_202, %mul3A_209 : vector<512x64xf32>
    %slice3A_211 = vector.extract_strided_slice %add3A_82 {offsets = [6144, 0], sizes = [512, 64], strides = [1, 1]} : vector<8192x64xf32> to vector<512x64xf32>
    %sub3A_212 = arith.subf %slice3A_211, %max3A_113 : vector<512x64xf32>
    %exp3A_213 = math.exp %sub3A_212 : vector<512x64xf32>
    %add3A_214 = arith.addf %add3A_206, %exp3A_213 : vector<512x64xf32>
    %slice3A_215 = vector.extract_strided_slice %add3A_57 {offsets = [6144, 0], sizes = [512, 64], strides = [1, 1]} : vector<8192x64xf32> to vector<512x64xf32>
    %add3A_216 = arith.addf %get3A_16, %slice3A_215 : vector<512x64xf32>
    %mul3A_217 = arith.mulf %exp3A_213, %add3A_216 : vector<512x64xf32>
    %add3A_218 = arith.addf %add3A_210, %mul3A_217 : vector<512x64xf32>
    %slice3A_219 = vector.extract_strided_slice %add3A_82 {offsets = [6656, 0], sizes = [512, 64], strides = [1, 1]} : vector<8192x64xf32> to vector<512x64xf32>
    %sub3A_220 = arith.subf %slice3A_219, %max3A_113 : vector<512x64xf32>
    %exp3A_221 = math.exp %sub3A_220 : vector<512x64xf32>
    %add3A_222 = arith.addf %add3A_214, %exp3A_221 : vector<512x64xf32>
    %slice3A_223 = vector.extract_strided_slice %add3A_57 {offsets = [6656, 0], sizes = [512, 64], strides = [1, 1]} : vector<8192x64xf32> to vector<512x64xf32>
    %add3A_224 = arith.addf %get3A_16, %slice3A_223 : vector<512x64xf32>
    %mul3A_225 = arith.mulf %exp3A_221, %add3A_224 : vector<512x64xf32>
    %add3A_226 = arith.addf %add3A_218, %mul3A_225 : vector<512x64xf32>
    %slice3A_227 = vector.extract_strided_slice %add3A_82 {offsets = [7168, 0], sizes = [512, 64], strides = [1, 1]} : vector<8192x64xf32> to vector<512x64xf32>
    %sub3A_228 = arith.subf %slice3A_227, %max3A_113 : vector<512x64xf32>
    %exp3A_229 = math.exp %sub3A_228 : vector<512x64xf32>
    %add3A_230 = arith.addf %add3A_222, %exp3A_229 : vector<512x64xf32>
    %slice3A_231 = vector.extract_strided_slice %add3A_57 {offsets = [7168, 0], sizes = [512, 64], strides = [1, 1]} : vector<8192x64xf32> to vector<512x64xf32>
    %add3A_232 = arith.addf %get3A_16, %slice3A_231 : vector<512x64xf32>
    %mul3A_233 = arith.mulf %exp3A_229, %add3A_232 : vector<512x64xf32>
    %add3A_234 = arith.addf %add3A_226, %mul3A_233 : vector<512x64xf32>
    %slice3A_235 = vector.extract_strided_slice %add3A_82 {offsets = [7680, 0], sizes = [512, 64], strides = [1, 1]} : vector<8192x64xf32> to vector<512x64xf32>
    %sub3A_236 = arith.subf %slice3A_235, %max3A_113 : vector<512x64xf32>
    %exp3A_237 = math.exp %sub3A_236 : vector<512x64xf32>
    %add3A_238 = arith.addf %add3A_230, %exp3A_237 : vector<512x64xf32>
    %slice3A_239 = vector.extract_strided_slice %add3A_57 {offsets = [7680, 0], sizes = [512, 64], strides = [1, 1]} : vector<8192x64xf32> to vector<512x64xf32>
    %add3A_240 = arith.addf %get3A_16, %slice3A_239 : vector<512x64xf32>
    %mul3A_241 = arith.mulf %exp3A_237, %add3A_240 : vector<512x64xf32>
    %add3A_242 = arith.addf %add3A_234, %mul3A_241 : vector<512x64xf32>
    %div3A = arith.divf %add3A_242, %add3A_238 : vector<512x64xf32>
    %get3A_243 = arith.constant 0 : index
    %get3A_244 = arith.constant 0 : index
    %get3A_245 = vector.load %arg16[%get3A_243, %get3A_244] : memref<64x128xf32, #tpu.memory_space<vmem>>, vector<64x128xf32>
    %dot_general3A_246 = arith.constant dense<0.000000e+00> : vector<512x128xf32>
    %dot_general3A_247 = tpu.matmul %div3A, %get3A_245, %dot_general3A_246 {dimension_numbers = #tpu.dot_dimension_numbers<[1], [0], [0], [1], [0, 0, 1, 1], [], []>, transpose_lhs_hint = false} : vector<512x64xf32>, vector<64x128xf32>, vector<512x128xf32> -> vector<512x128xf32>
    %get3A_248 = arith.constant 0 : index
    %get3A_249 = arith.constant 0 : index
    %get3A_250 = vector.load %arg17[%get3A_248, %get3A_249] : memref<1x128xf32, #tpu.memory_space<vmem>>, vector<1x128xf32>
    %add3A_251 = vector.broadcast %get3A_250 : vector<1x128xf32> to vector<512x128xf32>
    %add3A_252 = arith.addf %dot_general3A_247, %add3A_251 : vector<512x128xf32>
    %get3A_253 = arith.constant 0 : index
    %get3A_254 = arith.constant 0 : index
    %get3A_255 = arith.constant 0 : index
    %get3A_256 = vector.load %arg4[%get3A_253, %get3A_254, %get3A_255] : memref<1x512x128xf32, #tpu.memory_space<vmem>>, vector<1x512x128xf32>
    %get3A_257 = vector.shape_cast %get3A_256 : vector<1x512x128xf32> to vector<512x128xf32>
    %add3A_258 = arith.addf %add3A_252, %get3A_257 : vector<512x128xf32>
    %swap3A = arith.constant 0 : index
    %swap3A_259 = arith.constant 0 : index
    %swap3A_260 = arith.constant 0 : index
    %swap3A_261 = vector.load %arg18[%swap3A, %swap3A_259, %swap3A_260] : memref<1x512x128xf32, #tpu.memory_space<vmem>>, vector<1x512x128xf32>
    %swap3A_262 = vector.shape_cast %swap3A_261 : vector<1x512x128xf32> to vector<512x128xf32>
    %swap3A_263 = vector.shape_cast %add3A_258 : vector<512x128xf32> to vector<1x512x128xf32>
    tpu.vector_store %arg18[%swap3A, %swap3A_259, %swap3A_260], %swap3A_263 {strides = array<i32>} : memref<1x512x128xf32, #tpu.memory_space<vmem>>, vector<1x512x128xf32>,
    return
  }
  func.func @transform_0(%arg0: i32) -> (i32, i32, i32) {
    %c0_i32 = arith.constant 0 : i32
    %c0_i32_0 = arith.constant 0 : i32
    %c0_i32_1 = arith.constant 0 : i32
    return %arg0, %c0_i32, %c0_i32_0 : i32, i32, i32
  }
  func.func @transform_1(%arg0: i32) -> (i32, i32, i32) {
    %c0_i32 = arith.constant 0 : i32
    %c0_i32_0 = arith.constant 0 : i32
    %c0_i32_1 = arith.constant 0 : i32
    return %arg0, %c0_i32, %c0_i32_0 : i32, i32, i32
  }
  func.func @transform_2(%arg0: i32) -> (i32, i32, i32) {
    %c0_i32 = arith.constant 0 : i32
    %c0_i32_0 = arith.constant 0 : i32
    %c0_i32_1 = arith.constant 0 : i32
    return %arg0, %c0_i32, %c0_i32_0 : i32, i32, i32
  }
  func.func @transform_3(%arg0: i32) -> (i32, i32, i32) {
    %c0_i32 = arith.constant 0 : i32
    %c0_i32_0 = arith.constant 0 : i32
    %c0_i32_1 = arith.constant 0 : i32
    return %arg0, %c0_i32, %c0_i32_0 : i32, i32, i32
  }
  func.func @transform_4(%arg0: i32) -> (i32, i32, i32) {
    %c0_i32 = arith.constant 0 : i32
    %c0_i32_0 = arith.constant 0 : i32
    %c0_i32_1 = arith.constant 0 : i32
    return %arg0, %c0_i32, %c0_i32_0 : i32, i32, i32
  }
  func.func @transform_5(%arg0: i32) -> (i32, i32, i32) {
    %c0_i32 = arith.constant 0 : i32
    %c0_i32_0 = arith.constant 0 : i32
    %c0_i32_1 = arith.constant 0 : i32
    return %arg0, %c0_i32, %c0_i32_0 : i32, i32, i32
  }
  func.func @transform_6(%arg0: i32) -> (i32, i32, i32) {
    %c0_i32 = arith.constant 0 : i32
    %c0_i32_0 = arith.constant 0 : i32
    %c0_i32_1 = arith.constant 0 : i32
    return %arg0, %c0_i32, %c0_i32_0 : i32, i32, i32
  }
  func.func @transform_7(%arg0: i32) -> (i32, i32) {
    %c0_i32 = arith.constant 0 : i32
    %c0_i32_0 = arith.constant 0 : i32
    %c0_i32_1 = arith.constant 0 : i32
    return %c0_i32, %c0_i32_0 : i32, i32
  }
  func.func @transform_8(%arg0: i32) -> (i32, i32) {
    %c0_i32 = arith.constant 0 : i32
    %c0_i32_0 = arith.constant 0 : i32
    %c0_i32_1 = arith.constant 0 : i32
    return %c0_i32, %c0_i32_0 : i32, i32
  }
  func.func @transform_9(%arg0: i32) -> (i32, i32) {
    %c0_i32 = arith.constant 0 : i32
    %c0_i32_0 = arith.constant 0 : i32
    %c0_i32_1 = arith.constant 0 : i32
    return %c0_i32, %c0_i32_0 : i32, i32
  }
  func.func @transform_10(%arg0: i32) -> (i32, i32) {
    %c0_i32 = arith.constant 0 : i32
    %c0_i32_0 = arith.constant 0 : i32
    %c0_i32_1 = arith.constant 0 : i32
    return %c0_i32, %c0_i32_0 : i32, i32
  }
  func.func @transform_11(%arg0: i32) -> (i32, i32) {
    %c0_i32 = arith.constant 0 : i32
    %c0_i32_0 = arith.constant 0 : i32
    %c0_i32_1 = arith.constant 0 : i32
    return %c0_i32, %c0_i32_0 : i32, i32
  }
  func.func @transform_12(%arg0: i32) -> (i32, i32) {
    %c0_i32 = arith.constant 0 : i32
    %c0_i32_0 = arith.constant 0 : i32
    %c0_i32_1 = arith.constant 0 : i32
    return %c0_i32, %c0_i32_0 : i32, i32
  }
  func.func @transform_13(%arg0: i32) -> (i32, i32) {
    %c0_i32 = arith.constant 0 : i32
    %c0_i32_0 = arith.constant 0 : i32
    %c0_i32_1 = arith.constant 0 : i32
    return %c0_i32, %c0_i32_0 : i32, i32
  }
  func.func @transform_14(%arg0: i32) -> (i32, i32) {
    %c0_i32 = arith.constant 0 : i32
    %c0_i32_0 = arith.constant 0 : i32
    %c0_i32_1 = arith.constant 0 : i32
    return %c0_i32, %c0_i32_0 : i32, i32
  }
  func.func @transform_15(%arg0: i32) -> (i32, i32) {
    %c0_i32 = arith.constant 0 : i32
    %c0_i32_0 = arith.constant 0 : i32
    %c0_i32_1 = arith.constant 0 : i32
    return %c0_i32, %c0_i32_0 : i32, i32
  }
  func.func @transform_16(%arg0: i32) -> (i32, i32) {
    %c0_i32 = arith.constant 0 : i32
    %c0_i32_0 = arith.constant 0 : i32
    %c0_i32_1 = arith.constant 0 : i32
    return %c0_i32, %c0_i32_0 : i32, i32
  }
  func.func @transform_17(%arg0: i32) -> (i32, i32, i32) {
    %c0_i32 = arith.constant 0 : i32
    %c0_i32_0 = arith.constant 0 : i32
    %c0_i32_1 = arith.constant 0 : i32
    return %arg0, %c0_i32, %c0_i32_0 : i32, i32, i32
  }
}

module attributes {stable_mosaic.version = 14 : i64} {
  func.func @_knn_body(%arg0: i32, %arg1: memref<1x128x1xf32, #tpu.memory_space<vmem>>, %arg2: memref<1x128x1xf32, #tpu.memory_space<vmem>>, %arg3: memref<1x128x1xf32, #tpu.memory_space<vmem>>, %arg4: memref<1x1x128xf32, #tpu.memory_space<vmem>>, %arg5: memref<1x1x128xf32, #tpu.memory_space<vmem>>, %arg6: memref<1x1x128xf32, #tpu.memory_space<vmem>>, %arg7: memref<1x16x128xi32, #tpu.memory_space<vmem>>) attributes {dimension_semantics = [#tpu.dimension_semantics<parallel>], iteration_bounds = array<i64: 16>, scalar_prefetch = 0 : i64, scratch_operands = 0 : i64, tpu.core_type = #tpu.core_type<tc>, window_params = [{transform_indices = @transform_0, window_bounds = array<i64: 1, 128, 1>}, {transform_indices = @transform_1, window_bounds = array<i64: 1, 128, 1>}, {transform_indices = @transform_2, window_bounds = array<i64: 1, 128, 1>}, {transform_indices = @transform_3, window_bounds = array<i64: 1, 1, 128>}, {transform_indices = @transform_4, window_bounds = array<i64: 1, 1, 128>}, {transform_indices = @transform_5, window_bounds = array<i64: 1, 1, 128>}, {transform_indices = @transform_6, window_bounds = array<i64: 1, 16, 128>}]} {
    %get3A = arith.constant 0 : index
    %get3A_0 = arith.constant 0 : index
    %get3A_1 = arith.constant 0 : index
    %get3A_2 = vector.load %arg1[%get3A, %get3A_0, %get3A_1] : memref<1x128x1xf32, #tpu.memory_space<vmem>>, vector<1x128x1xf32>
    %get3A_3 = vector.shape_cast %get3A_2 : vector<1x128x1xf32> to vector<128x1xf32>
    %get3A_4 = arith.constant 0 : index
    %get3A_5 = arith.constant 0 : index
    %get3A_6 = arith.constant 0 : index
    %get3A_7 = vector.load %arg2[%get3A_4, %get3A_5, %get3A_6] : memref<1x128x1xf32, #tpu.memory_space<vmem>>, vector<1x128x1xf32>
    %get3A_8 = vector.shape_cast %get3A_7 : vector<1x128x1xf32> to vector<128x1xf32>
    %get3A_9 = arith.constant 0 : index
    %get3A_10 = arith.constant 0 : index
    %get3A_11 = arith.constant 0 : index
    %get3A_12 = vector.load %arg3[%get3A_9, %get3A_10, %get3A_11] : memref<1x128x1xf32, #tpu.memory_space<vmem>>, vector<1x128x1xf32>
    %get3A_13 = vector.shape_cast %get3A_12 : vector<1x128x1xf32> to vector<128x1xf32>
    %get3A_14 = arith.constant 0 : index
    %get3A_15 = arith.constant 0 : index
    %get3A_16 = arith.constant 0 : index
    %get3A_17 = vector.load %arg4[%get3A_14, %get3A_15, %get3A_16] : memref<1x1x128xf32, #tpu.memory_space<vmem>>, vector<1x1x128xf32>
    %get3A_18 = vector.shape_cast %get3A_17 : vector<1x1x128xf32> to vector<1x128xf32>
    %get3A_19 = arith.constant 0 : index
    %get3A_20 = arith.constant 0 : index
    %get3A_21 = arith.constant 0 : index
    %get3A_22 = vector.load %arg5[%get3A_19, %get3A_20, %get3A_21] : memref<1x1x128xf32, #tpu.memory_space<vmem>>, vector<1x1x128xf32>
    %get3A_23 = vector.shape_cast %get3A_22 : vector<1x1x128xf32> to vector<1x128xf32>
    %get3A_24 = arith.constant 0 : index
    %get3A_25 = arith.constant 0 : index
    %get3A_26 = arith.constant 0 : index
    %get3A_27 = vector.load %arg6[%get3A_24, %get3A_25, %get3A_26] : memref<1x1x128xf32, #tpu.memory_space<vmem>>, vector<1x1x128xf32>
    %get3A_28 = vector.shape_cast %get3A_27 : vector<1x1x128xf32> to vector<1x128xf32>
    %sub3A = vector.broadcast %get3A_3 : vector<128x1xf32> to vector<128x128xf32>
    %sub3A_29 = vector.broadcast %get3A_18 : vector<1x128xf32> to vector<128x128xf32>
    %sub3A_30 = arith.subf %sub3A, %sub3A_29 : vector<128x128xf32>
    %sub3A_31 = vector.broadcast %get3A_8 : vector<128x1xf32> to vector<128x128xf32>
    %sub3A_32 = vector.broadcast %get3A_23 : vector<1x128xf32> to vector<128x128xf32>
    %sub3A_33 = arith.subf %sub3A_31, %sub3A_32 : vector<128x128xf32>
    %sub3A_34 = vector.broadcast %get3A_13 : vector<128x1xf32> to vector<128x128xf32>
    %sub3A_35 = vector.broadcast %get3A_28 : vector<1x128xf32> to vector<128x128xf32>
    %sub3A_36 = arith.subf %sub3A_34, %sub3A_35 : vector<128x128xf32>
    %mul3A = arith.mulf %sub3A_30, %sub3A_30 : vector<128x128xf32>
    %mul3A_37 = arith.mulf %sub3A_33, %sub3A_33 : vector<128x128xf32>
    %add3A = arith.addf %mul3A, %mul3A_37 : vector<128x128xf32>
    %mul3A_38 = arith.mulf %sub3A_36, %sub3A_36 : vector<128x128xf32>
    %add3A_39 = arith.addf %add3A, %mul3A_38 : vector<128x128xf32>
    %iota3A = tpu.iota {dimensions = array<i32: 1>} : vector<128x128xi32>
    %mul3A_40 = arith.constant 128 : i32
    %mul3A_41 = arith.muli %arg0, %mul3A_40 : i32
    %reduce_min3A = arith.constant dense<0x7F800000> : vector<128xf32>
    %reduce_min3A_42 = vector.multi_reduction <minimumf>, %add3A_39, %reduce_min3A [1] : vector<128x128xf32> to vector<128xf32>
    %broadcast_in_dim3A = vector.shape_cast %reduce_min3A_42 : vector<128xf32> to vector<128x1xf32>
    %eq3A = vector.broadcast %broadcast_in_dim3A : vector<128x1xf32> to vector<128x128xf32>
    %eq3A_43 = arith.cmpf oeq, %add3A_39, %eq3A : vector<128x128xf32>
    %jit3A = arith.constant 128 : i32
    %broadcast_in_dim3A_44 = vector.broadcast %jit3A : i32 to vector<128x128xi32>
    %select_n3A = arith.select %eq3A_43, %iota3A, %broadcast_in_dim3A_44 : vector<128x128xi1>, vector<128x128xi32>
    %reduce_min3A_45 = arith.constant dense<2147483647> : vector<128xi32>
    %reduce_min3A_46 = vector.multi_reduction <minsi>, %select_n3A, %reduce_min3A_45 [1] : vector<128x128xi32> to vector<128xi32>
    %broadcast_in_dim3A_47 = vector.shape_cast %reduce_min3A_46 : vector<128xi32> to vector<128x1xi32>
    %add3A_48 = vector.broadcast %mul3A_41 : i32 to vector<128x1xi32>
    %add3A_49 = arith.addi %broadcast_in_dim3A_47, %add3A_48 : vector<128x1xi32>
    %reshape3A = vector.shape_cast %add3A_49 : vector<128x1xi32> to vector<128xi32>
    %swap3A = arith.constant 0 : index
    %swap3A_50 = arith.constant 0 : index
    %swap3A_51 = arith.constant 0 : index
    %swap3A_52 = vector.load %arg7[%swap3A, %swap3A_50, %swap3A_51] : memref<1x16x128xi32, #tpu.memory_space<vmem>>, vector<1x1x128xi32>
    %swap3A_53 = vector.shape_cast %swap3A_52 : vector<1x1x128xi32> to vector<128xi32>
    %swap3A_54 = vector.shape_cast %reshape3A : vector<128xi32> to vector<1x1x128xi32>
    tpu.vector_store %arg7[%swap3A, %swap3A_50, %swap3A_51], %swap3A_54 {strides = array<i32>} : memref<1x16x128xi32, #tpu.memory_space<vmem>>, vector<1x1x128xi32>,
    %eq3A_55 = vector.broadcast %broadcast_in_dim3A_47 : vector<128x1xi32> to vector<128x128xi32>
    %eq3A_56 = arith.cmpi eq, %iota3A, %eq3A_55 : vector<128x128xi32>
    %jit3A_57 = arith.constant 0x7F800000 : f32
    %broadcast_in_dim3A_58 = vector.broadcast %jit3A_57 : f32 to vector<128x128xf32>
    %select_n3A_59 = arith.select %eq3A_56, %broadcast_in_dim3A_58, %add3A_39 : vector<128x128xi1>, vector<128x128xf32>
    %reduce_min3A_60 = arith.constant dense<0x7F800000> : vector<128xf32>
    %reduce_min3A_61 = vector.multi_reduction <minimumf>, %select_n3A_59, %reduce_min3A_60 [1] : vector<128x128xf32> to vector<128xf32>
    %broadcast_in_dim3A_62 = vector.shape_cast %reduce_min3A_61 : vector<128xf32> to vector<128x1xf32>
    %eq3A_63 = vector.broadcast %broadcast_in_dim3A_62 : vector<128x1xf32> to vector<128x128xf32>
    %eq3A_64 = arith.cmpf oeq, %select_n3A_59, %eq3A_63 : vector<128x128xf32>
    %jit3A_65 = arith.constant 128 : i32
    %broadcast_in_dim3A_66 = vector.broadcast %jit3A_65 : i32 to vector<128x128xi32>
    %select_n3A_67 = arith.select %eq3A_64, %iota3A, %broadcast_in_dim3A_66 : vector<128x128xi1>, vector<128x128xi32>
    %reduce_min3A_68 = arith.constant dense<2147483647> : vector<128xi32>
    %reduce_min3A_69 = vector.multi_reduction <minsi>, %select_n3A_67, %reduce_min3A_68 [1] : vector<128x128xi32> to vector<128xi32>
    %broadcast_in_dim3A_70 = vector.shape_cast %reduce_min3A_69 : vector<128xi32> to vector<128x1xi32>
    %add3A_71 = vector.broadcast %mul3A_41 : i32 to vector<128x1xi32>
    %add3A_72 = arith.addi %broadcast_in_dim3A_70, %add3A_71 : vector<128x1xi32>
    %reshape3A_73 = vector.shape_cast %add3A_72 : vector<128x1xi32> to vector<128xi32>
    %swap3A_74 = arith.constant 0 : index
    %swap3A_75 = arith.constant 1 : index
    %swap3A_76 = arith.constant 0 : index
    %swap3A_77 = vector.load %arg7[%swap3A_74, %swap3A_75, %swap3A_76] : memref<1x16x128xi32, #tpu.memory_space<vmem>>, vector<1x1x128xi32>
    %swap3A_78 = vector.shape_cast %swap3A_77 : vector<1x1x128xi32> to vector<128xi32>
    %swap3A_79 = vector.shape_cast %reshape3A_73 : vector<128xi32> to vector<1x1x128xi32>
    tpu.vector_store %arg7[%swap3A_74, %swap3A_75, %swap3A_76], %swap3A_79 {strides = array<i32>} : memref<1x16x128xi32, #tpu.memory_space<vmem>>, vector<1x1x128xi32>,
    %eq3A_80 = vector.broadcast %broadcast_in_dim3A_70 : vector<128x1xi32> to vector<128x128xi32>
    %eq3A_81 = arith.cmpi eq, %iota3A, %eq3A_80 : vector<128x128xi32>
    %jit3A_82 = arith.constant 0x7F800000 : f32
    %broadcast_in_dim3A_83 = vector.broadcast %jit3A_82 : f32 to vector<128x128xf32>
    %select_n3A_84 = arith.select %eq3A_81, %broadcast_in_dim3A_83, %select_n3A_59 : vector<128x128xi1>, vector<128x128xf32>
    %reduce_min3A_85 = arith.constant dense<0x7F800000> : vector<128xf32>
    %reduce_min3A_86 = vector.multi_reduction <minimumf>, %select_n3A_84, %reduce_min3A_85 [1] : vector<128x128xf32> to vector<128xf32>
    %broadcast_in_dim3A_87 = vector.shape_cast %reduce_min3A_86 : vector<128xf32> to vector<128x1xf32>
    %eq3A_88 = vector.broadcast %broadcast_in_dim3A_87 : vector<128x1xf32> to vector<128x128xf32>
    %eq3A_89 = arith.cmpf oeq, %select_n3A_84, %eq3A_88 : vector<128x128xf32>
    %jit3A_90 = arith.constant 128 : i32
    %broadcast_in_dim3A_91 = vector.broadcast %jit3A_90 : i32 to vector<128x128xi32>
    %select_n3A_92 = arith.select %eq3A_89, %iota3A, %broadcast_in_dim3A_91 : vector<128x128xi1>, vector<128x128xi32>
    %reduce_min3A_93 = arith.constant dense<2147483647> : vector<128xi32>
    %reduce_min3A_94 = vector.multi_reduction <minsi>, %select_n3A_92, %reduce_min3A_93 [1] : vector<128x128xi32> to vector<128xi32>
    %broadcast_in_dim3A_95 = vector.shape_cast %reduce_min3A_94 : vector<128xi32> to vector<128x1xi32>
    %add3A_96 = vector.broadcast %mul3A_41 : i32 to vector<128x1xi32>
    %add3A_97 = arith.addi %broadcast_in_dim3A_95, %add3A_96 : vector<128x1xi32>
    %reshape3A_98 = vector.shape_cast %add3A_97 : vector<128x1xi32> to vector<128xi32>
    %swap3A_99 = arith.constant 0 : index
    %swap3A_100 = arith.constant 2 : index
    %swap3A_101 = arith.constant 0 : index
    %swap3A_102 = vector.load %arg7[%swap3A_99, %swap3A_100, %swap3A_101] : memref<1x16x128xi32, #tpu.memory_space<vmem>>, vector<1x1x128xi32>
    %swap3A_103 = vector.shape_cast %swap3A_102 : vector<1x1x128xi32> to vector<128xi32>
    %swap3A_104 = vector.shape_cast %reshape3A_98 : vector<128xi32> to vector<1x1x128xi32>
    tpu.vector_store %arg7[%swap3A_99, %swap3A_100, %swap3A_101], %swap3A_104 {strides = array<i32>} : memref<1x16x128xi32, #tpu.memory_space<vmem>>, vector<1x1x128xi32>,
    %eq3A_105 = vector.broadcast %broadcast_in_dim3A_95 : vector<128x1xi32> to vector<128x128xi32>
    %eq3A_106 = arith.cmpi eq, %iota3A, %eq3A_105 : vector<128x128xi32>
    %jit3A_107 = arith.constant 0x7F800000 : f32
    %broadcast_in_dim3A_108 = vector.broadcast %jit3A_107 : f32 to vector<128x128xf32>
    %select_n3A_109 = arith.select %eq3A_106, %broadcast_in_dim3A_108, %select_n3A_84 : vector<128x128xi1>, vector<128x128xf32>
    %reduce_min3A_110 = arith.constant dense<0x7F800000> : vector<128xf32>
    %reduce_min3A_111 = vector.multi_reduction <minimumf>, %select_n3A_109, %reduce_min3A_110 [1] : vector<128x128xf32> to vector<128xf32>
    %broadcast_in_dim3A_112 = vector.shape_cast %reduce_min3A_111 : vector<128xf32> to vector<128x1xf32>
    %eq3A_113 = vector.broadcast %broadcast_in_dim3A_112 : vector<128x1xf32> to vector<128x128xf32>
    %eq3A_114 = arith.cmpf oeq, %select_n3A_109, %eq3A_113 : vector<128x128xf32>
    %jit3A_115 = arith.constant 128 : i32
    %broadcast_in_dim3A_116 = vector.broadcast %jit3A_115 : i32 to vector<128x128xi32>
    %select_n3A_117 = arith.select %eq3A_114, %iota3A, %broadcast_in_dim3A_116 : vector<128x128xi1>, vector<128x128xi32>
    %reduce_min3A_118 = arith.constant dense<2147483647> : vector<128xi32>
    %reduce_min3A_119 = vector.multi_reduction <minsi>, %select_n3A_117, %reduce_min3A_118 [1] : vector<128x128xi32> to vector<128xi32>
    %broadcast_in_dim3A_120 = vector.shape_cast %reduce_min3A_119 : vector<128xi32> to vector<128x1xi32>
    %add3A_121 = vector.broadcast %mul3A_41 : i32 to vector<128x1xi32>
    %add3A_122 = arith.addi %broadcast_in_dim3A_120, %add3A_121 : vector<128x1xi32>
    %reshape3A_123 = vector.shape_cast %add3A_122 : vector<128x1xi32> to vector<128xi32>
    %swap3A_124 = arith.constant 0 : index
    %swap3A_125 = arith.constant 3 : index
    %swap3A_126 = arith.constant 0 : index
    %swap3A_127 = vector.load %arg7[%swap3A_124, %swap3A_125, %swap3A_126] : memref<1x16x128xi32, #tpu.memory_space<vmem>>, vector<1x1x128xi32>
    %swap3A_128 = vector.shape_cast %swap3A_127 : vector<1x1x128xi32> to vector<128xi32>
    %swap3A_129 = vector.shape_cast %reshape3A_123 : vector<128xi32> to vector<1x1x128xi32>
    tpu.vector_store %arg7[%swap3A_124, %swap3A_125, %swap3A_126], %swap3A_129 {strides = array<i32>} : memref<1x16x128xi32, #tpu.memory_space<vmem>>, vector<1x1x128xi32>,
    %eq3A_130 = vector.broadcast %broadcast_in_dim3A_120 : vector<128x1xi32> to vector<128x128xi32>
    %eq3A_131 = arith.cmpi eq, %iota3A, %eq3A_130 : vector<128x128xi32>
    %jit3A_132 = arith.constant 0x7F800000 : f32
    %broadcast_in_dim3A_133 = vector.broadcast %jit3A_132 : f32 to vector<128x128xf32>
    %select_n3A_134 = arith.select %eq3A_131, %broadcast_in_dim3A_133, %select_n3A_109 : vector<128x128xi1>, vector<128x128xf32>
    %reduce_min3A_135 = arith.constant dense<0x7F800000> : vector<128xf32>
    %reduce_min3A_136 = vector.multi_reduction <minimumf>, %select_n3A_134, %reduce_min3A_135 [1] : vector<128x128xf32> to vector<128xf32>
    %broadcast_in_dim3A_137 = vector.shape_cast %reduce_min3A_136 : vector<128xf32> to vector<128x1xf32>
    %eq3A_138 = vector.broadcast %broadcast_in_dim3A_137 : vector<128x1xf32> to vector<128x128xf32>
    %eq3A_139 = arith.cmpf oeq, %select_n3A_134, %eq3A_138 : vector<128x128xf32>
    %jit3A_140 = arith.constant 128 : i32
    %broadcast_in_dim3A_141 = vector.broadcast %jit3A_140 : i32 to vector<128x128xi32>
    %select_n3A_142 = arith.select %eq3A_139, %iota3A, %broadcast_in_dim3A_141 : vector<128x128xi1>, vector<128x128xi32>
    %reduce_min3A_143 = arith.constant dense<2147483647> : vector<128xi32>
    %reduce_min3A_144 = vector.multi_reduction <minsi>, %select_n3A_142, %reduce_min3A_143 [1] : vector<128x128xi32> to vector<128xi32>
    %broadcast_in_dim3A_145 = vector.shape_cast %reduce_min3A_144 : vector<128xi32> to vector<128x1xi32>
    %add3A_146 = vector.broadcast %mul3A_41 : i32 to vector<128x1xi32>
    %add3A_147 = arith.addi %broadcast_in_dim3A_145, %add3A_146 : vector<128x1xi32>
    %reshape3A_148 = vector.shape_cast %add3A_147 : vector<128x1xi32> to vector<128xi32>
    %swap3A_149 = arith.constant 0 : index
    %swap3A_150 = arith.constant 4 : index
    %swap3A_151 = arith.constant 0 : index
    %swap3A_152 = vector.load %arg7[%swap3A_149, %swap3A_150, %swap3A_151] : memref<1x16x128xi32, #tpu.memory_space<vmem>>, vector<1x1x128xi32>
    %swap3A_153 = vector.shape_cast %swap3A_152 : vector<1x1x128xi32> to vector<128xi32>
    %swap3A_154 = vector.shape_cast %reshape3A_148 : vector<128xi32> to vector<1x1x128xi32>
    tpu.vector_store %arg7[%swap3A_149, %swap3A_150, %swap3A_151], %swap3A_154 {strides = array<i32>} : memref<1x16x128xi32, #tpu.memory_space<vmem>>, vector<1x1x128xi32>,
    %eq3A_155 = vector.broadcast %broadcast_in_dim3A_145 : vector<128x1xi32> to vector<128x128xi32>
    %eq3A_156 = arith.cmpi eq, %iota3A, %eq3A_155 : vector<128x128xi32>
    %jit3A_157 = arith.constant 0x7F800000 : f32
    %broadcast_in_dim3A_158 = vector.broadcast %jit3A_157 : f32 to vector<128x128xf32>
    %select_n3A_159 = arith.select %eq3A_156, %broadcast_in_dim3A_158, %select_n3A_134 : vector<128x128xi1>, vector<128x128xf32>
    %reduce_min3A_160 = arith.constant dense<0x7F800000> : vector<128xf32>
    %reduce_min3A_161 = vector.multi_reduction <minimumf>, %select_n3A_159, %reduce_min3A_160 [1] : vector<128x128xf32> to vector<128xf32>
    %broadcast_in_dim3A_162 = vector.shape_cast %reduce_min3A_161 : vector<128xf32> to vector<128x1xf32>
    %eq3A_163 = vector.broadcast %broadcast_in_dim3A_162 : vector<128x1xf32> to vector<128x128xf32>
    %eq3A_164 = arith.cmpf oeq, %select_n3A_159, %eq3A_163 : vector<128x128xf32>
    %jit3A_165 = arith.constant 128 : i32
    %broadcast_in_dim3A_166 = vector.broadcast %jit3A_165 : i32 to vector<128x128xi32>
    %select_n3A_167 = arith.select %eq3A_164, %iota3A, %broadcast_in_dim3A_166 : vector<128x128xi1>, vector<128x128xi32>
    %reduce_min3A_168 = arith.constant dense<2147483647> : vector<128xi32>
    %reduce_min3A_169 = vector.multi_reduction <minsi>, %select_n3A_167, %reduce_min3A_168 [1] : vector<128x128xi32> to vector<128xi32>
    %broadcast_in_dim3A_170 = vector.shape_cast %reduce_min3A_169 : vector<128xi32> to vector<128x1xi32>
    %add3A_171 = vector.broadcast %mul3A_41 : i32 to vector<128x1xi32>
    %add3A_172 = arith.addi %broadcast_in_dim3A_170, %add3A_171 : vector<128x1xi32>
    %reshape3A_173 = vector.shape_cast %add3A_172 : vector<128x1xi32> to vector<128xi32>
    %swap3A_174 = arith.constant 0 : index
    %swap3A_175 = arith.constant 5 : index
    %swap3A_176 = arith.constant 0 : index
    %swap3A_177 = vector.load %arg7[%swap3A_174, %swap3A_175, %swap3A_176] : memref<1x16x128xi32, #tpu.memory_space<vmem>>, vector<1x1x128xi32>
    %swap3A_178 = vector.shape_cast %swap3A_177 : vector<1x1x128xi32> to vector<128xi32>
    %swap3A_179 = vector.shape_cast %reshape3A_173 : vector<128xi32> to vector<1x1x128xi32>
    tpu.vector_store %arg7[%swap3A_174, %swap3A_175, %swap3A_176], %swap3A_179 {strides = array<i32>} : memref<1x16x128xi32, #tpu.memory_space<vmem>>, vector<1x1x128xi32>,
    %eq3A_180 = vector.broadcast %broadcast_in_dim3A_170 : vector<128x1xi32> to vector<128x128xi32>
    %eq3A_181 = arith.cmpi eq, %iota3A, %eq3A_180 : vector<128x128xi32>
    %jit3A_182 = arith.constant 0x7F800000 : f32
    %broadcast_in_dim3A_183 = vector.broadcast %jit3A_182 : f32 to vector<128x128xf32>
    %select_n3A_184 = arith.select %eq3A_181, %broadcast_in_dim3A_183, %select_n3A_159 : vector<128x128xi1>, vector<128x128xf32>
    %reduce_min3A_185 = arith.constant dense<0x7F800000> : vector<128xf32>
    %reduce_min3A_186 = vector.multi_reduction <minimumf>, %select_n3A_184, %reduce_min3A_185 [1] : vector<128x128xf32> to vector<128xf32>
    %broadcast_in_dim3A_187 = vector.shape_cast %reduce_min3A_186 : vector<128xf32> to vector<128x1xf32>
    %eq3A_188 = vector.broadcast %broadcast_in_dim3A_187 : vector<128x1xf32> to vector<128x128xf32>
    %eq3A_189 = arith.cmpf oeq, %select_n3A_184, %eq3A_188 : vector<128x128xf32>
    %jit3A_190 = arith.constant 128 : i32
    %broadcast_in_dim3A_191 = vector.broadcast %jit3A_190 : i32 to vector<128x128xi32>
    %select_n3A_192 = arith.select %eq3A_189, %iota3A, %broadcast_in_dim3A_191 : vector<128x128xi1>, vector<128x128xi32>
    %reduce_min3A_193 = arith.constant dense<2147483647> : vector<128xi32>
    %reduce_min3A_194 = vector.multi_reduction <minsi>, %select_n3A_192, %reduce_min3A_193 [1] : vector<128x128xi32> to vector<128xi32>
    %broadcast_in_dim3A_195 = vector.shape_cast %reduce_min3A_194 : vector<128xi32> to vector<128x1xi32>
    %add3A_196 = vector.broadcast %mul3A_41 : i32 to vector<128x1xi32>
    %add3A_197 = arith.addi %broadcast_in_dim3A_195, %add3A_196 : vector<128x1xi32>
    %reshape3A_198 = vector.shape_cast %add3A_197 : vector<128x1xi32> to vector<128xi32>
    %swap3A_199 = arith.constant 0 : index
    %swap3A_200 = arith.constant 6 : index
    %swap3A_201 = arith.constant 0 : index
    %swap3A_202 = vector.load %arg7[%swap3A_199, %swap3A_200, %swap3A_201] : memref<1x16x128xi32, #tpu.memory_space<vmem>>, vector<1x1x128xi32>
    %swap3A_203 = vector.shape_cast %swap3A_202 : vector<1x1x128xi32> to vector<128xi32>
    %swap3A_204 = vector.shape_cast %reshape3A_198 : vector<128xi32> to vector<1x1x128xi32>
    tpu.vector_store %arg7[%swap3A_199, %swap3A_200, %swap3A_201], %swap3A_204 {strides = array<i32>} : memref<1x16x128xi32, #tpu.memory_space<vmem>>, vector<1x1x128xi32>,
    %eq3A_205 = vector.broadcast %broadcast_in_dim3A_195 : vector<128x1xi32> to vector<128x128xi32>
    %eq3A_206 = arith.cmpi eq, %iota3A, %eq3A_205 : vector<128x128xi32>
    %jit3A_207 = arith.constant 0x7F800000 : f32
    %broadcast_in_dim3A_208 = vector.broadcast %jit3A_207 : f32 to vector<128x128xf32>
    %select_n3A_209 = arith.select %eq3A_206, %broadcast_in_dim3A_208, %select_n3A_184 : vector<128x128xi1>, vector<128x128xf32>
    %reduce_min3A_210 = arith.constant dense<0x7F800000> : vector<128xf32>
    %reduce_min3A_211 = vector.multi_reduction <minimumf>, %select_n3A_209, %reduce_min3A_210 [1] : vector<128x128xf32> to vector<128xf32>
    %broadcast_in_dim3A_212 = vector.shape_cast %reduce_min3A_211 : vector<128xf32> to vector<128x1xf32>
    %eq3A_213 = vector.broadcast %broadcast_in_dim3A_212 : vector<128x1xf32> to vector<128x128xf32>
    %eq3A_214 = arith.cmpf oeq, %select_n3A_209, %eq3A_213 : vector<128x128xf32>
    %jit3A_215 = arith.constant 128 : i32
    %broadcast_in_dim3A_216 = vector.broadcast %jit3A_215 : i32 to vector<128x128xi32>
    %select_n3A_217 = arith.select %eq3A_214, %iota3A, %broadcast_in_dim3A_216 : vector<128x128xi1>, vector<128x128xi32>
    %reduce_min3A_218 = arith.constant dense<2147483647> : vector<128xi32>
    %reduce_min3A_219 = vector.multi_reduction <minsi>, %select_n3A_217, %reduce_min3A_218 [1] : vector<128x128xi32> to vector<128xi32>
    %broadcast_in_dim3A_220 = vector.shape_cast %reduce_min3A_219 : vector<128xi32> to vector<128x1xi32>
    %add3A_221 = vector.broadcast %mul3A_41 : i32 to vector<128x1xi32>
    %add3A_222 = arith.addi %broadcast_in_dim3A_220, %add3A_221 : vector<128x1xi32>
    %reshape3A_223 = vector.shape_cast %add3A_222 : vector<128x1xi32> to vector<128xi32>
    %swap3A_224 = arith.constant 0 : index
    %swap3A_225 = arith.constant 7 : index
    %swap3A_226 = arith.constant 0 : index
    %swap3A_227 = vector.load %arg7[%swap3A_224, %swap3A_225, %swap3A_226] : memref<1x16x128xi32, #tpu.memory_space<vmem>>, vector<1x1x128xi32>
    %swap3A_228 = vector.shape_cast %swap3A_227 : vector<1x1x128xi32> to vector<128xi32>
    %swap3A_229 = vector.shape_cast %reshape3A_223 : vector<128xi32> to vector<1x1x128xi32>
    tpu.vector_store %arg7[%swap3A_224, %swap3A_225, %swap3A_226], %swap3A_229 {strides = array<i32>} : memref<1x16x128xi32, #tpu.memory_space<vmem>>, vector<1x1x128xi32>,
    %eq3A_230 = vector.broadcast %broadcast_in_dim3A_220 : vector<128x1xi32> to vector<128x128xi32>
    %eq3A_231 = arith.cmpi eq, %iota3A, %eq3A_230 : vector<128x128xi32>
    %jit3A_232 = arith.constant 0x7F800000 : f32
    %broadcast_in_dim3A_233 = vector.broadcast %jit3A_232 : f32 to vector<128x128xf32>
    %select_n3A_234 = arith.select %eq3A_231, %broadcast_in_dim3A_233, %select_n3A_209 : vector<128x128xi1>, vector<128x128xf32>
    %reduce_min3A_235 = arith.constant dense<0x7F800000> : vector<128xf32>
    %reduce_min3A_236 = vector.multi_reduction <minimumf>, %select_n3A_234, %reduce_min3A_235 [1] : vector<128x128xf32> to vector<128xf32>
    %broadcast_in_dim3A_237 = vector.shape_cast %reduce_min3A_236 : vector<128xf32> to vector<128x1xf32>
    %eq3A_238 = vector.broadcast %broadcast_in_dim3A_237 : vector<128x1xf32> to vector<128x128xf32>
    %eq3A_239 = arith.cmpf oeq, %select_n3A_234, %eq3A_238 : vector<128x128xf32>
    %jit3A_240 = arith.constant 128 : i32
    %broadcast_in_dim3A_241 = vector.broadcast %jit3A_240 : i32 to vector<128x128xi32>
    %select_n3A_242 = arith.select %eq3A_239, %iota3A, %broadcast_in_dim3A_241 : vector<128x128xi1>, vector<128x128xi32>
    %reduce_min3A_243 = arith.constant dense<2147483647> : vector<128xi32>
    %reduce_min3A_244 = vector.multi_reduction <minsi>, %select_n3A_242, %reduce_min3A_243 [1] : vector<128x128xi32> to vector<128xi32>
    %broadcast_in_dim3A_245 = vector.shape_cast %reduce_min3A_244 : vector<128xi32> to vector<128x1xi32>
    %add3A_246 = vector.broadcast %mul3A_41 : i32 to vector<128x1xi32>
    %add3A_247 = arith.addi %broadcast_in_dim3A_245, %add3A_246 : vector<128x1xi32>
    %reshape3A_248 = vector.shape_cast %add3A_247 : vector<128x1xi32> to vector<128xi32>
    %swap3A_249 = arith.constant 0 : index
    %swap3A_250 = arith.constant 8 : index
    %swap3A_251 = arith.constant 0 : index
    %swap3A_252 = vector.load %arg7[%swap3A_249, %swap3A_250, %swap3A_251] : memref<1x16x128xi32, #tpu.memory_space<vmem>>, vector<1x1x128xi32>
    %swap3A_253 = vector.shape_cast %swap3A_252 : vector<1x1x128xi32> to vector<128xi32>
    %swap3A_254 = vector.shape_cast %reshape3A_248 : vector<128xi32> to vector<1x1x128xi32>
    tpu.vector_store %arg7[%swap3A_249, %swap3A_250, %swap3A_251], %swap3A_254 {strides = array<i32>} : memref<1x16x128xi32, #tpu.memory_space<vmem>>, vector<1x1x128xi32>,
    %eq3A_255 = vector.broadcast %broadcast_in_dim3A_245 : vector<128x1xi32> to vector<128x128xi32>
    %eq3A_256 = arith.cmpi eq, %iota3A, %eq3A_255 : vector<128x128xi32>
    %jit3A_257 = arith.constant 0x7F800000 : f32
    %broadcast_in_dim3A_258 = vector.broadcast %jit3A_257 : f32 to vector<128x128xf32>
    %select_n3A_259 = arith.select %eq3A_256, %broadcast_in_dim3A_258, %select_n3A_234 : vector<128x128xi1>, vector<128x128xf32>
    %reduce_min3A_260 = arith.constant dense<0x7F800000> : vector<128xf32>
    %reduce_min3A_261 = vector.multi_reduction <minimumf>, %select_n3A_259, %reduce_min3A_260 [1] : vector<128x128xf32> to vector<128xf32>
    %broadcast_in_dim3A_262 = vector.shape_cast %reduce_min3A_261 : vector<128xf32> to vector<128x1xf32>
    %eq3A_263 = vector.broadcast %broadcast_in_dim3A_262 : vector<128x1xf32> to vector<128x128xf32>
    %eq3A_264 = arith.cmpf oeq, %select_n3A_259, %eq3A_263 : vector<128x128xf32>
    %jit3A_265 = arith.constant 128 : i32
    %broadcast_in_dim3A_266 = vector.broadcast %jit3A_265 : i32 to vector<128x128xi32>
    %select_n3A_267 = arith.select %eq3A_264, %iota3A, %broadcast_in_dim3A_266 : vector<128x128xi1>, vector<128x128xi32>
    %reduce_min3A_268 = arith.constant dense<2147483647> : vector<128xi32>
    %reduce_min3A_269 = vector.multi_reduction <minsi>, %select_n3A_267, %reduce_min3A_268 [1] : vector<128x128xi32> to vector<128xi32>
    %broadcast_in_dim3A_270 = vector.shape_cast %reduce_min3A_269 : vector<128xi32> to vector<128x1xi32>
    %add3A_271 = vector.broadcast %mul3A_41 : i32 to vector<128x1xi32>
    %add3A_272 = arith.addi %broadcast_in_dim3A_270, %add3A_271 : vector<128x1xi32>
    %reshape3A_273 = vector.shape_cast %add3A_272 : vector<128x1xi32> to vector<128xi32>
    %swap3A_274 = arith.constant 0 : index
    %swap3A_275 = arith.constant 9 : index
    %swap3A_276 = arith.constant 0 : index
    %swap3A_277 = vector.load %arg7[%swap3A_274, %swap3A_275, %swap3A_276] : memref<1x16x128xi32, #tpu.memory_space<vmem>>, vector<1x1x128xi32>
    %swap3A_278 = vector.shape_cast %swap3A_277 : vector<1x1x128xi32> to vector<128xi32>
    %swap3A_279 = vector.shape_cast %reshape3A_273 : vector<128xi32> to vector<1x1x128xi32>
    tpu.vector_store %arg7[%swap3A_274, %swap3A_275, %swap3A_276], %swap3A_279 {strides = array<i32>} : memref<1x16x128xi32, #tpu.memory_space<vmem>>, vector<1x1x128xi32>,
    %eq3A_280 = vector.broadcast %broadcast_in_dim3A_270 : vector<128x1xi32> to vector<128x128xi32>
    %eq3A_281 = arith.cmpi eq, %iota3A, %eq3A_280 : vector<128x128xi32>
    %jit3A_282 = arith.constant 0x7F800000 : f32
    %broadcast_in_dim3A_283 = vector.broadcast %jit3A_282 : f32 to vector<128x128xf32>
    %select_n3A_284 = arith.select %eq3A_281, %broadcast_in_dim3A_283, %select_n3A_259 : vector<128x128xi1>, vector<128x128xf32>
    %reduce_min3A_285 = arith.constant dense<0x7F800000> : vector<128xf32>
    %reduce_min3A_286 = vector.multi_reduction <minimumf>, %select_n3A_284, %reduce_min3A_285 [1] : vector<128x128xf32> to vector<128xf32>
    %broadcast_in_dim3A_287 = vector.shape_cast %reduce_min3A_286 : vector<128xf32> to vector<128x1xf32>
    %eq3A_288 = vector.broadcast %broadcast_in_dim3A_287 : vector<128x1xf32> to vector<128x128xf32>
    %eq3A_289 = arith.cmpf oeq, %select_n3A_284, %eq3A_288 : vector<128x128xf32>
    %jit3A_290 = arith.constant 128 : i32
    %broadcast_in_dim3A_291 = vector.broadcast %jit3A_290 : i32 to vector<128x128xi32>
    %select_n3A_292 = arith.select %eq3A_289, %iota3A, %broadcast_in_dim3A_291 : vector<128x128xi1>, vector<128x128xi32>
    %reduce_min3A_293 = arith.constant dense<2147483647> : vector<128xi32>
    %reduce_min3A_294 = vector.multi_reduction <minsi>, %select_n3A_292, %reduce_min3A_293 [1] : vector<128x128xi32> to vector<128xi32>
    %broadcast_in_dim3A_295 = vector.shape_cast %reduce_min3A_294 : vector<128xi32> to vector<128x1xi32>
    %add3A_296 = vector.broadcast %mul3A_41 : i32 to vector<128x1xi32>
    %add3A_297 = arith.addi %broadcast_in_dim3A_295, %add3A_296 : vector<128x1xi32>
    %reshape3A_298 = vector.shape_cast %add3A_297 : vector<128x1xi32> to vector<128xi32>
    %swap3A_299 = arith.constant 0 : index
    %swap3A_300 = arith.constant 10 : index
    %swap3A_301 = arith.constant 0 : index
    %swap3A_302 = vector.load %arg7[%swap3A_299, %swap3A_300, %swap3A_301] : memref<1x16x128xi32, #tpu.memory_space<vmem>>, vector<1x1x128xi32>
    %swap3A_303 = vector.shape_cast %swap3A_302 : vector<1x1x128xi32> to vector<128xi32>
    %swap3A_304 = vector.shape_cast %reshape3A_298 : vector<128xi32> to vector<1x1x128xi32>
    tpu.vector_store %arg7[%swap3A_299, %swap3A_300, %swap3A_301], %swap3A_304 {strides = array<i32>} : memref<1x16x128xi32, #tpu.memory_space<vmem>>, vector<1x1x128xi32>,
    %eq3A_305 = vector.broadcast %broadcast_in_dim3A_295 : vector<128x1xi32> to vector<128x128xi32>
    %eq3A_306 = arith.cmpi eq, %iota3A, %eq3A_305 : vector<128x128xi32>
    %jit3A_307 = arith.constant 0x7F800000 : f32
    %broadcast_in_dim3A_308 = vector.broadcast %jit3A_307 : f32 to vector<128x128xf32>
    %select_n3A_309 = arith.select %eq3A_306, %broadcast_in_dim3A_308, %select_n3A_284 : vector<128x128xi1>, vector<128x128xf32>
    %reduce_min3A_310 = arith.constant dense<0x7F800000> : vector<128xf32>
    %reduce_min3A_311 = vector.multi_reduction <minimumf>, %select_n3A_309, %reduce_min3A_310 [1] : vector<128x128xf32> to vector<128xf32>
    %broadcast_in_dim3A_312 = vector.shape_cast %reduce_min3A_311 : vector<128xf32> to vector<128x1xf32>
    %eq3A_313 = vector.broadcast %broadcast_in_dim3A_312 : vector<128x1xf32> to vector<128x128xf32>
    %eq3A_314 = arith.cmpf oeq, %select_n3A_309, %eq3A_313 : vector<128x128xf32>
    %jit3A_315 = arith.constant 128 : i32
    %broadcast_in_dim3A_316 = vector.broadcast %jit3A_315 : i32 to vector<128x128xi32>
    %select_n3A_317 = arith.select %eq3A_314, %iota3A, %broadcast_in_dim3A_316 : vector<128x128xi1>, vector<128x128xi32>
    %reduce_min3A_318 = arith.constant dense<2147483647> : vector<128xi32>
    %reduce_min3A_319 = vector.multi_reduction <minsi>, %select_n3A_317, %reduce_min3A_318 [1] : vector<128x128xi32> to vector<128xi32>
    %broadcast_in_dim3A_320 = vector.shape_cast %reduce_min3A_319 : vector<128xi32> to vector<128x1xi32>
    %add3A_321 = vector.broadcast %mul3A_41 : i32 to vector<128x1xi32>
    %add3A_322 = arith.addi %broadcast_in_dim3A_320, %add3A_321 : vector<128x1xi32>
    %reshape3A_323 = vector.shape_cast %add3A_322 : vector<128x1xi32> to vector<128xi32>
    %swap3A_324 = arith.constant 0 : index
    %swap3A_325 = arith.constant 11 : index
    %swap3A_326 = arith.constant 0 : index
    %swap3A_327 = vector.load %arg7[%swap3A_324, %swap3A_325, %swap3A_326] : memref<1x16x128xi32, #tpu.memory_space<vmem>>, vector<1x1x128xi32>
    %swap3A_328 = vector.shape_cast %swap3A_327 : vector<1x1x128xi32> to vector<128xi32>
    %swap3A_329 = vector.shape_cast %reshape3A_323 : vector<128xi32> to vector<1x1x128xi32>
    tpu.vector_store %arg7[%swap3A_324, %swap3A_325, %swap3A_326], %swap3A_329 {strides = array<i32>} : memref<1x16x128xi32, #tpu.memory_space<vmem>>, vector<1x1x128xi32>,
    %eq3A_330 = vector.broadcast %broadcast_in_dim3A_320 : vector<128x1xi32> to vector<128x128xi32>
    %eq3A_331 = arith.cmpi eq, %iota3A, %eq3A_330 : vector<128x128xi32>
    %jit3A_332 = arith.constant 0x7F800000 : f32
    %broadcast_in_dim3A_333 = vector.broadcast %jit3A_332 : f32 to vector<128x128xf32>
    %select_n3A_334 = arith.select %eq3A_331, %broadcast_in_dim3A_333, %select_n3A_309 : vector<128x128xi1>, vector<128x128xf32>
    %reduce_min3A_335 = arith.constant dense<0x7F800000> : vector<128xf32>
    %reduce_min3A_336 = vector.multi_reduction <minimumf>, %select_n3A_334, %reduce_min3A_335 [1] : vector<128x128xf32> to vector<128xf32>
    %broadcast_in_dim3A_337 = vector.shape_cast %reduce_min3A_336 : vector<128xf32> to vector<128x1xf32>
    %eq3A_338 = vector.broadcast %broadcast_in_dim3A_337 : vector<128x1xf32> to vector<128x128xf32>
    %eq3A_339 = arith.cmpf oeq, %select_n3A_334, %eq3A_338 : vector<128x128xf32>
    %jit3A_340 = arith.constant 128 : i32
    %broadcast_in_dim3A_341 = vector.broadcast %jit3A_340 : i32 to vector<128x128xi32>
    %select_n3A_342 = arith.select %eq3A_339, %iota3A, %broadcast_in_dim3A_341 : vector<128x128xi1>, vector<128x128xi32>
    %reduce_min3A_343 = arith.constant dense<2147483647> : vector<128xi32>
    %reduce_min3A_344 = vector.multi_reduction <minsi>, %select_n3A_342, %reduce_min3A_343 [1] : vector<128x128xi32> to vector<128xi32>
    %broadcast_in_dim3A_345 = vector.shape_cast %reduce_min3A_344 : vector<128xi32> to vector<128x1xi32>
    %add3A_346 = vector.broadcast %mul3A_41 : i32 to vector<128x1xi32>
    %add3A_347 = arith.addi %broadcast_in_dim3A_345, %add3A_346 : vector<128x1xi32>
    %reshape3A_348 = vector.shape_cast %add3A_347 : vector<128x1xi32> to vector<128xi32>
    %swap3A_349 = arith.constant 0 : index
    %swap3A_350 = arith.constant 12 : index
    %swap3A_351 = arith.constant 0 : index
    %swap3A_352 = vector.load %arg7[%swap3A_349, %swap3A_350, %swap3A_351] : memref<1x16x128xi32, #tpu.memory_space<vmem>>, vector<1x1x128xi32>
    %swap3A_353 = vector.shape_cast %swap3A_352 : vector<1x1x128xi32> to vector<128xi32>
    %swap3A_354 = vector.shape_cast %reshape3A_348 : vector<128xi32> to vector<1x1x128xi32>
    tpu.vector_store %arg7[%swap3A_349, %swap3A_350, %swap3A_351], %swap3A_354 {strides = array<i32>} : memref<1x16x128xi32, #tpu.memory_space<vmem>>, vector<1x1x128xi32>,
    %eq3A_355 = vector.broadcast %broadcast_in_dim3A_345 : vector<128x1xi32> to vector<128x128xi32>
    %eq3A_356 = arith.cmpi eq, %iota3A, %eq3A_355 : vector<128x128xi32>
    %jit3A_357 = arith.constant 0x7F800000 : f32
    %broadcast_in_dim3A_358 = vector.broadcast %jit3A_357 : f32 to vector<128x128xf32>
    %select_n3A_359 = arith.select %eq3A_356, %broadcast_in_dim3A_358, %select_n3A_334 : vector<128x128xi1>, vector<128x128xf32>
    %reduce_min3A_360 = arith.constant dense<0x7F800000> : vector<128xf32>
    %reduce_min3A_361 = vector.multi_reduction <minimumf>, %select_n3A_359, %reduce_min3A_360 [1] : vector<128x128xf32> to vector<128xf32>
    %broadcast_in_dim3A_362 = vector.shape_cast %reduce_min3A_361 : vector<128xf32> to vector<128x1xf32>
    %eq3A_363 = vector.broadcast %broadcast_in_dim3A_362 : vector<128x1xf32> to vector<128x128xf32>
    %eq3A_364 = arith.cmpf oeq, %select_n3A_359, %eq3A_363 : vector<128x128xf32>
    %jit3A_365 = arith.constant 128 : i32
    %broadcast_in_dim3A_366 = vector.broadcast %jit3A_365 : i32 to vector<128x128xi32>
    %select_n3A_367 = arith.select %eq3A_364, %iota3A, %broadcast_in_dim3A_366 : vector<128x128xi1>, vector<128x128xi32>
    %reduce_min3A_368 = arith.constant dense<2147483647> : vector<128xi32>
    %reduce_min3A_369 = vector.multi_reduction <minsi>, %select_n3A_367, %reduce_min3A_368 [1] : vector<128x128xi32> to vector<128xi32>
    %broadcast_in_dim3A_370 = vector.shape_cast %reduce_min3A_369 : vector<128xi32> to vector<128x1xi32>
    %add3A_371 = vector.broadcast %mul3A_41 : i32 to vector<128x1xi32>
    %add3A_372 = arith.addi %broadcast_in_dim3A_370, %add3A_371 : vector<128x1xi32>
    %reshape3A_373 = vector.shape_cast %add3A_372 : vector<128x1xi32> to vector<128xi32>
    %swap3A_374 = arith.constant 0 : index
    %swap3A_375 = arith.constant 13 : index
    %swap3A_376 = arith.constant 0 : index
    %swap3A_377 = vector.load %arg7[%swap3A_374, %swap3A_375, %swap3A_376] : memref<1x16x128xi32, #tpu.memory_space<vmem>>, vector<1x1x128xi32>
    %swap3A_378 = vector.shape_cast %swap3A_377 : vector<1x1x128xi32> to vector<128xi32>
    %swap3A_379 = vector.shape_cast %reshape3A_373 : vector<128xi32> to vector<1x1x128xi32>
    tpu.vector_store %arg7[%swap3A_374, %swap3A_375, %swap3A_376], %swap3A_379 {strides = array<i32>} : memref<1x16x128xi32, #tpu.memory_space<vmem>>, vector<1x1x128xi32>,
    %eq3A_380 = vector.broadcast %broadcast_in_dim3A_370 : vector<128x1xi32> to vector<128x128xi32>
    %eq3A_381 = arith.cmpi eq, %iota3A, %eq3A_380 : vector<128x128xi32>
    %jit3A_382 = arith.constant 0x7F800000 : f32
    %broadcast_in_dim3A_383 = vector.broadcast %jit3A_382 : f32 to vector<128x128xf32>
    %select_n3A_384 = arith.select %eq3A_381, %broadcast_in_dim3A_383, %select_n3A_359 : vector<128x128xi1>, vector<128x128xf32>
    %reduce_min3A_385 = arith.constant dense<0x7F800000> : vector<128xf32>
    %reduce_min3A_386 = vector.multi_reduction <minimumf>, %select_n3A_384, %reduce_min3A_385 [1] : vector<128x128xf32> to vector<128xf32>
    %broadcast_in_dim3A_387 = vector.shape_cast %reduce_min3A_386 : vector<128xf32> to vector<128x1xf32>
    %eq3A_388 = vector.broadcast %broadcast_in_dim3A_387 : vector<128x1xf32> to vector<128x128xf32>
    %eq3A_389 = arith.cmpf oeq, %select_n3A_384, %eq3A_388 : vector<128x128xf32>
    %jit3A_390 = arith.constant 128 : i32
    %broadcast_in_dim3A_391 = vector.broadcast %jit3A_390 : i32 to vector<128x128xi32>
    %select_n3A_392 = arith.select %eq3A_389, %iota3A, %broadcast_in_dim3A_391 : vector<128x128xi1>, vector<128x128xi32>
    %reduce_min3A_393 = arith.constant dense<2147483647> : vector<128xi32>
    %reduce_min3A_394 = vector.multi_reduction <minsi>, %select_n3A_392, %reduce_min3A_393 [1] : vector<128x128xi32> to vector<128xi32>
    %broadcast_in_dim3A_395 = vector.shape_cast %reduce_min3A_394 : vector<128xi32> to vector<128x1xi32>
    %add3A_396 = vector.broadcast %mul3A_41 : i32 to vector<128x1xi32>
    %add3A_397 = arith.addi %broadcast_in_dim3A_395, %add3A_396 : vector<128x1xi32>
    %reshape3A_398 = vector.shape_cast %add3A_397 : vector<128x1xi32> to vector<128xi32>
    %swap3A_399 = arith.constant 0 : index
    %swap3A_400 = arith.constant 14 : index
    %swap3A_401 = arith.constant 0 : index
    %swap3A_402 = vector.load %arg7[%swap3A_399, %swap3A_400, %swap3A_401] : memref<1x16x128xi32, #tpu.memory_space<vmem>>, vector<1x1x128xi32>
    %swap3A_403 = vector.shape_cast %swap3A_402 : vector<1x1x128xi32> to vector<128xi32>
    %swap3A_404 = vector.shape_cast %reshape3A_398 : vector<128xi32> to vector<1x1x128xi32>
    tpu.vector_store %arg7[%swap3A_399, %swap3A_400, %swap3A_401], %swap3A_404 {strides = array<i32>} : memref<1x16x128xi32, #tpu.memory_space<vmem>>, vector<1x1x128xi32>,
    %eq3A_405 = vector.broadcast %broadcast_in_dim3A_395 : vector<128x1xi32> to vector<128x128xi32>
    %eq3A_406 = arith.cmpi eq, %iota3A, %eq3A_405 : vector<128x128xi32>
    %jit3A_407 = arith.constant 0x7F800000 : f32
    %broadcast_in_dim3A_408 = vector.broadcast %jit3A_407 : f32 to vector<128x128xf32>
    %select_n3A_409 = arith.select %eq3A_406, %broadcast_in_dim3A_408, %select_n3A_384 : vector<128x128xi1>, vector<128x128xf32>
    %reduce_min3A_410 = arith.constant dense<0x7F800000> : vector<128xf32>
    %reduce_min3A_411 = vector.multi_reduction <minimumf>, %select_n3A_409, %reduce_min3A_410 [1] : vector<128x128xf32> to vector<128xf32>
    %broadcast_in_dim3A_412 = vector.shape_cast %reduce_min3A_411 : vector<128xf32> to vector<128x1xf32>
    %eq3A_413 = vector.broadcast %broadcast_in_dim3A_412 : vector<128x1xf32> to vector<128x128xf32>
    %eq3A_414 = arith.cmpf oeq, %select_n3A_409, %eq3A_413 : vector<128x128xf32>
    %jit3A_415 = arith.constant 128 : i32
    %broadcast_in_dim3A_416 = vector.broadcast %jit3A_415 : i32 to vector<128x128xi32>
    %select_n3A_417 = arith.select %eq3A_414, %iota3A, %broadcast_in_dim3A_416 : vector<128x128xi1>, vector<128x128xi32>
    %reduce_min3A_418 = arith.constant dense<2147483647> : vector<128xi32>
    %reduce_min3A_419 = vector.multi_reduction <minsi>, %select_n3A_417, %reduce_min3A_418 [1] : vector<128x128xi32> to vector<128xi32>
    %broadcast_in_dim3A_420 = vector.shape_cast %reduce_min3A_419 : vector<128xi32> to vector<128x1xi32>
    %add3A_421 = vector.broadcast %mul3A_41 : i32 to vector<128x1xi32>
    %add3A_422 = arith.addi %broadcast_in_dim3A_420, %add3A_421 : vector<128x1xi32>
    %reshape3A_423 = vector.shape_cast %add3A_422 : vector<128x1xi32> to vector<128xi32>
    %swap3A_424 = arith.constant 0 : index
    %swap3A_425 = arith.constant 15 : index
    %swap3A_426 = arith.constant 0 : index
    %swap3A_427 = vector.load %arg7[%swap3A_424, %swap3A_425, %swap3A_426] : memref<1x16x128xi32, #tpu.memory_space<vmem>>, vector<1x1x128xi32>
    %swap3A_428 = vector.shape_cast %swap3A_427 : vector<1x1x128xi32> to vector<128xi32>
    %swap3A_429 = vector.shape_cast %reshape3A_423 : vector<128xi32> to vector<1x1x128xi32>
    tpu.vector_store %arg7[%swap3A_424, %swap3A_425, %swap3A_426], %swap3A_429 {strides = array<i32>} : memref<1x16x128xi32, #tpu.memory_space<vmem>>, vector<1x1x128xi32>,
    return
  }
  func.func @transform_0(%arg0: i32) -> (i32, i32, i32) {
    %c0_i32 = arith.constant 0 : i32
    %c0_i32_0 = arith.constant 0 : i32
    %c0_i32_1 = arith.constant 0 : i32
    return %arg0, %c0_i32, %c0_i32_0 : i32, i32, i32
  }
  func.func @transform_1(%arg0: i32) -> (i32, i32, i32) {
    %c0_i32 = arith.constant 0 : i32
    %c0_i32_0 = arith.constant 0 : i32
    %c0_i32_1 = arith.constant 0 : i32
    return %arg0, %c0_i32, %c0_i32_0 : i32, i32, i32
  }
  func.func @transform_2(%arg0: i32) -> (i32, i32, i32) {
    %c0_i32 = arith.constant 0 : i32
    %c0_i32_0 = arith.constant 0 : i32
    %c0_i32_1 = arith.constant 0 : i32
    return %arg0, %c0_i32, %c0_i32_0 : i32, i32, i32
  }
  func.func @transform_3(%arg0: i32) -> (i32, i32, i32) {
    %c0_i32 = arith.constant 0 : i32
    %c0_i32_0 = arith.constant 0 : i32
    %c0_i32_1 = arith.constant 0 : i32
    return %arg0, %c0_i32, %c0_i32_0 : i32, i32, i32
  }
  func.func @transform_4(%arg0: i32) -> (i32, i32, i32) {
    %c0_i32 = arith.constant 0 : i32
    %c0_i32_0 = arith.constant 0 : i32
    %c0_i32_1 = arith.constant 0 : i32
    return %arg0, %c0_i32, %c0_i32_0 : i32, i32, i32
  }
  func.func @transform_5(%arg0: i32) -> (i32, i32, i32) {
    %c0_i32 = arith.constant 0 : i32
    %c0_i32_0 = arith.constant 0 : i32
    %c0_i32_1 = arith.constant 0 : i32
    return %arg0, %c0_i32, %c0_i32_0 : i32, i32, i32
  }
  func.func @transform_6(%arg0: i32) -> (i32, i32, i32) {
    %c0_i32 = arith.constant 0 : i32
    %c0_i32_0 = arith.constant 0 : i32
    %c0_i32_1 = arith.constant 0 : i32
    return %arg0, %c0_i32, %c0_i32_0 : i32, i32, i32
  }
}

module attributes {stable_mosaic.version = 14 : i64} {
  func.func @_sa_body(%arg0: i32, %arg1: memref<1x2048x144xf32, #tpu.memory_space<vmem>>, %arg2: memref<1x128x1xf32, #tpu.memory_space<vmem>>, %arg3: memref<1x128x1xf32, #tpu.memory_space<vmem>>, %arg4: memref<1x128x1xf32, #tpu.memory_space<vmem>>, %arg5: memref<144x128xf32, #tpu.memory_space<vmem>>, %arg6: memref<1x128xf32, #tpu.memory_space<vmem>>, %arg7: memref<128x256xf32, #tpu.memory_space<vmem>>, %arg8: memref<1x256xf32, #tpu.memory_space<vmem>>, %arg9: memref<1x128x256xf32, #tpu.memory_space<vmem>>) attributes {dimension_semantics = [#tpu.dimension_semantics<parallel>], iteration_bounds = array<i64: 16>, scalar_prefetch = 0 : i64, scratch_operands = 0 : i64, tpu.core_type = #tpu.core_type<tc>, window_params = [{transform_indices = @transform_0, window_bounds = array<i64: 1, 2048, 144>}, {transform_indices = @transform_1, window_bounds = array<i64: 1, 128, 1>}, {transform_indices = @transform_2, window_bounds = array<i64: 1, 128, 1>}, {transform_indices = @transform_3, window_bounds = array<i64: 1, 128, 1>}, {pipeline_mode = #tpu.pipeline_mode<synchronous>, transform_indices = @transform_4, window_bounds = array<i64: 144, 128>}, {pipeline_mode = #tpu.pipeline_mode<synchronous>, transform_indices = @transform_5, window_bounds = array<i64: 1, 128>}, {pipeline_mode = #tpu.pipeline_mode<synchronous>, transform_indices = @transform_6, window_bounds = array<i64: 128, 256>}, {pipeline_mode = #tpu.pipeline_mode<synchronous>, transform_indices = @transform_7, window_bounds = array<i64: 1, 256>}, {transform_indices = @transform_8, window_bounds = array<i64: 1, 128, 256>}]} {
    %get3A = arith.constant 0 : index
    %get3A_0 = arith.constant 0 : index
    %get3A_1 = arith.constant 0 : index
    %get3A_2 = vector.load %arg1[%get3A, %get3A_0, %get3A_1] : memref<1x2048x144xf32, #tpu.memory_space<vmem>>, vector<1x2048x144xf32>
    %get3A_3 = vector.shape_cast %get3A_2 : vector<1x2048x144xf32> to vector<2048x144xf32>
    %get3A_4 = arith.constant 0 : index
    %get3A_5 = arith.constant 0 : index
    %get3A_6 = vector.load %arg5[%get3A_4, %get3A_5] : memref<144x128xf32, #tpu.memory_space<vmem>>, vector<144x128xf32>
    %dot_general3A = arith.constant dense<0.000000e+00> : vector<2048x128xf32>
    %dot_general3A_7 = tpu.matmul %get3A_3, %get3A_6, %dot_general3A {dimension_numbers = #tpu.dot_dimension_numbers<[1], [0], [0], [1], [0, 0, 1, 1], [], []>, transpose_lhs_hint = false} : vector<2048x144xf32>, vector<144x128xf32>, vector<2048x128xf32> -> vector<2048x128xf32>
    %get3A_8 = arith.constant 0 : index
    %get3A_9 = arith.constant 0 : index
    %get3A_10 = vector.load %arg6[%get3A_8, %get3A_9] : memref<1x128xf32, #tpu.memory_space<vmem>>, vector<1x128xf32>
    %add3A = vector.broadcast %get3A_10 : vector<1x128xf32> to vector<2048x128xf32>
    %add3A_11 = arith.addf %dot_general3A_7, %add3A : vector<2048x128xf32>
    %get3A_12 = arith.constant 0 : index
    %get3A_13 = arith.constant 0 : index
    %get3A_14 = arith.constant 0 : index
    %get3A_15 = vector.load %arg2[%get3A_12, %get3A_13, %get3A_14] : memref<1x128x1xf32, #tpu.memory_space<vmem>>, vector<1x128x1xf32>
    %get3A_16 = vector.shape_cast %get3A_15 : vector<1x128x1xf32> to vector<128x1xf32>
    %get3A_17 = arith.constant 0 : index
    %get3A_18 = arith.constant 0 : index
    %get3A_19 = arith.constant 0 : index
    %get3A_20 = vector.load %arg3[%get3A_17, %get3A_18, %get3A_19] : memref<1x128x1xf32, #tpu.memory_space<vmem>>, vector<1x128x1xf32>
    %get3A_21 = vector.shape_cast %get3A_20 : vector<1x128x1xf32> to vector<128x1xf32>
    %get3A_22 = arith.constant 0 : index
    %get3A_23 = arith.constant 0 : index
    %get3A_24 = arith.constant 0 : index
    %get3A_25 = vector.load %arg4[%get3A_22, %get3A_23, %get3A_24] : memref<1x128x1xf32, #tpu.memory_space<vmem>>, vector<1x128x1xf32>
    %get3A_26 = vector.shape_cast %get3A_25 : vector<1x128x1xf32> to vector<128x1xf32>
    %concatenate3A = tpu.concatenate %get3A_16, %get3A_21, %get3A_26 in 1 : vector<128x1xf32>, vector<128x1xf32>, vector<128x1xf32> -> vector<128x3xf32>
    %slice3A = vector.extract_strided_slice %get3A_6 {offsets = [0, 0], sizes = [3, 128], strides = [1, 1]} : vector<144x128xf32> to vector<3x128xf32>
    %dot_general3A_27 = arith.constant dense<0.000000e+00> : vector<128x128xf32>
    %dot_general3A_28 = tpu.matmul %concatenate3A, %slice3A, %dot_general3A_27 {dimension_numbers = #tpu.dot_dimension_numbers<[1], [0], [0], [1], [0, 0, 1, 1], [], []>, transpose_lhs_hint = false} : vector<128x3xf32>, vector<3x128xf32>, vector<128x128xf32> -> vector<128x128xf32>
    %concatenate3A_29 = tpu.concatenate %dot_general3A_28, %dot_general3A_28, %dot_general3A_28, %dot_general3A_28, %dot_general3A_28, %dot_general3A_28, %dot_general3A_28, %dot_general3A_28, %dot_general3A_28, %dot_general3A_28, %dot_general3A_28, %dot_general3A_28, %dot_general3A_28, %dot_general3A_28, %dot_general3A_28, %dot_general3A_28 in 0 : vector<128x128xf32>, vector<128x128xf32>, vector<128x128xf32>, vector<128x128xf32>, vector<128x128xf32>, vector<128x128xf32>, vector<128x128xf32>, vector<128x128xf32>, vector<128x128xf32>, vector<128x128xf32>, vector<128x128xf32>, vector<128x128xf32>, vector<128x128xf32>, vector<128x128xf32>, vector<128x128xf32>, vector<128x128xf32> -> vector<2048x128xf32>
    %sub3A = arith.subf %add3A_11, %concatenate3A_29 : vector<2048x128xf32>
    %max3A = arith.constant 0.000000e+00 : f32
    %max3A_30 = vector.broadcast %max3A : f32 to vector<2048x128xf32>
    %max3A_31 = arith.maximumf %sub3A, %max3A_30 : vector<2048x128xf32>
    %get3A_32 = arith.constant 0 : index
    %get3A_33 = arith.constant 0 : index
    %get3A_34 = vector.load %arg7[%get3A_32, %get3A_33] : memref<128x256xf32, #tpu.memory_space<vmem>>, vector<128x256xf32>
    %dot_general3A_35 = arith.constant dense<0.000000e+00> : vector<2048x256xf32>
    %dot_general3A_36 = tpu.matmul %max3A_31, %get3A_34, %dot_general3A_35 {dimension_numbers = #tpu.dot_dimension_numbers<[1], [0], [0], [1], [0, 0, 1, 1], [], []>, transpose_lhs_hint = false} : vector<2048x128xf32>, vector<128x256xf32>, vector<2048x256xf32> -> vector<2048x256xf32>
    %get3A_37 = arith.constant 0 : index
    %get3A_38 = arith.constant 0 : index
    %get3A_39 = vector.load %arg8[%get3A_37, %get3A_38] : memref<1x256xf32, #tpu.memory_space<vmem>>, vector<1x256xf32>
    %add3A_40 = vector.broadcast %get3A_39 : vector<1x256xf32> to vector<2048x256xf32>
    %add3A_41 = arith.addf %dot_general3A_36, %add3A_40 : vector<2048x256xf32>
    %slice3A_42 = vector.extract_strided_slice %add3A_41 {offsets = [0, 0], sizes = [128, 256], strides = [1, 1]} : vector<2048x256xf32> to vector<128x256xf32>
    %slice3A_43 = vector.extract_strided_slice %add3A_41 {offsets = [128, 0], sizes = [128, 256], strides = [1, 1]} : vector<2048x256xf32> to vector<128x256xf32>
    %max3A_44 = arith.maximumf %slice3A_42, %slice3A_43 : vector<128x256xf32>
    %slice3A_45 = vector.extract_strided_slice %add3A_41 {offsets = [256, 0], sizes = [128, 256], strides = [1, 1]} : vector<2048x256xf32> to vector<128x256xf32>
    %max3A_46 = arith.maximumf %max3A_44, %slice3A_45 : vector<128x256xf32>
    %slice3A_47 = vector.extract_strided_slice %add3A_41 {offsets = [384, 0], sizes = [128, 256], strides = [1, 1]} : vector<2048x256xf32> to vector<128x256xf32>
    %max3A_48 = arith.maximumf %max3A_46, %slice3A_47 : vector<128x256xf32>
    %slice3A_49 = vector.extract_strided_slice %add3A_41 {offsets = [512, 0], sizes = [128, 256], strides = [1, 1]} : vector<2048x256xf32> to vector<128x256xf32>
    %max3A_50 = arith.maximumf %max3A_48, %slice3A_49 : vector<128x256xf32>
    %slice3A_51 = vector.extract_strided_slice %add3A_41 {offsets = [640, 0], sizes = [128, 256], strides = [1, 1]} : vector<2048x256xf32> to vector<128x256xf32>
    %max3A_52 = arith.maximumf %max3A_50, %slice3A_51 : vector<128x256xf32>
    %slice3A_53 = vector.extract_strided_slice %add3A_41 {offsets = [768, 0], sizes = [128, 256], strides = [1, 1]} : vector<2048x256xf32> to vector<128x256xf32>
    %max3A_54 = arith.maximumf %max3A_52, %slice3A_53 : vector<128x256xf32>
    %slice3A_55 = vector.extract_strided_slice %add3A_41 {offsets = [896, 0], sizes = [128, 256], strides = [1, 1]} : vector<2048x256xf32> to vector<128x256xf32>
    %max3A_56 = arith.maximumf %max3A_54, %slice3A_55 : vector<128x256xf32>
    %slice3A_57 = vector.extract_strided_slice %add3A_41 {offsets = [1024, 0], sizes = [128, 256], strides = [1, 1]} : vector<2048x256xf32> to vector<128x256xf32>
    %max3A_58 = arith.maximumf %max3A_56, %slice3A_57 : vector<128x256xf32>
    %slice3A_59 = vector.extract_strided_slice %add3A_41 {offsets = [1152, 0], sizes = [128, 256], strides = [1, 1]} : vector<2048x256xf32> to vector<128x256xf32>
    %max3A_60 = arith.maximumf %max3A_58, %slice3A_59 : vector<128x256xf32>
    %slice3A_61 = vector.extract_strided_slice %add3A_41 {offsets = [1280, 0], sizes = [128, 256], strides = [1, 1]} : vector<2048x256xf32> to vector<128x256xf32>
    %max3A_62 = arith.maximumf %max3A_60, %slice3A_61 : vector<128x256xf32>
    %slice3A_63 = vector.extract_strided_slice %add3A_41 {offsets = [1408, 0], sizes = [128, 256], strides = [1, 1]} : vector<2048x256xf32> to vector<128x256xf32>
    %max3A_64 = arith.maximumf %max3A_62, %slice3A_63 : vector<128x256xf32>
    %slice3A_65 = vector.extract_strided_slice %add3A_41 {offsets = [1536, 0], sizes = [128, 256], strides = [1, 1]} : vector<2048x256xf32> to vector<128x256xf32>
    %max3A_66 = arith.maximumf %max3A_64, %slice3A_65 : vector<128x256xf32>
    %slice3A_67 = vector.extract_strided_slice %add3A_41 {offsets = [1664, 0], sizes = [128, 256], strides = [1, 1]} : vector<2048x256xf32> to vector<128x256xf32>
    %max3A_68 = arith.maximumf %max3A_66, %slice3A_67 : vector<128x256xf32>
    %slice3A_69 = vector.extract_strided_slice %add3A_41 {offsets = [1792, 0], sizes = [128, 256], strides = [1, 1]} : vector<2048x256xf32> to vector<128x256xf32>
    %max3A_70 = arith.maximumf %max3A_68, %slice3A_69 : vector<128x256xf32>
    %slice3A_71 = vector.extract_strided_slice %add3A_41 {offsets = [1920, 0], sizes = [128, 256], strides = [1, 1]} : vector<2048x256xf32> to vector<128x256xf32>
    %max3A_72 = arith.maximumf %max3A_70, %slice3A_71 : vector<128x256xf32>
    %swap3A = arith.constant 0 : index
    %swap3A_73 = arith.constant 0 : index
    %swap3A_74 = arith.constant 0 : index
    %swap3A_75 = vector.load %arg9[%swap3A, %swap3A_73, %swap3A_74] : memref<1x128x256xf32, #tpu.memory_space<vmem>>, vector<1x128x256xf32>
    %swap3A_76 = vector.shape_cast %swap3A_75 : vector<1x128x256xf32> to vector<128x256xf32>
    %swap3A_77 = vector.shape_cast %max3A_72 : vector<128x256xf32> to vector<1x128x256xf32>
    tpu.vector_store %arg9[%swap3A, %swap3A_73, %swap3A_74], %swap3A_77 {strides = array<i32>} : memref<1x128x256xf32, #tpu.memory_space<vmem>>, vector<1x128x256xf32>,
    return
  }
  func.func @transform_0(%arg0: i32) -> (i32, i32, i32) {
    %c0_i32 = arith.constant 0 : i32
    %c0_i32_0 = arith.constant 0 : i32
    %c0_i32_1 = arith.constant 0 : i32
    return %arg0, %c0_i32, %c0_i32_0 : i32, i32, i32
  }
  func.func @transform_1(%arg0: i32) -> (i32, i32, i32) {
    %c0_i32 = arith.constant 0 : i32
    %c0_i32_0 = arith.constant 0 : i32
    %c0_i32_1 = arith.constant 0 : i32
    return %arg0, %c0_i32, %c0_i32_0 : i32, i32, i32
  }
  func.func @transform_2(%arg0: i32) -> (i32, i32, i32) {
    %c0_i32 = arith.constant 0 : i32
    %c0_i32_0 = arith.constant 0 : i32
    %c0_i32_1 = arith.constant 0 : i32
    return %arg0, %c0_i32, %c0_i32_0 : i32, i32, i32
  }
  func.func @transform_3(%arg0: i32) -> (i32, i32, i32) {
    %c0_i32 = arith.constant 0 : i32
    %c0_i32_0 = arith.constant 0 : i32
    %c0_i32_1 = arith.constant 0 : i32
    return %arg0, %c0_i32, %c0_i32_0 : i32, i32, i32
  }
  func.func @transform_4(%arg0: i32) -> (i32, i32) {
    %c0_i32 = arith.constant 0 : i32
    %c0_i32_0 = arith.constant 0 : i32
    %c0_i32_1 = arith.constant 0 : i32
    return %c0_i32, %c0_i32_0 : i32, i32
  }
  func.func @transform_5(%arg0: i32) -> (i32, i32) {
    %c0_i32 = arith.constant 0 : i32
    %c0_i32_0 = arith.constant 0 : i32
    %c0_i32_1 = arith.constant 0 : i32
    return %c0_i32, %c0_i32_0 : i32, i32
  }
  func.func @transform_6(%arg0: i32) -> (i32, i32) {
    %c0_i32 = arith.constant 0 : i32
    %c0_i32_0 = arith.constant 0 : i32
    %c0_i32_1 = arith.constant 0 : i32
    return %c0_i32, %c0_i32_0 : i32, i32
  }
  func.func @transform_7(%arg0: i32) -> (i32, i32) {
    %c0_i32 = arith.constant 0 : i32
    %c0_i32_0 = arith.constant 0 : i32
    %c0_i32_1 = arith.constant 0 : i32
    return %c0_i32, %c0_i32_0 : i32, i32
  }
  func.func @transform_8(%arg0: i32) -> (i32, i32, i32) {
    %c0_i32 = arith.constant 0 : i32
    %c0_i32_0 = arith.constant 0 : i32
    %c0_i32_1 = arith.constant 0 : i32
    return %arg0, %c0_i32, %c0_i32_0 : i32, i32, i32
  }
}

module attributes {stable_mosaic.version = 14 : i64} {
  func.func @_tpack_body(%arg0: i32, %arg1: memref<1x128x256xf32, #tpu.memory_space<vmem>>, %arg2: memref<1x128x1xf32, #tpu.memory_space<vmem>>, %arg3: memref<1x128x1xf32, #tpu.memory_space<vmem>>, %arg4: memref<1x128x1xf32, #tpu.memory_space<vmem>>, %arg5: memref<256x64xf32, #tpu.memory_space<vmem>>, %arg6: memref<1x64xf32, #tpu.memory_space<vmem>>, %arg7: memref<64x64xf32, #tpu.memory_space<vmem>>, %arg8: memref<1x64xf32, #tpu.memory_space<vmem>>, %arg9: memref<64x64xf32, #tpu.memory_space<vmem>>, %arg10: memref<1x64xf32, #tpu.memory_space<vmem>>, %arg11: memref<64x64xf32, #tpu.memory_space<vmem>>, %arg12: memref<1x64xf32, #tpu.memory_space<vmem>>, %arg13: memref<1x128x64xf32, #tpu.memory_space<vmem>>, %arg14: memref<1x128x64xf32, #tpu.memory_space<vmem>>, %arg15: memref<1x128x80xf32, #tpu.memory_space<vmem>>) attributes {dimension_semantics = [#tpu.dimension_semantics<parallel>], iteration_bounds = array<i64: 16>, scalar_prefetch = 0 : i64, scratch_operands = 0 : i64, tpu.core_type = #tpu.core_type<tc>, window_params = [{transform_indices = @transform_0, window_bounds = array<i64: 1, 128, 256>}, {transform_indices = @transform_1, window_bounds = array<i64: 1, 128, 1>}, {transform_indices = @transform_2, window_bounds = array<i64: 1, 128, 1>}, {transform_indices = @transform_3, window_bounds = array<i64: 1, 128, 1>}, {pipeline_mode = #tpu.pipeline_mode<synchronous>, transform_indices = @transform_4, window_bounds = array<i64: 256, 64>}, {pipeline_mode = #tpu.pipeline_mode<synchronous>, transform_indices = @transform_5, window_bounds = array<i64: 1, 64>}, {pipeline_mode = #tpu.pipeline_mode<synchronous>, transform_indices = @transform_6, window_bounds = array<i64: 64, 64>}, {pipeline_mode = #tpu.pipeline_mode<synchronous>, transform_indices = @transform_7, window_bounds = array<i64: 1, 64>}, {pipeline_mode = #tpu.pipeline_mode<synchronous>, transform_indices = @transform_8, window_bounds = array<i64: 64, 64>}, {pipeline_mode = #tpu.pipeline_mode<synchronous>, transform_indices = @transform_9, window_bounds = array<i64: 1, 64>}, {pipeline_mode = #tpu.pipeline_mode<synchronous>, transform_indices = @transform_10, window_bounds = array<i64: 64, 64>}, {pipeline_mode = #tpu.pipeline_mode<synchronous>, transform_indices = @transform_11, window_bounds = array<i64: 1, 64>}, {transform_indices = @transform_12, window_bounds = array<i64: 1, 128, 64>}, {transform_indices = @transform_13, window_bounds = array<i64: 1, 128, 64>}, {transform_indices = @transform_14, window_bounds = array<i64: 1, 128, 80>}]} {
    %get3A = arith.constant 0 : index
    %get3A_0 = arith.constant 0 : index
    %get3A_1 = arith.constant 0 : index
    %get3A_2 = vector.load %arg1[%get3A, %get3A_0, %get3A_1] : memref<1x128x256xf32, #tpu.memory_space<vmem>>, vector<1x128x256xf32>
    %get3A_3 = vector.shape_cast %get3A_2 : vector<1x128x256xf32> to vector<128x256xf32>
    %get3A_4 = arith.constant 0 : index
    %get3A_5 = arith.constant 0 : index
    %get3A_6 = vector.load %arg5[%get3A_4, %get3A_5] : memref<256x64xf32, #tpu.memory_space<vmem>>, vector<256x64xf32>
    %dot_general3A = arith.constant dense<0.000000e+00> : vector<128x64xf32>
    %dot_general3A_7 = tpu.matmul %get3A_3, %get3A_6, %dot_general3A {dimension_numbers = #tpu.dot_dimension_numbers<[1], [0], [0], [1], [0, 0, 1, 1], [], []>, transpose_lhs_hint = false} : vector<128x256xf32>, vector<256x64xf32>, vector<128x64xf32> -> vector<128x64xf32>
    %get3A_8 = arith.constant 0 : index
    %get3A_9 = arith.constant 0 : index
    %get3A_10 = vector.load %arg6[%get3A_8, %get3A_9] : memref<1x64xf32, #tpu.memory_space<vmem>>, vector<1x64xf32>
    %add3A = vector.broadcast %get3A_10 : vector<1x64xf32> to vector<128x64xf32>
    %add3A_11 = arith.addf %dot_general3A_7, %add3A : vector<128x64xf32>
    %get3A_12 = arith.constant 0 : index
    %get3A_13 = arith.constant 0 : index
    %get3A_14 = vector.load %arg7[%get3A_12, %get3A_13] : memref<64x64xf32, #tpu.memory_space<vmem>>, vector<64x64xf32>
    %dot_general3A_15 = arith.constant dense<0.000000e+00> : vector<128x64xf32>
    %dot_general3A_16 = tpu.matmul %add3A_11, %get3A_14, %dot_general3A_15 {dimension_numbers = #tpu.dot_dimension_numbers<[1], [0], [0], [1], [0, 0, 1, 1], [], []>, transpose_lhs_hint = false} : vector<128x64xf32>, vector<64x64xf32>, vector<128x64xf32> -> vector<128x64xf32>
    %get3A_17 = arith.constant 0 : index
    %get3A_18 = arith.constant 0 : index
    %get3A_19 = vector.load %arg8[%get3A_17, %get3A_18] : memref<1x64xf32, #tpu.memory_space<vmem>>, vector<1x64xf32>
    %add3A_20 = vector.broadcast %get3A_19 : vector<1x64xf32> to vector<128x64xf32>
    %add3A_21 = arith.addf %dot_general3A_16, %add3A_20 : vector<128x64xf32>
    %get3A_22 = arith.constant 0 : index
    %get3A_23 = arith.constant 0 : index
    %get3A_24 = vector.load %arg9[%get3A_22, %get3A_23] : memref<64x64xf32, #tpu.memory_space<vmem>>, vector<64x64xf32>
    %dot_general3A_25 = arith.constant dense<0.000000e+00> : vector<128x64xf32>
    %dot_general3A_26 = tpu.matmul %add3A_11, %get3A_24, %dot_general3A_25 {dimension_numbers = #tpu.dot_dimension_numbers<[1], [0], [0], [1], [0, 0, 1, 1], [], []>, transpose_lhs_hint = false} : vector<128x64xf32>, vector<64x64xf32>, vector<128x64xf32> -> vector<128x64xf32>
    %get3A_27 = arith.constant 0 : index
    %get3A_28 = arith.constant 0 : index
    %get3A_29 = vector.load %arg10[%get3A_27, %get3A_28] : memref<1x64xf32, #tpu.memory_space<vmem>>, vector<1x64xf32>
    %add3A_30 = vector.broadcast %get3A_29 : vector<1x64xf32> to vector<128x64xf32>
    %add3A_31 = arith.addf %dot_general3A_26, %add3A_30 : vector<128x64xf32>
    %swap3A = arith.constant 0 : index
    %swap3A_32 = arith.constant 0 : index
    %swap3A_33 = arith.constant 0 : index
    %swap3A_34 = vector.load %arg13[%swap3A, %swap3A_32, %swap3A_33] : memref<1x128x64xf32, #tpu.memory_space<vmem>>, vector<1x128x64xf32>
    %swap3A_35 = vector.shape_cast %swap3A_34 : vector<1x128x64xf32> to vector<128x64xf32>
    %swap3A_36 = vector.shape_cast %add3A_31 : vector<128x64xf32> to vector<1x128x64xf32>
    tpu.vector_store %arg13[%swap3A, %swap3A_32, %swap3A_33], %swap3A_36 {strides = array<i32>} : memref<1x128x64xf32, #tpu.memory_space<vmem>>, vector<1x128x64xf32>,
    %get3A_37 = arith.constant 0 : index
    %get3A_38 = arith.constant 0 : index
    %get3A_39 = vector.load %arg11[%get3A_37, %get3A_38] : memref<64x64xf32, #tpu.memory_space<vmem>>, vector<64x64xf32>
    %dot_general3A_40 = arith.constant dense<0.000000e+00> : vector<128x64xf32>
    %dot_general3A_41 = tpu.matmul %add3A_11, %get3A_39, %dot_general3A_40 {dimension_numbers = #tpu.dot_dimension_numbers<[1], [0], [0], [1], [0, 0, 1, 1], [], []>, transpose_lhs_hint = false} : vector<128x64xf32>, vector<64x64xf32>, vector<128x64xf32> -> vector<128x64xf32>
    %get3A_42 = arith.constant 0 : index
    %get3A_43 = arith.constant 0 : index
    %get3A_44 = vector.load %arg12[%get3A_42, %get3A_43] : memref<1x64xf32, #tpu.memory_space<vmem>>, vector<1x64xf32>
    %add3A_45 = vector.broadcast %get3A_44 : vector<1x64xf32> to vector<128x64xf32>
    %add3A_46 = arith.addf %dot_general3A_41, %add3A_45 : vector<128x64xf32>
    %swap3A_47 = arith.constant 0 : index
    %swap3A_48 = arith.constant 0 : index
    %swap3A_49 = arith.constant 0 : index
    %swap3A_50 = vector.load %arg14[%swap3A_47, %swap3A_48, %swap3A_49] : memref<1x128x64xf32, #tpu.memory_space<vmem>>, vector<1x128x64xf32>
    %swap3A_51 = vector.shape_cast %swap3A_50 : vector<1x128x64xf32> to vector<128x64xf32>
    %swap3A_52 = vector.shape_cast %add3A_46 : vector<128x64xf32> to vector<1x128x64xf32>
    tpu.vector_store %arg14[%swap3A_47, %swap3A_48, %swap3A_49], %swap3A_52 {strides = array<i32>} : memref<1x128x64xf32, #tpu.memory_space<vmem>>, vector<1x128x64xf32>,
    %swap3A_53 = arith.constant 0 : index
    %swap3A_54 = arith.constant 0 : index
    %swap3A_55 = arith.constant 0 : index
    %swap3A_56 = vector.load %arg15[%swap3A_53, %swap3A_54, %swap3A_55] : memref<1x128x80xf32, #tpu.memory_space<vmem>>, vector<1x128x64xf32>
    %swap3A_57 = vector.shape_cast %swap3A_56 : vector<1x128x64xf32> to vector<128x64xf32>
    %swap3A_58 = vector.shape_cast %add3A_21 : vector<128x64xf32> to vector<1x128x64xf32>
    tpu.vector_store %arg15[%swap3A_53, %swap3A_54, %swap3A_55], %swap3A_58 {strides = array<i32>} : memref<1x128x80xf32, #tpu.memory_space<vmem>>, vector<1x128x64xf32>,
    %get3A_59 = arith.constant 0 : index
    %get3A_60 = arith.constant 0 : index
    %get3A_61 = arith.constant 0 : index
    %get3A_62 = vector.load %arg2[%get3A_59, %get3A_60, %get3A_61] : memref<1x128x1xf32, #tpu.memory_space<vmem>>, vector<1x128x1xf32>
    %get3A_63 = vector.shape_cast %get3A_62 : vector<1x128x1xf32> to vector<128x1xf32>
    %swap3A_64 = arith.constant 0 : index
    %swap3A_65 = arith.constant 0 : index
    %swap3A_66 = arith.constant 64 : index
    %swap3A_67 = vector.load %arg15[%swap3A_64, %swap3A_65, %swap3A_66] : memref<1x128x80xf32, #tpu.memory_space<vmem>>, vector<1x128x1xf32>
    %swap3A_68 = vector.shape_cast %swap3A_67 : vector<1x128x1xf32> to vector<128x1xf32>
    %swap3A_69 = vector.shape_cast %get3A_63 : vector<128x1xf32> to vector<1x128x1xf32>
    tpu.vector_store %arg15[%swap3A_64, %swap3A_65, %swap3A_66], %swap3A_69 {strides = array<i32>} : memref<1x128x80xf32, #tpu.memory_space<vmem>>, vector<1x128x1xf32>,
    %get3A_70 = arith.constant 0 : index
    %get3A_71 = arith.constant 0 : index
    %get3A_72 = arith.constant 0 : index
    %get3A_73 = vector.load %arg3[%get3A_70, %get3A_71, %get3A_72] : memref<1x128x1xf32, #tpu.memory_space<vmem>>, vector<1x128x1xf32>
    %get3A_74 = vector.shape_cast %get3A_73 : vector<1x128x1xf32> to vector<128x1xf32>
    %swap3A_75 = arith.constant 0 : index
    %swap3A_76 = arith.constant 0 : index
    %swap3A_77 = arith.constant 65 : index
    %swap3A_78 = vector.load %arg15[%swap3A_75, %swap3A_76, %swap3A_77] : memref<1x128x80xf32, #tpu.memory_space<vmem>>, vector<1x128x1xf32>
    %swap3A_79 = vector.shape_cast %swap3A_78 : vector<1x128x1xf32> to vector<128x1xf32>
    %swap3A_80 = vector.shape_cast %get3A_74 : vector<128x1xf32> to vector<1x128x1xf32>
    tpu.vector_store %arg15[%swap3A_75, %swap3A_76, %swap3A_77], %swap3A_80 {strides = array<i32>} : memref<1x128x80xf32, #tpu.memory_space<vmem>>, vector<1x128x1xf32>,
    %get3A_81 = arith.constant 0 : index
    %get3A_82 = arith.constant 0 : index
    %get3A_83 = arith.constant 0 : index
    %get3A_84 = vector.load %arg4[%get3A_81, %get3A_82, %get3A_83] : memref<1x128x1xf32, #tpu.memory_space<vmem>>, vector<1x128x1xf32>
    %get3A_85 = vector.shape_cast %get3A_84 : vector<1x128x1xf32> to vector<128x1xf32>
    %swap3A_86 = arith.constant 0 : index
    %swap3A_87 = arith.constant 0 : index
    %swap3A_88 = arith.constant 66 : index
    %swap3A_89 = vector.load %arg15[%swap3A_86, %swap3A_87, %swap3A_88] : memref<1x128x80xf32, #tpu.memory_space<vmem>>, vector<1x128x1xf32>
    %swap3A_90 = vector.shape_cast %swap3A_89 : vector<1x128x1xf32> to vector<128x1xf32>
    %swap3A_91 = vector.shape_cast %get3A_85 : vector<128x1xf32> to vector<1x128x1xf32>
    tpu.vector_store %arg15[%swap3A_86, %swap3A_87, %swap3A_88], %swap3A_91 {strides = array<i32>} : memref<1x128x80xf32, #tpu.memory_space<vmem>>, vector<1x128x1xf32>,
    %broadcast_in_dim3A = arith.constant 0.000000e+00 : f32
    %broadcast_in_dim3A_92 = vector.broadcast %broadcast_in_dim3A : f32 to vector<128x13xf32>
    %swap3A_93 = arith.constant 0 : index
    %swap3A_94 = arith.constant 0 : index
    %swap3A_95 = arith.constant 67 : index
    %swap3A_96 = vector.load %arg15[%swap3A_93, %swap3A_94, %swap3A_95] : memref<1x128x80xf32, #tpu.memory_space<vmem>>, vector<1x128x13xf32>
    %swap3A_97 = vector.shape_cast %swap3A_96 : vector<1x128x13xf32> to vector<128x13xf32>
    %swap3A_98 = vector.shape_cast %broadcast_in_dim3A_92 : vector<128x13xf32> to vector<1x128x13xf32>
    tpu.vector_store %arg15[%swap3A_93, %swap3A_94, %swap3A_95], %swap3A_98 {strides = array<i32>} : memref<1x128x80xf32, #tpu.memory_space<vmem>>, vector<1x128x13xf32>,
    return
  }
  func.func @transform_0(%arg0: i32) -> (i32, i32, i32) {
    %c0_i32 = arith.constant 0 : i32
    %c0_i32_0 = arith.constant 0 : i32
    %c0_i32_1 = arith.constant 0 : i32
    return %arg0, %c0_i32, %c0_i32_0 : i32, i32, i32
  }
  func.func @transform_1(%arg0: i32) -> (i32, i32, i32) {
    %c0_i32 = arith.constant 0 : i32
    %c0_i32_0 = arith.constant 0 : i32
    %c0_i32_1 = arith.constant 0 : i32
    return %arg0, %c0_i32, %c0_i32_0 : i32, i32, i32
  }
  func.func @transform_2(%arg0: i32) -> (i32, i32, i32) {
    %c0_i32 = arith.constant 0 : i32
    %c0_i32_0 = arith.constant 0 : i32
    %c0_i32_1 = arith.constant 0 : i32
    return %arg0, %c0_i32, %c0_i32_0 : i32, i32, i32
  }
  func.func @transform_3(%arg0: i32) -> (i32, i32, i32) {
    %c0_i32 = arith.constant 0 : i32
    %c0_i32_0 = arith.constant 0 : i32
    %c0_i32_1 = arith.constant 0 : i32
    return %arg0, %c0_i32, %c0_i32_0 : i32, i32, i32
  }
  func.func @transform_4(%arg0: i32) -> (i32, i32) {
    %c0_i32 = arith.constant 0 : i32
    %c0_i32_0 = arith.constant 0 : i32
    %c0_i32_1 = arith.constant 0 : i32
    return %c0_i32, %c0_i32_0 : i32, i32
  }
  func.func @transform_5(%arg0: i32) -> (i32, i32) {
    %c0_i32 = arith.constant 0 : i32
    %c0_i32_0 = arith.constant 0 : i32
    %c0_i32_1 = arith.constant 0 : i32
    return %c0_i32, %c0_i32_0 : i32, i32
  }
  func.func @transform_6(%arg0: i32) -> (i32, i32) {
    %c0_i32 = arith.constant 0 : i32
    %c0_i32_0 = arith.constant 0 : i32
    %c0_i32_1 = arith.constant 0 : i32
    return %c0_i32, %c0_i32_0 : i32, i32
  }
  func.func @transform_7(%arg0: i32) -> (i32, i32) {
    %c0_i32 = arith.constant 0 : i32
    %c0_i32_0 = arith.constant 0 : i32
    %c0_i32_1 = arith.constant 0 : i32
    return %c0_i32, %c0_i32_0 : i32, i32
  }
  func.func @transform_8(%arg0: i32) -> (i32, i32) {
    %c0_i32 = arith.constant 0 : i32
    %c0_i32_0 = arith.constant 0 : i32
    %c0_i32_1 = arith.constant 0 : i32
    return %c0_i32, %c0_i32_0 : i32, i32
  }
  func.func @transform_9(%arg0: i32) -> (i32, i32) {
    %c0_i32 = arith.constant 0 : i32
    %c0_i32_0 = arith.constant 0 : i32
    %c0_i32_1 = arith.constant 0 : i32
    return %c0_i32, %c0_i32_0 : i32, i32
  }
  func.func @transform_10(%arg0: i32) -> (i32, i32) {
    %c0_i32 = arith.constant 0 : i32
    %c0_i32_0 = arith.constant 0 : i32
    %c0_i32_1 = arith.constant 0 : i32
    return %c0_i32, %c0_i32_0 : i32, i32
  }
  func.func @transform_11(%arg0: i32) -> (i32, i32) {
    %c0_i32 = arith.constant 0 : i32
    %c0_i32_0 = arith.constant 0 : i32
    %c0_i32_1 = arith.constant 0 : i32
    return %c0_i32, %c0_i32_0 : i32, i32
  }
  func.func @transform_12(%arg0: i32) -> (i32, i32, i32) {
    %c0_i32 = arith.constant 0 : i32
    %c0_i32_0 = arith.constant 0 : i32
    %c0_i32_1 = arith.constant 0 : i32
    return %arg0, %c0_i32, %c0_i32_0 : i32, i32, i32
  }
  func.func @transform_13(%arg0: i32) -> (i32, i32, i32) {
    %c0_i32 = arith.constant 0 : i32
    %c0_i32_0 = arith.constant 0 : i32
    %c0_i32_1 = arith.constant 0 : i32
    return %arg0, %c0_i32, %c0_i32_0 : i32, i32, i32
  }
  func.func @transform_14(%arg0: i32) -> (i32, i32, i32) {
    %c0_i32 = arith.constant 0 : i32
    %c0_i32_0 = arith.constant 0 : i32
    %c0_i32_1 = arith.constant 0 : i32
    return %arg0, %c0_i32, %c0_i32_0 : i32, i32, i32
  }
}

module attributes {stable_mosaic.version = 14 : i64} {
  func.func @_tattn_body(%arg0: i32, %arg1: memref<1x2048x80xf32, #tpu.memory_space<vmem>>, %arg2: memref<1x128x64xf32, #tpu.memory_space<vmem>>, %arg3: memref<1x128x64xf32, #tpu.memory_space<vmem>>, %arg4: memref<1x128x256xf32, #tpu.memory_space<vmem>>, %arg5: memref<1x128x1xf32, #tpu.memory_space<vmem>>, %arg6: memref<1x128x1xf32, #tpu.memory_space<vmem>>, %arg7: memref<1x128x1xf32, #tpu.memory_space<vmem>>, %arg8: memref<3x64xf32, #tpu.memory_space<vmem>>, %arg9: memref<1x64xf32, #tpu.memory_space<vmem>>, %arg10: memref<64x64xf32, #tpu.memory_space<vmem>>, %arg11: memref<1x64xf32, #tpu.memory_space<vmem>>, %arg12: memref<64x256xf32, #tpu.memory_space<vmem>>, %arg13: memref<1x256xf32, #tpu.memory_space<vmem>>, %arg14: memref<256x64xf32, #tpu.memory_space<vmem>>, %arg15: memref<1x64xf32, #tpu.memory_space<vmem>>, %arg16: memref<64x256xf32, #tpu.memory_space<vmem>>, %arg17: memref<1x256xf32, #tpu.memory_space<vmem>>, %arg18: memref<1x128x256xf32, #tpu.memory_space<vmem>>) attributes {dimension_semantics = [#tpu.dimension_semantics<parallel>], iteration_bounds = array<i64: 16>, scalar_prefetch = 0 : i64, scratch_operands = 0 : i64, tpu.core_type = #tpu.core_type<tc>, window_params = [{transform_indices = @transform_0, window_bounds = array<i64: 1, 2048, 80>}, {transform_indices = @transform_1, window_bounds = array<i64: 1, 128, 64>}, {transform_indices = @transform_2, window_bounds = array<i64: 1, 128, 64>}, {transform_indices = @transform_3, window_bounds = array<i64: 1, 128, 256>}, {transform_indices = @transform_4, window_bounds = array<i64: 1, 128, 1>}, {transform_indices = @transform_5, window_bounds = array<i64: 1, 128, 1>}, {transform_indices = @transform_6, window_bounds = array<i64: 1, 128, 1>}, {pipeline_mode = #tpu.pipeline_mode<synchronous>, transform_indices = @transform_7, window_bounds = array<i64: 3, 64>}, {pipeline_mode = #tpu.pipeline_mode<synchronous>, transform_indices = @transform_8, window_bounds = array<i64: 1, 64>}, {pipeline_mode = #tpu.pipeline_mode<synchronous>, transform_indices = @transform_9, window_bounds = array<i64: 64, 64>}, {pipeline_mode = #tpu.pipeline_mode<synchronous>, transform_indices = @transform_10, window_bounds = array<i64: 1, 64>}, {pipeline_mode = #tpu.pipeline_mode<synchronous>, transform_indices = @transform_11, window_bounds = array<i64: 64, 256>}, {pipeline_mode = #tpu.pipeline_mode<synchronous>, transform_indices = @transform_12, window_bounds = array<i64: 1, 256>}, {pipeline_mode = #tpu.pipeline_mode<synchronous>, transform_indices = @transform_13, window_bounds = array<i64: 256, 64>}, {pipeline_mode = #tpu.pipeline_mode<synchronous>, transform_indices = @transform_14, window_bounds = array<i64: 1, 64>}, {pipeline_mode = #tpu.pipeline_mode<synchronous>, transform_indices = @transform_15, window_bounds = array<i64: 64, 256>}, {pipeline_mode = #tpu.pipeline_mode<synchronous>, transform_indices = @transform_16, window_bounds = array<i64: 1, 256>}, {transform_indices = @transform_17, window_bounds = array<i64: 1, 128, 256>}]} {
    %get3A = arith.constant 0 : index
    %get3A_0 = arith.constant 0 : index
    %get3A_1 = arith.constant 0 : index
    %get3A_2 = vector.load %arg1[%get3A, %get3A_0, %get3A_1] : memref<1x2048x80xf32, #tpu.memory_space<vmem>>, vector<1x2048x80xf32>
    %get3A_3 = vector.shape_cast %get3A_2 : vector<1x2048x80xf32> to vector<2048x80xf32>
    %slice3A = vector.extract_strided_slice %get3A_3 {offsets = [0, 0], sizes = [2048, 64], strides = [1, 1]} : vector<2048x80xf32> to vector<2048x64xf32>
    %slice3A_4 = vector.extract_strided_slice %get3A_3 {offsets = [0, 64], sizes = [2048, 1], strides = [1, 1]} : vector<2048x80xf32> to vector<2048x1xf32>
    %slice3A_5 = vector.extract_strided_slice %get3A_3 {offsets = [0, 65], sizes = [2048, 1], strides = [1, 1]} : vector<2048x80xf32> to vector<2048x1xf32>
    %slice3A_6 = vector.extract_strided_slice %get3A_3 {offsets = [0, 66], sizes = [2048, 1], strides = [1, 1]} : vector<2048x80xf32> to vector<2048x1xf32>
    %get3A_7 = arith.constant 0 : index
    %get3A_8 = arith.constant 0 : index
    %get3A_9 = arith.constant 0 : index
    %get3A_10 = vector.load %arg2[%get3A_7, %get3A_8, %get3A_9] : memref<1x128x64xf32, #tpu.memory_space<vmem>>, vector<1x128x64xf32>
    %get3A_11 = vector.shape_cast %get3A_10 : vector<1x128x64xf32> to vector<128x64xf32>
    %get3A_12 = arith.constant 0 : index
    %get3A_13 = arith.constant 0 : index
    %get3A_14 = arith.constant 0 : index
    %get3A_15 = vector.load %arg3[%get3A_12, %get3A_13, %get3A_14] : memref<1x128x64xf32, #tpu.memory_space<vmem>>, vector<1x128x64xf32>
    %get3A_16 = vector.shape_cast %get3A_15 : vector<1x128x64xf32> to vector<128x64xf32>
    %get3A_17 = arith.constant 0 : index
    %get3A_18 = arith.constant 0 : index
    %get3A_19 = arith.constant 0 : index
    %get3A_20 = vector.load %arg5[%get3A_17, %get3A_18, %get3A_19] : memref<1x128x1xf32, #tpu.memory_space<vmem>>, vector<1x128x1xf32>
    %get3A_21 = vector.shape_cast %get3A_20 : vector<1x128x1xf32> to vector<128x1xf32>
    %get3A_22 = arith.constant 0 : index
    %get3A_23 = arith.constant 0 : index
    %get3A_24 = arith.constant 0 : index
    %get3A_25 = vector.load %arg6[%get3A_22, %get3A_23, %get3A_24] : memref<1x128x1xf32, #tpu.memory_space<vmem>>, vector<1x128x1xf32>
    %get3A_26 = vector.shape_cast %get3A_25 : vector<1x128x1xf32> to vector<128x1xf32>
    %get3A_27 = arith.constant 0 : index
    %get3A_28 = arith.constant 0 : index
    %get3A_29 = arith.constant 0 : index
    %get3A_30 = vector.load %arg7[%get3A_27, %get3A_28, %get3A_29] : memref<1x128x1xf32, #tpu.memory_space<vmem>>, vector<1x128x1xf32>
    %get3A_31 = vector.shape_cast %get3A_30 : vector<1x128x1xf32> to vector<128x1xf32>
    %concatenate3A = tpu.concatenate %get3A_11, %get3A_11, %get3A_11, %get3A_11, %get3A_11, %get3A_11, %get3A_11, %get3A_11, %get3A_11, %get3A_11, %get3A_11, %get3A_11, %get3A_11, %get3A_11, %get3A_11, %get3A_11 in 0 : vector<128x64xf32>, vector<128x64xf32>, vector<128x64xf32>, vector<128x64xf32>, vector<128x64xf32>, vector<128x64xf32>, vector<128x64xf32>, vector<128x64xf32>, vector<128x64xf32>, vector<128x64xf32>, vector<128x64xf32>, vector<128x64xf32>, vector<128x64xf32>, vector<128x64xf32>, vector<128x64xf32>, vector<128x64xf32> -> vector<2048x64xf32>
    %concatenate3A_32 = tpu.concatenate %get3A_21, %get3A_21, %get3A_21, %get3A_21, %get3A_21, %get3A_21, %get3A_21, %get3A_21, %get3A_21, %get3A_21, %get3A_21, %get3A_21, %get3A_21, %get3A_21, %get3A_21, %get3A_21 in 0 : vector<128x1xf32>, vector<128x1xf32>, vector<128x1xf32>, vector<128x1xf32>, vector<128x1xf32>, vector<128x1xf32>, vector<128x1xf32>, vector<128x1xf32>, vector<128x1xf32>, vector<128x1xf32>, vector<128x1xf32>, vector<128x1xf32>, vector<128x1xf32>, vector<128x1xf32>, vector<128x1xf32>, vector<128x1xf32> -> vector<2048x1xf32>
    %concatenate3A_33 = tpu.concatenate %get3A_26, %get3A_26, %get3A_26, %get3A_26, %get3A_26, %get3A_26, %get3A_26, %get3A_26, %get3A_26, %get3A_26, %get3A_26, %get3A_26, %get3A_26, %get3A_26, %get3A_26, %get3A_26 in 0 : vector<128x1xf32>, vector<128x1xf32>, vector<128x1xf32>, vector<128x1xf32>, vector<128x1xf32>, vector<128x1xf32>, vector<128x1xf32>, vector<128x1xf32>, vector<128x1xf32>, vector<128x1xf32>, vector<128x1xf32>, vector<128x1xf32>, vector<128x1xf32>, vector<128x1xf32>, vector<128x1xf32>, vector<128x1xf32> -> vector<2048x1xf32>
    %concatenate3A_34 = tpu.concatenate %get3A_31, %get3A_31, %get3A_31, %get3A_31, %get3A_31, %get3A_31, %get3A_31, %get3A_31, %get3A_31, %get3A_31, %get3A_31, %get3A_31, %get3A_31, %get3A_31, %get3A_31, %get3A_31 in 0 : vector<128x1xf32>, vector<128x1xf32>, vector<128x1xf32>, vector<128x1xf32>, vector<128x1xf32>, vector<128x1xf32>, vector<128x1xf32>, vector<128x1xf32>, vector<128x1xf32>, vector<128x1xf32>, vector<128x1xf32>, vector<128x1xf32>, vector<128x1xf32>, vector<128x1xf32>, vector<128x1xf32>, vector<128x1xf32> -> vector<2048x1xf32>
    %sub3A = arith.subf %concatenate3A_32, %slice3A_4 : vector<2048x1xf32>
    %sub3A_35 = arith.subf %concatenate3A_33, %slice3A_5 : vector<2048x1xf32>
    %sub3A_36 = arith.subf %concatenate3A_34, %slice3A_6 : vector<2048x1xf32>
    %concatenate3A_37 = tpu.concatenate %sub3A, %sub3A_35, %sub3A_36 in 1 : vector<2048x1xf32>, vector<2048x1xf32>, vector<2048x1xf32> -> vector<2048x3xf32>
    %get3A_38 = arith.constant 0 : index
    %get3A_39 = arith.constant 0 : index
    %get3A_40 = vector.load %arg8[%get3A_38, %get3A_39] : memref<3x64xf32, #tpu.memory_space<vmem>>, vector<3x64xf32>
    %dot_general3A = arith.constant dense<0.000000e+00> : vector<2048x64xf32>
    %dot_general3A_41 = tpu.matmul %concatenate3A_37, %get3A_40, %dot_general3A {dimension_numbers = #tpu.dot_dimension_numbers<[1], [0], [0], [1], [0, 0, 1, 1], [], []>, transpose_lhs_hint = false} : vector<2048x3xf32>, vector<3x64xf32>, vector<2048x64xf32> -> vector<2048x64xf32>
    %get3A_42 = arith.constant 0 : index
    %get3A_43 = arith.constant 0 : index
    %get3A_44 = vector.load %arg9[%get3A_42, %get3A_43] : memref<1x64xf32, #tpu.memory_space<vmem>>, vector<1x64xf32>
    %add3A = vector.broadcast %get3A_44 : vector<1x64xf32> to vector<2048x64xf32>
    %add3A_45 = arith.addf %dot_general3A_41, %add3A : vector<2048x64xf32>
    %max3A = arith.constant 0.000000e+00 : f32
    %max3A_46 = vector.broadcast %max3A : f32 to vector<2048x64xf32>
    %max3A_47 = arith.maximumf %add3A_45, %max3A_46 : vector<2048x64xf32>
    %get3A_48 = arith.constant 0 : index
    %get3A_49 = arith.constant 0 : index
    %get3A_50 = vector.load %arg10[%get3A_48, %get3A_49] : memref<64x64xf32, #tpu.memory_space<vmem>>, vector<64x64xf32>
    %dot_general3A_51 = arith.constant dense<0.000000e+00> : vector<2048x64xf32>
    %dot_general3A_52 = tpu.matmul %max3A_47, %get3A_50, %dot_general3A_51 {dimension_numbers = #tpu.dot_dimension_numbers<[1], [0], [0], [1], [0, 0, 1, 1], [], []>, transpose_lhs_hint = false} : vector<2048x64xf32>, vector<64x64xf32>, vector<2048x64xf32> -> vector<2048x64xf32>
    %get3A_53 = arith.constant 0 : index
    %get3A_54 = arith.constant 0 : index
    %get3A_55 = vector.load %arg11[%get3A_53, %get3A_54] : memref<1x64xf32, #tpu.memory_space<vmem>>, vector<1x64xf32>
    %add3A_56 = vector.broadcast %get3A_55 : vector<1x64xf32> to vector<2048x64xf32>
    %add3A_57 = arith.addf %dot_general3A_52, %add3A_56 : vector<2048x64xf32>
    %sub3A_58 = arith.subf %concatenate3A, %slice3A : vector<2048x64xf32>
    %add3A_59 = arith.addf %sub3A_58, %add3A_57 : vector<2048x64xf32>
    %get3A_60 = arith.constant 0 : index
    %get3A_61 = arith.constant 0 : index
    %get3A_62 = vector.load %arg12[%get3A_60, %get3A_61] : memref<64x256xf32, #tpu.memory_space<vmem>>, vector<64x256xf32>
    %dot_general3A_63 = arith.constant dense<0.000000e+00> : vector<2048x256xf32>
    %dot_general3A_64 = tpu.matmul %add3A_59, %get3A_62, %dot_general3A_63 {dimension_numbers = #tpu.dot_dimension_numbers<[1], [0], [0], [1], [0, 0, 1, 1], [], []>, transpose_lhs_hint = false} : vector<2048x64xf32>, vector<64x256xf32>, vector<2048x256xf32> -> vector<2048x256xf32>
    %get3A_65 = arith.constant 0 : index
    %get3A_66 = arith.constant 0 : index
    %get3A_67 = vector.load %arg13[%get3A_65, %get3A_66] : memref<1x256xf32, #tpu.memory_space<vmem>>, vector<1x256xf32>
    %add3A_68 = vector.broadcast %get3A_67 : vector<1x256xf32> to vector<2048x256xf32>
    %add3A_69 = arith.addf %dot_general3A_64, %add3A_68 : vector<2048x256xf32>
    %max3A_70 = arith.constant 0.000000e+00 : f32
    %max3A_71 = vector.broadcast %max3A_70 : f32 to vector<2048x256xf32>
    %max3A_72 = arith.maximumf %add3A_69, %max3A_71 : vector<2048x256xf32>
    %get3A_73 = arith.constant 0 : index
    %get3A_74 = arith.constant 0 : index
    %get3A_75 = vector.load %arg14[%get3A_73, %get3A_74] : memref<256x64xf32, #tpu.memory_space<vmem>>, vector<256x64xf32>
    %dot_general3A_76 = arith.constant dense<0.000000e+00> : vector<2048x64xf32>
    %dot_general3A_77 = tpu.matmul %max3A_72, %get3A_75, %dot_general3A_76 {dimension_numbers = #tpu.dot_dimension_numbers<[1], [0], [0], [1], [0, 0, 1, 1], [], []>, transpose_lhs_hint = false} : vector<2048x256xf32>, vector<256x64xf32>, vector<2048x64xf32> -> vector<2048x64xf32>
    %get3A_78 = arith.constant 0 : index
    %get3A_79 = arith.constant 0 : index
    %get3A_80 = vector.load %arg15[%get3A_78, %get3A_79] : memref<1x64xf32, #tpu.memory_space<vmem>>, vector<1x64xf32>
    %add3A_81 = vector.broadcast %get3A_80 : vector<1x64xf32> to vector<2048x64xf32>
    %add3A_82 = arith.addf %dot_general3A_77, %add3A_81 : vector<2048x64xf32>
    %slice3A_83 = vector.extract_strided_slice %add3A_82 {offsets = [0, 0], sizes = [128, 64], strides = [1, 1]} : vector<2048x64xf32> to vector<128x64xf32>
    %slice3A_84 = vector.extract_strided_slice %add3A_82 {offsets = [128, 0], sizes = [128, 64], strides = [1, 1]} : vector<2048x64xf32> to vector<128x64xf32>
    %max3A_85 = arith.maximumf %slice3A_83, %slice3A_84 : vector<128x64xf32>
    %slice3A_86 = vector.extract_strided_slice %add3A_82 {offsets = [256, 0], sizes = [128, 64], strides = [1, 1]} : vector<2048x64xf32> to vector<128x64xf32>
    %max3A_87 = arith.maximumf %max3A_85, %slice3A_86 : vector<128x64xf32>
    %slice3A_88 = vector.extract_strided_slice %add3A_82 {offsets = [384, 0], sizes = [128, 64], strides = [1, 1]} : vector<2048x64xf32> to vector<128x64xf32>
    %max3A_89 = arith.maximumf %max3A_87, %slice3A_88 : vector<128x64xf32>
    %slice3A_90 = vector.extract_strided_slice %add3A_82 {offsets = [512, 0], sizes = [128, 64], strides = [1, 1]} : vector<2048x64xf32> to vector<128x64xf32>
    %max3A_91 = arith.maximumf %max3A_89, %slice3A_90 : vector<128x64xf32>
    %slice3A_92 = vector.extract_strided_slice %add3A_82 {offsets = [640, 0], sizes = [128, 64], strides = [1, 1]} : vector<2048x64xf32> to vector<128x64xf32>
    %max3A_93 = arith.maximumf %max3A_91, %slice3A_92 : vector<128x64xf32>
    %slice3A_94 = vector.extract_strided_slice %add3A_82 {offsets = [768, 0], sizes = [128, 64], strides = [1, 1]} : vector<2048x64xf32> to vector<128x64xf32>
    %max3A_95 = arith.maximumf %max3A_93, %slice3A_94 : vector<128x64xf32>
    %slice3A_96 = vector.extract_strided_slice %add3A_82 {offsets = [896, 0], sizes = [128, 64], strides = [1, 1]} : vector<2048x64xf32> to vector<128x64xf32>
    %max3A_97 = arith.maximumf %max3A_95, %slice3A_96 : vector<128x64xf32>
    %slice3A_98 = vector.extract_strided_slice %add3A_82 {offsets = [1024, 0], sizes = [128, 64], strides = [1, 1]} : vector<2048x64xf32> to vector<128x64xf32>
    %max3A_99 = arith.maximumf %max3A_97, %slice3A_98 : vector<128x64xf32>
    %slice3A_100 = vector.extract_strided_slice %add3A_82 {offsets = [1152, 0], sizes = [128, 64], strides = [1, 1]} : vector<2048x64xf32> to vector<128x64xf32>
    %max3A_101 = arith.maximumf %max3A_99, %slice3A_100 : vector<128x64xf32>
    %slice3A_102 = vector.extract_strided_slice %add3A_82 {offsets = [1280, 0], sizes = [128, 64], strides = [1, 1]} : vector<2048x64xf32> to vector<128x64xf32>
    %max3A_103 = arith.maximumf %max3A_101, %slice3A_102 : vector<128x64xf32>
    %slice3A_104 = vector.extract_strided_slice %add3A_82 {offsets = [1408, 0], sizes = [128, 64], strides = [1, 1]} : vector<2048x64xf32> to vector<128x64xf32>
    %max3A_105 = arith.maximumf %max3A_103, %slice3A_104 : vector<128x64xf32>
    %slice3A_106 = vector.extract_strided_slice %add3A_82 {offsets = [1536, 0], sizes = [128, 64], strides = [1, 1]} : vector<2048x64xf32> to vector<128x64xf32>
    %max3A_107 = arith.maximumf %max3A_105, %slice3A_106 : vector<128x64xf32>
    %slice3A_108 = vector.extract_strided_slice %add3A_82 {offsets = [1664, 0], sizes = [128, 64], strides = [1, 1]} : vector<2048x64xf32> to vector<128x64xf32>
    %max3A_109 = arith.maximumf %max3A_107, %slice3A_108 : vector<128x64xf32>
    %slice3A_110 = vector.extract_strided_slice %add3A_82 {offsets = [1792, 0], sizes = [128, 64], strides = [1, 1]} : vector<2048x64xf32> to vector<128x64xf32>
    %max3A_111 = arith.maximumf %max3A_109, %slice3A_110 : vector<128x64xf32>
    %slice3A_112 = vector.extract_strided_slice %add3A_82 {offsets = [1920, 0], sizes = [128, 64], strides = [1, 1]} : vector<2048x64xf32> to vector<128x64xf32>
    %max3A_113 = arith.maximumf %max3A_111, %slice3A_112 : vector<128x64xf32>
    %broadcast_in_dim3A = arith.constant 0.000000e+00 : f32
    %broadcast_in_dim3A_114 = vector.broadcast %broadcast_in_dim3A : f32 to vector<128x64xf32>
    %broadcast_in_dim3A_115 = arith.constant 0.000000e+00 : f32
    %broadcast_in_dim3A_116 = vector.broadcast %broadcast_in_dim3A_115 : f32 to vector<128x64xf32>
    %slice3A_117 = vector.extract_strided_slice %add3A_82 {offsets = [0, 0], sizes = [128, 64], strides = [1, 1]} : vector<2048x64xf32> to vector<128x64xf32>
    %sub3A_118 = arith.subf %slice3A_117, %max3A_113 : vector<128x64xf32>
    %exp3A = math.exp %sub3A_118 : vector<128x64xf32>
    %add3A_119 = arith.addf %broadcast_in_dim3A_114, %exp3A : vector<128x64xf32>
    %slice3A_120 = vector.extract_strided_slice %add3A_57 {offsets = [0, 0], sizes = [128, 64], strides = [1, 1]} : vector<2048x64xf32> to vector<128x64xf32>
    %add3A_121 = arith.addf %get3A_16, %slice3A_120 : vector<128x64xf32>
    %mul3A = arith.mulf %exp3A, %add3A_121 : vector<128x64xf32>
    %add3A_122 = arith.addf %broadcast_in_dim3A_116, %mul3A : vector<128x64xf32>
    %slice3A_123 = vector.extract_strided_slice %add3A_82 {offsets = [128, 0], sizes = [128, 64], strides = [1, 1]} : vector<2048x64xf32> to vector<128x64xf32>
    %sub3A_124 = arith.subf %slice3A_123, %max3A_113 : vector<128x64xf32>
    %exp3A_125 = math.exp %sub3A_124 : vector<128x64xf32>
    %add3A_126 = arith.addf %add3A_119, %exp3A_125 : vector<128x64xf32>
    %slice3A_127 = vector.extract_strided_slice %add3A_57 {offsets = [128, 0], sizes = [128, 64], strides = [1, 1]} : vector<2048x64xf32> to vector<128x64xf32>
    %add3A_128 = arith.addf %get3A_16, %slice3A_127 : vector<128x64xf32>
    %mul3A_129 = arith.mulf %exp3A_125, %add3A_128 : vector<128x64xf32>
    %add3A_130 = arith.addf %add3A_122, %mul3A_129 : vector<128x64xf32>
    %slice3A_131 = vector.extract_strided_slice %add3A_82 {offsets = [256, 0], sizes = [128, 64], strides = [1, 1]} : vector<2048x64xf32> to vector<128x64xf32>
    %sub3A_132 = arith.subf %slice3A_131, %max3A_113 : vector<128x64xf32>
    %exp3A_133 = math.exp %sub3A_132 : vector<128x64xf32>
    %add3A_134 = arith.addf %add3A_126, %exp3A_133 : vector<128x64xf32>
    %slice3A_135 = vector.extract_strided_slice %add3A_57 {offsets = [256, 0], sizes = [128, 64], strides = [1, 1]} : vector<2048x64xf32> to vector<128x64xf32>
    %add3A_136 = arith.addf %get3A_16, %slice3A_135 : vector<128x64xf32>
    %mul3A_137 = arith.mulf %exp3A_133, %add3A_136 : vector<128x64xf32>
    %add3A_138 = arith.addf %add3A_130, %mul3A_137 : vector<128x64xf32>
    %slice3A_139 = vector.extract_strided_slice %add3A_82 {offsets = [384, 0], sizes = [128, 64], strides = [1, 1]} : vector<2048x64xf32> to vector<128x64xf32>
    %sub3A_140 = arith.subf %slice3A_139, %max3A_113 : vector<128x64xf32>
    %exp3A_141 = math.exp %sub3A_140 : vector<128x64xf32>
    %add3A_142 = arith.addf %add3A_134, %exp3A_141 : vector<128x64xf32>
    %slice3A_143 = vector.extract_strided_slice %add3A_57 {offsets = [384, 0], sizes = [128, 64], strides = [1, 1]} : vector<2048x64xf32> to vector<128x64xf32>
    %add3A_144 = arith.addf %get3A_16, %slice3A_143 : vector<128x64xf32>
    %mul3A_145 = arith.mulf %exp3A_141, %add3A_144 : vector<128x64xf32>
    %add3A_146 = arith.addf %add3A_138, %mul3A_145 : vector<128x64xf32>
    %slice3A_147 = vector.extract_strided_slice %add3A_82 {offsets = [512, 0], sizes = [128, 64], strides = [1, 1]} : vector<2048x64xf32> to vector<128x64xf32>
    %sub3A_148 = arith.subf %slice3A_147, %max3A_113 : vector<128x64xf32>
    %exp3A_149 = math.exp %sub3A_148 : vector<128x64xf32>
    %add3A_150 = arith.addf %add3A_142, %exp3A_149 : vector<128x64xf32>
    %slice3A_151 = vector.extract_strided_slice %add3A_57 {offsets = [512, 0], sizes = [128, 64], strides = [1, 1]} : vector<2048x64xf32> to vector<128x64xf32>
    %add3A_152 = arith.addf %get3A_16, %slice3A_151 : vector<128x64xf32>
    %mul3A_153 = arith.mulf %exp3A_149, %add3A_152 : vector<128x64xf32>
    %add3A_154 = arith.addf %add3A_146, %mul3A_153 : vector<128x64xf32>
    %slice3A_155 = vector.extract_strided_slice %add3A_82 {offsets = [640, 0], sizes = [128, 64], strides = [1, 1]} : vector<2048x64xf32> to vector<128x64xf32>
    %sub3A_156 = arith.subf %slice3A_155, %max3A_113 : vector<128x64xf32>
    %exp3A_157 = math.exp %sub3A_156 : vector<128x64xf32>
    %add3A_158 = arith.addf %add3A_150, %exp3A_157 : vector<128x64xf32>
    %slice3A_159 = vector.extract_strided_slice %add3A_57 {offsets = [640, 0], sizes = [128, 64], strides = [1, 1]} : vector<2048x64xf32> to vector<128x64xf32>
    %add3A_160 = arith.addf %get3A_16, %slice3A_159 : vector<128x64xf32>
    %mul3A_161 = arith.mulf %exp3A_157, %add3A_160 : vector<128x64xf32>
    %add3A_162 = arith.addf %add3A_154, %mul3A_161 : vector<128x64xf32>
    %slice3A_163 = vector.extract_strided_slice %add3A_82 {offsets = [768, 0], sizes = [128, 64], strides = [1, 1]} : vector<2048x64xf32> to vector<128x64xf32>
    %sub3A_164 = arith.subf %slice3A_163, %max3A_113 : vector<128x64xf32>
    %exp3A_165 = math.exp %sub3A_164 : vector<128x64xf32>
    %add3A_166 = arith.addf %add3A_158, %exp3A_165 : vector<128x64xf32>
    %slice3A_167 = vector.extract_strided_slice %add3A_57 {offsets = [768, 0], sizes = [128, 64], strides = [1, 1]} : vector<2048x64xf32> to vector<128x64xf32>
    %add3A_168 = arith.addf %get3A_16, %slice3A_167 : vector<128x64xf32>
    %mul3A_169 = arith.mulf %exp3A_165, %add3A_168 : vector<128x64xf32>
    %add3A_170 = arith.addf %add3A_162, %mul3A_169 : vector<128x64xf32>
    %slice3A_171 = vector.extract_strided_slice %add3A_82 {offsets = [896, 0], sizes = [128, 64], strides = [1, 1]} : vector<2048x64xf32> to vector<128x64xf32>
    %sub3A_172 = arith.subf %slice3A_171, %max3A_113 : vector<128x64xf32>
    %exp3A_173 = math.exp %sub3A_172 : vector<128x64xf32>
    %add3A_174 = arith.addf %add3A_166, %exp3A_173 : vector<128x64xf32>
    %slice3A_175 = vector.extract_strided_slice %add3A_57 {offsets = [896, 0], sizes = [128, 64], strides = [1, 1]} : vector<2048x64xf32> to vector<128x64xf32>
    %add3A_176 = arith.addf %get3A_16, %slice3A_175 : vector<128x64xf32>
    %mul3A_177 = arith.mulf %exp3A_173, %add3A_176 : vector<128x64xf32>
    %add3A_178 = arith.addf %add3A_170, %mul3A_177 : vector<128x64xf32>
    %slice3A_179 = vector.extract_strided_slice %add3A_82 {offsets = [1024, 0], sizes = [128, 64], strides = [1, 1]} : vector<2048x64xf32> to vector<128x64xf32>
    %sub3A_180 = arith.subf %slice3A_179, %max3A_113 : vector<128x64xf32>
    %exp3A_181 = math.exp %sub3A_180 : vector<128x64xf32>
    %add3A_182 = arith.addf %add3A_174, %exp3A_181 : vector<128x64xf32>
    %slice3A_183 = vector.extract_strided_slice %add3A_57 {offsets = [1024, 0], sizes = [128, 64], strides = [1, 1]} : vector<2048x64xf32> to vector<128x64xf32>
    %add3A_184 = arith.addf %get3A_16, %slice3A_183 : vector<128x64xf32>
    %mul3A_185 = arith.mulf %exp3A_181, %add3A_184 : vector<128x64xf32>
    %add3A_186 = arith.addf %add3A_178, %mul3A_185 : vector<128x64xf32>
    %slice3A_187 = vector.extract_strided_slice %add3A_82 {offsets = [1152, 0], sizes = [128, 64], strides = [1, 1]} : vector<2048x64xf32> to vector<128x64xf32>
    %sub3A_188 = arith.subf %slice3A_187, %max3A_113 : vector<128x64xf32>
    %exp3A_189 = math.exp %sub3A_188 : vector<128x64xf32>
    %add3A_190 = arith.addf %add3A_182, %exp3A_189 : vector<128x64xf32>
    %slice3A_191 = vector.extract_strided_slice %add3A_57 {offsets = [1152, 0], sizes = [128, 64], strides = [1, 1]} : vector<2048x64xf32> to vector<128x64xf32>
    %add3A_192 = arith.addf %get3A_16, %slice3A_191 : vector<128x64xf32>
    %mul3A_193 = arith.mulf %exp3A_189, %add3A_192 : vector<128x64xf32>
    %add3A_194 = arith.addf %add3A_186, %mul3A_193 : vector<128x64xf32>
    %slice3A_195 = vector.extract_strided_slice %add3A_82 {offsets = [1280, 0], sizes = [128, 64], strides = [1, 1]} : vector<2048x64xf32> to vector<128x64xf32>
    %sub3A_196 = arith.subf %slice3A_195, %max3A_113 : vector<128x64xf32>
    %exp3A_197 = math.exp %sub3A_196 : vector<128x64xf32>
    %add3A_198 = arith.addf %add3A_190, %exp3A_197 : vector<128x64xf32>
    %slice3A_199 = vector.extract_strided_slice %add3A_57 {offsets = [1280, 0], sizes = [128, 64], strides = [1, 1]} : vector<2048x64xf32> to vector<128x64xf32>
    %add3A_200 = arith.addf %get3A_16, %slice3A_199 : vector<128x64xf32>
    %mul3A_201 = arith.mulf %exp3A_197, %add3A_200 : vector<128x64xf32>
    %add3A_202 = arith.addf %add3A_194, %mul3A_201 : vector<128x64xf32>
    %slice3A_203 = vector.extract_strided_slice %add3A_82 {offsets = [1408, 0], sizes = [128, 64], strides = [1, 1]} : vector<2048x64xf32> to vector<128x64xf32>
    %sub3A_204 = arith.subf %slice3A_203, %max3A_113 : vector<128x64xf32>
    %exp3A_205 = math.exp %sub3A_204 : vector<128x64xf32>
    %add3A_206 = arith.addf %add3A_198, %exp3A_205 : vector<128x64xf32>
    %slice3A_207 = vector.extract_strided_slice %add3A_57 {offsets = [1408, 0], sizes = [128, 64], strides = [1, 1]} : vector<2048x64xf32> to vector<128x64xf32>
    %add3A_208 = arith.addf %get3A_16, %slice3A_207 : vector<128x64xf32>
    %mul3A_209 = arith.mulf %exp3A_205, %add3A_208 : vector<128x64xf32>
    %add3A_210 = arith.addf %add3A_202, %mul3A_209 : vector<128x64xf32>
    %slice3A_211 = vector.extract_strided_slice %add3A_82 {offsets = [1536, 0], sizes = [128, 64], strides = [1, 1]} : vector<2048x64xf32> to vector<128x64xf32>
    %sub3A_212 = arith.subf %slice3A_211, %max3A_113 : vector<128x64xf32>
    %exp3A_213 = math.exp %sub3A_212 : vector<128x64xf32>
    %add3A_214 = arith.addf %add3A_206, %exp3A_213 : vector<128x64xf32>
    %slice3A_215 = vector.extract_strided_slice %add3A_57 {offsets = [1536, 0], sizes = [128, 64], strides = [1, 1]} : vector<2048x64xf32> to vector<128x64xf32>
    %add3A_216 = arith.addf %get3A_16, %slice3A_215 : vector<128x64xf32>
    %mul3A_217 = arith.mulf %exp3A_213, %add3A_216 : vector<128x64xf32>
    %add3A_218 = arith.addf %add3A_210, %mul3A_217 : vector<128x64xf32>
    %slice3A_219 = vector.extract_strided_slice %add3A_82 {offsets = [1664, 0], sizes = [128, 64], strides = [1, 1]} : vector<2048x64xf32> to vector<128x64xf32>
    %sub3A_220 = arith.subf %slice3A_219, %max3A_113 : vector<128x64xf32>
    %exp3A_221 = math.exp %sub3A_220 : vector<128x64xf32>
    %add3A_222 = arith.addf %add3A_214, %exp3A_221 : vector<128x64xf32>
    %slice3A_223 = vector.extract_strided_slice %add3A_57 {offsets = [1664, 0], sizes = [128, 64], strides = [1, 1]} : vector<2048x64xf32> to vector<128x64xf32>
    %add3A_224 = arith.addf %get3A_16, %slice3A_223 : vector<128x64xf32>
    %mul3A_225 = arith.mulf %exp3A_221, %add3A_224 : vector<128x64xf32>
    %add3A_226 = arith.addf %add3A_218, %mul3A_225 : vector<128x64xf32>
    %slice3A_227 = vector.extract_strided_slice %add3A_82 {offsets = [1792, 0], sizes = [128, 64], strides = [1, 1]} : vector<2048x64xf32> to vector<128x64xf32>
    %sub3A_228 = arith.subf %slice3A_227, %max3A_113 : vector<128x64xf32>
    %exp3A_229 = math.exp %sub3A_228 : vector<128x64xf32>
    %add3A_230 = arith.addf %add3A_222, %exp3A_229 : vector<128x64xf32>
    %slice3A_231 = vector.extract_strided_slice %add3A_57 {offsets = [1792, 0], sizes = [128, 64], strides = [1, 1]} : vector<2048x64xf32> to vector<128x64xf32>
    %add3A_232 = arith.addf %get3A_16, %slice3A_231 : vector<128x64xf32>
    %mul3A_233 = arith.mulf %exp3A_229, %add3A_232 : vector<128x64xf32>
    %add3A_234 = arith.addf %add3A_226, %mul3A_233 : vector<128x64xf32>
    %slice3A_235 = vector.extract_strided_slice %add3A_82 {offsets = [1920, 0], sizes = [128, 64], strides = [1, 1]} : vector<2048x64xf32> to vector<128x64xf32>
    %sub3A_236 = arith.subf %slice3A_235, %max3A_113 : vector<128x64xf32>
    %exp3A_237 = math.exp %sub3A_236 : vector<128x64xf32>
    %add3A_238 = arith.addf %add3A_230, %exp3A_237 : vector<128x64xf32>
    %slice3A_239 = vector.extract_strided_slice %add3A_57 {offsets = [1920, 0], sizes = [128, 64], strides = [1, 1]} : vector<2048x64xf32> to vector<128x64xf32>
    %add3A_240 = arith.addf %get3A_16, %slice3A_239 : vector<128x64xf32>
    %mul3A_241 = arith.mulf %exp3A_237, %add3A_240 : vector<128x64xf32>
    %add3A_242 = arith.addf %add3A_234, %mul3A_241 : vector<128x64xf32>
    %div3A = arith.divf %add3A_242, %add3A_238 : vector<128x64xf32>
    %get3A_243 = arith.constant 0 : index
    %get3A_244 = arith.constant 0 : index
    %get3A_245 = vector.load %arg16[%get3A_243, %get3A_244] : memref<64x256xf32, #tpu.memory_space<vmem>>, vector<64x256xf32>
    %dot_general3A_246 = arith.constant dense<0.000000e+00> : vector<128x256xf32>
    %dot_general3A_247 = tpu.matmul %div3A, %get3A_245, %dot_general3A_246 {dimension_numbers = #tpu.dot_dimension_numbers<[1], [0], [0], [1], [0, 0, 1, 1], [], []>, transpose_lhs_hint = false} : vector<128x64xf32>, vector<64x256xf32>, vector<128x256xf32> -> vector<128x256xf32>
    %get3A_248 = arith.constant 0 : index
    %get3A_249 = arith.constant 0 : index
    %get3A_250 = vector.load %arg17[%get3A_248, %get3A_249] : memref<1x256xf32, #tpu.memory_space<vmem>>, vector<1x256xf32>
    %add3A_251 = vector.broadcast %get3A_250 : vector<1x256xf32> to vector<128x256xf32>
    %add3A_252 = arith.addf %dot_general3A_247, %add3A_251 : vector<128x256xf32>
    %get3A_253 = arith.constant 0 : index
    %get3A_254 = arith.constant 0 : index
    %get3A_255 = arith.constant 0 : index
    %get3A_256 = vector.load %arg4[%get3A_253, %get3A_254, %get3A_255] : memref<1x128x256xf32, #tpu.memory_space<vmem>>, vector<1x128x256xf32>
    %get3A_257 = vector.shape_cast %get3A_256 : vector<1x128x256xf32> to vector<128x256xf32>
    %add3A_258 = arith.addf %add3A_252, %get3A_257 : vector<128x256xf32>
    %swap3A = arith.constant 0 : index
    %swap3A_259 = arith.constant 0 : index
    %swap3A_260 = arith.constant 0 : index
    %swap3A_261 = vector.load %arg18[%swap3A, %swap3A_259, %swap3A_260] : memref<1x128x256xf32, #tpu.memory_space<vmem>>, vector<1x128x256xf32>
    %swap3A_262 = vector.shape_cast %swap3A_261 : vector<1x128x256xf32> to vector<128x256xf32>
    %swap3A_263 = vector.shape_cast %add3A_258 : vector<128x256xf32> to vector<1x128x256xf32>
    tpu.vector_store %arg18[%swap3A, %swap3A_259, %swap3A_260], %swap3A_263 {strides = array<i32>} : memref<1x128x256xf32, #tpu.memory_space<vmem>>, vector<1x128x256xf32>,
    return
  }
  func.func @transform_0(%arg0: i32) -> (i32, i32, i32) {
    %c0_i32 = arith.constant 0 : i32
    %c0_i32_0 = arith.constant 0 : i32
    %c0_i32_1 = arith.constant 0 : i32
    return %arg0, %c0_i32, %c0_i32_0 : i32, i32, i32
  }
  func.func @transform_1(%arg0: i32) -> (i32, i32, i32) {
    %c0_i32 = arith.constant 0 : i32
    %c0_i32_0 = arith.constant 0 : i32
    %c0_i32_1 = arith.constant 0 : i32
    return %arg0, %c0_i32, %c0_i32_0 : i32, i32, i32
  }
  func.func @transform_2(%arg0: i32) -> (i32, i32, i32) {
    %c0_i32 = arith.constant 0 : i32
    %c0_i32_0 = arith.constant 0 : i32
    %c0_i32_1 = arith.constant 0 : i32
    return %arg0, %c0_i32, %c0_i32_0 : i32, i32, i32
  }
  func.func @transform_3(%arg0: i32) -> (i32, i32, i32) {
    %c0_i32 = arith.constant 0 : i32
    %c0_i32_0 = arith.constant 0 : i32
    %c0_i32_1 = arith.constant 0 : i32
    return %arg0, %c0_i32, %c0_i32_0 : i32, i32, i32
  }
  func.func @transform_4(%arg0: i32) -> (i32, i32, i32) {
    %c0_i32 = arith.constant 0 : i32
    %c0_i32_0 = arith.constant 0 : i32
    %c0_i32_1 = arith.constant 0 : i32
    return %arg0, %c0_i32, %c0_i32_0 : i32, i32, i32
  }
  func.func @transform_5(%arg0: i32) -> (i32, i32, i32) {
    %c0_i32 = arith.constant 0 : i32
    %c0_i32_0 = arith.constant 0 : i32
    %c0_i32_1 = arith.constant 0 : i32
    return %arg0, %c0_i32, %c0_i32_0 : i32, i32, i32
  }
  func.func @transform_6(%arg0: i32) -> (i32, i32, i32) {
    %c0_i32 = arith.constant 0 : i32
    %c0_i32_0 = arith.constant 0 : i32
    %c0_i32_1 = arith.constant 0 : i32
    return %arg0, %c0_i32, %c0_i32_0 : i32, i32, i32
  }
  func.func @transform_7(%arg0: i32) -> (i32, i32) {
    %c0_i32 = arith.constant 0 : i32
    %c0_i32_0 = arith.constant 0 : i32
    %c0_i32_1 = arith.constant 0 : i32
    return %c0_i32, %c0_i32_0 : i32, i32
  }
  func.func @transform_8(%arg0: i32) -> (i32, i32) {
    %c0_i32 = arith.constant 0 : i32
    %c0_i32_0 = arith.constant 0 : i32
    %c0_i32_1 = arith.constant 0 : i32
    return %c0_i32, %c0_i32_0 : i32, i32
  }
  func.func @transform_9(%arg0: i32) -> (i32, i32) {
    %c0_i32 = arith.constant 0 : i32
    %c0_i32_0 = arith.constant 0 : i32
    %c0_i32_1 = arith.constant 0 : i32
    return %c0_i32, %c0_i32_0 : i32, i32
  }
  func.func @transform_10(%arg0: i32) -> (i32, i32) {
    %c0_i32 = arith.constant 0 : i32
    %c0_i32_0 = arith.constant 0 : i32
    %c0_i32_1 = arith.constant 0 : i32
    return %c0_i32, %c0_i32_0 : i32, i32
  }
  func.func @transform_11(%arg0: i32) -> (i32, i32) {
    %c0_i32 = arith.constant 0 : i32
    %c0_i32_0 = arith.constant 0 : i32
    %c0_i32_1 = arith.constant 0 : i32
    return %c0_i32, %c0_i32_0 : i32, i32
  }
  func.func @transform_12(%arg0: i32) -> (i32, i32) {
    %c0_i32 = arith.constant 0 : i32
    %c0_i32_0 = arith.constant 0 : i32
    %c0_i32_1 = arith.constant 0 : i32
    return %c0_i32, %c0_i32_0 : i32, i32
  }
  func.func @transform_13(%arg0: i32) -> (i32, i32) {
    %c0_i32 = arith.constant 0 : i32
    %c0_i32_0 = arith.constant 0 : i32
    %c0_i32_1 = arith.constant 0 : i32
    return %c0_i32, %c0_i32_0 : i32, i32
  }
  func.func @transform_14(%arg0: i32) -> (i32, i32) {
    %c0_i32 = arith.constant 0 : i32
    %c0_i32_0 = arith.constant 0 : i32
    %c0_i32_1 = arith.constant 0 : i32
    return %c0_i32, %c0_i32_0 : i32, i32
  }
  func.func @transform_15(%arg0: i32) -> (i32, i32) {
    %c0_i32 = arith.constant 0 : i32
    %c0_i32_0 = arith.constant 0 : i32
    %c0_i32_1 = arith.constant 0 : i32
    return %c0_i32, %c0_i32_0 : i32, i32
  }
  func.func @transform_16(%arg0: i32) -> (i32, i32) {
    %c0_i32 = arith.constant 0 : i32
    %c0_i32_0 = arith.constant 0 : i32
    %c0_i32_1 = arith.constant 0 : i32
    return %c0_i32, %c0_i32_0 : i32, i32
  }
  func.func @transform_17(%arg0: i32) -> (i32, i32, i32) {
    %c0_i32 = arith.constant 0 : i32
    %c0_i32_0 = arith.constant 0 : i32
    %c0_i32_1 = arith.constant 0 : i32
    return %arg0, %c0_i32, %c0_i32_0 : i32, i32, i32
  }
}

module attributes {stable_mosaic.version = 14 : i64} {
  func.func @_groupall_body(%arg0: i32, %arg1: memref<1x128x259xf32, #tpu.memory_space<vmem>>, %arg2: memref<259x512xf32, #tpu.memory_space<vmem>>, %arg3: memref<1x512xf32, #tpu.memory_space<vmem>>, %arg4: memref<512x512xf32, #tpu.memory_space<vmem>>, %arg5: memref<1x512xf32, #tpu.memory_space<vmem>>, %arg6: memref<1x1x512xf32, #tpu.memory_space<vmem>>) attributes {dimension_semantics = [#tpu.dimension_semantics<parallel>], iteration_bounds = array<i64: 16>, scalar_prefetch = 0 : i64, scratch_operands = 0 : i64, tpu.core_type = #tpu.core_type<tc>, window_params = [{transform_indices = @transform_0, window_bounds = array<i64: 1, 128, 259>}, {pipeline_mode = #tpu.pipeline_mode<synchronous>, transform_indices = @transform_1, window_bounds = array<i64: 259, 512>}, {pipeline_mode = #tpu.pipeline_mode<synchronous>, transform_indices = @transform_2, window_bounds = array<i64: 1, 512>}, {pipeline_mode = #tpu.pipeline_mode<synchronous>, transform_indices = @transform_3, window_bounds = array<i64: 512, 512>}, {pipeline_mode = #tpu.pipeline_mode<synchronous>, transform_indices = @transform_4, window_bounds = array<i64: 1, 512>}, {transform_indices = @transform_5, window_bounds = array<i64: 1, 1, 512>}]} {
    %get3A = arith.constant 0 : index
    %get3A_0 = arith.constant 0 : index
    %get3A_1 = arith.constant 0 : index
    %get3A_2 = vector.load %arg1[%get3A, %get3A_0, %get3A_1] : memref<1x128x259xf32, #tpu.memory_space<vmem>>, vector<1x128x259xf32>
    %get3A_3 = vector.shape_cast %get3A_2 : vector<1x128x259xf32> to vector<128x259xf32>
    %get3A_4 = arith.constant 0 : index
    %get3A_5 = arith.constant 0 : index
    %get3A_6 = vector.load %arg2[%get3A_4, %get3A_5] : memref<259x512xf32, #tpu.memory_space<vmem>>, vector<259x512xf32>
    %dot_general3A = arith.constant dense<0.000000e+00> : vector<128x512xf32>
    %dot_general3A_7 = tpu.matmul %get3A_3, %get3A_6, %dot_general3A {dimension_numbers = #tpu.dot_dimension_numbers<[1], [0], [0], [1], [0, 0, 1, 1], [], []>, transpose_lhs_hint = false} : vector<128x259xf32>, vector<259x512xf32>, vector<128x512xf32> -> vector<128x512xf32>
    %get3A_8 = arith.constant 0 : index
    %get3A_9 = arith.constant 0 : index
    %get3A_10 = vector.load %arg3[%get3A_8, %get3A_9] : memref<1x512xf32, #tpu.memory_space<vmem>>, vector<1x512xf32>
    %add3A = vector.broadcast %get3A_10 : vector<1x512xf32> to vector<128x512xf32>
    %add3A_11 = arith.addf %dot_general3A_7, %add3A : vector<128x512xf32>
    %max3A = arith.constant 0.000000e+00 : f32
    %max3A_12 = vector.broadcast %max3A : f32 to vector<128x512xf32>
    %max3A_13 = arith.maximumf %add3A_11, %max3A_12 : vector<128x512xf32>
    %get3A_14 = arith.constant 0 : index
    %get3A_15 = arith.constant 0 : index
    %get3A_16 = vector.load %arg4[%get3A_14, %get3A_15] : memref<512x512xf32, #tpu.memory_space<vmem>>, vector<512x512xf32>
    %dot_general3A_17 = arith.constant dense<0.000000e+00> : vector<128x512xf32>
    %dot_general3A_18 = tpu.matmul %max3A_13, %get3A_16, %dot_general3A_17 {dimension_numbers = #tpu.dot_dimension_numbers<[1], [0], [0], [1], [0, 0, 1, 1], [], []>, transpose_lhs_hint = false} : vector<128x512xf32>, vector<512x512xf32>, vector<128x512xf32> -> vector<128x512xf32>
    %get3A_19 = arith.constant 0 : index
    %get3A_20 = arith.constant 0 : index
    %get3A_21 = vector.load %arg5[%get3A_19, %get3A_20] : memref<1x512xf32, #tpu.memory_space<vmem>>, vector<1x512xf32>
    %add3A_22 = vector.broadcast %get3A_21 : vector<1x512xf32> to vector<128x512xf32>
    %add3A_23 = arith.addf %dot_general3A_18, %add3A_22 : vector<128x512xf32>
    %reduce_max3A = arith.constant dense<0xFF800000> : vector<512xf32>
    %reduce_max3A_24 = vector.multi_reduction <maximumf>, %add3A_23, %reduce_max3A [0] : vector<128x512xf32> to vector<512xf32>
    %broadcast_in_dim3A = vector.shape_cast %reduce_max3A_24 : vector<512xf32> to vector<1x512xf32>
    %swap3A = arith.constant 0 : index
    %swap3A_25 = arith.constant 0 : index
    %swap3A_26 = arith.constant 0 : index
    %swap3A_27 = vector.load %arg6[%swap3A, %swap3A_25, %swap3A_26] : memref<1x1x512xf32, #tpu.memory_space<vmem>>, vector<1x1x512xf32>
    %swap3A_28 = vector.shape_cast %swap3A_27 : vector<1x1x512xf32> to vector<1x512xf32>
    %swap3A_29 = vector.shape_cast %broadcast_in_dim3A : vector<1x512xf32> to vector<1x1x512xf32>
    tpu.vector_store %arg6[%swap3A, %swap3A_25, %swap3A_26], %swap3A_29 {strides = array<i32>} : memref<1x1x512xf32, #tpu.memory_space<vmem>>, vector<1x1x512xf32>,
    return
  }
  func.func @transform_0(%arg0: i32) -> (i32, i32, i32) {
    %c0_i32 = arith.constant 0 : i32
    %c0_i32_0 = arith.constant 0 : i32
    %c0_i32_1 = arith.constant 0 : i32
    return %arg0, %c0_i32, %c0_i32_0 : i32, i32, i32
  }
  func.func @transform_1(%arg0: i32) -> (i32, i32) {
    %c0_i32 = arith.constant 0 : i32
    %c0_i32_0 = arith.constant 0 : i32
    %c0_i32_1 = arith.constant 0 : i32
    return %c0_i32, %c0_i32_0 : i32, i32
  }
  func.func @transform_2(%arg0: i32) -> (i32, i32) {
    %c0_i32 = arith.constant 0 : i32
    %c0_i32_0 = arith.constant 0 : i32
    %c0_i32_1 = arith.constant 0 : i32
    return %c0_i32, %c0_i32_0 : i32, i32
  }
  func.func @transform_3(%arg0: i32) -> (i32, i32) {
    %c0_i32 = arith.constant 0 : i32
    %c0_i32_0 = arith.constant 0 : i32
    %c0_i32_1 = arith.constant 0 : i32
    return %c0_i32, %c0_i32_0 : i32, i32
  }
  func.func @transform_4(%arg0: i32) -> (i32, i32) {
    %c0_i32 = arith.constant 0 : i32
    %c0_i32_0 = arith.constant 0 : i32
    %c0_i32_1 = arith.constant 0 : i32
    return %c0_i32, %c0_i32_0 : i32, i32
  }
  func.func @transform_5(%arg0: i32) -> (i32, i32, i32) {
    %c0_i32 = arith.constant 0 : i32
    %c0_i32_0 = arith.constant 0 : i32
    %c0_i32_1 = arith.constant 0 : i32
    return %arg0, %c0_i32, %c0_i32_0 : i32, i32, i32
  }
}

</mosaic_0001>

<sc_bundles>
// kernel: kernel.19.cloned.1.call-start
scs
__scs_entry_jumppad:
0x0: {  	(pc) =	sbr.rel $0x88, $3  }
0x1: {  	(tag) =	ssettag $0x0;
	lr =	simm.s32 $0x1  }
0x2: {  	[smem:$0x3F70] =	sst lr;
	_ =	strace $0xD0000000  }
0x3: {  	_ = 	snop  }
0x4: {  	_ = 	snop  }
0x5: {  	_ = 	snop  }
0x6: {  	_ = 	snop  }
0x7: {  	_ = 	snop  }
__scs_overlays_trampoline_lowered:
0x8: {  	[smem:$0x3F7F] =	sst s0  }
0x9: {  	[smem:$0x3F80] =	sst s1  }
0xa: {  	[smem:$0x3F81] =	sst s2  }
0xb: {  	[smem:$0x3F82] =	sst s3  }
0xc: {  	[smem:$0x3F83] =	sst s4  }
0xd: {  	[smem:$0x3F84] =	sst s5  }
0xe: {  	[smem:$0x3F85] =	sst s6  }
0xf: {  	[smem:$0x3F86] =	sst s7  }
0x10: {  	[smem:$0x3F87] =	sst s8  }
0x11: {  	[smem:$0x3F88] =	sst s9;
	s0 =	simm.s32 @!p0 $0x0  }
0x12: {  	s1 =	sld [smem:$0x3F6E];
	s0 =	simm.s32 @p0 $0x1  }
0x13: {  	[smem:$0x3F89] =	sst s0;
	s0 =	simm.s32 @!p1 $0x0  }
0x14: {  	s2 =	sld [smem:$0x3F6D];
	s0 =	simm.s32 @p1 $0x1  }
0x15: {  	[smem:$0x3F8A] =	sst s0;
	s0 =	simm.s32 @!p2 $0x0  }
0x16: {  	s3 =	sld [smem:$0x3FDB];
	s0 =	simm.s32 @p2 $0x1  }
0x17: {  	s4 =	simm.s32 $0x1BF5;
	[smem:$0x3F8C] =	sst s0  }
0x18: {  	s0 =	sld [smem:$0x3F6F];
	_ =	swait.ge [sflag:s4], $0x0  }
0x19: {  	s7 =	sld [smem:$0x3F70]  }
0x1a: {  	s8 =	sadd.s32 $0xFFFFE003, lr  }
0x1b: {  	s9 =	sadd.s32 $0xFFFFFEF7, lr;
	s5 =	simm.s32 $0xFFFFFFFF;
	p2 =	slt.u32 s8, $0xFFFFF086  }
0x1c: {  	p1 =	slt.u32 s9, $0xF7A;
	s5 =	simm.s32 @!p2 $0x0  }
0x1d: {  	s5 =	simm.s32 @p1 $0x1;
	p0 =	seq.s32 s7, s2  }
0x1e: {  	s7 =	smul.u32 @!p0 $0xF7A, s2;
	p2 =	seq.s32 @!p0 s5, $0x0  }
0x1f: {  	s9 =	smul.u32 $0xF7A, s1;
	s8 =	simm.s32 @!p0 $0x1BF5;
	p2 =	por !p2, p0  }
0x20: {  	[sflag:s8] =	ssyncset.s32 @!p0 $0xFFFFF086;
	s6 =	sadd.s32 @!p0 s3, s7;
	s7 =	simm.s32 @!p0 $0x108  }
0x21: {  	s3 =	sadd.s32 s3, s9;
	s6 =	sadd.s32 @!p0 $0x88, s6;
	s7 =	simm.s32 @p2 $0x1082  }
0x22: {  	[simem:s7], [sflag:s8] =	dma.local @!p0 [hbm:s6], $0xF7A  }
0x23: {  	s9 =	sor.u32 $0xD0000000, s2;
	s6 =	simm.s32 $0x108;
	_ =	swait.ge @!p0 [sflag:s8], $0x0  }
0x24: {  	s3 =	sadd.s32 $0x88, s3;
	s6 =	simm.s32 @!p1 $0x1082;
	[sflag:s4] =	ssyncset.s32 $0xFFFFF086  }
0x25: {  	[simem:s6], [sflag:s4] =	dma.local [hbm:s3], $0xF7A  }
0x26: {  	[smem:$0x3F70] =	sst s1;
	(tag) =	ssettag s2;
	_ =	strace s9  }
0x27: {  	s1 =	sld [smem:$0x3F80]  }
0x28: {  	s2 =	sld [smem:$0x3F81]  }
0x29: {  	s4 =	sld [smem:$0x3F83]  }
0x2a: {  	p0 =	seq.s32 s5, $0x0;
	s5 =	sld [smem:$0x3F84]  }
0x2b: {  	s6 =	sld [smem:$0x3F85]  }
0x2c: {  	s7 =	sld [smem:$0x3F86]  }
0x2d: {  	s3 =	simm.s32 $0x108;
	s8 =	sld [smem:$0x3F87]  }
0x2e: {  	s3 =	simm.s32 @!p0 $0x1082;
	s9 =	sld [smem:$0x3F88]  }
0x2f: {  	lr =	sadd.s32 s0, s3;
	s0 =	sld [smem:$0x3F7F]  }
0x30: {  	s3 =	sld [smem:$0x3F82]  }
0x31: {  	[smem:$0x3F8B] =	sst s10  }
0x32: {  	s10 =	sld [smem:$0x3F89];
	_ =	sdelay $0x3  }
0x33: {  	p0 =	seq.s32 s10, $0x1;
	s10 =	sld [smem:$0x3F8B];
	_ =	sdelay $0x3  }
0x34: {  	[smem:$0x3F8B] =	sst s10  }
0x35: {  	s10 =	sld [smem:$0x3F8A];
	_ =	sdelay $0x3  }
0x36: {  	p1 =	seq.s32 s10, $0x1;
	s10 =	sld [smem:$0x3F8B];
	_ =	sdelay $0x3  }
0x37: {  	[smem:$0x3F8B] =	sst s10  }
0x38: {  	s10 =	sld [smem:$0x3F8C]  }
0x39: {  	_ = 	snop;
	(pc) =	sbr.ind lr, $3  }
0x3a: {  	_ = 	snop  }
0x3b: {  	_ = 	snop  }
0x3c: {  	p2 =	seq.s32 s10, $0x1;
	s10 =	sld [smem:$0x3F8B]  }
0x3d: {  	_ =	shalt  }
0x3e: {  	_ =	shalt  }
0x3f: {  	_ =	shalt  }
0x40: {  	_ =	shalt  }
0x41: {  	_ =	shalt  }
0x42: {  	_ =	shalt  }
0x43: {  	_ =	shalt  }
0x44: {  	_ =	shalt  }
0x45: {  	_ =	shalt  }
0x46: {  	_ =	shalt  }
0x47: {  	_ =	shalt  }
0x48: {  	_ =	shalt  }
0x49: {  	_ =	shalt  }
0x4a: {  	_ =	shalt  }
0x4b: {  	_ =	shalt  }
0x4c: {  	_ =	shalt  }
0x4d: {  	_ =	shalt  }
0x4e: {  	_ =	shalt  }
0x4f: {  	_ =	shalt  }
0x50: {  	_ =	shalt  }
0x51: {  	_ =	shalt  }
0x52: {  	_ =	shalt  }
0x53: {  	_ =	shalt  }
0x54: {  	_ =	shalt  }
0x55: {  	_ =	shalt  }
0x56: {  	_ =	shalt  }
0x57: {  	_ =	shalt  }
0x58: {  	_ =	shalt  }
0x59: {  	_ =	shalt  }
0x5a: {  	_ =	shalt  }
0x5b: {  	_ =	shalt  }
0x5c: {  	_ =	shalt  }
0x5d: {  	_ =	shalt  }
0x5e: {  	_ =	shalt  }
0x5f: {  	_ =	shalt  }
0x60: {  	_ =	shalt  }
0x61: {  	_ =	shalt  }
0x62: {  	_ =	shalt  }
0x63: {  	_ =	shalt  }
0x64: {  	_ =	shalt  }
0x65: {  	_ =	shalt  }
0x66: {  	_ =	shalt  }
0x67: {  	_ =	shalt  }
0x68: {  	_ =	shalt  }
0x69: {  	_ =	shalt  }
0x6a: {  	_ =	shalt  }
0x6b: {  	_ =	shalt  }
0x6c: {  	_ =	shalt  }
0x6d: {  	_ =	shalt  }
0x6e: {  	_ =	shalt  }
0x6f: {  	_ =	shalt  }
0x70: {  	_ =	shalt  }
0x71: {  	_ =	shalt  }
0x72: {  	_ =	shalt  }
0x73: {  	_ =	shalt  }
0x74: {  	_ =	shalt  }
0x75: {  	_ =	shalt  }
0x76: {  	_ =	shalt  }
0x77: {  	_ =	shalt  }
0x78: {  	_ =	shalt  }
0x79: {  	_ =	shalt  }
0x7a: {  	_ =	shalt  }
0x7b: {  	_ =	shalt  }
0x7c: {  	_ =	shalt  }
0x7d: {  	_ =	shalt  }
0x7e: {  	_ =	shalt  }
0x7f: {  	_ =	shalt  }
0x80: {  	_ =	shalt  }
0x81: {  	_ =	shalt  }
0x82: {  	_ =	shalt  }
0x83: {  	_ =	shalt  }
0x84: {  	_ =	shalt  }
0x85: {  	_ =	shalt  }
0x86: {  	_ =	shalt  }
0x87: {  	_ =	shalt  }
.Lfunc_end0:
.L_simem_size_0:
called_computation_lowered:
.L_overlay_start_0:
0x88: {  	s2 =	sld [smem:$0x3FD9]  }
0x89: {  	s3 =	sld [smem:$0x3FFE];
	_ =	sdelay $0x1  }
0x8a: {  	s1 =	srdreg.scid  }
0x8b: {  	s0 =	sand.u32 $0x1, s1  }
0x8c: {  	s16 =	sshll.u32 s0, $0xA;
	s2 =	sadd.s32 s3, s2  }
0x8d: {  	s2 =	sadd.s32 s2, s16  }
0x8e: {  	[smem:$0x3F97] =	sst s2  }
0x8f: {  	_ = 	snop  }
0x90: {  	(tm) =	ssettm $0x1  }
0x91: {  	s17 =	sld [smem:$0x3FFB];
	_ =	sdelay $0x3  }
0x92: {  	_ =	strace s17  }
0x93: {  	s2 =	sld [smem:$0x3FFC];
	_ =	sdelay $0x3  }
0x94: {  	_ =	strace s2  }
0x95: {  	s2 =	sld [smem:$0x3FFD];
	_ =	sdelay $0x3  }
0x96: {  	_ =	strace s2  }
0x97: {  	_ =	strace $0x8FFFFFFF  }
0x98: {  	s18 =	sld [smem:$0x3FDB];
	_ =	sdelay $0x1  }
0x99: {  	s19 =	simm.s32 $_scs_section_size  }
0x9a: {  	s4 =	simm.s32 $_size__tile_overlayer_lowered;
	s5 =	simm.s32 $_tile_overlayer_lowered  }
0x9b: {  	s22 =	simm.s32 $0x1BFF;
	s21 =	sshll.u32 s5, $0x1;
	s2 =	sadd.s32 s19, s18  }
0x9c: {  	s6 =	simm.s32 $0x0;
	s20 =	sshll.u32 s4, $0x1;
	s4 =	sadd.s32 s21, s2  }
0x9d: {  	[timem:s6], [sflag:s22] =	dma.local [hbm:s4], s20  }
0x9e: {  	_ =	swait.ge [sflag:s22], s20  }
0x9f: {  	s3 =	ssub.s32 $0x0, s20;
	[sflag:s22] =	ssyncset.done $0x0  }
0xa0: {  	[sflag:s22] =	ssyncadd.s32 s3;
	_ =	sdelay $0x1  }
0xa1: {  	s23 =	simm.s32 $0x1B8B  }
0xa2: {  	_ =	swait.ge [sflag:s23], $0x1  }
0xa3: {  	[sflag:s23] =	ssyncset.done $0x0  }
0xa4: {  	s25 =	simm.s32 $0x1B8E;
	s24 =	sld [smem:$0x3FFE];
	[sflag:s23] =	ssyncadd.s32 $0xFFFFFFFF  }
0xa5: {  	s26 =	simm.s32 $execute0_lowered;
	[smem:$0x3FD2] =	sst s25  }
0xa6: {  	s4 =	sshll.u32 s26, $0x1;
	_ =	strace $0x80000046;
	[dreg:$0x1] =	wrdreg $0xFFFFFFFF  }
0xa7: {  	s28 =	simm.s32 $_size_execute0_lowered;
	s2 =	sadd.s32 s2, s4;
	[dreg:$0x0] =	wrdreg $0x0  }
0xa8: {  	s4 =	sshll.u32 s28, $0x1;
	[dreg:$0x2] =	wrdreg s2  }
0xa9: {  	[dreg:$0x3] =	wrdreg s4  }
0xaa: {  	[dreg:$0x4] =	wrdreg $0xC0  }
0xab: {  	_ =	task [dreg:s6], $0x5FFFF  }
0xac: {  	[dreg:$0x1] =	wrdreg $0xFFFFFFFF  }
0xad: {  	[dreg:$0x0] =	wrdreg $0x60  }
0xae: {  	[dreg:$0x2] =	wrdreg s24  }
0xaf: {  	[dreg:$0x3] =	wrdreg $0x9  }
0xb0: {  	_ =	task.clear_ibuf [dreg:s6], $0x4FFFF;
	_ =	strace $0x90000046  }
0xb1: {  	s29 =	simm.s32 $0x9;
	_ =	strace $0x80000048  }
0xb2: {  	_ =	swait.ge [sflag:s29], $0x1  }
0xb3: {  	[sflag:s29] =	ssyncadd.s32 $0xFFFFFFFF  }
0xb4: {  	_ =	strace $0x90000048  }
0xb5: {  	_ =	sfence  }
0xb6: {  	s30 =	sld [smem:$0x0];
	_ =	sdelay $0x2  }
0xb7: {  	s31 =	sshll.u32 s1, $0xD;
	s1 =	sshrl.u32 s1, $0x2  }
0xb8: {  	s3 =	sand.u32 $0x4000, s31;
	s1 =	sadd.s32 s1, s30  }
0xb9: {  	s0 =	sor.u32 s3, s0;
	s1 =	sshll.u32 s1, $0x11  }
0xba: {  	s0 =	sor.u32 s1, s0  }
0xbb: {  	s0 =	sadd.s32 $0x8F2B, s0  }
0xbc: {  	[sflag:s0] =	ssyncadd.remote.s32 $0x1  }
0xbd: {  	_ =	sfence.sel $0xFFFF  }
0xbe: {  	[dreg:$0x0] =	wrdreg $0xFFFFFFFF;
	(pc) =	sbr.abs _section_cstart, $3  }
0xbf: {  	[dreg:$0x1] =	wrdreg $0xFFFFFFFF  }
0xc0: {  	_ =	task.clear_ibuf [dreg:s6], $0x2FFFF;
	_ =	strace $0x9FFFFFFF  }
0xc1: {  	(tm) =	ssettm $0x7FFFFFFF  }
tec
execute0_lowered:
.L_overlay_start_1:
0x0: {  	(tag) =	ssettag $0x1  }
0x1: {  	s4 =	rddreg [dreg:$0x0]  }
0x2: {  	s0 =	rddreg [dreg:$0x1];
	s2 =	simm.s32 $0x0;
	s3 =	srdreg.scid  }
0x3: {  	s1 =	stileid.u32;
	s10 =	simm.s32 $0x0;
	[smem:$0x7FF] =	sst s2  }
0x4: {  	s5 =	sand.u32 $0x1, s3;
	s6 =	sshll.u32 s1, $0xD;
	s3 =	sadd.s32 $0xCC400, s4  }
0x5: {  	s8 =	sshll.u32 s1, $0xE;
	_ =	strace $0x80000047;
	s7 =	sshll.u32 s5, $0xC  }
0x6: {  	s31 =	ssub.s32 $0x2, s5;
	s8 =	sadd.s32 s8, s4;
	s5 =	sshll.u32 s5, $0xD  }
0x7: {  	s6 =	sor.u32 s7, s6;
	s9 =	sshrl.u32 s31, $0x1;
	s5 =	sadd.s32 s5, s8  }
0x8: {  	s8 =	simm.s32 $0x80;
	s6 =	sshrl.u32 s6, $0x3;
	s7 =	ssub.s32 s31, s9  }
0x9: {  	s5 =	sadd.s32 $0x4C400, s5;
	s9 =	simm.s32 $0x1;
	s6 =	sadd.s32 s6, s4  }
0xa: {  	s4 =	smax.u32 s7, $0x1;
	s7 =	simm.s32 $0x2;
	s6 =	sadd.s32 $0x48400, s6  }
.LBB2_1:
0xb: {  	s11 =	sadd.s32 $0x0, s6  }
0xc: {  	[tilespmem:s2], [sflag:$0x2] =	stream.linear.gather [hbm4b:s11+s2], $0x80, $0x38;
	[tilespmem:$0x880] =	vst v63  }
0xd: {  	_ =	swait.ge [sflag:s7], $0x80  }
0xe: {  	[sflag:s7] =	ssyncset.done $0x0  }
0xf: {  	[sflag:s7] =	ssyncadd.s32 $0xFFFFFF80  }
0x10: {  	[tilespmem:s8], [sflag:$0x1] =	stream.indirect.gather [hbm4b:s3+s8], $0x10, s2, s8, $0xb8;
	[tilespmem:$0x880] =	vst v63  }
0x11: {  	_ =	swait.ge [sflag:s9], $0x800  }
0x12: {  	[sflag:s9] =	ssyncset.done $0x0  }
0x13: {  	[sflag:s9] =	ssyncadd.s32 $0xFFFFF800  }
0x14: {  	[hbm4b:s5+s2] =	stream.linear.scatter [tilespmem:s8], [sflag:$0x2], $0x800, $0x38;
	[tilespmem:$0x880] =	vst v63  }
0x15: {  	s12 =	simm.s32 $0x10;
	_ =	swait.ge [sflag:s7], $0x800  }
0x16: {  	s13 =	simm.s32 $0x20;
	s11 =	sadd.s32 $0x100, s5;
	[sflag:s7] =	ssyncset.done $0x0  }
.LBB2_2:
0x17: {  	s14 =	sadd.s32 s12, s6  }
0x18: {  	[sflag:s7] =	ssyncadd.s32 $0xFFFFF800;
	s12 =	smov.u32 s13;
	s15 =	sadd.s32 $0x10, s13  }
0x19: {  	[tilespmem:s2], [sflag:$0x2] =	stream.linear.gather [hbm4b:s14+s2], $0x80, $0x38;
	[tilespmem:$0x880] =	vst v63  }
0x1a: {  	p0 =	sne.s32 s13, $0x1F0;
	_ =	swait.ge [sflag:s7], $0x80  }
0x1b: {  	[sflag:s7] =	ssyncset.done $0x0  }
0x1c: {  	[sflag:s7] =	ssyncadd.s32 $0xFFFFFF80  }
0x1d: {  	[tilespmem:s8], [sflag:$0x1] =	stream.indirect.gather [hbm4b:s3+s8], $0x10, s2, s8, $0xb8;
	[tilespmem:$0x880] =	vst v63  }
0x1e: {  	_ =	swait.ge [sflag:s9], $0x800  }
.Ltmp0:
0x1f: {  	[sflag:s9] =	ssyncset.done $0x0;
	(pc) =	sbr.rel @p0 .LBB2_2-.Ltmp0, $4  }
0x20: {  	[sflag:s9] =	ssyncadd.s32 $0xFFFFF800  }
0x21: {  	[hbm4b:s11+s2] =	stream.linear.scatter [tilespmem:s8], [sflag:$0x2], $0x800, $0x38;
	[tilespmem:$0x880] =	vst v63  }
0x22: {  	_ =	swait.ge [sflag:s7], $0x800  }
0x23: {  	s13 =	smov.u32 s15;
	s11 =	sadd.s32 $0x100, s11;
	[sflag:s7] =	ssyncset.done $0x0  }
0x24: {  	s12 =	sadd.s32 s12, s6;
	[sflag:s7] =	ssyncadd.s32 $0xFFFFF800  }
0x25: {  	[tilespmem:s2], [sflag:$0x2] =	stream.linear.gather [hbm4b:s12+s2], $0x80, $0x38;
	[tilespmem:$0x880] =	vst v63  }
0x26: {  	_ =	swait.ge [sflag:s7], $0x80  }
0x27: {  	[sflag:s7] =	ssyncset.done $0x0  }
0x28: {  	[sflag:s7] =	ssyncadd.s32 $0xFFFFFF80  }
0x29: {  	[tilespmem:s8], [sflag:$0x1] =	stream.indirect.gather [hbm4b:s3+s8], $0x10, s2, s8, $0xb8;
	[tilespmem:$0x880] =	vst v63  }
0x2a: {  	s10 =	sadd.s32 $0x1, s10;
	_ =	swait.ge [sflag:s9], $0x800  }
0x2b: {  	p0 =	sne.s32 s10, s4;
	[sflag:s9] =	ssyncset.done $0x0  }
.Ltmp1:
0x2c: {  	[sflag:s9] =	ssyncadd.s32 $0xFFFFF800;
	(pc) =	sbr.rel @p0 .LBB2_1-.Ltmp1, $4  }
0x2d: {  	[hbm4b:s11+s2] =	stream.linear.scatter [tilespmem:s8], [sflag:$0x2], $0x800, $0x38;
	[tilespmem:$0x880] =	vst v63  }
0x2e: {  	_ =	swait.ge [sflag:s7], $0x800  }
0x2f: {  	[sflag:s7] =	ssyncset.done $0x0  }
0x30: {  	[sflag:s7] =	ssyncadd.s32 $0xFFFFF800  }
0x31: {  	_ =	sfence.sel $0x180000  }
0x32: {  	[bflag:$0x0] =	sbarrier.arrive $0xFFFF  }
0x33: {  	p0 =	sne.s32 s1, $0x0;
	_ =	strace $0x90000047  }
0x34: {  	s0 =	sadd.s32 @!p0 $0x100000, s0;
	[bflag:$0x2] =	sbarrier.arrive $0xFFFF  }
0x35: {  	[sflag:s0] =	ssyncadd.tile.s32 @!p0 $0x1;
	_ =	shalt  }
.Lfunc_end2:
_tile_overlayer_lowered:
.L_overlay_start_2:
0x36: {  	(tag) =	ssettag $0x2  }
0x37: {  	s0 =	rddreg [dreg:$0x0];
	s2 =	stileid.u32  }
0x38: {  	s1 =	rddreg [dreg:$0x1];
	p0 =	sne.s32 s2, $0x0  }
0x39: {  	s3 =	rddreg [dreg:$0x2];
	[bflag:$0x3] =	sbarrier.arrive $0xFFFF;
	s2 =	simm.s32 @!p0 $0x1C02  }
0x3a: {  	[timem:s3], [sflag:s2] =	dma.local @!p0 [hbm:s0], s1  }
0x3b: {  	s0 =	simm.s32 @!p0 $0x2  }
0x3c: {  	_ =	swait.ge @!p0 [sflag:s0], s1  }
0x3d: {  	s1 =	ssub.s32 @!p0 $0x0, s1;
	[sflag:s0] =	ssyncset.done @!p0 $0x0  }
0x3e: {  	[sflag:s0] =	ssyncadd.s32 @!p0 s1  }
0x3f: {  	[bflag:$0x3] =	sbarrier.arrive $0xFFFF  }
0x40: {  	_ =	shalt  }

// kernel: kernel.22.cloned.1.call-start
scs
__scs_entry_jumppad:
0x0: {  	(pc) =	sbr.rel $0x88, $3  }
0x1: {  	(tag) =	ssettag $0x0;
	lr =	simm.s32 $0x1  }
0x2: {  	[smem:$0x3F70] =	sst lr;
	_ =	strace $0xD0000000  }
0x3: {  	_ = 	snop  }
0x4: {  	_ = 	snop  }
0x5: {  	_ = 	snop  }
0x6: {  	_ = 	snop  }
0x7: {  	_ = 	snop  }
__scs_overlays_trampoline_lowered:
0x8: {  	[smem:$0x3F7F] =	sst s0  }
0x9: {  	[smem:$0x3F80] =	sst s1  }
0xa: {  	[smem:$0x3F81] =	sst s2  }
0xb: {  	[smem:$0x3F82] =	sst s3  }
0xc: {  	[smem:$0x3F83] =	sst s4  }
0xd: {  	[smem:$0x3F84] =	sst s5  }
0xe: {  	[smem:$0x3F85] =	sst s6  }
0xf: {  	[smem:$0x3F86] =	sst s7  }
0x10: {  	[smem:$0x3F87] =	sst s8  }
0x11: {  	[smem:$0x3F88] =	sst s9;
	s0 =	simm.s32 @!p0 $0x0  }
0x12: {  	s1 =	sld [smem:$0x3F6E];
	s0 =	simm.s32 @p0 $0x1  }
0x13: {  	[smem:$0x3F89] =	sst s0;
	s0 =	simm.s32 @!p1 $0x0  }
0x14: {  	s2 =	sld [smem:$0x3F6D];
	s0 =	simm.s32 @p1 $0x1  }
0x15: {  	[smem:$0x3F8A] =	sst s0;
	s0 =	simm.s32 @!p2 $0x0  }
0x16: {  	s3 =	sld [smem:$0x3FDB];
	s0 =	simm.s32 @p2 $0x1  }
0x17: {  	s4 =	simm.s32 $0x1BF5;
	[smem:$0x3F8C] =	sst s0  }
0x18: {  	s0 =	sld [smem:$0x3F6F];
	_ =	swait.ge [sflag:s4], $0x0  }
0x19: {  	s7 =	sld [smem:$0x3F70]  }
0x1a: {  	s8 =	sadd.s32 $0xFFFFE003, lr  }
0x1b: {  	s9 =	sadd.s32 $0xFFFFFEF7, lr;
	s5 =	simm.s32 $0xFFFFFFFF;
	p2 =	slt.u32 s8, $0xFFFFF086  }
0x1c: {  	p1 =	slt.u32 s9, $0xF7A;
	s5 =	simm.s32 @!p2 $0x0  }
0x1d: {  	s5 =	simm.s32 @p1 $0x1;
	p0 =	seq.s32 s7, s2  }
0x1e: {  	s7 =	smul.u32 @!p0 $0xF7A, s2;
	p2 =	seq.s32 @!p0 s5, $0x0  }
0x1f: {  	s9 =	smul.u32 $0xF7A, s1;
	s8 =	simm.s32 @!p0 $0x1BF5;
	p2 =	por !p2, p0  }
0x20: {  	[sflag:s8] =	ssyncset.s32 @!p0 $0xFFFFF086;
	s6 =	sadd.s32 @!p0 s3, s7;
	s7 =	simm.s32 @!p0 $0x108  }
0x21: {  	s3 =	sadd.s32 s3, s9;
	s6 =	sadd.s32 @!p0 $0x88, s6;
	s7 =	simm.s32 @p2 $0x1082  }
0x22: {  	[simem:s7], [sflag:s8] =	dma.local @!p0 [hbm:s6], $0xF7A  }
0x23: {  	s9 =	sor.u32 $0xD0000000, s2;
	s6 =	simm.s32 $0x108;
	_ =	swait.ge @!p0 [sflag:s8], $0x0  }
0x24: {  	s3 =	sadd.s32 $0x88, s3;
	s6 =	simm.s32 @!p1 $0x1082;
	[sflag:s4] =	ssyncset.s32 $0xFFFFF086  }
0x25: {  	[simem:s6], [sflag:s4] =	dma.local [hbm:s3], $0xF7A  }
0x26: {  	[smem:$0x3F70] =	sst s1;
	(tag) =	ssettag s2;
	_ =	strace s9  }
0x27: {  	s1 =	sld [smem:$0x3F80]  }
0x28: {  	s2 =	sld [smem:$0x3F81]  }
0x29: {  	s4 =	sld [smem:$0x3F83]  }
0x2a: {  	p0 =	seq.s32 s5, $0x0;
	s5 =	sld [smem:$0x3F84]  }
0x2b: {  	s6 =	sld [smem:$0x3F85]  }
0x2c: {  	s7 =	sld [smem:$0x3F86]  }
0x2d: {  	s3 =	simm.s32 $0x108;
	s8 =	sld [smem:$0x3F87]  }
0x2e: {  	s3 =	simm.s32 @!p0 $0x1082;
	s9 =	sld [smem:$0x3F88]  }
0x2f: {  	lr =	sadd.s32 s0, s3;
	s0 =	sld [smem:$0x3F7F]  }
0x30: {  	s3 =	sld [smem:$0x3F82]  }
0x31: {  	[smem:$0x3F8B] =	sst s10  }
0x32: {  	s10 =	sld [smem:$0x3F89];
	_ =	sdelay $0x3  }
0x33: {  	p0 =	seq.s32 s10, $0x1;
	s10 =	sld [smem:$0x3F8B];
	_ =	sdelay $0x3  }
0x34: {  	[smem:$0x3F8B] =	sst s10  }
0x35: {  	s10 =	sld [smem:$0x3F8A];
	_ =	sdelay $0x3  }
0x36: {  	p1 =	seq.s32 s10, $0x1;
	s10 =	sld [smem:$0x3F8B];
	_ =	sdelay $0x3  }
0x37: {  	[smem:$0x3F8B] =	sst s10  }
0x38: {  	s10 =	sld [smem:$0x3F8C]  }
0x39: {  	_ = 	snop;
	(pc) =	sbr.ind lr, $3  }
0x3a: {  	_ = 	snop  }
0x3b: {  	_ = 	snop  }
0x3c: {  	p2 =	seq.s32 s10, $0x1;
	s10 =	sld [smem:$0x3F8B]  }
0x3d: {  	_ =	shalt  }
0x3e: {  	_ =	shalt  }
0x3f: {  	_ =	shalt  }
0x40: {  	_ =	shalt  }
0x41: {  	_ =	shalt  }
0x42: {  	_ =	shalt  }
0x43: {  	_ =	shalt  }
0x44: {  	_ =	shalt  }
0x45: {  	_ =	shalt  }
0x46: {  	_ =	shalt  }
0x47: {  	_ =	shalt  }
0x48: {  	_ =	shalt  }
0x49: {  	_ =	shalt  }
0x4a: {  	_ =	shalt  }
0x4b: {  	_ =	shalt  }
0x4c: {  	_ =	shalt  }
0x4d: {  	_ =	shalt  }
0x4e: {  	_ =	shalt  }
0x4f: {  	_ =	shalt  }
0x50: {  	_ =	shalt  }
0x51: {  	_ =	shalt  }
0x52: {  	_ =	shalt  }
0x53: {  	_ =	shalt  }
0x54: {  	_ =	shalt  }
0x55: {  	_ =	shalt  }
0x56: {  	_ =	shalt  }
0x57: {  	_ =	shalt  }
0x58: {  	_ =	shalt  }
0x59: {  	_ =	shalt  }
0x5a: {  	_ =	shalt  }
0x5b: {  	_ =	shalt  }
0x5c: {  	_ =	shalt  }
0x5d: {  	_ =	shalt  }
0x5e: {  	_ =	shalt  }
0x5f: {  	_ =	shalt  }
0x60: {  	_ =	shalt  }
0x61: {  	_ =	shalt  }
0x62: {  	_ =	shalt  }
0x63: {  	_ =	shalt  }
0x64: {  	_ =	shalt  }
0x65: {  	_ =	shalt  }
0x66: {  	_ =	shalt  }
0x67: {  	_ =	shalt  }
0x68: {  	_ =	shalt  }
0x69: {  	_ =	shalt  }
0x6a: {  	_ =	shalt  }
0x6b: {  	_ =	shalt  }
0x6c: {  	_ =	shalt  }
0x6d: {  	_ =	shalt  }
0x6e: {  	_ =	shalt  }
0x6f: {  	_ =	shalt  }
0x70: {  	_ =	shalt  }
0x71: {  	_ =	shalt  }
0x72: {  	_ =	shalt  }
0x73: {  	_ =	shalt  }
0x74: {  	_ =	shalt  }
0x75: {  	_ =	shalt  }
0x76: {  	_ =	shalt  }
0x77: {  	_ =	shalt  }
0x78: {  	_ =	shalt  }
0x79: {  	_ =	shalt  }
0x7a: {  	_ =	shalt  }
0x7b: {  	_ =	shalt  }
0x7c: {  	_ =	shalt  }
0x7d: {  	_ =	shalt  }
0x7e: {  	_ =	shalt  }
0x7f: {  	_ =	shalt  }
0x80: {  	_ =	shalt  }
0x81: {  	_ =	shalt  }
0x82: {  	_ =	shalt  }
0x83: {  	_ =	shalt  }
0x84: {  	_ =	shalt  }
0x85: {  	_ =	shalt  }
0x86: {  	_ =	shalt  }
0x87: {  	_ =	shalt  }
.Lfunc_end0:
.L_simem_size_0:
called_computation.1_lowered:
.L_overlay_start_0:
0x88: {  	s2 =	sld [smem:$0x3FD9]  }
0x89: {  	s3 =	sld [smem:$0x3FFE];
	_ =	sdelay $0x1  }
0x8a: {  	s1 =	srdreg.scid  }
0x8b: {  	s0 =	sand.u32 $0x1, s1  }
0x8c: {  	s16 =	sshll.u32 s0, $0xA;
	s2 =	sadd.s32 s3, s2  }
0x8d: {  	s2 =	sadd.s32 s2, s16  }
0x8e: {  	[smem:$0x3F97] =	sst s2  }
0x8f: {  	_ = 	snop  }
0x90: {  	(tm) =	ssettm $0x1  }
0x91: {  	s17 =	sld [smem:$0x3FFB];
	_ =	sdelay $0x3  }
0x92: {  	_ =	strace s17  }
0x93: {  	s2 =	sld [smem:$0x3FFC];
	_ =	sdelay $0x3  }
0x94: {  	_ =	strace s2  }
0x95: {  	s2 =	sld [smem:$0x3FFD];
	_ =	sdelay $0x3  }
0x96: {  	_ =	strace s2  }
0x97: {  	_ =	strace $0x8FFFFFFF  }
0x98: {  	s18 =	sld [smem:$0x3FDB];
	_ =	sdelay $0x1  }
0x99: {  	s19 =	simm.s32 $_scs_section_size  }
0x9a: {  	s4 =	simm.s32 $_size__tile_overlayer_lowered;
	s5 =	simm.s32 $_tile_overlayer_lowered  }
0x9b: {  	s22 =	simm.s32 $0x1BFF;
	s21 =	sshll.u32 s5, $0x1;
	s2 =	sadd.s32 s19, s18  }
0x9c: {  	s6 =	simm.s32 $0x0;
	s20 =	sshll.u32 s4, $0x1;
	s4 =	sadd.s32 s21, s2  }
0x9d: {  	[timem:s6], [sflag:s22] =	dma.local [hbm:s4], s20  }
0x9e: {  	_ =	swait.ge [sflag:s22], s20  }
0x9f: {  	s3 =	ssub.s32 $0x0, s20;
	[sflag:s22] =	ssyncset.done $0x0  }
0xa0: {  	[sflag:s22] =	ssyncadd.s32 s3;
	_ =	sdelay $0x1  }
0xa1: {  	s23 =	simm.s32 $0x1B8B  }
0xa2: {  	_ =	swait.ge [sflag:s23], $0x1  }
0xa3: {  	[sflag:s23] =	ssyncset.done $0x0  }
0xa4: {  	s25 =	simm.s32 $0x1B8E;
	s24 =	sld [smem:$0x3FFE];
	[sflag:s23] =	ssyncadd.s32 $0xFFFFFFFF  }
0xa5: {  	s26 =	simm.s32 $execute0_lowered;
	[smem:$0x3FD2] =	sst s25  }
0xa6: {  	s4 =	sshll.u32 s26, $0x1;
	_ =	strace $0x80000049;
	[dreg:$0x1] =	wrdreg $0xFFFFFFFF  }
0xa7: {  	s28 =	simm.s32 $_size_execute0_lowered;
	s2 =	sadd.s32 s2, s4;
	[dreg:$0x0] =	wrdreg $0x0  }
0xa8: {  	s4 =	sshll.u32 s28, $0x1;
	[dreg:$0x2] =	wrdreg s2  }
0xa9: {  	[dreg:$0x3] =	wrdreg s4  }
0xaa: {  	[dreg:$0x4] =	wrdreg $0xC0  }
0xab: {  	_ =	task [dreg:s6], $0x5FFFF  }
0xac: {  	[dreg:$0x1] =	wrdreg $0xFFFFFFFF  }
0xad: {  	[dreg:$0x0] =	wrdreg $0x60  }
0xae: {  	[dreg:$0x2] =	wrdreg s24  }
0xaf: {  	[dreg:$0x3] =	wrdreg $0x9  }
0xb0: {  	_ =	task.clear_ibuf [dreg:s6], $0x4FFFF;
	_ =	strace $0x90000049  }
0xb1: {  	s29 =	simm.s32 $0x9;
	_ =	strace $0x8000004B  }
0xb2: {  	_ =	swait.ge [sflag:s29], $0x1  }
0xb3: {  	[sflag:s29] =	ssyncadd.s32 $0xFFFFFFFF  }
0xb4: {  	_ =	strace $0x9000004B  }
0xb5: {  	_ =	sfence  }
0xb6: {  	s30 =	sld [smem:$0x0];
	_ =	sdelay $0x2  }
0xb7: {  	s31 =	sshll.u32 s1, $0xD;
	s1 =	sshrl.u32 s1, $0x2  }
0xb8: {  	s3 =	sand.u32 $0x4000, s31;
	s1 =	sadd.s32 s1, s30  }
0xb9: {  	s0 =	sor.u32 s3, s0;
	s1 =	sshll.u32 s1, $0x11  }
0xba: {  	s0 =	sor.u32 s1, s0  }
0xbb: {  	s0 =	sadd.s32 $0x8F2B, s0  }
0xbc: {  	[sflag:s0] =	ssyncadd.remote.s32 $0x1  }
0xbd: {  	_ =	sfence.sel $0xFFFF  }
0xbe: {  	[dreg:$0x0] =	wrdreg $0xFFFFFFFF;
	(pc) =	sbr.abs _section_cstart, $3  }
0xbf: {  	[dreg:$0x1] =	wrdreg $0xFFFFFFFF  }
0xc0: {  	_ =	task.clear_ibuf [dreg:s6], $0x2FFFF;
	_ =	strace $0x9FFFFFFF  }
0xc1: {  	(tm) =	ssettm $0x7FFFFFFF  }
tec
execute0_lowered:
.L_overlay_start_1:
0x0: {  	(tag) =	ssettag $0x1  }
0x1: {  	s4 =	rddreg [dreg:$0x0]  }
0x2: {  	s0 =	rddreg [dreg:$0x1];
	s2 =	simm.s32 $0x0;
	s5 =	srdreg.scid  }
0x3: {  	s1 =	stileid.u32;
	s10 =	simm.s32 $0x0;
	[smem:$0x7FF] =	sst s2  }
0x4: {  	s3 =	sadd.s32 $0x48400, s4;
	s5 =	sand.u32 $0x1, s5;
	s6 =	sshll.u32 s1, $0xD  }
0x5: {  	s8 =	smul.u32 $0x14000, s1;
	_ =	strace $0x8000004A;
	s7 =	sshll.u32 s5, $0xC  }
0x6: {  	s9 =	ssub.s32 $0x2, s5;
	s5 =	smul.u32 $0xA000, s5;
	s6 =	sor.u32 s7, s6  }
0x7: {  	s30 =	sshrl.u32 s9, $0x1;
	s8 =	sadd.s32 s8, s4;
	s6 =	sshrl.u32 s6, $0x3  }
0x8: {  	s7 =	ssub.s32 s9, s30;
	s31 =	sadd.s32 s5, s8;
	s8 =	simm.s32 $0x80  }
0x9: {  	s9 =	simm.s32 $0x1;
	s6 =	sadd.s32 s6, s4;
	s4 =	smax.u32 s7, $0x1  }
0xa: {  	s7 =	simm.s32 $0x2;
	s5 =	sadd.s32 $0x8C400, s6;
	s6 =	sadd.s32 $0x90400, s31  }
.LBB2_1:
0xb: {  	s11 =	sadd.s32 $0x0, s5  }
0xc: {  	[tilespmem:s2], [sflag:$0x2] =	stream.linear.gather [hbm4b:s11+s2], $0x80, $0x38;
	[tilespmem:$0x2880] =	vst v63  }
0xd: {  	_ =	swait.ge [sflag:s7], $0x80  }
0xe: {  	[sflag:s7] =	ssyncset.done $0x0  }
0xf: {  	[sflag:s7] =	ssyncadd.s32 $0xFFFFFF80  }
0x10: {  	[tilespmem:s8], [sflag:$0x1] =	stream.indirect.gather [hbm4b:s3+s8], $0x50, s2, s8, $0xb8;
	[tilespmem:$0x2880] =	vst v63  }
0x11: {  	_ =	swait.ge [sflag:s9], $0x2800  }
0x12: {  	[sflag:s9] =	ssyncset.done $0x0  }
0x13: {  	[sflag:s9] =	ssyncadd.s32 $0xFFFFD800  }
0x14: {  	[hbm4b:s6+s2] =	stream.linear.scatter [tilespmem:s8], [sflag:$0x2], $0x2800, $0x38;
	[tilespmem:$0x2880] =	vst v63  }
0x15: {  	s12 =	simm.s32 $0x10;
	_ =	swait.ge [sflag:s7], $0x2800  }
0x16: {  	s13 =	simm.s32 $0x20;
	s11 =	sadd.s32 $0x500, s6;
	[sflag:s7] =	ssyncset.done $0x0  }
.LBB2_2:
0x17: {  	s14 =	sadd.s32 s12, s5  }
0x18: {  	[sflag:s7] =	ssyncadd.s32 $0xFFFFD800;
	s12 =	smov.u32 s13;
	s15 =	sadd.s32 $0x10, s13  }
0x19: {  	[tilespmem:s2], [sflag:$0x2] =	stream.linear.gather [hbm4b:s14+s2], $0x80, $0x38;
	[tilespmem:$0x2880] =	vst v63  }
0x1a: {  	p0 =	sne.s32 s13, $0x1F0;
	_ =	swait.ge [sflag:s7], $0x80  }
0x1b: {  	[sflag:s7] =	ssyncset.done $0x0  }
0x1c: {  	[sflag:s7] =	ssyncadd.s32 $0xFFFFFF80  }
0x1d: {  	[tilespmem:s8], [sflag:$0x1] =	stream.indirect.gather [hbm4b:s3+s8], $0x50, s2, s8, $0xb8;
	[tilespmem:$0x2880] =	vst v63  }
0x1e: {  	_ =	swait.ge [sflag:s9], $0x2800  }
.Ltmp0:
0x1f: {  	[sflag:s9] =	ssyncset.done $0x0;
	(pc) =	sbr.rel @p0 .LBB2_2-.Ltmp0, $4  }
0x20: {  	[sflag:s9] =	ssyncadd.s32 $0xFFFFD800  }
0x21: {  	[hbm4b:s11+s2] =	stream.linear.scatter [tilespmem:s8], [sflag:$0x2], $0x2800, $0x38;
	[tilespmem:$0x2880] =	vst v63  }
0x22: {  	_ =	swait.ge [sflag:s7], $0x2800  }
0x23: {  	s13 =	smov.u32 s15;
	s11 =	sadd.s32 $0x500, s11;
	[sflag:s7] =	ssyncset.done $0x0  }
0x24: {  	s12 =	sadd.s32 s12, s5;
	[sflag:s7] =	ssyncadd.s32 $0xFFFFD800  }
0x25: {  	[tilespmem:s2], [sflag:$0x2] =	stream.linear.gather [hbm4b:s12+s2], $0x80, $0x38;
	[tilespmem:$0x2880] =	vst v63  }
0x26: {  	_ =	swait.ge [sflag:s7], $0x80  }
0x27: {  	[sflag:s7] =	ssyncset.done $0x0  }
0x28: {  	[sflag:s7] =	ssyncadd.s32 $0xFFFFFF80  }
0x29: {  	[tilespmem:s8], [sflag:$0x1] =	stream.indirect.gather [hbm4b:s3+s8], $0x50, s2, s8, $0xb8;
	[tilespmem:$0x2880] =	vst v63  }
0x2a: {  	s10 =	sadd.s32 $0x1, s10;
	_ =	swait.ge [sflag:s9], $0x2800  }
0x2b: {  	p0 =	sne.s32 s10, s4;
	[sflag:s9] =	ssyncset.done $0x0  }
.Ltmp1:
0x2c: {  	[sflag:s9] =	ssyncadd.s32 $0xFFFFD800;
	(pc) =	sbr.rel @p0 .LBB2_1-.Ltmp1, $4  }
0x2d: {  	[hbm4b:s11+s2] =	stream.linear.scatter [tilespmem:s8], [sflag:$0x2], $0x2800, $0x38;
	[tilespmem:$0x2880] =	vst v63  }
0x2e: {  	_ =	swait.ge [sflag:s7], $0x2800  }
0x2f: {  	[sflag:s7] =	ssyncset.done $0x0  }
0x30: {  	[sflag:s7] =	ssyncadd.s32 $0xFFFFD800  }
0x31: {  	_ =	sfence.sel $0x180000  }
0x32: {  	[bflag:$0x0] =	sbarrier.arrive $0xFFFF  }
0x33: {  	p0 =	sne.s32 s1, $0x0;
	_ =	strace $0x9000004A  }
0x34: {  	s0 =	sadd.s32 @!p0 $0x100000, s0;
	[bflag:$0x2] =	sbarrier.arrive $0xFFFF  }
0x35: {  	[sflag:s0] =	ssyncadd.tile.s32 @!p0 $0x1;
	_ =	shalt  }
.Lfunc_end2:
_tile_overlayer_lowered:
.L_overlay_start_2:
0x36: {  	(tag) =	ssettag $0x2  }
0x37: {  	s0 =	rddreg [dreg:$0x0];
	s2 =	stileid.u32  }
0x38: {  	s1 =	rddreg [dreg:$0x1];
	p0 =	sne.s32 s2, $0x0  }
0x39: {  	s3 =	rddreg [dreg:$0x2];
	[bflag:$0x3] =	sbarrier.arrive $0xFFFF;
	s2 =	simm.s32 @!p0 $0x1C02  }
0x3a: {  	[timem:s3], [sflag:s2] =	dma.local @!p0 [hbm:s0], s1  }
0x3b: {  	s0 =	simm.s32 @!p0 $0x2  }
0x3c: {  	_ =	swait.ge @!p0 [sflag:s0], s1  }
0x3d: {  	s1 =	ssub.s32 @!p0 $0x0, s1;
	[sflag:s0] =	ssyncset.done @!p0 $0x0  }
0x3e: {  	[sflag:s0] =	ssyncadd.s32 @!p0 s1  }
0x3f: {  	[bflag:$0x3] =	sbarrier.arrive $0xFFFF  }
0x40: {  	_ =	shalt  }

// kernel: kernel.25.cloned.1.call-start
scs
__scs_entry_jumppad:
0x0: {  	(pc) =	sbr.rel $0x88, $3  }
0x1: {  	(tag) =	ssettag $0x0;
	lr =	simm.s32 $0x1  }
0x2: {  	[smem:$0x3F70] =	sst lr;
	_ =	strace $0xD0000000  }
0x3: {  	_ = 	snop  }
0x4: {  	_ = 	snop  }
0x5: {  	_ = 	snop  }
0x6: {  	_ = 	snop  }
0x7: {  	_ = 	snop  }
__scs_overlays_trampoline_lowered:
0x8: {  	[smem:$0x3F7F] =	sst s0  }
0x9: {  	[smem:$0x3F80] =	sst s1  }
0xa: {  	[smem:$0x3F81] =	sst s2  }
0xb: {  	[smem:$0x3F82] =	sst s3  }
0xc: {  	[smem:$0x3F83] =	sst s4  }
0xd: {  	[smem:$0x3F84] =	sst s5  }
0xe: {  	[smem:$0x3F85] =	sst s6  }
0xf: {  	[smem:$0x3F86] =	sst s7  }
0x10: {  	[smem:$0x3F87] =	sst s8  }
0x11: {  	[smem:$0x3F88] =	sst s9;
	s0 =	simm.s32 @!p0 $0x0  }
0x12: {  	s1 =	sld [smem:$0x3F6E];
	s0 =	simm.s32 @p0 $0x1  }
0x13: {  	[smem:$0x3F89] =	sst s0;
	s0 =	simm.s32 @!p1 $0x0  }
0x14: {  	s2 =	sld [smem:$0x3F6D];
	s0 =	simm.s32 @p1 $0x1  }
0x15: {  	[smem:$0x3F8A] =	sst s0;
	s0 =	simm.s32 @!p2 $0x0  }
0x16: {  	s3 =	sld [smem:$0x3FDB];
	s0 =	simm.s32 @p2 $0x1  }
0x17: {  	s4 =	simm.s32 $0x1BF5;
	[smem:$0x3F8C] =	sst s0  }
0x18: {  	s0 =	sld [smem:$0x3F6F];
	_ =	swait.ge [sflag:s4], $0x0  }
0x19: {  	s7 =	sld [smem:$0x3F70]  }
0x1a: {  	s8 =	sadd.s32 $0xFFFFE003, lr  }
0x1b: {  	s9 =	sadd.s32 $0xFFFFFEF7, lr;
	s5 =	simm.s32 $0xFFFFFFFF;
	p2 =	slt.u32 s8, $0xFFFFF086  }
0x1c: {  	p1 =	slt.u32 s9, $0xF7A;
	s5 =	simm.s32 @!p2 $0x0  }
0x1d: {  	s5 =	simm.s32 @p1 $0x1;
	p0 =	seq.s32 s7, s2  }
0x1e: {  	s7 =	smul.u32 @!p0 $0xF7A, s2;
	p2 =	seq.s32 @!p0 s5, $0x0  }
0x1f: {  	s9 =	smul.u32 $0xF7A, s1;
	s8 =	simm.s32 @!p0 $0x1BF5;
	p2 =	por !p2, p0  }
0x20: {  	[sflag:s8] =	ssyncset.s32 @!p0 $0xFFFFF086;
	s6 =	sadd.s32 @!p0 s3, s7;
	s7 =	simm.s32 @!p0 $0x108  }
0x21: {  	s3 =	sadd.s32 s3, s9;
	s6 =	sadd.s32 @!p0 $0x88, s6;
	s7 =	simm.s32 @p2 $0x1082  }
0x22: {  	[simem:s7], [sflag:s8] =	dma.local @!p0 [hbm:s6], $0xF7A  }
0x23: {  	s9 =	sor.u32 $0xD0000000, s2;
	s6 =	simm.s32 $0x108;
	_ =	swait.ge @!p0 [sflag:s8], $0x0  }
0x24: {  	s3 =	sadd.s32 $0x88, s3;
	s6 =	simm.s32 @!p1 $0x1082;
	[sflag:s4] =	ssyncset.s32 $0xFFFFF086  }
0x25: {  	[simem:s6], [sflag:s4] =	dma.local [hbm:s3], $0xF7A  }
0x26: {  	[smem:$0x3F70] =	sst s1;
	(tag) =	ssettag s2;
	_ =	strace s9  }
0x27: {  	s1 =	sld [smem:$0x3F80]  }
0x28: {  	s2 =	sld [smem:$0x3F81]  }
0x29: {  	s4 =	sld [smem:$0x3F83]  }
0x2a: {  	p0 =	seq.s32 s5, $0x0;
	s5 =	sld [smem:$0x3F84]  }
0x2b: {  	s6 =	sld [smem:$0x3F85]  }
0x2c: {  	s7 =	sld [smem:$0x3F86]  }
0x2d: {  	s3 =	simm.s32 $0x108;
	s8 =	sld [smem:$0x3F87]  }
0x2e: {  	s3 =	simm.s32 @!p0 $0x1082;
	s9 =	sld [smem:$0x3F88]  }
0x2f: {  	lr =	sadd.s32 s0, s3;
	s0 =	sld [smem:$0x3F7F]  }
0x30: {  	s3 =	sld [smem:$0x3F82]  }
0x31: {  	[smem:$0x3F8B] =	sst s10  }
0x32: {  	s10 =	sld [smem:$0x3F89];
	_ =	sdelay $0x3  }
0x33: {  	p0 =	seq.s32 s10, $0x1;
	s10 =	sld [smem:$0x3F8B];
	_ =	sdelay $0x3  }
0x34: {  	[smem:$0x3F8B] =	sst s10  }
0x35: {  	s10 =	sld [smem:$0x3F8A];
	_ =	sdelay $0x3  }
0x36: {  	p1 =	seq.s32 s10, $0x1;
	s10 =	sld [smem:$0x3F8B];
	_ =	sdelay $0x3  }
0x37: {  	[smem:$0x3F8B] =	sst s10  }
0x38: {  	s10 =	sld [smem:$0x3F8C]  }
0x39: {  	_ = 	snop;
	(pc) =	sbr.ind lr, $3  }
0x3a: {  	_ = 	snop  }
0x3b: {  	_ = 	snop  }
0x3c: {  	p2 =	seq.s32 s10, $0x1;
	s10 =	sld [smem:$0x3F8B]  }
0x3d: {  	_ =	shalt  }
0x3e: {  	_ =	shalt  }
0x3f: {  	_ =	shalt  }
0x40: {  	_ =	shalt  }
0x41: {  	_ =	shalt  }
0x42: {  	_ =	shalt  }
0x43: {  	_ =	shalt  }
0x44: {  	_ =	shalt  }
0x45: {  	_ =	shalt  }
0x46: {  	_ =	shalt  }
0x47: {  	_ =	shalt  }
0x48: {  	_ =	shalt  }
0x49: {  	_ =	shalt  }
0x4a: {  	_ =	shalt  }
0x4b: {  	_ =	shalt  }
0x4c: {  	_ =	shalt  }
0x4d: {  	_ =	shalt  }
0x4e: {  	_ =	shalt  }
0x4f: {  	_ =	shalt  }
0x50: {  	_ =	shalt  }
0x51: {  	_ =	shalt  }
0x52: {  	_ =	shalt  }
0x53: {  	_ =	shalt  }
0x54: {  	_ =	shalt  }
0x55: {  	_ =	shalt  }
0x56: {  	_ =	shalt  }
0x57: {  	_ =	shalt  }
0x58: {  	_ =	shalt  }
0x59: {  	_ =	shalt  }
0x5a: {  	_ =	shalt  }
0x5b: {  	_ =	shalt  }
0x5c: {  	_ =	shalt  }
0x5d: {  	_ =	shalt  }
0x5e: {  	_ =	shalt  }
0x5f: {  	_ =	shalt  }
0x60: {  	_ =	shalt  }
0x61: {  	_ =	shalt  }
0x62: {  	_ =	shalt  }
0x63: {  	_ =	shalt  }
0x64: {  	_ =	shalt  }
0x65: {  	_ =	shalt  }
0x66: {  	_ =	shalt  }
0x67: {  	_ =	shalt  }
0x68: {  	_ =	shalt  }
0x69: {  	_ =	shalt  }
0x6a: {  	_ =	shalt  }
0x6b: {  	_ =	shalt  }
0x6c: {  	_ =	shalt  }
0x6d: {  	_ =	shalt  }
0x6e: {  	_ =	shalt  }
0x6f: {  	_ =	shalt  }
0x70: {  	_ =	shalt  }
0x71: {  	_ =	shalt  }
0x72: {  	_ =	shalt  }
0x73: {  	_ =	shalt  }
0x74: {  	_ =	shalt  }
0x75: {  	_ =	shalt  }
0x76: {  	_ =	shalt  }
0x77: {  	_ =	shalt  }
0x78: {  	_ =	shalt  }
0x79: {  	_ =	shalt  }
0x7a: {  	_ =	shalt  }
0x7b: {  	_ =	shalt  }
0x7c: {  	_ =	shalt  }
0x7d: {  	_ =	shalt  }
0x7e: {  	_ =	shalt  }
0x7f: {  	_ =	shalt  }
0x80: {  	_ =	shalt  }
0x81: {  	_ =	shalt  }
0x82: {  	_ =	shalt  }
0x83: {  	_ =	shalt  }
0x84: {  	_ =	shalt  }
0x85: {  	_ =	shalt  }
0x86: {  	_ =	shalt  }
0x87: {  	_ =	shalt  }
.Lfunc_end0:
.L_simem_size_0:
called_computation.2_lowered:
.L_overlay_start_0:
0x88: {  	s2 =	sld [smem:$0x3FD9]  }
0x89: {  	s3 =	sld [smem:$0x3FFE];
	_ =	sdelay $0x1  }
0x8a: {  	s1 =	srdreg.scid  }
0x8b: {  	s0 =	sand.u32 $0x1, s1  }
0x8c: {  	s16 =	sshll.u32 s0, $0xA;
	s2 =	sadd.s32 s3, s2  }
0x8d: {  	s2 =	sadd.s32 s2, s16  }
0x8e: {  	[smem:$0x3F97] =	sst s2  }
0x8f: {  	_ = 	snop  }
0x90: {  	(tm) =	ssettm $0x1  }
0x91: {  	s17 =	sld [smem:$0x3FFB];
	_ =	sdelay $0x3  }
0x92: {  	_ =	strace s17  }
0x93: {  	s2 =	sld [smem:$0x3FFC];
	_ =	sdelay $0x3  }
0x94: {  	_ =	strace s2  }
0x95: {  	s2 =	sld [smem:$0x3FFD];
	_ =	sdelay $0x3  }
0x96: {  	_ =	strace s2  }
0x97: {  	_ =	strace $0x8FFFFFFF  }
0x98: {  	s18 =	sld [smem:$0x3FDB];
	_ =	sdelay $0x1  }
0x99: {  	s19 =	simm.s32 $_scs_section_size  }
0x9a: {  	s4 =	simm.s32 $_size__tile_overlayer_lowered;
	s5 =	simm.s32 $_tile_overlayer_lowered  }
0x9b: {  	s22 =	simm.s32 $0x1BFF;
	s21 =	sshll.u32 s5, $0x1;
	s2 =	sadd.s32 s19, s18  }
0x9c: {  	s6 =	simm.s32 $0x0;
	s20 =	sshll.u32 s4, $0x1;
	s4 =	sadd.s32 s21, s2  }
0x9d: {  	[timem:s6], [sflag:s22] =	dma.local [hbm:s4], s20  }
0x9e: {  	_ =	swait.ge [sflag:s22], s20  }
0x9f: {  	s3 =	ssub.s32 $0x0, s20;
	[sflag:s22] =	ssyncset.done $0x0  }
0xa0: {  	[sflag:s22] =	ssyncadd.s32 s3;
	_ =	sdelay $0x1  }
0xa1: {  	s23 =	simm.s32 $0x1B8B  }
0xa2: {  	_ =	swait.ge [sflag:s23], $0x1  }
0xa3: {  	[sflag:s23] =	ssyncset.done $0x0  }
0xa4: {  	s25 =	simm.s32 $0x1B8E;
	s24 =	sld [smem:$0x3FFE];
	[sflag:s23] =	ssyncadd.s32 $0xFFFFFFFF  }
0xa5: {  	s26 =	simm.s32 $execute0_lowered;
	[smem:$0x3FD2] =	sst s25  }
0xa6: {  	s4 =	sshll.u32 s26, $0x1;
	_ =	strace $0x8000004C;
	[dreg:$0x1] =	wrdreg $0xFFFFFFFF  }
0xa7: {  	s28 =	simm.s32 $_size_execute0_lowered;
	s2 =	sadd.s32 s2, s4;
	[dreg:$0x0] =	wrdreg $0x0  }
0xa8: {  	s4 =	sshll.u32 s28, $0x1;
	[dreg:$0x2] =	wrdreg s2  }
0xa9: {  	[dreg:$0x3] =	wrdreg s4  }
0xaa: {  	[dreg:$0x4] =	wrdreg $0xC0  }
0xab: {  	_ =	task [dreg:s6], $0x5FFFF  }
0xac: {  	[dreg:$0x1] =	wrdreg $0xFFFFFFFF  }
0xad: {  	[dreg:$0x0] =	wrdreg $0x60  }
0xae: {  	[dreg:$0x2] =	wrdreg s24  }
0xaf: {  	[dreg:$0x3] =	wrdreg $0x9  }
0xb0: {  	_ =	task.clear_ibuf [dreg:s6], $0x4FFFF;
	_ =	strace $0x9000004C  }
0xb1: {  	s29 =	simm.s32 $0x9;
	_ =	strace $0x8000004E  }
0xb2: {  	_ =	swait.ge [sflag:s29], $0x1  }
0xb3: {  	[sflag:s29] =	ssyncadd.s32 $0xFFFFFFFF  }
0xb4: {  	_ =	strace $0x9000004E  }
0xb5: {  	_ =	sfence  }
0xb6: {  	s30 =	sld [smem:$0x0];
	_ =	sdelay $0x2  }
0xb7: {  	s31 =	sshll.u32 s1, $0xD;
	s1 =	sshrl.u32 s1, $0x2  }
0xb8: {  	s3 =	sand.u32 $0x4000, s31;
	s1 =	sadd.s32 s1, s30  }
0xb9: {  	s0 =	sor.u32 s3, s0;
	s1 =	sshll.u32 s1, $0x11  }
0xba: {  	s0 =	sor.u32 s1, s0  }
0xbb: {  	s0 =	sadd.s32 $0x8F2B, s0  }
0xbc: {  	[sflag:s0] =	ssyncadd.remote.s32 $0x1  }
0xbd: {  	_ =	sfence.sel $0xFFFF  }
0xbe: {  	[dreg:$0x0] =	wrdreg $0xFFFFFFFF;
	(pc) =	sbr.abs _section_cstart, $3  }
0xbf: {  	[dreg:$0x1] =	wrdreg $0xFFFFFFFF  }
0xc0: {  	_ =	task.clear_ibuf [dreg:s6], $0x2FFFF;
	_ =	strace $0x9FFFFFFF  }
0xc1: {  	(tm) =	ssettm $0x7FFFFFFF  }
tec
execute0_lowered:
.L_overlay_start_1:
0x0: {  	(tag) =	ssettag $0x1  }
0x1: {  	s4 =	rddreg [dreg:$0x0]  }
0x2: {  	s0 =	rddreg [dreg:$0x1];
	s2 =	simm.s32 $0x0;
	s5 =	srdreg.scid  }
0x3: {  	s1 =	stileid.u32;
	s10 =	simm.s32 $0x0;
	[smem:$0x7FF] =	sst s2  }
0x4: {  	s3 =	sadd.s32 $0x8400, s4;
	s5 =	sand.u32 $0x1, s5;
	s6 =	sshll.u32 s1, $0xB  }
0x5: {  	s8 =	smul.u32 $0x9000, s1;
	_ =	strace $0x8000004D;
	s7 =	sshll.u32 s5, $0xA  }
0x6: {  	s9 =	ssub.s32 $0x2, s5;
	s5 =	smul.u32 $0x4800, s5;
	s6 =	sor.u32 s7, s6  }
0x7: {  	s30 =	sshrl.u32 s9, $0x1;
	s8 =	sadd.s32 s8, s4;
	s6 =	sshrl.u32 s6, $0x3  }
0x8: {  	s7 =	ssub.s32 s9, s30;
	s31 =	sadd.s32 s5, s8;
	s8 =	simm.s32 $0x80  }
0x9: {  	s9 =	simm.s32 $0x1;
	s6 =	sadd.s32 s6, s4;
	s4 =	smax.u32 s7, $0x1  }
0xa: {  	s7 =	simm.s32 $0x2;
	s5 =	sadd.s32 $0x7C400, s6;
	s6 =	sadd.s32 $0x7D400, s31  }
.LBB2_1:
0xb: {  	s11 =	sadd.s32 $0x0, s5  }
0xc: {  	[tilespmem:s2], [sflag:$0x2] =	stream.linear.gather [hbm4b:s11+s2], $0x80, $0x38;
	[tilespmem:$0x4880] =	vst v63  }
0xd: {  	_ =	swait.ge [sflag:s7], $0x80  }
0xe: {  	[sflag:s7] =	ssyncset.done $0x0  }
0xf: {  	[sflag:s7] =	ssyncadd.s32 $0xFFFFFF80  }
0x10: {  	[tilespmem:s8], [sflag:$0x1] =	stream.indirect.gather [hbm4b:s3+s8], $0x90, s2, s8, $0xb8;
	[tilespmem:$0x4880] =	vst v63  }
0x11: {  	_ =	swait.ge [sflag:s9], $0x4800  }
0x12: {  	[sflag:s9] =	ssyncset.done $0x0  }
0x13: {  	[sflag:s9] =	ssyncadd.s32 $0xFFFFB800  }
0x14: {  	[hbm4b:s6+s2] =	stream.linear.scatter [tilespmem:s8], [sflag:$0x2], $0x4800, $0x38;
	[tilespmem:$0x4880] =	vst v63  }
0x15: {  	s12 =	simm.s32 $0x10;
	_ =	swait.ge [sflag:s7], $0x4800  }
0x16: {  	s13 =	simm.s32 $0x20;
	s11 =	sadd.s32 $0x900, s6;
	[sflag:s7] =	ssyncset.done $0x0  }
.LBB2_2:
0x17: {  	s14 =	sadd.s32 s12, s5  }
0x18: {  	[sflag:s7] =	ssyncadd.s32 $0xFFFFB800;
	s12 =	smov.u32 s13;
	s15 =	sadd.s32 $0x10, s13  }
0x19: {  	[tilespmem:s2], [sflag:$0x2] =	stream.linear.gather [hbm4b:s14+s2], $0x80, $0x38;
	[tilespmem:$0x4880] =	vst v63  }
0x1a: {  	p0 =	sne.s32 s13, $0x70;
	_ =	swait.ge [sflag:s7], $0x80  }
0x1b: {  	[sflag:s7] =	ssyncset.done $0x0  }
0x1c: {  	[sflag:s7] =	ssyncadd.s32 $0xFFFFFF80  }
0x1d: {  	[tilespmem:s8], [sflag:$0x1] =	stream.indirect.gather [hbm4b:s3+s8], $0x90, s2, s8, $0xb8;
	[tilespmem:$0x4880] =	vst v63  }
0x1e: {  	_ =	swait.ge [sflag:s9], $0x4800  }
.Ltmp0:
0x1f: {  	[sflag:s9] =	ssyncset.done $0x0;
	(pc) =	sbr.rel @p0 .LBB2_2-.Ltmp0, $4  }
0x20: {  	[sflag:s9] =	ssyncadd.s32 $0xFFFFB800  }
0x21: {  	[hbm4b:s11+s2] =	stream.linear.scatter [tilespmem:s8], [sflag:$0x2], $0x4800, $0x38;
	[tilespmem:$0x4880] =	vst v63  }
0x22: {  	_ =	swait.ge [sflag:s7], $0x4800  }
0x23: {  	s13 =	smov.u32 s15;
	s11 =	sadd.s32 $0x900, s11;
	[sflag:s7] =	ssyncset.done $0x0  }
0x24: {  	s12 =	sadd.s32 s12, s5;
	[sflag:s7] =	ssyncadd.s32 $0xFFFFB800  }
0x25: {  	[tilespmem:s2], [sflag:$0x2] =	stream.linear.gather [hbm4b:s12+s2], $0x80, $0x38;
	[tilespmem:$0x4880] =	vst v63  }
0x26: {  	_ =	swait.ge [sflag:s7], $0x80  }
0x27: {  	[sflag:s7] =	ssyncset.done $0x0  }
0x28: {  	[sflag:s7] =	ssyncadd.s32 $0xFFFFFF80  }
0x29: {  	[tilespmem:s8], [sflag:$0x1] =	stream.indirect.gather [hbm4b:s3+s8], $0x90, s2, s8, $0xb8;
	[tilespmem:$0x4880] =	vst v63  }
0x2a: {  	s10 =	sadd.s32 $0x1, s10;
	_ =	swait.ge [sflag:s9], $0x4800  }
0x2b: {  	p0 =	sne.s32 s10, s4;
	[sflag:s9] =	ssyncset.done $0x0  }
.Ltmp1:
0x2c: {  	[sflag:s9] =	ssyncadd.s32 $0xFFFFB800;
	(pc) =	sbr.rel @p0 .LBB2_1-.Ltmp1, $4  }
0x2d: {  	[hbm4b:s11+s2] =	stream.linear.scatter [tilespmem:s8], [sflag:$0x2], $0x4800, $0x38;
	[tilespmem:$0x4880] =	vst v63  }
0x2e: {  	_ =	swait.ge [sflag:s7], $0x4800  }
0x2f: {  	[sflag:s7] =	ssyncset.done $0x0  }
0x30: {  	[sflag:s7] =	ssyncadd.s32 $0xFFFFB800  }
0x31: {  	_ =	sfence.sel $0x180000  }
0x32: {  	[bflag:$0x0] =	sbarrier.arrive $0xFFFF  }
0x33: {  	p0 =	sne.s32 s1, $0x0;
	_ =	strace $0x9000004D  }
0x34: {  	s0 =	sadd.s32 @!p0 $0x100000, s0;
	[bflag:$0x2] =	sbarrier.arrive $0xFFFF  }
0x35: {  	[sflag:s0] =	ssyncadd.tile.s32 @!p0 $0x1;
	_ =	shalt  }
.Lfunc_end2:
_tile_overlayer_lowered:
.L_overlay_start_2:
0x36: {  	(tag) =	ssettag $0x2  }
0x37: {  	s0 =	rddreg [dreg:$0x0];
	s2 =	stileid.u32  }
0x38: {  	s1 =	rddreg [dreg:$0x1];
	p0 =	sne.s32 s2, $0x0  }
0x39: {  	s3 =	rddreg [dreg:$0x2];
	[bflag:$0x3] =	sbarrier.arrive $0xFFFF;
	s2 =	simm.s32 @!p0 $0x1C02  }
0x3a: {  	[timem:s3], [sflag:s2] =	dma.local @!p0 [hbm:s0], s1  }
0x3b: {  	s0 =	simm.s32 @!p0 $0x2  }
0x3c: {  	_ =	swait.ge @!p0 [sflag:s0], s1  }
0x3d: {  	s1 =	ssub.s32 @!p0 $0x0, s1;
	[sflag:s0] =	ssyncset.done @!p0 $0x0  }
0x3e: {  	[sflag:s0] =	ssyncadd.s32 @!p0 s1  }
0x3f: {  	[bflag:$0x3] =	sbarrier.arrive $0xFFFF  }
0x40: {  	_ =	shalt  }

// kernel: kernel.28.cloned.1.call-start
scs
__scs_entry_jumppad:
0x0: {  	(pc) =	sbr.rel $0x88, $3  }
0x1: {  	(tag) =	ssettag $0x0;
	lr =	simm.s32 $0x1  }
0x2: {  	[smem:$0x3F70] =	sst lr;
	_ =	strace $0xD0000000  }
0x3: {  	_ = 	snop  }
0x4: {  	_ = 	snop  }
0x5: {  	_ = 	snop  }
0x6: {  	_ = 	snop  }
0x7: {  	_ = 	snop  }
__scs_overlays_trampoline_lowered:
0x8: {  	[smem:$0x3F7F] =	sst s0  }
0x9: {  	[smem:$0x3F80] =	sst s1  }
0xa: {  	[smem:$0x3F81] =	sst s2  }
0xb: {  	[smem:$0x3F82] =	sst s3  }
0xc: {  	[smem:$0x3F83] =	sst s4  }
0xd: {  	[smem:$0x3F84] =	sst s5  }
0xe: {  	[smem:$0x3F85] =	sst s6  }
0xf: {  	[smem:$0x3F86] =	sst s7  }
0x10: {  	[smem:$0x3F87] =	sst s8  }
0x11: {  	[smem:$0x3F88] =	sst s9;
	s0 =	simm.s32 @!p0 $0x0  }
0x12: {  	s1 =	sld [smem:$0x3F6E];
	s0 =	simm.s32 @p0 $0x1  }
0x13: {  	[smem:$0x3F89] =	sst s0;
	s0 =	simm.s32 @!p1 $0x0  }
0x14: {  	s2 =	sld [smem:$0x3F6D];
	s0 =	simm.s32 @p1 $0x1  }
0x15: {  	[smem:$0x3F8A] =	sst s0;
	s0 =	simm.s32 @!p2 $0x0  }
0x16: {  	s3 =	sld [smem:$0x3FDB];
	s0 =	simm.s32 @p2 $0x1  }
0x17: {  	s4 =	simm.s32 $0x1BF5;
	[smem:$0x3F8C] =	sst s0  }
0x18: {  	s0 =	sld [smem:$0x3F6F];
	_ =	swait.ge [sflag:s4], $0x0  }
0x19: {  	s7 =	sld [smem:$0x3F70]  }
0x1a: {  	s8 =	sadd.s32 $0xFFFFE003, lr  }
0x1b: {  	s9 =	sadd.s32 $0xFFFFFEF7, lr;
	s5 =	simm.s32 $0xFFFFFFFF;
	p2 =	slt.u32 s8, $0xFFFFF086  }
0x1c: {  	p1 =	slt.u32 s9, $0xF7A;
	s5 =	simm.s32 @!p2 $0x0  }
0x1d: {  	s5 =	simm.s32 @p1 $0x1;
	p0 =	seq.s32 s7, s2  }
0x1e: {  	s7 =	smul.u32 @!p0 $0xF7A, s2;
	p2 =	seq.s32 @!p0 s5, $0x0  }
0x1f: {  	s9 =	smul.u32 $0xF7A, s1;
	s8 =	simm.s32 @!p0 $0x1BF5;
	p2 =	por !p2, p0  }
0x20: {  	[sflag:s8] =	ssyncset.s32 @!p0 $0xFFFFF086;
	s6 =	sadd.s32 @!p0 s3, s7;
	s7 =	simm.s32 @!p0 $0x108  }
0x21: {  	s3 =	sadd.s32 s3, s9;
	s6 =	sadd.s32 @!p0 $0x88, s6;
	s7 =	simm.s32 @p2 $0x1082  }
0x22: {  	[simem:s7], [sflag:s8] =	dma.local @!p0 [hbm:s6], $0xF7A  }
0x23: {  	s9 =	sor.u32 $0xD0000000, s2;
	s6 =	simm.s32 $0x108;
	_ =	swait.ge @!p0 [sflag:s8], $0x0  }
0x24: {  	s3 =	sadd.s32 $0x88, s3;
	s6 =	simm.s32 @!p1 $0x1082;
	[sflag:s4] =	ssyncset.s32 $0xFFFFF086  }
0x25: {  	[simem:s6], [sflag:s4] =	dma.local [hbm:s3], $0xF7A  }
0x26: {  	[smem:$0x3F70] =	sst s1;
	(tag) =	ssettag s2;
	_ =	strace s9  }
0x27: {  	s1 =	sld [smem:$0x3F80]  }
0x28: {  	s2 =	sld [smem:$0x3F81]  }
0x29: {  	s4 =	sld [smem:$0x3F83]  }
0x2a: {  	p0 =	seq.s32 s5, $0x0;
	s5 =	sld [smem:$0x3F84]  }
0x2b: {  	s6 =	sld [smem:$0x3F85]  }
0x2c: {  	s7 =	sld [smem:$0x3F86]  }
0x2d: {  	s3 =	simm.s32 $0x108;
	s8 =	sld [smem:$0x3F87]  }
0x2e: {  	s3 =	simm.s32 @!p0 $0x1082;
	s9 =	sld [smem:$0x3F88]  }
0x2f: {  	lr =	sadd.s32 s0, s3;
	s0 =	sld [smem:$0x3F7F]  }
0x30: {  	s3 =	sld [smem:$0x3F82]  }
0x31: {  	[smem:$0x3F8B] =	sst s10  }
0x32: {  	s10 =	sld [smem:$0x3F89];
	_ =	sdelay $0x3  }
0x33: {  	p0 =	seq.s32 s10, $0x1;
	s10 =	sld [smem:$0x3F8B];
	_ =	sdelay $0x3  }
0x34: {  	[smem:$0x3F8B] =	sst s10  }
0x35: {  	s10 =	sld [smem:$0x3F8A];
	_ =	sdelay $0x3  }
0x36: {  	p1 =	seq.s32 s10, $0x1;
	s10 =	sld [smem:$0x3F8B];
	_ =	sdelay $0x3  }
0x37: {  	[smem:$0x3F8B] =	sst s10  }
0x38: {  	s10 =	sld [smem:$0x3F8C]  }
0x39: {  	_ = 	snop;
	(pc) =	sbr.ind lr, $3  }
0x3a: {  	_ = 	snop  }
0x3b: {  	_ = 	snop  }
0x3c: {  	p2 =	seq.s32 s10, $0x1;
	s10 =	sld [smem:$0x3F8B]  }
0x3d: {  	_ =	shalt  }
0x3e: {  	_ =	shalt  }
0x3f: {  	_ =	shalt  }
0x40: {  	_ =	shalt  }
0x41: {  	_ =	shalt  }
0x42: {  	_ =	shalt  }
0x43: {  	_ =	shalt  }
0x44: {  	_ =	shalt  }
0x45: {  	_ =	shalt  }
0x46: {  	_ =	shalt  }
0x47: {  	_ =	shalt  }
0x48: {  	_ =	shalt  }
0x49: {  	_ =	shalt  }
0x4a: {  	_ =	shalt  }
0x4b: {  	_ =	shalt  }
0x4c: {  	_ =	shalt  }
0x4d: {  	_ =	shalt  }
0x4e: {  	_ =	shalt  }
0x4f: {  	_ =	shalt  }
0x50: {  	_ =	shalt  }
0x51: {  	_ =	shalt  }
0x52: {  	_ =	shalt  }
0x53: {  	_ =	shalt  }
0x54: {  	_ =	shalt  }
0x55: {  	_ =	shalt  }
0x56: {  	_ =	shalt  }
0x57: {  	_ =	shalt  }
0x58: {  	_ =	shalt  }
0x59: {  	_ =	shalt  }
0x5a: {  	_ =	shalt  }
0x5b: {  	_ =	shalt  }
0x5c: {  	_ =	shalt  }
0x5d: {  	_ =	shalt  }
0x5e: {  	_ =	shalt  }
0x5f: {  	_ =	shalt  }
0x60: {  	_ =	shalt  }
0x61: {  	_ =	shalt  }
0x62: {  	_ =	shalt  }
0x63: {  	_ =	shalt  }
0x64: {  	_ =	shalt  }
0x65: {  	_ =	shalt  }
0x66: {  	_ =	shalt  }
0x67: {  	_ =	shalt  }
0x68: {  	_ =	shalt  }
0x69: {  	_ =	shalt  }
0x6a: {  	_ =	shalt  }
0x6b: {  	_ =	shalt  }
0x6c: {  	_ =	shalt  }
0x6d: {  	_ =	shalt  }
0x6e: {  	_ =	shalt  }
0x6f: {  	_ =	shalt  }
0x70: {  	_ =	shalt  }
0x71: {  	_ =	shalt  }
0x72: {  	_ =	shalt  }
0x73: {  	_ =	shalt  }
0x74: {  	_ =	shalt  }
0x75: {  	_ =	shalt  }
0x76: {  	_ =	shalt  }
0x77: {  	_ =	shalt  }
0x78: {  	_ =	shalt  }
0x79: {  	_ =	shalt  }
0x7a: {  	_ =	shalt  }
0x7b: {  	_ =	shalt  }
0x7c: {  	_ =	shalt  }
0x7d: {  	_ =	shalt  }
0x7e: {  	_ =	shalt  }
0x7f: {  	_ =	shalt  }
0x80: {  	_ =	shalt  }
0x81: {  	_ =	shalt  }
0x82: {  	_ =	shalt  }
0x83: {  	_ =	shalt  }
0x84: {  	_ =	shalt  }
0x85: {  	_ =	shalt  }
0x86: {  	_ =	shalt  }
0x87: {  	_ =	shalt  }
.Lfunc_end0:
.L_simem_size_0:
called_computation.3_lowered:
.L_overlay_start_0:
0x88: {  	s2 =	sld [smem:$0x3FD9]  }
0x89: {  	s3 =	sld [smem:$0x3FFE];
	_ =	sdelay $0x1  }
0x8a: {  	s1 =	srdreg.scid  }
0x8b: {  	s0 =	sand.u32 $0x1, s1  }
0x8c: {  	s16 =	sshll.u32 s0, $0xA;
	s2 =	sadd.s32 s3, s2  }
0x8d: {  	s2 =	sadd.s32 s2, s16  }
0x8e: {  	[smem:$0x3F97] =	sst s2  }
0x8f: {  	_ = 	snop  }
0x90: {  	(tm) =	ssettm $0x1  }
0x91: {  	s17 =	sld [smem:$0x3FFB];
	_ =	sdelay $0x3  }
0x92: {  	_ =	strace s17  }
0x93: {  	s2 =	sld [smem:$0x3FFC];
	_ =	sdelay $0x3  }
0x94: {  	_ =	strace s2  }
0x95: {  	s2 =	sld [smem:$0x3FFD];
	_ =	sdelay $0x3  }
0x96: {  	_ =	strace s2  }
0x97: {  	_ =	strace $0x8FFFFFFF  }
0x98: {  	s18 =	sld [smem:$0x3FDB];
	_ =	sdelay $0x1  }
0x99: {  	s19 =	simm.s32 $_scs_section_size  }
0x9a: {  	s4 =	simm.s32 $_size__tile_overlayer_lowered;
	s5 =	simm.s32 $_tile_overlayer_lowered  }
0x9b: {  	s22 =	simm.s32 $0x1BFF;
	s21 =	sshll.u32 s5, $0x1;
	s2 =	sadd.s32 s19, s18  }
0x9c: {  	s6 =	simm.s32 $0x0;
	s20 =	sshll.u32 s4, $0x1;
	s4 =	sadd.s32 s21, s2  }
0x9d: {  	[timem:s6], [sflag:s22] =	dma.local [hbm:s4], s20  }
0x9e: {  	_ =	swait.ge [sflag:s22], s20  }
0x9f: {  	s3 =	ssub.s32 $0x0, s20;
	[sflag:s22] =	ssyncset.done $0x0  }
0xa0: {  	[sflag:s22] =	ssyncadd.s32 s3;
	_ =	sdelay $0x1  }
0xa1: {  	s23 =	simm.s32 $0x1B8B  }
0xa2: {  	_ =	swait.ge [sflag:s23], $0x1  }
0xa3: {  	[sflag:s23] =	ssyncset.done $0x0  }
0xa4: {  	s25 =	simm.s32 $0x1B8E;
	s24 =	sld [smem:$0x3FFE];
	[sflag:s23] =	ssyncadd.s32 $0xFFFFFFFF  }
0xa5: {  	s26 =	simm.s32 $execute0_lowered;
	[smem:$0x3FD2] =	sst s25  }
0xa6: {  	s4 =	sshll.u32 s26, $0x1;
	_ =	strace $0x8000004F;
	[dreg:$0x1] =	wrdreg $0xFFFFFFFF  }
0xa7: {  	s28 =	simm.s32 $_size_execute0_lowered;
	s2 =	sadd.s32 s2, s4;
	[dreg:$0x0] =	wrdreg $0x0  }
0xa8: {  	s4 =	sshll.u32 s28, $0x1;
	[dreg:$0x2] =	wrdreg s2  }
0xa9: {  	[dreg:$0x3] =	wrdreg s4  }
0xaa: {  	[dreg:$0x4] =	wrdreg $0xC0  }
0xab: {  	_ =	task [dreg:s6], $0x5FFFF  }
0xac: {  	[dreg:$0x1] =	wrdreg $0xFFFFFFFF  }
0xad: {  	[dreg:$0x0] =	wrdreg $0x60  }
0xae: {  	[dreg:$0x2] =	wrdreg s24  }
0xaf: {  	[dreg:$0x3] =	wrdreg $0x9  }
0xb0: {  	_ =	task.clear_ibuf [dreg:s6], $0x4FFFF;
	_ =	strace $0x9000004F  }
0xb1: {  	s29 =	simm.s32 $0x9;
	_ =	strace $0x80000051  }
0xb2: {  	_ =	swait.ge [sflag:s29], $0x1  }
0xb3: {  	[sflag:s29] =	ssyncadd.s32 $0xFFFFFFFF  }
0xb4: {  	_ =	strace $0x90000051  }
0xb5: {  	_ =	sfence  }
0xb6: {  	s30 =	sld [smem:$0x0];
	_ =	sdelay $0x2  }
0xb7: {  	s31 =	sshll.u32 s1, $0xD;
	s1 =	sshrl.u32 s1, $0x2  }
0xb8: {  	s3 =	sand.u32 $0x4000, s31;
	s1 =	sadd.s32 s1, s30  }
0xb9: {  	s0 =	sor.u32 s3, s0;
	s1 =	sshll.u32 s1, $0x11  }
0xba: {  	s0 =	sor.u32 s1, s0  }
0xbb: {  	s0 =	sadd.s32 $0x8F2B, s0  }
0xbc: {  	[sflag:s0] =	ssyncadd.remote.s32 $0x1  }
0xbd: {  	_ =	sfence.sel $0xFFFF  }
0xbe: {  	[dreg:$0x0] =	wrdreg $0xFFFFFFFF;
	(pc) =	sbr.abs _section_cstart, $3  }
0xbf: {  	[dreg:$0x1] =	wrdreg $0xFFFFFFFF  }
0xc0: {  	_ =	task.clear_ibuf [dreg:s6], $0x2FFFF;
	_ =	strace $0x9FFFFFFF  }
0xc1: {  	(tm) =	ssettm $0x7FFFFFFF  }
tec
execute0_lowered:
.L_overlay_start_1:
0x0: {  	(tag) =	ssettag $0x1  }
0x1: {  	s4 =	rddreg [dreg:$0x0]  }
0x2: {  	s0 =	rddreg [dreg:$0x1];
	s2 =	simm.s32 $0x0;
	s5 =	srdreg.scid  }
0x3: {  	s1 =	stileid.u32;
	s10 =	simm.s32 $0x0;
	[smem:$0x7FF] =	sst s2  }
0x4: {  	s3 =	sadd.s32 $0x8400, s4;
	s5 =	sand.u32 $0x1, s5;
	s6 =	sshll.u32 s1, $0xB  }
0x5: {  	s8 =	smul.u32 $0x5000, s1;
	_ =	strace $0x80000050;
	s7 =	sshll.u32 s5, $0xA  }
0x6: {  	s9 =	ssub.s32 $0x2, s5;
	s5 =	smul.u32 $0x2800, s5;
	s6 =	sor.u32 s7, s6  }
0x7: {  	s30 =	sshrl.u32 s9, $0x1;
	s8 =	sadd.s32 s8, s4;
	s6 =	sshrl.u32 s6, $0x3  }
0x8: {  	s7 =	ssub.s32 s9, s30;
	s31 =	sadd.s32 s5, s8;
	s8 =	simm.s32 $0x80  }
0x9: {  	s9 =	simm.s32 $0x1;
	s6 =	sadd.s32 s6, s4;
	s4 =	smax.u32 s7, $0x1  }
0xa: {  	s7 =	simm.s32 $0x2;
	s5 =	sadd.s32 $0x2C400, s6;
	s6 =	sadd.s32 $0x2D400, s31  }
.LBB2_1:
0xb: {  	s11 =	sadd.s32 $0x0, s5  }
0xc: {  	[tilespmem:s2], [sflag:$0x2] =	stream.linear.gather [hbm4b:s11+s2], $0x80, $0x38;
	[tilespmem:$0x2880] =	vst v63  }
0xd: {  	_ =	swait.ge [sflag:s7], $0x80  }
0xe: {  	[sflag:s7] =	ssyncset.done $0x0  }
0xf: {  	[sflag:s7] =	ssyncadd.s32 $0xFFFFFF80  }
0x10: {  	[tilespmem:s8], [sflag:$0x1] =	stream.indirect.gather [hbm4b:s3+s8], $0x50, s2, s8, $0xb8;
	[tilespmem:$0x2880] =	vst v63  }
0x11: {  	_ =	swait.ge [sflag:s9], $0x2800  }
0x12: {  	[sflag:s9] =	ssyncset.done $0x0  }
0x13: {  	[sflag:s9] =	ssyncadd.s32 $0xFFFFD800  }
0x14: {  	[hbm4b:s6+s2] =	stream.linear.scatter [tilespmem:s8], [sflag:$0x2], $0x2800, $0x38;
	[tilespmem:$0x2880] =	vst v63  }
0x15: {  	s12 =	simm.s32 $0x10;
	_ =	swait.ge [sflag:s7], $0x2800  }
0x16: {  	s13 =	simm.s32 $0x20;
	s11 =	sadd.s32 $0x500, s6;
	[sflag:s7] =	ssyncset.done $0x0  }
.LBB2_2:
0x17: {  	s14 =	sadd.s32 s12, s5  }
0x18: {  	[sflag:s7] =	ssyncadd.s32 $0xFFFFD800;
	s12 =	smov.u32 s13;
	s15 =	sadd.s32 $0x10, s13  }
0x19: {  	[tilespmem:s2], [sflag:$0x2] =	stream.linear.gather [hbm4b:s14+s2], $0x80, $0x38;
	[tilespmem:$0x2880] =	vst v63  }
0x1a: {  	p0 =	sne.s32 s13, $0x70;
	_ =	swait.ge [sflag:s7], $0x80  }
0x1b: {  	[sflag:s7] =	ssyncset.done $0x0  }
0x1c: {  	[sflag:s7] =	ssyncadd.s32 $0xFFFFFF80  }
0x1d: {  	[tilespmem:s8], [sflag:$0x1] =	stream.indirect.gather [hbm4b:s3+s8], $0x50, s2, s8, $0xb8;
	[tilespmem:$0x2880] =	vst v63  }
0x1e: {  	_ =	swait.ge [sflag:s9], $0x2800  }
.Ltmp0:
0x1f: {  	[sflag:s9] =	ssyncset.done $0x0;
	(pc) =	sbr.rel @p0 .LBB2_2-.Ltmp0, $4  }
0x20: {  	[sflag:s9] =	ssyncadd.s32 $0xFFFFD800  }
0x21: {  	[hbm4b:s11+s2] =	stream.linear.scatter [tilespmem:s8], [sflag:$0x2], $0x2800, $0x38;
	[tilespmem:$0x2880] =	vst v63  }
0x22: {  	_ =	swait.ge [sflag:s7], $0x2800  }
0x23: {  	s13 =	smov.u32 s15;
	s11 =	sadd.s32 $0x500, s11;
	[sflag:s7] =	ssyncset.done $0x0  }
0x24: {  	s12 =	sadd.s32 s12, s5;
	[sflag:s7] =	ssyncadd.s32 $0xFFFFD800  }
0x25: {  	[tilespmem:s2], [sflag:$0x2] =	stream.linear.gather [hbm4b:s12+s2], $0x80, $0x38;
	[tilespmem:$0x2880] =	vst v63  }
0x26: {  	_ =	swait.ge [sflag:s7], $0x80  }
0x27: {  	[sflag:s7] =	ssyncset.done $0x0  }
0x28: {  	[sflag:s7] =	ssyncadd.s32 $0xFFFFFF80  }
0x29: {  	[tilespmem:s8], [sflag:$0x1] =	stream.indirect.gather [hbm4b:s3+s8], $0x50, s2, s8, $0xb8;
	[tilespmem:$0x2880] =	vst v63  }
0x2a: {  	s10 =	sadd.s32 $0x1, s10;
	_ =	swait.ge [sflag:s9], $0x2800  }
0x2b: {  	p0 =	sne.s32 s10, s4;
	[sflag:s9] =	ssyncset.done $0x0  }
.Ltmp1:
0x2c: {  	[sflag:s9] =	ssyncadd.s32 $0xFFFFD800;
	(pc) =	sbr.rel @p0 .LBB2_1-.Ltmp1, $4  }
0x2d: {  	[hbm4b:s11+s2] =	stream.linear.scatter [tilespmem:s8], [sflag:$0x2], $0x2800, $0x38;
	[tilespmem:$0x2880] =	vst v63  }
0x2e: {  	_ =	swait.ge [sflag:s7], $0x2800  }
0x2f: {  	[sflag:s7] =	ssyncset.done $0x0  }
0x30: {  	[sflag:s7] =	ssyncadd.s32 $0xFFFFD800  }
0x31: {  	_ =	sfence.sel $0x180000  }
0x32: {  	[bflag:$0x0] =	sbarrier.arrive $0xFFFF  }
0x33: {  	p0 =	sne.s32 s1, $0x0;
	_ =	strace $0x90000050  }
0x34: {  	s0 =	sadd.s32 @!p0 $0x100000, s0;
	[bflag:$0x2] =	sbarrier.arrive $0xFFFF  }
0x35: {  	[sflag:s0] =	ssyncadd.tile.s32 @!p0 $0x1;
	_ =	shalt  }
.Lfunc_end2:
_tile_overlayer_lowered:
.L_overlay_start_2:
0x36: {  	(tag) =	ssettag $0x2  }
0x37: {  	s0 =	rddreg [dreg:$0x0];
	s2 =	stileid.u32  }
0x38: {  	s1 =	rddreg [dreg:$0x1];
	p0 =	sne.s32 s2, $0x0  }
0x39: {  	s3 =	rddreg [dreg:$0x2];
	[bflag:$0x3] =	sbarrier.arrive $0xFFFF;
	s2 =	simm.s32 @!p0 $0x1C02  }
0x3a: {  	[timem:s3], [sflag:s2] =	dma.local @!p0 [hbm:s0], s1  }
0x3b: {  	s0 =	simm.s32 @!p0 $0x2  }
0x3c: {  	_ =	swait.ge @!p0 [sflag:s0], s1  }
0x3d: {  	s1 =	ssub.s32 @!p0 $0x0, s1;
	[sflag:s0] =	ssyncset.done @!p0 $0x0  }
0x3e: {  	[sflag:s0] =	ssyncadd.s32 @!p0 s1  }
0x3f: {  	[bflag:$0x3] =	sbarrier.arrive $0xFFFF  }
0x40: {  	_ =	shalt  }

</sc_bundles>
